<compile_context>
chip_gen: v7x
topology: tpu7x:2x2x1
jax: 0.10.2.dev20260603
libtpu: 0.0.44.dev20260713+nightly
codegen_flags: <defaults>
</compile_context>

<pallas_src>
import functools
import jax
import jax.numpy as jnp
from jax import lax
from jax.experimental import pallas as pl
from jax.experimental.pallas import tpu as pltpu
from jax.experimental.pallas import tpu_sc as plsc

N_NODES = 10000
NPAD = 10240
NBLK = 80
F = 16
NG = 16
E = 320000
EPT = E // 16
EPTP = 20096
NCH = EPTP // 128
ETOT = 16 * EPTP
FC = 5
YW = 6
NEG_INF = float("-inf")



def _pre_body(x_ref, g_ref, be_ref, wr_ref, wn_ref, y_ref, r_ref):
    xv = x_ref[...]
    mu = jnp.mean(xv, axis=1, keepdims=True)
    var = jnp.mean((xv - mu) * (xv - mu), axis=1, keepdims=True)
    ln = (xv - mu) / jnp.sqrt(var + 1e-5) * g_ref[...] + be_ref[...]
    y_ref[...] = jnp.dot(ln, wr_ref[...], preferred_element_type=jnp.float32)
    r_ref[...] = jnp.dot(ln, wn_ref[...], preferred_element_type=jnp.float32)


def _k_pre(xp, g, be, wr, wn):
    return pl.pallas_call(
        _pre_body,
        grid=(10,),
        in_specs=[
            pl.BlockSpec((1024, 128), lambda i: (i, 0)),
            pl.BlockSpec((1, 128), lambda i: (0, 0)),
            pl.BlockSpec((1, 128), lambda i: (0, 0)),
            pl.BlockSpec((128, F), lambda i: (0, 0)),
            pl.BlockSpec((128, F), lambda i: (0, 0)),
        ],
        out_specs=[
            pl.BlockSpec((1024, F), lambda i: (i, 0)),
            pl.BlockSpec((1024, F), lambda i: (i, 0)),
        ],
        out_shape=[
            jax.ShapeDtypeStruct((NPAD, F), jnp.float32),
            jax.ShapeDtypeStruct((NPAD, F), jnp.float32),
        ],
    )(xp, g, be, wr, wn)


def _hs_body(agg_ref, r_ref, br_ref, p_ref, h_ref, s_ref):
    a = jnp.sum(agg_ref[...], axis=0)
    h = jnp.maximum(a + br_ref[...] + r_ref[...], 0.0)
    p = p_ref[...]
    pn = jnp.sqrt(jnp.sum(p * p))
    s = jnp.tanh(jnp.dot(h, p.reshape(F, 1),
                         preferred_element_type=jnp.float32) / pn)
    h_ref[...] = h
    s_ref[...] = s


def _k_hs(agg, r, br, p):
    return pl.pallas_call(
        _hs_body,
        grid=(NBLK,),
        in_specs=[
            pl.BlockSpec((32, 128, F), lambda i: (0, i, 0)),
            pl.BlockSpec((128, F), lambda i: (i, 0)),
            pl.BlockSpec((1, F), lambda i: (0, 0)),
            pl.BlockSpec((1, F), lambda i: (0, 0)),
        ],
        out_specs=[
            pl.BlockSpec((128, F), lambda i: (i, 0)),
            pl.BlockSpec((128, 1), lambda i: (i, 0)),
        ],
        out_shape=[
            jax.ShapeDtypeStruct((NPAD, F), jnp.float32),
            jax.ShapeDtypeStruct((NPAD, 1), jnp.float32),
        ],
    )(agg, r, br, p)


def _rank_body(srow_ref, brow_ref, trow_ref, scol_ref, bcol_ref, tcol_ref,
               h_ref, wr_ref, wn_ref,
               kf_ref, bn_ref, tn_ref, y_ref, r_ref, x_ref,
               mx_ref, sm_ref, cnt_ref):
    i = pl.program_id(0)
    bi = bcol_ref[...]
    ti = tcol_ref[...]
    si = scol_ref[...]
    h = h_ref[...]
    brow = brow_ref[...]

    kb = jnp.zeros((128, 1), jnp.float32)
    for g in range(NG):
        cg = jnp.sum(jnp.where(brow == float(g), 1.0, 0.0))
        kg = jnp.floor((9.0 * cg + 9.0) / 10.0)
        kb = kb + jnp.where(bi == float(g), kg, 0.0)

    gmax_i = jnp.max(jnp.where(bi < 16.0, bi, -1.0))
    gmin_i = jnp.min(jnp.where(bi < 16.0, bi, 99.0))

    def jbody(j, rank):
        bj = brow_ref[pl.ds(j, 1), :]
        gmin_j = jnp.min(jnp.where(bj < 16.0, bj, 99.0))
        gmax_j = jnp.max(jnp.where(bj < 16.0, bj, -1.0))
        ok = (gmin_j <= gmax_i) & (gmax_j >= gmin_i)

        def do(r):
            sj = srow_ref[pl.ds(j, 1), :]
            tj = trow_ref[pl.ds(j, 1), :]
            cmp = (bj == bi) & ((sj > si) | ((sj == si) & (tj < ti)))
            return r + jnp.sum(jnp.where(cmp, 1.0, 0.0), axis=1, keepdims=True)

        return lax.cond(ok, do, lambda r: r, rank)

    rank = lax.fori_loop(0, NBLK, jbody, jnp.zeros((128, 1), jnp.float32))

    keep = (rank < kb) & (bi < 16.0)
    kf = jnp.where(keep, 1.0, 0.0)
    hp = h * si * kf
    bn = jnp.where(keep, bi, 16.0)

    kf_ref[...] = kf
    bn_ref[...] = bn
    tn_ref[...] = rank
    y_ref[...] = jnp.dot(hp, wr_ref[...], preferred_element_type=jnp.float32)
    r_ref[...] = jnp.dot(hp, wn_ref[...], preferred_element_type=jnp.float32)

    @pl.when(i == 0)
    def _():
        mx_ref[...] = jnp.full((NG, F), NEG_INF, jnp.float32)
        sm_ref[...] = jnp.zeros((NG, F), jnp.float32)
        cnt_ref[...] = jnp.zeros((NG, F), jnp.float32)

    for g in range(NG):
        m = bn == float(g)
        hm = jnp.where(m, hp, NEG_INF)
        hz = jnp.where(m, hp, 0.0)
        mx_ref[pl.ds(g, 1), :] = jnp.maximum(
            mx_ref[pl.ds(g, 1), :], jnp.max(hm, axis=0, keepdims=True))
        sm_ref[pl.ds(g, 1), :] = sm_ref[pl.ds(g, 1), :] + jnp.sum(
            hz, axis=0, keepdims=True)
        cnt_ref[pl.ds(g, 1), :] = cnt_ref[pl.ds(g, 1), :] + jnp.sum(
            jnp.where(m, 1.0, 0.0))

    @pl.when(i == NBLK - 1)
    def _():
        mean = sm_ref[...] / jnp.maximum(cnt_ref[...], 1.0)
        x_ref[...] = jnp.concatenate([mx_ref[...], mean], axis=1)


def _k_rank(srow, brow, trow, scol, bcol, tcol, h, wr, wn):
    return pl.pallas_call(
        _rank_body,
        grid=(NBLK,),
        in_specs=[
            pl.BlockSpec((NBLK, 128), lambda i: (0, 0)),
            pl.BlockSpec((NBLK, 128), lambda i: (0, 0)),
            pl.BlockSpec((NBLK, 128), lambda i: (0, 0)),
            pl.BlockSpec((128, 1), lambda i: (i, 0)),
            pl.BlockSpec((128, 1), lambda i: (i, 0)),
            pl.BlockSpec((128, 1), lambda i: (i, 0)),
            pl.BlockSpec((128, F), lambda i: (i, 0)),
            pl.BlockSpec((F, F), lambda i: (0, 0)),
            pl.BlockSpec((F, F), lambda i: (0, 0)),
        ],
        out_specs=[
            pl.BlockSpec((128, 1), lambda i: (i, 0)),
            pl.BlockSpec((128, 1), lambda i: (i, 0)),
            pl.BlockSpec((128, 1), lambda i: (i, 0)),
            pl.BlockSpec((128, F), lambda i: (i, 0)),
            pl.BlockSpec((128, F), lambda i: (i, 0)),
            pl.BlockSpec((NG, 2 * F), lambda i: (0, 0)),
        ],
        out_shape=[
            jax.ShapeDtypeStruct((NPAD, 1), jnp.float32),
            jax.ShapeDtypeStruct((NPAD, 1), jnp.float32),
            jax.ShapeDtypeStruct((NPAD, 1), jnp.float32),
            jax.ShapeDtypeStruct((NPAD, F), jnp.float32),
            jax.ShapeDtypeStruct((NPAD, F), jnp.float32),
            jax.ShapeDtypeStruct((NG, 2 * F), jnp.float32),
        ],
        scratch_shapes=[
            pltpu.VMEM((NG, F), jnp.float32),
            pltpu.VMEM((NG, F), jnp.float32),
            pltpu.VMEM((NG, F), jnp.float32),
        ],
    )(srow, brow, trow, scol, bcol, tcol, h, wr, wn)


def _out_body(x1_ref, x2_ref, x3_ref, w1_ref, b1_ref, w2_ref, b2_ref,
              w3_ref, b3_ref, o_ref):
    z = jnp.maximum(x1_ref[...] + x2_ref[...] + x3_ref[...], 0.0)
    z = jnp.concatenate([z, jnp.zeros((NG, 96), jnp.float32)], axis=1)
    z = jnp.maximum(
        jnp.dot(z, w1_ref[...], preferred_element_type=jnp.float32)
        + b1_ref[...], 0.0)
    z = jnp.maximum(
        jnp.dot(z, w2_ref[...], preferred_element_type=jnp.float32)
        + b2_ref[...], 0.0)
    z = jnp.dot(z, w3_ref[...], preferred_element_type=jnp.float32) + b3_ref[...]
    o_ref[...] = z[:, :16]


def _k_out(x1, x2, x3, w1, b1, w2, b2, w3, b3):
    return pl.pallas_call(
        _out_body,
        out_shape=jax.ShapeDtypeStruct((NG, 16), jnp.float32),
    )(x1, x2, x3, w1, b1, w2, b2, w3, b3)



def _sc_body(y_hbm, src_hbm, dst_hbm, ew_hbm,
             agg_hbm, ewo_hbm,
             y_v, src_v, dst_v, ew_v, ewo_v, acc_v):
    cid = lax.axis_index("c")
    sid = lax.axis_index("s")
    z16 = jnp.zeros((16,), jnp.float32)

    pltpu.sync_copy(y_hbm.at[cid], y_v)

    def zacc(r, c):
        acc_v[pl.ds(r * 16, 16)] = z16
        return c
    lax.fori_loop(0, NPAD * FC // 16, zacc, 0)

    base = sid * EPTP

    def chunk(c, carry):
        off = base + c * 128
        pltpu.sync_copy(src_hbm.at[pl.ds(off, 128)], src_v)
        pltpu.sync_copy(dst_hbm.at[pl.ds(off, 128)], dst_v)
        pltpu.sync_copy(ew_hbm.at[pl.ds(off, 128)], ew_v)

        def grp(g, cc):
            nidx = src_v[pl.ds(g * 16, 16)]
            didx = dst_v[pl.ds(g * 16, 16)]
            nb = nidx * YW
            db = didx * YW
            sk = plsc.load_gather(y_v, [nb + FC])
            dk = plsc.load_gather(y_v, [db + FC])
            w = ew_v[pl.ds(g * 16, 16)] * sk * dk
            ewo_v[pl.ds(g * 16, 16)] = w
            da = didx * FC
            for f in range(FC):
                vals = plsc.load_gather(y_v, [nb + f]) * w
                plsc.addupdate_scatter(acc_v, [da + f], vals)
            return cc
        lax.fori_loop(0, 8, grp, 0)

        @pl.when(cid == 0)
        def _():
            pltpu.sync_copy(ewo_v, ewo_hbm.at[pl.ds(off, 128)])
        return carry

    lax.fori_loop(0, NCH, chunk, 0)

    pltpu.sync_copy(acc_v, agg_hbm.at[pl.ds((cid * 16 + sid) * NPAD * FC,
                                            NPAD * FC)])


def _edge_aggregate(y10, kf, src, dst, ew):
    kfc = kf.reshape(NPAD, 1)
    y6 = jnp.stack([
        jnp.concatenate([y10[:, 0:FC], kfc], axis=1),
        jnp.concatenate([y10[:, FC:2 * FC], kfc], axis=1),
    ]).reshape(2, NPAD * YW)
    mesh = plsc.VectorSubcoreMesh(core_axis_name="c", subcore_axis_name="s")
    fn = pl.kernel(
        _sc_body,
        mesh=mesh,
        compiler_params=pltpu.CompilerParams(
            needs_layout_passes=False, use_tc_tiling_on_sc=False),
        out_type=[
            jax.ShapeDtypeStruct((32 * NPAD * FC,), jnp.float32),
            jax.ShapeDtypeStruct((ETOT,), jnp.float32),
        ],
        scratch_types=[
            pltpu.VMEM((NPAD * YW,), jnp.float32),
            pltpu.VMEM((128,), jnp.int32),
            pltpu.VMEM((128,), jnp.int32),
            pltpu.VMEM((128,), jnp.float32),
            pltpu.VMEM((128,), jnp.float32),
            pltpu.VMEM((NPAD * FC,), jnp.float32),
        ],
    )
    aggf, ewo = fn(y6, src, dst, ew)
    a = aggf.reshape(2, 16, NPAD, FC)
    a0 = jnp.pad(a[0], ((0, 0), (0, 0), (0, F - FC)))
    a1 = jnp.pad(a[1], ((0, 0), (0, 0), (FC, F - 2 * FC)))
    return jnp.concatenate([a0, a1], axis=0), ewo



def _padw(w, shape):
    out = jnp.zeros(shape, jnp.float32)
    return out.at[: w.shape[0], : w.shape[1]].set(w)


def kernel(x, edge_index, edge_attr, batch, ln_gamma, ln_beta, c1_Wr, c1_br,
           c1_Wn, p1, c2_Wr, c2_br, c2_Wn, p2, c3_Wr, c3_br, c3_Wn, p3,
           o1_W, o1_b, o2_W, o2_b, o3_W, o3_b):
    f32 = jnp.float32
    xp = jnp.pad(x, ((0, NPAD - N_NODES), (0, 0)))
    b0 = jnp.concatenate([batch.astype(f32), jnp.full((NPAD - N_NODES,), 16.0, f32)])
    t0 = jnp.arange(NPAD, dtype=f32)

    src = edge_index[0].reshape(16, EPT)
    dst = edge_index[1].reshape(16, EPT)
    ewe = edge_attr.astype(f32).reshape(16, EPT)
    pad_e = ((0, 0), (0, EPTP - EPT))
    srcp = jnp.pad(src, pad_e).reshape(-1)
    dstp = jnp.pad(dst, pad_e).reshape(-1)
    ewp = jnp.pad(ewe, pad_e).reshape(-1)

    g_row = ln_gamma.reshape(1, 128)
    be_row = ln_beta.reshape(1, 128)
    wr1 = _padw(c1_Wr.T, (128, F))
    wn1 = _padw(c1_Wn.T, (128, F))
    br1 = _padw(c1_br.reshape(1, -1), (1, F))
    p1r = _padw(p1.reshape(1, -1), (1, F))
    wr2 = _padw(c2_Wr.T, (F, F))
    wn2 = _padw(c2_Wn.T, (F, F))
    br2 = _padw(c2_br.reshape(1, -1), (1, F))
    p2r = _padw(p2.reshape(1, -1), (1, F))
    wr3 = _padw(c3_Wr.T, (F, F))
    wn3 = _padw(c3_Wn.T, (F, F))
    br3 = _padw(c3_br.reshape(1, -1), (1, F))
    p3r = _padw(p3.reshape(1, -1), (1, F))
    wz = jnp.zeros((F, F), f32)

    w1 = jnp.zeros((128, 128), f32)
    w1 = w1.at[0:10, 0:80].set(o1_W[:, 0:10].T)
    w1 = w1.at[16:26, 0:80].set(o1_W[:, 10:20].T)
    b1 = _padw(o1_b.reshape(1, -1), (1, 128))
    w2 = _padw(o2_W.T, (128, 320))
    b2 = o2_b.reshape(1, 320)
    w3 = _padw(o3_W.T, (320, 128))
    b3 = _padw(o3_b.reshape(1, -1), (1, 128))

    y, r = _k_pre(xp, g_row, be_row, wr1, wn1)
    kf = jnp.ones((NPAD,), f32)
    ew_cur = ewp
    b_col = b0.reshape(NPAD, 1)
    t_col = t0.reshape(NPAD, 1)
    xs = []
    for (br, pr, wrn, wnn) in ((br1, p1r, wr2, wn2),
                               (br2, p2r, wr3, wn3),
                               (br3, p3r, wz, wz)):
        agg, ew_cur = _edge_aggregate(y[:, :10], kf, srcp, dstp, ew_cur)
        h, s_col = _k_hs(agg, r, br, pr)
        kf_col, bn_col, tn_col, y, r, xr = _k_rank(
            s_col.reshape(NBLK, 128), b_col.reshape(NBLK, 128),
            t_col.reshape(NBLK, 128), s_col, b_col, t_col, h, wrn, wnn)
        kf = kf_col.reshape(NPAD)
        b_col, t_col = bn_col, tn_col
        xs.append(xr)

    return _k_out(xs[0], xs[1], xs[2], w1, b1, w2, b2, w3, b3)

# --- scband reference (transcript-rebuilt; emitter-appended) ---
"""Pipeline reference for scband-net-20993800143102 (READ-ONLY COPY).

The authoritative reference and input builder live on the scoring server;
editing this copy changes nothing except your own understanding.
"""

import jax, jax.numpy as jnp
import numpy as np

HCS = 10
RATIO = 0.9
N_NODES = 10000
N_EDGES = 320000
D_IN = 128
N_GRAPHS = 16
D_OUT = 16

_PNAMES = ["ln_gamma","ln_beta","c1_Wr","c1_br","c1_Wn","p1","c2_Wr","c2_br","c2_Wn","p2","c3_Wr","c3_br","c3_Wn","p3","o1_W","o1_b","o2_W","o2_b","o3_W","o3_b"]


def _layer_norm(x, g, b, eps=1e-5):
    mu = x.mean(-1, keepdims=True)
    var = ((x - mu) ** 2).mean(-1, keepdims=True)
    return (x - mu) / jnp.sqrt(var + eps) * g + b


def _graph_conv(x, edge_index, ew, W_rel, b_rel, W_root):
    # PyG GraphConv: out = lin_rel(sum_{j in N(i)} x_j * w_ij) + lin_root(x_i)
    msg = x[edge_index[0]] * ew[:, None]
    agg = jax.ops.segment_sum(msg, edge_index[1], num_segments=x.shape[0])
    return agg @ W_rel.T + b_rel + x @ W_root.T


def _topk_pool(x, edge_index, ew, b, p):
    # PyG TopKPooling: score = tanh(x.p/|p|); keep top ceil(ratio*N_g) per graph;
    # x' = x[perm]*score[perm]; removed edges are masked out (zero weight, remapped
    # to node 0) which is mathematically equivalent under add-aggregation.
    # Fixed-shape form: nodes stay in arrays of length N; dropped/padding nodes are
    # zeroed and assigned to segment N_GRAPHS, kept nodes compacted to the front in
    # the same per-graph descending-score order as the data-dependent original.
    N = x.shape[0]
    scores = jnp.tanh((x @ p) / jnp.linalg.norm(p))
    o1 = jnp.argsort(-scores)
    order = o1[jnp.argsort(b[o1])]
    b_s = b[order]
    counts = jax.ops.segment_sum(jnp.ones((N,), dtype=jnp.int32), b, num_segments=N_GRAPHS + 1)
    k = (9 * counts + 9) // 10
    offsets = jnp.concatenate([jnp.zeros((1,), dtype=counts.dtype), jnp.cumsum(counts)[:-1]])
    rank = jnp.arange(N, dtype=jnp.int32) - offsets[b_s]
    keep = (rank < k[b_s]) & (b_s < N_GRAPHS)
    o2 = jnp.argsort(jnp.logical_not(keep))
    perm = order[o2]
    keep_c = keep[o2]
    x_new = jnp.where(keep_c[:, None], x[perm] * scores[perm][:, None], 0.0)
    b_new = jnp.where(keep_c, b[perm], N_GRAPHS).astype(b.dtype)
    node_map = jnp.full((N,), -1, dtype=jnp.int32)
    node_map = node_map.at[perm].set(jnp.where(keep_c, jnp.arange(N, dtype=jnp.int32), -1))
    s2 = node_map[edge_index[0]]
    d2 = node_map[edge_index[1]]
    keep_e = (s2 >= 0) & (d2 >= 0)
    ei_new = jnp.stack([jnp.where(keep_e, s2, 0), jnp.where(keep_e, d2, 0)])
    ew_new = jnp.where(keep_e, ew, 0.0)
    return x_new, ei_new, ew_new, b_new


def _readout(x, b):
    mx = jax.ops.segment_max(x, b, num_segments=N_GRAPHS + 1)[:N_GRAPHS]
    sm = jax.ops.segment_sum(x, b, num_segments=N_GRAPHS + 1)[:N_GRAPHS]
    cnt = jax.ops.segment_sum(jnp.ones((x.shape[0],), dtype=jnp.float32), b, num_segments=N_GRAPHS + 1)[:N_GRAPHS]
    return jnp.concatenate([mx, sm / jnp.maximum(cnt, 1.0)[:, None]], axis=1)


def _forward(x, edge_index, edge_attr, batch, P):
    ew = edge_attr
    h = _layer_norm(x, P["ln_gamma"], P["ln_beta"])
    h = jax.nn.relu(_graph_conv(h, edge_index, ew, P["c1_Wr"], P["c1_br"], P["c1_Wn"]))
    h, ei, ew, b = _topk_pool(h, edge_index, ew, batch, P["p1"])
    x1 = _readout(h, b)
    h = jax.nn.relu(_graph_conv(h, ei, ew, P["c2_Wr"], P["c2_br"], P["c2_Wn"]))
    h, ei, ew, b = _topk_pool(h, ei, ew, b, P["p2"])
    x2 = _readout(h, b)
    h = jax.nn.relu(_graph_conv(h, ei, ew, P["c3_Wr"], P["c3_br"], P["c3_Wn"]))
    h, ei, ew, b = _topk_pool(h, ei, ew, b, P["p3"])
    x3 = _readout(h, b)
    z = x1 + x2 + x3
    z = jax.nn.relu(z)  # dropout = identity in eval
    z = jax.nn.relu(z @ P["o1_W"].T + P["o1_b"])
    z = jax.nn.relu(z @ P["o2_W"].T + P["o2_b"])
    return z @ P["o3_W"].T + P["o3_b"]


def setup_inputs(seed: int = 0) -> dict:
    key = jax.random.key(seed)
    ks = jax.random.split(key, 20)

    def lin(k, o, i):
        s = 1.0 / np.sqrt(i)
        return (jax.random.uniform(k, (o, i), dtype=jnp.float32) * 2.0 - 1.0) * s

    inp = {}
    inp["x"] = jax.random.normal(ks[0], (N_NODES, D_IN), dtype=jnp.float32)
    inp["edge_index"] = jax.random.randint(ks[1], (2, N_EDGES), 0, N_NODES, dtype=jnp.int32)
    inp["edge_attr"] = jax.random.uniform(ks[2], (N_EDGES,), dtype=jnp.float32)
    inp["batch"] = jnp.sort(jax.random.randint(ks[3], (N_NODES,), 0, N_GRAPHS, dtype=jnp.int32))
    inp["ln_gamma"] = jnp.ones((D_IN,), dtype=jnp.float32)
    inp["ln_beta"] = jnp.zeros((D_IN,), dtype=jnp.float32)
    inp["c1_Wr"] = lin(ks[4], HCS, D_IN); inp["c1_br"] = jnp.zeros((HCS,), dtype=jnp.float32); inp["c1_Wn"] = lin(ks[5], HCS, D_IN)
    inp["p1"] = lin(ks[6], 1, HCS)[0]
    inp["c2_Wr"] = lin(ks[7], HCS, HCS); inp["c2_br"] = jnp.zeros((HCS,), dtype=jnp.float32); inp["c2_Wn"] = lin(ks[8], HCS, HCS)
    inp["p2"] = lin(ks[9], 1, HCS)[0]
    inp["c3_Wr"] = lin(ks[10], HCS, HCS); inp["c3_br"] = jnp.zeros((HCS,), dtype=jnp.float32); inp["c3_Wn"] = lin(ks[11], HCS, HCS)
    inp["p3"] = lin(ks[12], 1, HCS)[0]
    inp["o1_W"] = lin(ks[13], HCS * 8, HCS * 2); inp["o1_b"] = jnp.zeros((HCS * 8,), dtype=jnp.float32)
    inp["o2_W"] = lin(ks[14], HCS * 32, HCS * 8); inp["o2_b"] = jnp.zeros((HCS * 32,), dtype=jnp.float32)
    inp["o3_W"] = lin(ks[15], D_OUT, HCS * 32); inp["o3_b"] = jnp.zeros((D_OUT,), dtype=jnp.float32)
    return inp


def reference(x, edge_index, edge_attr, batch, ln_gamma, ln_beta, c1_Wr, c1_br, c1_Wn, p1, c2_Wr, c2_br, c2_Wn, p2, c3_Wr, c3_br, c3_Wn, p3, o1_W, o1_b, o2_W, o2_b, o3_W, o3_b):
    P = dict(ln_gamma=ln_gamma, ln_beta=ln_beta, c1_Wr=c1_Wr, c1_br=c1_br, c1_Wn=c1_Wn, p1=p1,
             c2_Wr=c2_Wr, c2_br=c2_br, c2_Wn=c2_Wn, p2=p2, c3_Wr=c3_Wr, c3_br=c3_br, c3_Wn=c3_Wn, p3=p3,
             o1_W=o1_W, o1_b=o1_b, o2_W=o2_W, o2_b=o2_b, o3_W=o3_W, o3_b=o3_b)
    return _forward(x, edge_index, edge_attr.astype(jnp.float32), batch, P)

if __name__ == "__main__":
    import jax
    _d = setup_inputs()
    print(jax.jit(kernel)(*tuple(_d.values())))

</pallas_src>

<mosaic_0001>
#map = affine_map<(d0, d1) -> (0, 0)>
#map1 = affine_map<(d0, d1) -> (0)>
module attributes {stable_mosaic.version = 14 : i64} {
  func.func @_sc_body(%arg0: i32, %arg1: i32, %arg2: memref<2x61440xf32, #tpu.memory_space<hbm>>, %arg3: memref<321536xi32, #tpu.memory_space<hbm>>, %arg4: memref<321536xi32, #tpu.memory_space<hbm>>, %arg5: memref<321536xf32, #tpu.memory_space<hbm>>, %arg6: memref<1638400xf32, #tpu.memory_space<hbm>>, %arg7: memref<321536xf32, #tpu.memory_space<hbm>>, %arg8: memref<61440xf32, #tpu.memory_space<vmem>>, %arg9: memref<128xi32, #tpu.memory_space<vmem>>, %arg10: memref<128xi32, #tpu.memory_space<vmem>>, %arg11: memref<128xf32, #tpu.memory_space<vmem>>, %arg12: memref<128xf32, #tpu.memory_space<vmem>>, %arg13: memref<51200xf32, #tpu.memory_space<vmem>>) attributes {dimension_semantics = [#tpu.dimension_semantics<core_parallel>, #tpu.dimension_semantics<subcore_parallel>], iteration_bounds = array<i64: 2, 16>, scalar_prefetch = 0 : i64, scratch_operands = 6 : i64, tpu.core_type = #tpu.core_type<sc_vector_subcore>, window_params = [{transform_indices = #map}, {transform_indices = #map1}, {transform_indices = #map1}, {transform_indices = #map1}, {transform_indices = #map1}, {transform_indices = #map1}]} {
    %broadcast_in_dim3A = arith.constant 0.000000e+00 : f32
    %broadcast_in_dim3A_0 = vector.broadcast %broadcast_in_dim3A : f32 to vector<16xf32>
    "tpu.region"() ({
      %run_scoped3A = tpu.sem_alloc : memref<!tpu.dma_semaphore, #tpu.memory_space<semaphore_mem>>
      %dma_start3A = arith.constant 0 : i32
      %dma_start3A_19 = tpu.memref_slice %arg2[%arg0, %dma_start3A] : memref<2x61440xf32, #tpu.memory_space<hbm>> -> memref<1x61440xf32, #tpu.memory_space<hbm>>
      %dma_start3A_20 = tpu.memref_squeeze %dma_start3A_19 : memref<1x61440xf32, #tpu.memory_space<hbm>> -> memref<61440xf32, #tpu.memory_space<hbm>>
      %dma_start3A_21 = arith.constant 0 : i32
      %dma_start3A_22 = tpu.memref_slice %arg2[%arg0, %dma_start3A_21] : memref<2x61440xf32, #tpu.memory_space<hbm>> -> memref<1x61440xf32, #tpu.memory_space<hbm>>
      %dma_start3A_23 = tpu.memref_squeeze %dma_start3A_22 : memref<1x61440xf32, #tpu.memory_space<hbm>> -> memref<61440xf32, #tpu.memory_space<hbm>>
      tpu.enqueue_dma source(%dma_start3A_23 : memref<61440xf32, #tpu.memory_space<hbm>>) target(%arg8 : memref<61440xf32, #tpu.memory_space<vmem>>) target_semaphore(%run_scoped3A : memref<!tpu.dma_semaphore, #tpu.memory_space<semaphore_mem>>)
      %dma_wait3A = arith.constant 0 : i32
      %dma_wait3A_24 = tpu.memref_slice %arg2[%arg0, %dma_wait3A] : memref<2x61440xf32, #tpu.memory_space<hbm>> -> memref<1x61440xf32, #tpu.memory_space<hbm>>
      %dma_wait3A_25 = tpu.memref_squeeze %dma_wait3A_24 : memref<1x61440xf32, #tpu.memory_space<hbm>> -> memref<61440xf32, #tpu.memory_space<hbm>>
      %dma_wait3A_26 = arith.constant 0 : i32
      %dma_wait3A_27 = tpu.memref_slice %arg2[%arg0, %dma_wait3A_26] : memref<2x61440xf32, #tpu.memory_space<hbm>> -> memref<1x61440xf32, #tpu.memory_space<hbm>>
      %dma_wait3A_28 = tpu.memref_squeeze %dma_wait3A_27 : memref<1x61440xf32, #tpu.memory_space<hbm>> -> memref<61440xf32, #tpu.memory_space<hbm>>
      tpu.wait_dma2 semaphore(%run_scoped3A : memref<!tpu.dma_semaphore, #tpu.memory_space<semaphore_mem>>) src(%dma_wait3A_28 : memref<61440xf32, #tpu.memory_space<hbm>>) dst(%arg8 : memref<61440xf32, #tpu.memory_space<vmem>>)
      tpu.yield
    }) : () -> ()
    %scan3A = arith.constant 0 : i32
    %scan3A_1 = arith.constant 0 : i32
    %scan3A_2 = arith.constant 3200 : i32
    %scan3A_3 = arith.addi %scan3A_1, %scan3A_2 : i32
    %scan3A_4 = arith.constant 1 : i32
    scf.for %scan3A_19 = %scan3A_1 to %scan3A_3 step %scan3A_4  : i32 {
      %mul3A_20 = arith.constant 16 : i32
      %mul3A_21 = arith.muli %scan3A_19, %mul3A_20 : i32
      %swap3A = arith.index_cast %mul3A_21 : i32 to index
      %swap3A_22 = tpu.vector_load %arg13[%swap3A] {strides = array<i32>} : memref<51200xf32, #tpu.memory_space<vmem>>, vector<16xf32>,
      tpu.vector_store %arg13[%swap3A], %broadcast_in_dim3A_0 {strides = array<i32>} : memref<51200xf32, #tpu.memory_space<vmem>>, vector<16xf32>,
    }
    %scan3A_5 = arith.constant 3200 : i32
    %mul3A = arith.constant 20096 : i32
    %mul3A_6 = arith.muli %arg1, %mul3A : i32
    %scan3A_7 = arith.constant 0 : i32
    %scan3A_8 = arith.constant 0 : i32
    %scan3A_9 = arith.constant 157 : i32
    %scan3A_10 = arith.addi %scan3A_8, %scan3A_9 : i32
    %scan3A_11 = arith.constant 1 : i32
    scf.for %scan3A_19 = %scan3A_8 to %scan3A_10 step %scan3A_11  : i32 {
      %mul3A_20 = arith.constant 128 : i32
      %mul3A_21 = arith.muli %scan3A_19, %mul3A_20 : i32
      %add3A_22 = arith.addi %mul3A_6, %mul3A_21 : i32
      "tpu.region"() ({
        %run_scoped3A = tpu.sem_alloc : memref<!tpu.dma_semaphore, #tpu.memory_space<semaphore_mem>>
        %dma_start3A = tpu.memref_slice %arg3[%add3A_22] : memref<321536xi32, #tpu.memory_space<hbm>> -> memref<128xi32, #tpu.memory_space<hbm>>
        %dma_start3A_31 = tpu.memref_slice %arg3[%add3A_22] : memref<321536xi32, #tpu.memory_space<hbm>> -> memref<128xi32, #tpu.memory_space<hbm>>
        tpu.enqueue_dma source(%dma_start3A_31 : memref<128xi32, #tpu.memory_space<hbm>>) target(%arg9 : memref<128xi32, #tpu.memory_space<vmem>>) target_semaphore(%run_scoped3A : memref<!tpu.dma_semaphore, #tpu.memory_space<semaphore_mem>>)
        %dma_wait3A = tpu.memref_slice %arg3[%add3A_22] : memref<321536xi32, #tpu.memory_space<hbm>> -> memref<128xi32, #tpu.memory_space<hbm>>
        %dma_wait3A_32 = tpu.memref_slice %arg3[%add3A_22] : memref<321536xi32, #tpu.memory_space<hbm>> -> memref<128xi32, #tpu.memory_space<hbm>>
        tpu.wait_dma2 semaphore(%run_scoped3A : memref<!tpu.dma_semaphore, #tpu.memory_space<semaphore_mem>>) src(%dma_wait3A_32 : memref<128xi32, #tpu.memory_space<hbm>>) dst(%arg9 : memref<128xi32, #tpu.memory_space<vmem>>)
        tpu.yield
      }) : () -> ()
      "tpu.region"() ({
        %run_scoped3A = tpu.sem_alloc : memref<!tpu.dma_semaphore, #tpu.memory_space<semaphore_mem>>
        %dma_start3A = tpu.memref_slice %arg4[%add3A_22] : memref<321536xi32, #tpu.memory_space<hbm>> -> memref<128xi32, #tpu.memory_space<hbm>>
        %dma_start3A_31 = tpu.memref_slice %arg4[%add3A_22] : memref<321536xi32, #tpu.memory_space<hbm>> -> memref<128xi32, #tpu.memory_space<hbm>>
        tpu.enqueue_dma source(%dma_start3A_31 : memref<128xi32, #tpu.memory_space<hbm>>) target(%arg10 : memref<128xi32, #tpu.memory_space<vmem>>) target_semaphore(%run_scoped3A : memref<!tpu.dma_semaphore, #tpu.memory_space<semaphore_mem>>)
        %dma_wait3A = tpu.memref_slice %arg4[%add3A_22] : memref<321536xi32, #tpu.memory_space<hbm>> -> memref<128xi32, #tpu.memory_space<hbm>>
        %dma_wait3A_32 = tpu.memref_slice %arg4[%add3A_22] : memref<321536xi32, #tpu.memory_space<hbm>> -> memref<128xi32, #tpu.memory_space<hbm>>
        tpu.wait_dma2 semaphore(%run_scoped3A : memref<!tpu.dma_semaphore, #tpu.memory_space<semaphore_mem>>) src(%dma_wait3A_32 : memref<128xi32, #tpu.memory_space<hbm>>) dst(%arg10 : memref<128xi32, #tpu.memory_space<vmem>>)
        tpu.yield
      }) : () -> ()
      "tpu.region"() ({
        %run_scoped3A = tpu.sem_alloc : memref<!tpu.dma_semaphore, #tpu.memory_space<semaphore_mem>>
        %dma_start3A = tpu.memref_slice %arg5[%add3A_22] : memref<321536xf32, #tpu.memory_space<hbm>> -> memref<128xf32, #tpu.memory_space<hbm>>
        %dma_start3A_31 = tpu.memref_slice %arg5[%add3A_22] : memref<321536xf32, #tpu.memory_space<hbm>> -> memref<128xf32, #tpu.memory_space<hbm>>
        tpu.enqueue_dma source(%dma_start3A_31 : memref<128xf32, #tpu.memory_space<hbm>>) target(%arg11 : memref<128xf32, #tpu.memory_space<vmem>>) target_semaphore(%run_scoped3A : memref<!tpu.dma_semaphore, #tpu.memory_space<semaphore_mem>>)
        %dma_wait3A = tpu.memref_slice %arg5[%add3A_22] : memref<321536xf32, #tpu.memory_space<hbm>> -> memref<128xf32, #tpu.memory_space<hbm>>
        %dma_wait3A_32 = tpu.memref_slice %arg5[%add3A_22] : memref<321536xf32, #tpu.memory_space<hbm>> -> memref<128xf32, #tpu.memory_space<hbm>>
        tpu.wait_dma2 semaphore(%run_scoped3A : memref<!tpu.dma_semaphore, #tpu.memory_space<semaphore_mem>>) src(%dma_wait3A_32 : memref<128xf32, #tpu.memory_space<hbm>>) dst(%arg11 : memref<128xf32, #tpu.memory_space<vmem>>)
        tpu.yield
      }) : () -> ()
      %scan3A_23 = arith.constant 0 : i32
      %scan3A_24 = arith.constant 0 : i32
      %scan3A_25 = arith.constant 8 : i32
      %scan3A_26 = arith.addi %scan3A_24, %scan3A_25 : i32
      %scan3A_27 = arith.constant 1 : i32
      scf.for %scan3A_31 = %scan3A_24 to %scan3A_26 step %scan3A_27  : i32 {
        %mul3A_32 = arith.constant 16 : i32
        %mul3A_33 = arith.muli %scan3A_31, %mul3A_32 : i32
        %get3A = arith.index_cast %mul3A_33 : i32 to index
        %get3A_34 = tpu.vector_load %arg9[%get3A] {strides = array<i32>} : memref<128xi32, #tpu.memory_space<vmem>>, vector<16xi32>,
        %mul3A_35 = arith.constant 16 : i32
        %mul3A_36 = arith.muli %scan3A_31, %mul3A_35 : i32
        %get3A_37 = arith.index_cast %mul3A_36 : i32 to index
        %get3A_38 = tpu.vector_load %arg10[%get3A_37] {strides = array<i32>} : memref<128xi32, #tpu.memory_space<vmem>>, vector<16xi32>,
        %mul3A_39 = arith.constant 6 : i32
        %mul3A_40 = vector.broadcast %mul3A_39 : i32 to vector<16xi32>
        %mul3A_41 = arith.muli %get3A_34, %mul3A_40 : vector<16xi32>
        %mul3A_42 = arith.constant 6 : i32
        %mul3A_43 = vector.broadcast %mul3A_42 : i32 to vector<16xi32>
        %mul3A_44 = arith.muli %get3A_38, %mul3A_43 : vector<16xi32>
        %add3A_45 = arith.constant 5 : i32
        %add3A_46 = vector.broadcast %add3A_45 : i32 to vector<16xi32>
        %add3A_47 = arith.addi %mul3A_41, %add3A_46 : vector<16xi32>
        %gather3A = tpu.vector_load_idx %arg8[%add3A_47] : memref<61440xf32, #tpu.memory_space<vmem>>[vector<16xi32>], vector<16xf32>,
        %add3A_48 = arith.constant 5 : i32
        %add3A_49 = vector.broadcast %add3A_48 : i32 to vector<16xi32>
        %add3A_50 = arith.addi %mul3A_44, %add3A_49 : vector<16xi32>
        %gather3A_51 = tpu.vector_load_idx %arg8[%add3A_50] : memref<61440xf32, #tpu.memory_space<vmem>>[vector<16xi32>], vector<16xf32>,
        %mul3A_52 = arith.constant 16 : i32
        %mul3A_53 = arith.muli %scan3A_31, %mul3A_52 : i32
        %get3A_54 = arith.index_cast %mul3A_53 : i32 to index
        %get3A_55 = tpu.vector_load %arg11[%get3A_54] {strides = array<i32>} : memref<128xf32, #tpu.memory_space<vmem>>, vector<16xf32>,
        %mul3A_56 = arith.mulf %get3A_55, %gather3A : vector<16xf32>
        %mul3A_57 = arith.mulf %mul3A_56, %gather3A_51 : vector<16xf32>
        %mul3A_58 = arith.constant 16 : i32
        %mul3A_59 = arith.muli %scan3A_31, %mul3A_58 : i32
        %swap3A = arith.index_cast %mul3A_59 : i32 to index
        %swap3A_60 = tpu.vector_load %arg12[%swap3A] {strides = array<i32>} : memref<128xf32, #tpu.memory_space<vmem>>, vector<16xf32>,
        tpu.vector_store %arg12[%swap3A], %mul3A_57 {strides = array<i32>} : memref<128xf32, #tpu.memory_space<vmem>>, vector<16xf32>,
        %mul3A_61 = arith.constant 5 : i32
        %mul3A_62 = vector.broadcast %mul3A_61 : i32 to vector<16xi32>
        %mul3A_63 = arith.muli %get3A_38, %mul3A_62 : vector<16xi32>
        %add3A_64 = arith.constant 0 : i32
        %add3A_65 = vector.broadcast %add3A_64 : i32 to vector<16xi32>
        %add3A_66 = arith.addi %mul3A_41, %add3A_65 : vector<16xi32>
        %gather3A_67 = tpu.vector_load_idx %arg8[%add3A_66] : memref<61440xf32, #tpu.memory_space<vmem>>[vector<16xi32>], vector<16xf32>,
        %mul3A_68 = arith.mulf %gather3A_67, %mul3A_57 : vector<16xf32>
        %add3A_69 = arith.constant 0 : i32
        %add3A_70 = vector.broadcast %add3A_69 : i32 to vector<16xi32>
        %add3A_71 = arith.addi %mul3A_63, %add3A_70 : vector<16xi32>
        tpu.vector_store_idx %arg13[%add3A_71], %mul3A_68 {add = true} : memref<51200xf32, #tpu.memory_space<vmem>>[vector<16xi32>], vector<16xf32>,
        %add3A_72 = arith.constant 1 : i32
        %add3A_73 = vector.broadcast %add3A_72 : i32 to vector<16xi32>
        %add3A_74 = arith.addi %mul3A_41, %add3A_73 : vector<16xi32>
        %gather3A_75 = tpu.vector_load_idx %arg8[%add3A_74] : memref<61440xf32, #tpu.memory_space<vmem>>[vector<16xi32>], vector<16xf32>,
        %mul3A_76 = arith.mulf %gather3A_75, %mul3A_57 : vector<16xf32>
        %add3A_77 = arith.constant 1 : i32
        %add3A_78 = vector.broadcast %add3A_77 : i32 to vector<16xi32>
        %add3A_79 = arith.addi %mul3A_63, %add3A_78 : vector<16xi32>
        tpu.vector_store_idx %arg13[%add3A_79], %mul3A_76 {add = true} : memref<51200xf32, #tpu.memory_space<vmem>>[vector<16xi32>], vector<16xf32>,
        %add3A_80 = arith.constant 2 : i32
        %add3A_81 = vector.broadcast %add3A_80 : i32 to vector<16xi32>
        %add3A_82 = arith.addi %mul3A_41, %add3A_81 : vector<16xi32>
        %gather3A_83 = tpu.vector_load_idx %arg8[%add3A_82] : memref<61440xf32, #tpu.memory_space<vmem>>[vector<16xi32>], vector<16xf32>,
        %mul3A_84 = arith.mulf %gather3A_83, %mul3A_57 : vector<16xf32>
        %add3A_85 = arith.constant 2 : i32
        %add3A_86 = vector.broadcast %add3A_85 : i32 to vector<16xi32>
        %add3A_87 = arith.addi %mul3A_63, %add3A_86 : vector<16xi32>
        tpu.vector_store_idx %arg13[%add3A_87], %mul3A_84 {add = true} : memref<51200xf32, #tpu.memory_space<vmem>>[vector<16xi32>], vector<16xf32>,
        %add3A_88 = arith.constant 3 : i32
        %add3A_89 = vector.broadcast %add3A_88 : i32 to vector<16xi32>
        %add3A_90 = arith.addi %mul3A_41, %add3A_89 : vector<16xi32>
        %gather3A_91 = tpu.vector_load_idx %arg8[%add3A_90] : memref<61440xf32, #tpu.memory_space<vmem>>[vector<16xi32>], vector<16xf32>,
        %mul3A_92 = arith.mulf %gather3A_91, %mul3A_57 : vector<16xf32>
        %add3A_93 = arith.constant 3 : i32
        %add3A_94 = vector.broadcast %add3A_93 : i32 to vector<16xi32>
        %add3A_95 = arith.addi %mul3A_63, %add3A_94 : vector<16xi32>
        tpu.vector_store_idx %arg13[%add3A_95], %mul3A_92 {add = true} : memref<51200xf32, #tpu.memory_space<vmem>>[vector<16xi32>], vector<16xf32>,
        %add3A_96 = arith.constant 4 : i32
        %add3A_97 = vector.broadcast %add3A_96 : i32 to vector<16xi32>
        %add3A_98 = arith.addi %mul3A_41, %add3A_97 : vector<16xi32>
        %gather3A_99 = tpu.vector_load_idx %arg8[%add3A_98] : memref<61440xf32, #tpu.memory_space<vmem>>[vector<16xi32>], vector<16xf32>,
        %mul3A_100 = arith.mulf %gather3A_99, %mul3A_57 : vector<16xf32>
        %add3A_101 = arith.constant 4 : i32
        %add3A_102 = vector.broadcast %add3A_101 : i32 to vector<16xi32>
        %add3A_103 = arith.addi %mul3A_63, %add3A_102 : vector<16xi32>
        tpu.vector_store_idx %arg13[%add3A_103], %mul3A_100 {add = true} : memref<51200xf32, #tpu.memory_space<vmem>>[vector<16xi32>], vector<16xf32>,
      }
      %scan3A_28 = arith.constant 8 : i32
      %eq3A = arith.constant 0 : i32
      %eq3A_29 = arith.cmpi eq, %arg0, %eq3A : i32
      %convert_element_type3A = arith.extui %eq3A_29 : i1 to i32
      %cond3A = arith.constant 0 : i32
      %cond3A_30 = arith.cmpi ne, %convert_element_type3A, %cond3A : i32
      scf.if %cond3A_30 {
        "tpu.region"() ({
          %run_scoped3A = tpu.sem_alloc : memref<!tpu.dma_semaphore, #tpu.memory_space<semaphore_mem>>
          %dma_start3A = tpu.memref_slice %arg7[%add3A_22] : memref<321536xf32, #tpu.memory_space<hbm>> -> memref<128xf32, #tpu.memory_space<hbm>>
          %dma_start3A_31 = tpu.memref_slice %arg7[%add3A_22] : memref<321536xf32, #tpu.memory_space<hbm>> -> memref<128xf32, #tpu.memory_space<hbm>>
          tpu.enqueue_dma source(%arg12 : memref<128xf32, #tpu.memory_space<vmem>>) target(%dma_start3A_31 : memref<128xf32, #tpu.memory_space<hbm>>) target_semaphore(%run_scoped3A : memref<!tpu.dma_semaphore, #tpu.memory_space<semaphore_mem>>)
          %dma_wait3A = tpu.memref_slice %arg7[%add3A_22] : memref<321536xf32, #tpu.memory_space<hbm>> -> memref<128xf32, #tpu.memory_space<hbm>>
          %dma_wait3A_32 = tpu.memref_slice %arg7[%add3A_22] : memref<321536xf32, #tpu.memory_space<hbm>> -> memref<128xf32, #tpu.memory_space<hbm>>
          tpu.wait_dma2 semaphore(%run_scoped3A : memref<!tpu.dma_semaphore, #tpu.memory_space<semaphore_mem>>) src(%arg12 : memref<128xf32, #tpu.memory_space<vmem>>) dst(%dma_wait3A_32 : memref<128xf32, #tpu.memory_space<hbm>>)
          tpu.yield
        }) : () -> ()
      } else {
      }
    }
    %scan3A_12 = arith.constant 157 : i32
    %mul3A_13 = arith.constant 16 : i32
    %mul3A_14 = arith.muli %arg0, %mul3A_13 : i32
    %add3A = arith.addi %mul3A_14, %arg1 : i32
    %mul3A_15 = arith.constant 10240 : i32
    %mul3A_16 = arith.muli %add3A, %mul3A_15 : i32
    %mul3A_17 = arith.constant 5 : i32
    %mul3A_18 = arith.muli %mul3A_16, %mul3A_17 : i32
    "tpu.region"() ({
      %run_scoped3A = tpu.sem_alloc : memref<!tpu.dma_semaphore, #tpu.memory_space<semaphore_mem>>
      %dma_start3A = tpu.memref_slice %arg6[%mul3A_18] : memref<1638400xf32, #tpu.memory_space<hbm>> -> memref<51200xf32, #tpu.memory_space<hbm>>
      %dma_start3A_19 = tpu.memref_slice %arg6[%mul3A_18] : memref<1638400xf32, #tpu.memory_space<hbm>> -> memref<51200xf32, #tpu.memory_space<hbm>>
      tpu.enqueue_dma source(%arg13 : memref<51200xf32, #tpu.memory_space<vmem>>) target(%dma_start3A_19 : memref<51200xf32, #tpu.memory_space<hbm>>) target_semaphore(%run_scoped3A : memref<!tpu.dma_semaphore, #tpu.memory_space<semaphore_mem>>)
      %dma_wait3A = tpu.memref_slice %arg6[%mul3A_18] : memref<1638400xf32, #tpu.memory_space<hbm>> -> memref<51200xf32, #tpu.memory_space<hbm>>
      %dma_wait3A_20 = tpu.memref_slice %arg6[%mul3A_18] : memref<1638400xf32, #tpu.memory_space<hbm>> -> memref<51200xf32, #tpu.memory_space<hbm>>
      tpu.wait_dma2 semaphore(%run_scoped3A : memref<!tpu.dma_semaphore, #tpu.memory_space<semaphore_mem>>) src(%arg13 : memref<51200xf32, #tpu.memory_space<vmem>>) dst(%dma_wait3A_20 : memref<51200xf32, #tpu.memory_space<hbm>>)
      tpu.yield
    }) : () -> ()
    return
  }
}

#map = affine_map<(d0, d1) -> (0, 0)>
#map1 = affine_map<(d0, d1) -> (0)>
module attributes {stable_mosaic.version = 14 : i64} {
  func.func @_sc_body(%arg0: i32, %arg1: i32, %arg2: memref<2x61440xf32, #tpu.memory_space<hbm>>, %arg3: memref<321536xi32, #tpu.memory_space<hbm>>, %arg4: memref<321536xi32, #tpu.memory_space<hbm>>, %arg5: memref<321536xf32, #tpu.memory_space<hbm>>, %arg6: memref<1638400xf32, #tpu.memory_space<hbm>>, %arg7: memref<321536xf32, #tpu.memory_space<hbm>>, %arg8: memref<61440xf32, #tpu.memory_space<vmem>>, %arg9: memref<128xi32, #tpu.memory_space<vmem>>, %arg10: memref<128xi32, #tpu.memory_space<vmem>>, %arg11: memref<128xf32, #tpu.memory_space<vmem>>, %arg12: memref<128xf32, #tpu.memory_space<vmem>>, %arg13: memref<51200xf32, #tpu.memory_space<vmem>>) attributes {dimension_semantics = [#tpu.dimension_semantics<core_parallel>, #tpu.dimension_semantics<subcore_parallel>], iteration_bounds = array<i64: 2, 16>, scalar_prefetch = 0 : i64, scratch_operands = 6 : i64, tpu.core_type = #tpu.core_type<sc_vector_subcore>, window_params = [{transform_indices = #map}, {transform_indices = #map1}, {transform_indices = #map1}, {transform_indices = #map1}, {transform_indices = #map1}, {transform_indices = #map1}]} {
    %broadcast_in_dim3A = arith.constant 0.000000e+00 : f32
    %broadcast_in_dim3A_0 = vector.broadcast %broadcast_in_dim3A : f32 to vector<16xf32>
    "tpu.region"() ({
      %run_scoped3A = tpu.sem_alloc : memref<!tpu.dma_semaphore, #tpu.memory_space<semaphore_mem>>
      %dma_start3A = arith.constant 0 : i32
      %dma_start3A_19 = tpu.memref_slice %arg2[%arg0, %dma_start3A] : memref<2x61440xf32, #tpu.memory_space<hbm>> -> memref<1x61440xf32, #tpu.memory_space<hbm>>
      %dma_start3A_20 = tpu.memref_squeeze %dma_start3A_19 : memref<1x61440xf32, #tpu.memory_space<hbm>> -> memref<61440xf32, #tpu.memory_space<hbm>>
      %dma_start3A_21 = arith.constant 0 : i32
      %dma_start3A_22 = tpu.memref_slice %arg2[%arg0, %dma_start3A_21] : memref<2x61440xf32, #tpu.memory_space<hbm>> -> memref<1x61440xf32, #tpu.memory_space<hbm>>
      %dma_start3A_23 = tpu.memref_squeeze %dma_start3A_22 : memref<1x61440xf32, #tpu.memory_space<hbm>> -> memref<61440xf32, #tpu.memory_space<hbm>>
      tpu.enqueue_dma source(%dma_start3A_23 : memref<61440xf32, #tpu.memory_space<hbm>>) target(%arg8 : memref<61440xf32, #tpu.memory_space<vmem>>) target_semaphore(%run_scoped3A : memref<!tpu.dma_semaphore, #tpu.memory_space<semaphore_mem>>)
      %dma_wait3A = arith.constant 0 : i32
      %dma_wait3A_24 = tpu.memref_slice %arg2[%arg0, %dma_wait3A] : memref<2x61440xf32, #tpu.memory_space<hbm>> -> memref<1x61440xf32, #tpu.memory_space<hbm>>
      %dma_wait3A_25 = tpu.memref_squeeze %dma_wait3A_24 : memref<1x61440xf32, #tpu.memory_space<hbm>> -> memref<61440xf32, #tpu.memory_space<hbm>>
      %dma_wait3A_26 = arith.constant 0 : i32
      %dma_wait3A_27 = tpu.memref_slice %arg2[%arg0, %dma_wait3A_26] : memref<2x61440xf32, #tpu.memory_space<hbm>> -> memref<1x61440xf32, #tpu.memory_space<hbm>>
      %dma_wait3A_28 = tpu.memref_squeeze %dma_wait3A_27 : memref<1x61440xf32, #tpu.memory_space<hbm>> -> memref<61440xf32, #tpu.memory_space<hbm>>
      tpu.wait_dma2 semaphore(%run_scoped3A : memref<!tpu.dma_semaphore, #tpu.memory_space<semaphore_mem>>) src(%dma_wait3A_28 : memref<61440xf32, #tpu.memory_space<hbm>>) dst(%arg8 : memref<61440xf32, #tpu.memory_space<vmem>>)
      tpu.yield
    }) : () -> ()
    %scan3A = arith.constant 0 : i32
    %scan3A_1 = arith.constant 0 : i32
    %scan3A_2 = arith.constant 3200 : i32
    %scan3A_3 = arith.addi %scan3A_1, %scan3A_2 : i32
    %scan3A_4 = arith.constant 1 : i32
    scf.for %scan3A_19 = %scan3A_1 to %scan3A_3 step %scan3A_4  : i32 {
      %mul3A_20 = arith.constant 16 : i32
      %mul3A_21 = arith.muli %scan3A_19, %mul3A_20 : i32
      %swap3A = arith.index_cast %mul3A_21 : i32 to index
      %swap3A_22 = tpu.vector_load %arg13[%swap3A] {strides = array<i32>} : memref<51200xf32, #tpu.memory_space<vmem>>, vector<16xf32>,
      tpu.vector_store %arg13[%swap3A], %broadcast_in_dim3A_0 {strides = array<i32>} : memref<51200xf32, #tpu.memory_space<vmem>>, vector<16xf32>,
    }
    %scan3A_5 = arith.constant 3200 : i32
    %mul3A = arith.constant 20096 : i32
    %mul3A_6 = arith.muli %arg1, %mul3A : i32
    %scan3A_7 = arith.constant 0 : i32
    %scan3A_8 = arith.constant 0 : i32
    %scan3A_9 = arith.constant 157 : i32
    %scan3A_10 = arith.addi %scan3A_8, %scan3A_9 : i32
    %scan3A_11 = arith.constant 1 : i32
    scf.for %scan3A_19 = %scan3A_8 to %scan3A_10 step %scan3A_11  : i32 {
      %mul3A_20 = arith.constant 128 : i32
      %mul3A_21 = arith.muli %scan3A_19, %mul3A_20 : i32
      %add3A_22 = arith.addi %mul3A_6, %mul3A_21 : i32
      "tpu.region"() ({
        %run_scoped3A = tpu.sem_alloc : memref<!tpu.dma_semaphore, #tpu.memory_space<semaphore_mem>>
        %dma_start3A = tpu.memref_slice %arg3[%add3A_22] : memref<321536xi32, #tpu.memory_space<hbm>> -> memref<128xi32, #tpu.memory_space<hbm>>
        %dma_start3A_31 = tpu.memref_slice %arg3[%add3A_22] : memref<321536xi32, #tpu.memory_space<hbm>> -> memref<128xi32, #tpu.memory_space<hbm>>
        tpu.enqueue_dma source(%dma_start3A_31 : memref<128xi32, #tpu.memory_space<hbm>>) target(%arg9 : memref<128xi32, #tpu.memory_space<vmem>>) target_semaphore(%run_scoped3A : memref<!tpu.dma_semaphore, #tpu.memory_space<semaphore_mem>>)
        %dma_wait3A = tpu.memref_slice %arg3[%add3A_22] : memref<321536xi32, #tpu.memory_space<hbm>> -> memref<128xi32, #tpu.memory_space<hbm>>
        %dma_wait3A_32 = tpu.memref_slice %arg3[%add3A_22] : memref<321536xi32, #tpu.memory_space<hbm>> -> memref<128xi32, #tpu.memory_space<hbm>>
        tpu.wait_dma2 semaphore(%run_scoped3A : memref<!tpu.dma_semaphore, #tpu.memory_space<semaphore_mem>>) src(%dma_wait3A_32 : memref<128xi32, #tpu.memory_space<hbm>>) dst(%arg9 : memref<128xi32, #tpu.memory_space<vmem>>)
        tpu.yield
      }) : () -> ()
      "tpu.region"() ({
        %run_scoped3A = tpu.sem_alloc : memref<!tpu.dma_semaphore, #tpu.memory_space<semaphore_mem>>
        %dma_start3A = tpu.memref_slice %arg4[%add3A_22] : memref<321536xi32, #tpu.memory_space<hbm>> -> memref<128xi32, #tpu.memory_space<hbm>>
        %dma_start3A_31 = tpu.memref_slice %arg4[%add3A_22] : memref<321536xi32, #tpu.memory_space<hbm>> -> memref<128xi32, #tpu.memory_space<hbm>>
        tpu.enqueue_dma source(%dma_start3A_31 : memref<128xi32, #tpu.memory_space<hbm>>) target(%arg10 : memref<128xi32, #tpu.memory_space<vmem>>) target_semaphore(%run_scoped3A : memref<!tpu.dma_semaphore, #tpu.memory_space<semaphore_mem>>)
        %dma_wait3A = tpu.memref_slice %arg4[%add3A_22] : memref<321536xi32, #tpu.memory_space<hbm>> -> memref<128xi32, #tpu.memory_space<hbm>>
        %dma_wait3A_32 = tpu.memref_slice %arg4[%add3A_22] : memref<321536xi32, #tpu.memory_space<hbm>> -> memref<128xi32, #tpu.memory_space<hbm>>
        tpu.wait_dma2 semaphore(%run_scoped3A : memref<!tpu.dma_semaphore, #tpu.memory_space<semaphore_mem>>) src(%dma_wait3A_32 : memref<128xi32, #tpu.memory_space<hbm>>) dst(%arg10 : memref<128xi32, #tpu.memory_space<vmem>>)
        tpu.yield
      }) : () -> ()
      "tpu.region"() ({
        %run_scoped3A = tpu.sem_alloc : memref<!tpu.dma_semaphore, #tpu.memory_space<semaphore_mem>>
        %dma_start3A = tpu.memref_slice %arg5[%add3A_22] : memref<321536xf32, #tpu.memory_space<hbm>> -> memref<128xf32, #tpu.memory_space<hbm>>
        %dma_start3A_31 = tpu.memref_slice %arg5[%add3A_22] : memref<321536xf32, #tpu.memory_space<hbm>> -> memref<128xf32, #tpu.memory_space<hbm>>
        tpu.enqueue_dma source(%dma_start3A_31 : memref<128xf32, #tpu.memory_space<hbm>>) target(%arg11 : memref<128xf32, #tpu.memory_space<vmem>>) target_semaphore(%run_scoped3A : memref<!tpu.dma_semaphore, #tpu.memory_space<semaphore_mem>>)
        %dma_wait3A = tpu.memref_slice %arg5[%add3A_22] : memref<321536xf32, #tpu.memory_space<hbm>> -> memref<128xf32, #tpu.memory_space<hbm>>
        %dma_wait3A_32 = tpu.memref_slice %arg5[%add3A_22] : memref<321536xf32, #tpu.memory_space<hbm>> -> memref<128xf32, #tpu.memory_space<hbm>>
        tpu.wait_dma2 semaphore(%run_scoped3A : memref<!tpu.dma_semaphore, #tpu.memory_space<semaphore_mem>>) src(%dma_wait3A_32 : memref<128xf32, #tpu.memory_space<hbm>>) dst(%arg11 : memref<128xf32, #tpu.memory_space<vmem>>)
        tpu.yield
      }) : () -> ()
      %scan3A_23 = arith.constant 0 : i32
      %scan3A_24 = arith.constant 0 : i32
      %scan3A_25 = arith.constant 8 : i32
      %scan3A_26 = arith.addi %scan3A_24, %scan3A_25 : i32
      %scan3A_27 = arith.constant 1 : i32
      scf.for %scan3A_31 = %scan3A_24 to %scan3A_26 step %scan3A_27  : i32 {
        %mul3A_32 = arith.constant 16 : i32
        %mul3A_33 = arith.muli %scan3A_31, %mul3A_32 : i32
        %get3A = arith.index_cast %mul3A_33 : i32 to index
        %get3A_34 = tpu.vector_load %arg9[%get3A] {strides = array<i32>} : memref<128xi32, #tpu.memory_space<vmem>>, vector<16xi32>,
        %mul3A_35 = arith.constant 16 : i32
        %mul3A_36 = arith.muli %scan3A_31, %mul3A_35 : i32
        %get3A_37 = arith.index_cast %mul3A_36 : i32 to index
        %get3A_38 = tpu.vector_load %arg10[%get3A_37] {strides = array<i32>} : memref<128xi32, #tpu.memory_space<vmem>>, vector<16xi32>,
        %mul3A_39 = arith.constant 6 : i32
        %mul3A_40 = vector.broadcast %mul3A_39 : i32 to vector<16xi32>
        %mul3A_41 = arith.muli %get3A_34, %mul3A_40 : vector<16xi32>
        %mul3A_42 = arith.constant 6 : i32
        %mul3A_43 = vector.broadcast %mul3A_42 : i32 to vector<16xi32>
        %mul3A_44 = arith.muli %get3A_38, %mul3A_43 : vector<16xi32>
        %add3A_45 = arith.constant 5 : i32
        %add3A_46 = vector.broadcast %add3A_45 : i32 to vector<16xi32>
        %add3A_47 = arith.addi %mul3A_41, %add3A_46 : vector<16xi32>
        %gather3A = tpu.vector_load_idx %arg8[%add3A_47] : memref<61440xf32, #tpu.memory_space<vmem>>[vector<16xi32>], vector<16xf32>,
        %add3A_48 = arith.constant 5 : i32
        %add3A_49 = vector.broadcast %add3A_48 : i32 to vector<16xi32>
        %add3A_50 = arith.addi %mul3A_44, %add3A_49 : vector<16xi32>
        %gather3A_51 = tpu.vector_load_idx %arg8[%add3A_50] : memref<61440xf32, #tpu.memory_space<vmem>>[vector<16xi32>], vector<16xf32>,
        %mul3A_52 = arith.constant 16 : i32
        %mul3A_53 = arith.muli %scan3A_31, %mul3A_52 : i32
        %get3A_54 = arith.index_cast %mul3A_53 : i32 to index
        %get3A_55 = tpu.vector_load %arg11[%get3A_54] {strides = array<i32>} : memref<128xf32, #tpu.memory_space<vmem>>, vector<16xf32>,
        %mul3A_56 = arith.mulf %get3A_55, %gather3A : vector<16xf32>
        %mul3A_57 = arith.mulf %mul3A_56, %gather3A_51 : vector<16xf32>
        %mul3A_58 = arith.constant 16 : i32
        %mul3A_59 = arith.muli %scan3A_31, %mul3A_58 : i32
        %swap3A = arith.index_cast %mul3A_59 : i32 to index
        %swap3A_60 = tpu.vector_load %arg12[%swap3A] {strides = array<i32>} : memref<128xf32, #tpu.memory_space<vmem>>, vector<16xf32>,
        tpu.vector_store %arg12[%swap3A], %mul3A_57 {strides = array<i32>} : memref<128xf32, #tpu.memory_space<vmem>>, vector<16xf32>,
        %mul3A_61 = arith.constant 5 : i32
        %mul3A_62 = vector.broadcast %mul3A_61 : i32 to vector<16xi32>
        %mul3A_63 = arith.muli %get3A_38, %mul3A_62 : vector<16xi32>
        %add3A_64 = arith.constant 0 : i32
        %add3A_65 = vector.broadcast %add3A_64 : i32 to vector<16xi32>
        %add3A_66 = arith.addi %mul3A_41, %add3A_65 : vector<16xi32>
        %gather3A_67 = tpu.vector_load_idx %arg8[%add3A_66] : memref<61440xf32, #tpu.memory_space<vmem>>[vector<16xi32>], vector<16xf32>,
        %mul3A_68 = arith.mulf %gather3A_67, %mul3A_57 : vector<16xf32>
        %add3A_69 = arith.constant 0 : i32
        %add3A_70 = vector.broadcast %add3A_69 : i32 to vector<16xi32>
        %add3A_71 = arith.addi %mul3A_63, %add3A_70 : vector<16xi32>
        tpu.vector_store_idx %arg13[%add3A_71], %mul3A_68 {add = true} : memref<51200xf32, #tpu.memory_space<vmem>>[vector<16xi32>], vector<16xf32>,
        %add3A_72 = arith.constant 1 : i32
        %add3A_73 = vector.broadcast %add3A_72 : i32 to vector<16xi32>
        %add3A_74 = arith.addi %mul3A_41, %add3A_73 : vector<16xi32>
        %gather3A_75 = tpu.vector_load_idx %arg8[%add3A_74] : memref<61440xf32, #tpu.memory_space<vmem>>[vector<16xi32>], vector<16xf32>,
        %mul3A_76 = arith.mulf %gather3A_75, %mul3A_57 : vector<16xf32>
        %add3A_77 = arith.constant 1 : i32
        %add3A_78 = vector.broadcast %add3A_77 : i32 to vector<16xi32>
        %add3A_79 = arith.addi %mul3A_63, %add3A_78 : vector<16xi32>
        tpu.vector_store_idx %arg13[%add3A_79], %mul3A_76 {add = true} : memref<51200xf32, #tpu.memory_space<vmem>>[vector<16xi32>], vector<16xf32>,
        %add3A_80 = arith.constant 2 : i32
        %add3A_81 = vector.broadcast %add3A_80 : i32 to vector<16xi32>
        %add3A_82 = arith.addi %mul3A_41, %add3A_81 : vector<16xi32>
        %gather3A_83 = tpu.vector_load_idx %arg8[%add3A_82] : memref<61440xf32, #tpu.memory_space<vmem>>[vector<16xi32>], vector<16xf32>,
        %mul3A_84 = arith.mulf %gather3A_83, %mul3A_57 : vector<16xf32>
        %add3A_85 = arith.constant 2 : i32
        %add3A_86 = vector.broadcast %add3A_85 : i32 to vector<16xi32>
        %add3A_87 = arith.addi %mul3A_63, %add3A_86 : vector<16xi32>
        tpu.vector_store_idx %arg13[%add3A_87], %mul3A_84 {add = true} : memref<51200xf32, #tpu.memory_space<vmem>>[vector<16xi32>], vector<16xf32>,
        %add3A_88 = arith.constant 3 : i32
        %add3A_89 = vector.broadcast %add3A_88 : i32 to vector<16xi32>
        %add3A_90 = arith.addi %mul3A_41, %add3A_89 : vector<16xi32>
        %gather3A_91 = tpu.vector_load_idx %arg8[%add3A_90] : memref<61440xf32, #tpu.memory_space<vmem>>[vector<16xi32>], vector<16xf32>,
        %mul3A_92 = arith.mulf %gather3A_91, %mul3A_57 : vector<16xf32>
        %add3A_93 = arith.constant 3 : i32
        %add3A_94 = vector.broadcast %add3A_93 : i32 to vector<16xi32>
        %add3A_95 = arith.addi %mul3A_63, %add3A_94 : vector<16xi32>
        tpu.vector_store_idx %arg13[%add3A_95], %mul3A_92 {add = true} : memref<51200xf32, #tpu.memory_space<vmem>>[vector<16xi32>], vector<16xf32>,
        %add3A_96 = arith.constant 4 : i32
        %add3A_97 = vector.broadcast %add3A_96 : i32 to vector<16xi32>
        %add3A_98 = arith.addi %mul3A_41, %add3A_97 : vector<16xi32>
        %gather3A_99 = tpu.vector_load_idx %arg8[%add3A_98] : memref<61440xf32, #tpu.memory_space<vmem>>[vector<16xi32>], vector<16xf32>,
        %mul3A_100 = arith.mulf %gather3A_99, %mul3A_57 : vector<16xf32>
        %add3A_101 = arith.constant 4 : i32
        %add3A_102 = vector.broadcast %add3A_101 : i32 to vector<16xi32>
        %add3A_103 = arith.addi %mul3A_63, %add3A_102 : vector<16xi32>
        tpu.vector_store_idx %arg13[%add3A_103], %mul3A_100 {add = true} : memref<51200xf32, #tpu.memory_space<vmem>>[vector<16xi32>], vector<16xf32>,
      }
      %scan3A_28 = arith.constant 8 : i32
      %eq3A = arith.constant 0 : i32
      %eq3A_29 = arith.cmpi eq, %arg0, %eq3A : i32
      %convert_element_type3A = arith.extui %eq3A_29 : i1 to i32
      %cond3A = arith.constant 0 : i32
      %cond3A_30 = arith.cmpi ne, %convert_element_type3A, %cond3A : i32
      scf.if %cond3A_30 {
        "tpu.region"() ({
          %run_scoped3A = tpu.sem_alloc : memref<!tpu.dma_semaphore, #tpu.memory_space<semaphore_mem>>
          %dma_start3A = tpu.memref_slice %arg7[%add3A_22] : memref<321536xf32, #tpu.memory_space<hbm>> -> memref<128xf32, #tpu.memory_space<hbm>>
          %dma_start3A_31 = tpu.memref_slice %arg7[%add3A_22] : memref<321536xf32, #tpu.memory_space<hbm>> -> memref<128xf32, #tpu.memory_space<hbm>>
          tpu.enqueue_dma source(%arg12 : memref<128xf32, #tpu.memory_space<vmem>>) target(%dma_start3A_31 : memref<128xf32, #tpu.memory_space<hbm>>) target_semaphore(%run_scoped3A : memref<!tpu.dma_semaphore, #tpu.memory_space<semaphore_mem>>)
          %dma_wait3A = tpu.memref_slice %arg7[%add3A_22] : memref<321536xf32, #tpu.memory_space<hbm>> -> memref<128xf32, #tpu.memory_space<hbm>>
          %dma_wait3A_32 = tpu.memref_slice %arg7[%add3A_22] : memref<321536xf32, #tpu.memory_space<hbm>> -> memref<128xf32, #tpu.memory_space<hbm>>
          tpu.wait_dma2 semaphore(%run_scoped3A : memref<!tpu.dma_semaphore, #tpu.memory_space<semaphore_mem>>) src(%arg12 : memref<128xf32, #tpu.memory_space<vmem>>) dst(%dma_wait3A_32 : memref<128xf32, #tpu.memory_space<hbm>>)
          tpu.yield
        }) : () -> ()
      } else {
      }
    }
    %scan3A_12 = arith.constant 157 : i32
    %mul3A_13 = arith.constant 16 : i32
    %mul3A_14 = arith.muli %arg0, %mul3A_13 : i32
    %add3A = arith.addi %mul3A_14, %arg1 : i32
    %mul3A_15 = arith.constant 10240 : i32
    %mul3A_16 = arith.muli %add3A, %mul3A_15 : i32
    %mul3A_17 = arith.constant 5 : i32
    %mul3A_18 = arith.muli %mul3A_16, %mul3A_17 : i32
    "tpu.region"() ({
      %run_scoped3A = tpu.sem_alloc : memref<!tpu.dma_semaphore, #tpu.memory_space<semaphore_mem>>
      %dma_start3A = tpu.memref_slice %arg6[%mul3A_18] : memref<1638400xf32, #tpu.memory_space<hbm>> -> memref<51200xf32, #tpu.memory_space<hbm>>
      %dma_start3A_19 = tpu.memref_slice %arg6[%mul3A_18] : memref<1638400xf32, #tpu.memory_space<hbm>> -> memref<51200xf32, #tpu.memory_space<hbm>>
      tpu.enqueue_dma source(%arg13 : memref<51200xf32, #tpu.memory_space<vmem>>) target(%dma_start3A_19 : memref<51200xf32, #tpu.memory_space<hbm>>) target_semaphore(%run_scoped3A : memref<!tpu.dma_semaphore, #tpu.memory_space<semaphore_mem>>)
      %dma_wait3A = tpu.memref_slice %arg6[%mul3A_18] : memref<1638400xf32, #tpu.memory_space<hbm>> -> memref<51200xf32, #tpu.memory_space<hbm>>
      %dma_wait3A_20 = tpu.memref_slice %arg6[%mul3A_18] : memref<1638400xf32, #tpu.memory_space<hbm>> -> memref<51200xf32, #tpu.memory_space<hbm>>
      tpu.wait_dma2 semaphore(%run_scoped3A : memref<!tpu.dma_semaphore, #tpu.memory_space<semaphore_mem>>) src(%arg13 : memref<51200xf32, #tpu.memory_space<vmem>>) dst(%dma_wait3A_20 : memref<51200xf32, #tpu.memory_space<hbm>>)
      tpu.yield
    }) : () -> ()
    return
  }
}

#map = affine_map<(d0, d1) -> (0, 0)>
#map1 = affine_map<(d0, d1) -> (0)>
module attributes {stable_mosaic.version = 14 : i64} {
  func.func @_sc_body(%arg0: i32, %arg1: i32, %arg2: memref<2x61440xf32, #tpu.memory_space<hbm>>, %arg3: memref<321536xi32, #tpu.memory_space<hbm>>, %arg4: memref<321536xi32, #tpu.memory_space<hbm>>, %arg5: memref<321536xf32, #tpu.memory_space<hbm>>, %arg6: memref<1638400xf32, #tpu.memory_space<hbm>>, %arg7: memref<321536xf32, #tpu.memory_space<hbm>>, %arg8: memref<61440xf32, #tpu.memory_space<vmem>>, %arg9: memref<128xi32, #tpu.memory_space<vmem>>, %arg10: memref<128xi32, #tpu.memory_space<vmem>>, %arg11: memref<128xf32, #tpu.memory_space<vmem>>, %arg12: memref<128xf32, #tpu.memory_space<vmem>>, %arg13: memref<51200xf32, #tpu.memory_space<vmem>>) attributes {dimension_semantics = [#tpu.dimension_semantics<core_parallel>, #tpu.dimension_semantics<subcore_parallel>], iteration_bounds = array<i64: 2, 16>, scalar_prefetch = 0 : i64, scratch_operands = 6 : i64, tpu.core_type = #tpu.core_type<sc_vector_subcore>, window_params = [{transform_indices = #map}, {transform_indices = #map1}, {transform_indices = #map1}, {transform_indices = #map1}, {transform_indices = #map1}, {transform_indices = #map1}]} {
    %broadcast_in_dim3A = arith.constant 0.000000e+00 : f32
    %broadcast_in_dim3A_0 = vector.broadcast %broadcast_in_dim3A : f32 to vector<16xf32>
    "tpu.region"() ({
      %run_scoped3A = tpu.sem_alloc : memref<!tpu.dma_semaphore, #tpu.memory_space<semaphore_mem>>
      %dma_start3A = arith.constant 0 : i32
      %dma_start3A_19 = tpu.memref_slice %arg2[%arg0, %dma_start3A] : memref<2x61440xf32, #tpu.memory_space<hbm>> -> memref<1x61440xf32, #tpu.memory_space<hbm>>
      %dma_start3A_20 = tpu.memref_squeeze %dma_start3A_19 : memref<1x61440xf32, #tpu.memory_space<hbm>> -> memref<61440xf32, #tpu.memory_space<hbm>>
      %dma_start3A_21 = arith.constant 0 : i32
      %dma_start3A_22 = tpu.memref_slice %arg2[%arg0, %dma_start3A_21] : memref<2x61440xf32, #tpu.memory_space<hbm>> -> memref<1x61440xf32, #tpu.memory_space<hbm>>
      %dma_start3A_23 = tpu.memref_squeeze %dma_start3A_22 : memref<1x61440xf32, #tpu.memory_space<hbm>> -> memref<61440xf32, #tpu.memory_space<hbm>>
      tpu.enqueue_dma source(%dma_start3A_23 : memref<61440xf32, #tpu.memory_space<hbm>>) target(%arg8 : memref<61440xf32, #tpu.memory_space<vmem>>) target_semaphore(%run_scoped3A : memref<!tpu.dma_semaphore, #tpu.memory_space<semaphore_mem>>)
      %dma_wait3A = arith.constant 0 : i32
      %dma_wait3A_24 = tpu.memref_slice %arg2[%arg0, %dma_wait3A] : memref<2x61440xf32, #tpu.memory_space<hbm>> -> memref<1x61440xf32, #tpu.memory_space<hbm>>
      %dma_wait3A_25 = tpu.memref_squeeze %dma_wait3A_24 : memref<1x61440xf32, #tpu.memory_space<hbm>> -> memref<61440xf32, #tpu.memory_space<hbm>>
      %dma_wait3A_26 = arith.constant 0 : i32
      %dma_wait3A_27 = tpu.memref_slice %arg2[%arg0, %dma_wait3A_26] : memref<2x61440xf32, #tpu.memory_space<hbm>> -> memref<1x61440xf32, #tpu.memory_space<hbm>>
      %dma_wait3A_28 = tpu.memref_squeeze %dma_wait3A_27 : memref<1x61440xf32, #tpu.memory_space<hbm>> -> memref<61440xf32, #tpu.memory_space<hbm>>
      tpu.wait_dma2 semaphore(%run_scoped3A : memref<!tpu.dma_semaphore, #tpu.memory_space<semaphore_mem>>) src(%dma_wait3A_28 : memref<61440xf32, #tpu.memory_space<hbm>>) dst(%arg8 : memref<61440xf32, #tpu.memory_space<vmem>>)
      tpu.yield
    }) : () -> ()
    %scan3A = arith.constant 0 : i32
    %scan3A_1 = arith.constant 0 : i32
    %scan3A_2 = arith.constant 3200 : i32
    %scan3A_3 = arith.addi %scan3A_1, %scan3A_2 : i32
    %scan3A_4 = arith.constant 1 : i32
    scf.for %scan3A_19 = %scan3A_1 to %scan3A_3 step %scan3A_4  : i32 {
      %mul3A_20 = arith.constant 16 : i32
      %mul3A_21 = arith.muli %scan3A_19, %mul3A_20 : i32
      %swap3A = arith.index_cast %mul3A_21 : i32 to index
      %swap3A_22 = tpu.vector_load %arg13[%swap3A] {strides = array<i32>} : memref<51200xf32, #tpu.memory_space<vmem>>, vector<16xf32>,
      tpu.vector_store %arg13[%swap3A], %broadcast_in_dim3A_0 {strides = array<i32>} : memref<51200xf32, #tpu.memory_space<vmem>>, vector<16xf32>,
    }
    %scan3A_5 = arith.constant 3200 : i32
    %mul3A = arith.constant 20096 : i32
    %mul3A_6 = arith.muli %arg1, %mul3A : i32
    %scan3A_7 = arith.constant 0 : i32
    %scan3A_8 = arith.constant 0 : i32
    %scan3A_9 = arith.constant 157 : i32
    %scan3A_10 = arith.addi %scan3A_8, %scan3A_9 : i32
    %scan3A_11 = arith.constant 1 : i32
    scf.for %scan3A_19 = %scan3A_8 to %scan3A_10 step %scan3A_11  : i32 {
      %mul3A_20 = arith.constant 128 : i32
      %mul3A_21 = arith.muli %scan3A_19, %mul3A_20 : i32
      %add3A_22 = arith.addi %mul3A_6, %mul3A_21 : i32
      "tpu.region"() ({
        %run_scoped3A = tpu.sem_alloc : memref<!tpu.dma_semaphore, #tpu.memory_space<semaphore_mem>>
        %dma_start3A = tpu.memref_slice %arg3[%add3A_22] : memref<321536xi32, #tpu.memory_space<hbm>> -> memref<128xi32, #tpu.memory_space<hbm>>
        %dma_start3A_31 = tpu.memref_slice %arg3[%add3A_22] : memref<321536xi32, #tpu.memory_space<hbm>> -> memref<128xi32, #tpu.memory_space<hbm>>
        tpu.enqueue_dma source(%dma_start3A_31 : memref<128xi32, #tpu.memory_space<hbm>>) target(%arg9 : memref<128xi32, #tpu.memory_space<vmem>>) target_semaphore(%run_scoped3A : memref<!tpu.dma_semaphore, #tpu.memory_space<semaphore_mem>>)
        %dma_wait3A = tpu.memref_slice %arg3[%add3A_22] : memref<321536xi32, #tpu.memory_space<hbm>> -> memref<128xi32, #tpu.memory_space<hbm>>
        %dma_wait3A_32 = tpu.memref_slice %arg3[%add3A_22] : memref<321536xi32, #tpu.memory_space<hbm>> -> memref<128xi32, #tpu.memory_space<hbm>>
        tpu.wait_dma2 semaphore(%run_scoped3A : memref<!tpu.dma_semaphore, #tpu.memory_space<semaphore_mem>>) src(%dma_wait3A_32 : memref<128xi32, #tpu.memory_space<hbm>>) dst(%arg9 : memref<128xi32, #tpu.memory_space<vmem>>)
        tpu.yield
      }) : () -> ()
      "tpu.region"() ({
        %run_scoped3A = tpu.sem_alloc : memref<!tpu.dma_semaphore, #tpu.memory_space<semaphore_mem>>
        %dma_start3A = tpu.memref_slice %arg4[%add3A_22] : memref<321536xi32, #tpu.memory_space<hbm>> -> memref<128xi32, #tpu.memory_space<hbm>>
        %dma_start3A_31 = tpu.memref_slice %arg4[%add3A_22] : memref<321536xi32, #tpu.memory_space<hbm>> -> memref<128xi32, #tpu.memory_space<hbm>>
        tpu.enqueue_dma source(%dma_start3A_31 : memref<128xi32, #tpu.memory_space<hbm>>) target(%arg10 : memref<128xi32, #tpu.memory_space<vmem>>) target_semaphore(%run_scoped3A : memref<!tpu.dma_semaphore, #tpu.memory_space<semaphore_mem>>)
        %dma_wait3A = tpu.memref_slice %arg4[%add3A_22] : memref<321536xi32, #tpu.memory_space<hbm>> -> memref<128xi32, #tpu.memory_space<hbm>>
        %dma_wait3A_32 = tpu.memref_slice %arg4[%add3A_22] : memref<321536xi32, #tpu.memory_space<hbm>> -> memref<128xi32, #tpu.memory_space<hbm>>
        tpu.wait_dma2 semaphore(%run_scoped3A : memref<!tpu.dma_semaphore, #tpu.memory_space<semaphore_mem>>) src(%dma_wait3A_32 : memref<128xi32, #tpu.memory_space<hbm>>) dst(%arg10 : memref<128xi32, #tpu.memory_space<vmem>>)
        tpu.yield
      }) : () -> ()
      "tpu.region"() ({
        %run_scoped3A = tpu.sem_alloc : memref<!tpu.dma_semaphore, #tpu.memory_space<semaphore_mem>>
        %dma_start3A = tpu.memref_slice %arg5[%add3A_22] : memref<321536xf32, #tpu.memory_space<hbm>> -> memref<128xf32, #tpu.memory_space<hbm>>
        %dma_start3A_31 = tpu.memref_slice %arg5[%add3A_22] : memref<321536xf32, #tpu.memory_space<hbm>> -> memref<128xf32, #tpu.memory_space<hbm>>
        tpu.enqueue_dma source(%dma_start3A_31 : memref<128xf32, #tpu.memory_space<hbm>>) target(%arg11 : memref<128xf32, #tpu.memory_space<vmem>>) target_semaphore(%run_scoped3A : memref<!tpu.dma_semaphore, #tpu.memory_space<semaphore_mem>>)
        %dma_wait3A = tpu.memref_slice %arg5[%add3A_22] : memref<321536xf32, #tpu.memory_space<hbm>> -> memref<128xf32, #tpu.memory_space<hbm>>
        %dma_wait3A_32 = tpu.memref_slice %arg5[%add3A_22] : memref<321536xf32, #tpu.memory_space<hbm>> -> memref<128xf32, #tpu.memory_space<hbm>>
        tpu.wait_dma2 semaphore(%run_scoped3A : memref<!tpu.dma_semaphore, #tpu.memory_space<semaphore_mem>>) src(%dma_wait3A_32 : memref<128xf32, #tpu.memory_space<hbm>>) dst(%arg11 : memref<128xf32, #tpu.memory_space<vmem>>)
        tpu.yield
      }) : () -> ()
      %scan3A_23 = arith.constant 0 : i32
      %scan3A_24 = arith.constant 0 : i32
      %scan3A_25 = arith.constant 8 : i32
      %scan3A_26 = arith.addi %scan3A_24, %scan3A_25 : i32
      %scan3A_27 = arith.constant 1 : i32
      scf.for %scan3A_31 = %scan3A_24 to %scan3A_26 step %scan3A_27  : i32 {
        %mul3A_32 = arith.constant 16 : i32
        %mul3A_33 = arith.muli %scan3A_31, %mul3A_32 : i32
        %get3A = arith.index_cast %mul3A_33 : i32 to index
        %get3A_34 = tpu.vector_load %arg9[%get3A] {strides = array<i32>} : memref<128xi32, #tpu.memory_space<vmem>>, vector<16xi32>,
        %mul3A_35 = arith.constant 16 : i32
        %mul3A_36 = arith.muli %scan3A_31, %mul3A_35 : i32
        %get3A_37 = arith.index_cast %mul3A_36 : i32 to index
        %get3A_38 = tpu.vector_load %arg10[%get3A_37] {strides = array<i32>} : memref<128xi32, #tpu.memory_space<vmem>>, vector<16xi32>,
        %mul3A_39 = arith.constant 6 : i32
        %mul3A_40 = vector.broadcast %mul3A_39 : i32 to vector<16xi32>
        %mul3A_41 = arith.muli %get3A_34, %mul3A_40 : vector<16xi32>
        %mul3A_42 = arith.constant 6 : i32
        %mul3A_43 = vector.broadcast %mul3A_42 : i32 to vector<16xi32>
        %mul3A_44 = arith.muli %get3A_38, %mul3A_43 : vector<16xi32>
        %add3A_45 = arith.constant 5 : i32
        %add3A_46 = vector.broadcast %add3A_45 : i32 to vector<16xi32>
        %add3A_47 = arith.addi %mul3A_41, %add3A_46 : vector<16xi32>
        %gather3A = tpu.vector_load_idx %arg8[%add3A_47] : memref<61440xf32, #tpu.memory_space<vmem>>[vector<16xi32>], vector<16xf32>,
        %add3A_48 = arith.constant 5 : i32
        %add3A_49 = vector.broadcast %add3A_48 : i32 to vector<16xi32>
        %add3A_50 = arith.addi %mul3A_44, %add3A_49 : vector<16xi32>
        %gather3A_51 = tpu.vector_load_idx %arg8[%add3A_50] : memref<61440xf32, #tpu.memory_space<vmem>>[vector<16xi32>], vector<16xf32>,
        %mul3A_52 = arith.constant 16 : i32
        %mul3A_53 = arith.muli %scan3A_31, %mul3A_52 : i32
        %get3A_54 = arith.index_cast %mul3A_53 : i32 to index
        %get3A_55 = tpu.vector_load %arg11[%get3A_54] {strides = array<i32>} : memref<128xf32, #tpu.memory_space<vmem>>, vector<16xf32>,
        %mul3A_56 = arith.mulf %get3A_55, %gather3A : vector<16xf32>
        %mul3A_57 = arith.mulf %mul3A_56, %gather3A_51 : vector<16xf32>
        %mul3A_58 = arith.constant 16 : i32
        %mul3A_59 = arith.muli %scan3A_31, %mul3A_58 : i32
        %swap3A = arith.index_cast %mul3A_59 : i32 to index
        %swap3A_60 = tpu.vector_load %arg12[%swap3A] {strides = array<i32>} : memref<128xf32, #tpu.memory_space<vmem>>, vector<16xf32>,
        tpu.vector_store %arg12[%swap3A], %mul3A_57 {strides = array<i32>} : memref<128xf32, #tpu.memory_space<vmem>>, vector<16xf32>,
        %mul3A_61 = arith.constant 5 : i32
        %mul3A_62 = vector.broadcast %mul3A_61 : i32 to vector<16xi32>
        %mul3A_63 = arith.muli %get3A_38, %mul3A_62 : vector<16xi32>
        %add3A_64 = arith.constant 0 : i32
        %add3A_65 = vector.broadcast %add3A_64 : i32 to vector<16xi32>
        %add3A_66 = arith.addi %mul3A_41, %add3A_65 : vector<16xi32>
        %gather3A_67 = tpu.vector_load_idx %arg8[%add3A_66] : memref<61440xf32, #tpu.memory_space<vmem>>[vector<16xi32>], vector<16xf32>,
        %mul3A_68 = arith.mulf %gather3A_67, %mul3A_57 : vector<16xf32>
        %add3A_69 = arith.constant 0 : i32
        %add3A_70 = vector.broadcast %add3A_69 : i32 to vector<16xi32>
        %add3A_71 = arith.addi %mul3A_63, %add3A_70 : vector<16xi32>
        tpu.vector_store_idx %arg13[%add3A_71], %mul3A_68 {add = true} : memref<51200xf32, #tpu.memory_space<vmem>>[vector<16xi32>], vector<16xf32>,
        %add3A_72 = arith.constant 1 : i32
        %add3A_73 = vector.broadcast %add3A_72 : i32 to vector<16xi32>
        %add3A_74 = arith.addi %mul3A_41, %add3A_73 : vector<16xi32>
        %gather3A_75 = tpu.vector_load_idx %arg8[%add3A_74] : memref<61440xf32, #tpu.memory_space<vmem>>[vector<16xi32>], vector<16xf32>,
        %mul3A_76 = arith.mulf %gather3A_75, %mul3A_57 : vector<16xf32>
        %add3A_77 = arith.constant 1 : i32
        %add3A_78 = vector.broadcast %add3A_77 : i32 to vector<16xi32>
        %add3A_79 = arith.addi %mul3A_63, %add3A_78 : vector<16xi32>
        tpu.vector_store_idx %arg13[%add3A_79], %mul3A_76 {add = true} : memref<51200xf32, #tpu.memory_space<vmem>>[vector<16xi32>], vector<16xf32>,
        %add3A_80 = arith.constant 2 : i32
        %add3A_81 = vector.broadcast %add3A_80 : i32 to vector<16xi32>
        %add3A_82 = arith.addi %mul3A_41, %add3A_81 : vector<16xi32>
        %gather3A_83 = tpu.vector_load_idx %arg8[%add3A_82] : memref<61440xf32, #tpu.memory_space<vmem>>[vector<16xi32>], vector<16xf32>,
        %mul3A_84 = arith.mulf %gather3A_83, %mul3A_57 : vector<16xf32>
        %add3A_85 = arith.constant 2 : i32
        %add3A_86 = vector.broadcast %add3A_85 : i32 to vector<16xi32>
        %add3A_87 = arith.addi %mul3A_63, %add3A_86 : vector<16xi32>
        tpu.vector_store_idx %arg13[%add3A_87], %mul3A_84 {add = true} : memref<51200xf32, #tpu.memory_space<vmem>>[vector<16xi32>], vector<16xf32>,
        %add3A_88 = arith.constant 3 : i32
        %add3A_89 = vector.broadcast %add3A_88 : i32 to vector<16xi32>
        %add3A_90 = arith.addi %mul3A_41, %add3A_89 : vector<16xi32>
        %gather3A_91 = tpu.vector_load_idx %arg8[%add3A_90] : memref<61440xf32, #tpu.memory_space<vmem>>[vector<16xi32>], vector<16xf32>,
        %mul3A_92 = arith.mulf %gather3A_91, %mul3A_57 : vector<16xf32>
        %add3A_93 = arith.constant 3 : i32
        %add3A_94 = vector.broadcast %add3A_93 : i32 to vector<16xi32>
        %add3A_95 = arith.addi %mul3A_63, %add3A_94 : vector<16xi32>
        tpu.vector_store_idx %arg13[%add3A_95], %mul3A_92 {add = true} : memref<51200xf32, #tpu.memory_space<vmem>>[vector<16xi32>], vector<16xf32>,
        %add3A_96 = arith.constant 4 : i32
        %add3A_97 = vector.broadcast %add3A_96 : i32 to vector<16xi32>
        %add3A_98 = arith.addi %mul3A_41, %add3A_97 : vector<16xi32>
        %gather3A_99 = tpu.vector_load_idx %arg8[%add3A_98] : memref<61440xf32, #tpu.memory_space<vmem>>[vector<16xi32>], vector<16xf32>,
        %mul3A_100 = arith.mulf %gather3A_99, %mul3A_57 : vector<16xf32>
        %add3A_101 = arith.constant 4 : i32
        %add3A_102 = vector.broadcast %add3A_101 : i32 to vector<16xi32>
        %add3A_103 = arith.addi %mul3A_63, %add3A_102 : vector<16xi32>
        tpu.vector_store_idx %arg13[%add3A_103], %mul3A_100 {add = true} : memref<51200xf32, #tpu.memory_space<vmem>>[vector<16xi32>], vector<16xf32>,
      }
      %scan3A_28 = arith.constant 8 : i32
      %eq3A = arith.constant 0 : i32
      %eq3A_29 = arith.cmpi eq, %arg0, %eq3A : i32
      %convert_element_type3A = arith.extui %eq3A_29 : i1 to i32
      %cond3A = arith.constant 0 : i32
      %cond3A_30 = arith.cmpi ne, %convert_element_type3A, %cond3A : i32
      scf.if %cond3A_30 {
        "tpu.region"() ({
          %run_scoped3A = tpu.sem_alloc : memref<!tpu.dma_semaphore, #tpu.memory_space<semaphore_mem>>
          %dma_start3A = tpu.memref_slice %arg7[%add3A_22] : memref<321536xf32, #tpu.memory_space<hbm>> -> memref<128xf32, #tpu.memory_space<hbm>>
          %dma_start3A_31 = tpu.memref_slice %arg7[%add3A_22] : memref<321536xf32, #tpu.memory_space<hbm>> -> memref<128xf32, #tpu.memory_space<hbm>>
          tpu.enqueue_dma source(%arg12 : memref<128xf32, #tpu.memory_space<vmem>>) target(%dma_start3A_31 : memref<128xf32, #tpu.memory_space<hbm>>) target_semaphore(%run_scoped3A : memref<!tpu.dma_semaphore, #tpu.memory_space<semaphore_mem>>)
          %dma_wait3A = tpu.memref_slice %arg7[%add3A_22] : memref<321536xf32, #tpu.memory_space<hbm>> -> memref<128xf32, #tpu.memory_space<hbm>>
          %dma_wait3A_32 = tpu.memref_slice %arg7[%add3A_22] : memref<321536xf32, #tpu.memory_space<hbm>> -> memref<128xf32, #tpu.memory_space<hbm>>
          tpu.wait_dma2 semaphore(%run_scoped3A : memref<!tpu.dma_semaphore, #tpu.memory_space<semaphore_mem>>) src(%arg12 : memref<128xf32, #tpu.memory_space<vmem>>) dst(%dma_wait3A_32 : memref<128xf32, #tpu.memory_space<hbm>>)
          tpu.yield
        }) : () -> ()
      } else {
      }
    }
    %scan3A_12 = arith.constant 157 : i32
    %mul3A_13 = arith.constant 16 : i32
    %mul3A_14 = arith.muli %arg0, %mul3A_13 : i32
    %add3A = arith.addi %mul3A_14, %arg1 : i32
    %mul3A_15 = arith.constant 10240 : i32
    %mul3A_16 = arith.muli %add3A, %mul3A_15 : i32
    %mul3A_17 = arith.constant 5 : i32
    %mul3A_18 = arith.muli %mul3A_16, %mul3A_17 : i32
    "tpu.region"() ({
      %run_scoped3A = tpu.sem_alloc : memref<!tpu.dma_semaphore, #tpu.memory_space<semaphore_mem>>
      %dma_start3A = tpu.memref_slice %arg6[%mul3A_18] : memref<1638400xf32, #tpu.memory_space<hbm>> -> memref<51200xf32, #tpu.memory_space<hbm>>
      %dma_start3A_19 = tpu.memref_slice %arg6[%mul3A_18] : memref<1638400xf32, #tpu.memory_space<hbm>> -> memref<51200xf32, #tpu.memory_space<hbm>>
      tpu.enqueue_dma source(%arg13 : memref<51200xf32, #tpu.memory_space<vmem>>) target(%dma_start3A_19 : memref<51200xf32, #tpu.memory_space<hbm>>) target_semaphore(%run_scoped3A : memref<!tpu.dma_semaphore, #tpu.memory_space<semaphore_mem>>)
      %dma_wait3A = tpu.memref_slice %arg6[%mul3A_18] : memref<1638400xf32, #tpu.memory_space<hbm>> -> memref<51200xf32, #tpu.memory_space<hbm>>
      %dma_wait3A_20 = tpu.memref_slice %arg6[%mul3A_18] : memref<1638400xf32, #tpu.memory_space<hbm>> -> memref<51200xf32, #tpu.memory_space<hbm>>
      tpu.wait_dma2 semaphore(%run_scoped3A : memref<!tpu.dma_semaphore, #tpu.memory_space<semaphore_mem>>) src(%arg13 : memref<51200xf32, #tpu.memory_space<vmem>>) dst(%dma_wait3A_20 : memref<51200xf32, #tpu.memory_space<hbm>>)
      tpu.yield
    }) : () -> ()
    return
  }
}

module attributes {stable_mosaic.version = 14 : i64} {
  func.func @_pre_body(%arg0: i32, %arg1: memref<1024x128xf32, #tpu.memory_space<vmem>>, %arg2: memref<1x128xf32, #tpu.memory_space<vmem>>, %arg3: memref<1x128xf32, #tpu.memory_space<vmem>>, %arg4: memref<128x16xf32, #tpu.memory_space<vmem>>, %arg5: memref<128x16xf32, #tpu.memory_space<vmem>>, %arg6: memref<1024x16xf32, #tpu.memory_space<vmem>>, %arg7: memref<1024x16xf32, #tpu.memory_space<vmem>>) attributes {dimension_semantics = [#tpu.dimension_semantics<arbitrary>], iteration_bounds = array<i64: 10>, scalar_prefetch = 0 : i64, scratch_operands = 0 : i64, tpu.core_type = #tpu.core_type<tc>, window_params = [{transform_indices = @transform_0, window_bounds = array<i64: 1024, 128>}, {pipeline_mode = #tpu.pipeline_mode<synchronous>, transform_indices = @transform_1, window_bounds = array<i64: 1, 128>}, {pipeline_mode = #tpu.pipeline_mode<synchronous>, transform_indices = @transform_2, window_bounds = array<i64: 1, 128>}, {pipeline_mode = #tpu.pipeline_mode<synchronous>, transform_indices = @transform_3, window_bounds = array<i64: 128, 16>}, {pipeline_mode = #tpu.pipeline_mode<synchronous>, transform_indices = @transform_4, window_bounds = array<i64: 128, 16>}, {transform_indices = @transform_5, window_bounds = array<i64: 1024, 16>}, {transform_indices = @transform_6, window_bounds = array<i64: 1024, 16>}]} {
    %get3A = arith.constant 0 : index
    %get3A_0 = arith.constant 0 : index
    %get3A_1 = vector.load %arg1[%get3A, %get3A_0] : memref<1024x128xf32, #tpu.memory_space<vmem>>, vector<1024x128xf32>
    %reduce_sum3A = arith.constant dense<0.000000e+00> : vector<1024xf32>
    %reduce_sum3A_2 = vector.multi_reduction <add>, %get3A_1, %reduce_sum3A [1] : vector<1024x128xf32> to vector<1024xf32>
    %broadcast_in_dim3A = vector.shape_cast %reduce_sum3A_2 : vector<1024xf32> to vector<1024x1xf32>
    %div3A = arith.constant 1.280000e+02 : f32
    %div3A_3 = vector.broadcast %div3A : f32 to vector<1024x1xf32>
    %div3A_4 = arith.divf %broadcast_in_dim3A, %div3A_3 : vector<1024x1xf32>
    %sub3A = vector.broadcast %div3A_4 : vector<1024x1xf32> to vector<1024x128xf32>
    %sub3A_5 = arith.subf %get3A_1, %sub3A : vector<1024x128xf32>
    %sub3A_6 = vector.broadcast %div3A_4 : vector<1024x1xf32> to vector<1024x128xf32>
    %sub3A_7 = arith.subf %get3A_1, %sub3A_6 : vector<1024x128xf32>
    %mul3A = arith.mulf %sub3A_5, %sub3A_7 : vector<1024x128xf32>
    %reduce_sum3A_8 = arith.constant dense<0.000000e+00> : vector<1024xf32>
    %reduce_sum3A_9 = vector.multi_reduction <add>, %mul3A, %reduce_sum3A_8 [1] : vector<1024x128xf32> to vector<1024xf32>
    %broadcast_in_dim3A_10 = vector.shape_cast %reduce_sum3A_9 : vector<1024xf32> to vector<1024x1xf32>
    %div3A_11 = arith.constant 1.280000e+02 : f32
    %div3A_12 = vector.broadcast %div3A_11 : f32 to vector<1024x1xf32>
    %div3A_13 = arith.divf %broadcast_in_dim3A_10, %div3A_12 : vector<1024x1xf32>
    %sub3A_14 = vector.broadcast %div3A_4 : vector<1024x1xf32> to vector<1024x128xf32>
    %sub3A_15 = arith.subf %get3A_1, %sub3A_14 : vector<1024x128xf32>
    %add3A = arith.constant 9.99999974E-6 : f32
    %add3A_16 = vector.broadcast %add3A : f32 to vector<1024x1xf32>
    %add3A_17 = arith.addf %div3A_13, %add3A_16 : vector<1024x1xf32>
    %sqrt3A = math.sqrt %add3A_17 : vector<1024x1xf32>
    %div3A_18 = vector.broadcast %sqrt3A : vector<1024x1xf32> to vector<1024x128xf32>
    %div3A_19 = arith.divf %sub3A_15, %div3A_18 : vector<1024x128xf32>
    %get3A_20 = arith.constant 0 : index
    %get3A_21 = arith.constant 0 : index
    %get3A_22 = vector.load %arg2[%get3A_20, %get3A_21] : memref<1x128xf32, #tpu.memory_space<vmem>>, vector<1x128xf32>
    %mul3A_23 = vector.broadcast %get3A_22 : vector<1x128xf32> to vector<1024x128xf32>
    %mul3A_24 = arith.mulf %div3A_19, %mul3A_23 : vector<1024x128xf32>
    %get3A_25 = arith.constant 0 : index
    %get3A_26 = arith.constant 0 : index
    %get3A_27 = vector.load %arg3[%get3A_25, %get3A_26] : memref<1x128xf32, #tpu.memory_space<vmem>>, vector<1x128xf32>
    %add3A_28 = vector.broadcast %get3A_27 : vector<1x128xf32> to vector<1024x128xf32>
    %add3A_29 = arith.addf %mul3A_24, %add3A_28 : vector<1024x128xf32>
    %get3A_30 = arith.constant 0 : index
    %get3A_31 = arith.constant 0 : index
    %get3A_32 = vector.load %arg4[%get3A_30, %get3A_31] : memref<128x16xf32, #tpu.memory_space<vmem>>, vector<128x16xf32>
    %dot_general3A = arith.constant dense<0.000000e+00> : vector<1024x16xf32>
    %dot_general3A_33 = tpu.matmul %add3A_29, %get3A_32, %dot_general3A {dimension_numbers = #tpu.dot_dimension_numbers<[1], [0], [0], [1], [0, 0, 1, 1], [], []>, transpose_lhs_hint = false} : vector<1024x128xf32>, vector<128x16xf32>, vector<1024x16xf32> -> vector<1024x16xf32>
    %swap3A = arith.constant 0 : index
    %swap3A_34 = arith.constant 0 : index
    %swap3A_35 = vector.load %arg6[%swap3A, %swap3A_34] : memref<1024x16xf32, #tpu.memory_space<vmem>>, vector<1024x16xf32>
    tpu.vector_store %arg6[%swap3A, %swap3A_34], %dot_general3A_33 {strides = array<i32>} : memref<1024x16xf32, #tpu.memory_space<vmem>>, vector<1024x16xf32>,
    %get3A_36 = arith.constant 0 : index
    %get3A_37 = arith.constant 0 : index
    %get3A_38 = vector.load %arg5[%get3A_36, %get3A_37] : memref<128x16xf32, #tpu.memory_space<vmem>>, vector<128x16xf32>
    %dot_general3A_39 = arith.constant dense<0.000000e+00> : vector<1024x16xf32>
    %dot_general3A_40 = tpu.matmul %add3A_29, %get3A_38, %dot_general3A_39 {dimension_numbers = #tpu.dot_dimension_numbers<[1], [0], [0], [1], [0, 0, 1, 1], [], []>, transpose_lhs_hint = false} : vector<1024x128xf32>, vector<128x16xf32>, vector<1024x16xf32> -> vector<1024x16xf32>
    %swap3A_41 = arith.constant 0 : index
    %swap3A_42 = arith.constant 0 : index
    %swap3A_43 = vector.load %arg7[%swap3A_41, %swap3A_42] : memref<1024x16xf32, #tpu.memory_space<vmem>>, vector<1024x16xf32>
    tpu.vector_store %arg7[%swap3A_41, %swap3A_42], %dot_general3A_40 {strides = array<i32>} : memref<1024x16xf32, #tpu.memory_space<vmem>>, vector<1024x16xf32>,
    return
  }
  func.func @transform_0(%arg0: i32) -> (i32, i32) {
    %c0_i32 = arith.constant 0 : i32
    %c0_i32_0 = arith.constant 0 : i32
    return %arg0, %c0_i32 : i32, i32
  }
  func.func @transform_1(%arg0: i32) -> (i32, i32) {
    %c0_i32 = arith.constant 0 : i32
    %c0_i32_0 = arith.constant 0 : i32
    %c0_i32_1 = arith.constant 0 : i32
    return %c0_i32, %c0_i32_0 : i32, i32
  }
  func.func @transform_2(%arg0: i32) -> (i32, i32) {
    %c0_i32 = arith.constant 0 : i32
    %c0_i32_0 = arith.constant 0 : i32
    %c0_i32_1 = arith.constant 0 : i32
    return %c0_i32, %c0_i32_0 : i32, i32
  }
  func.func @transform_3(%arg0: i32) -> (i32, i32) {
    %c0_i32 = arith.constant 0 : i32
    %c0_i32_0 = arith.constant 0 : i32
    %c0_i32_1 = arith.constant 0 : i32
    return %c0_i32, %c0_i32_0 : i32, i32
  }
  func.func @transform_4(%arg0: i32) -> (i32, i32) {
    %c0_i32 = arith.constant 0 : i32
    %c0_i32_0 = arith.constant 0 : i32
    %c0_i32_1 = arith.constant 0 : i32
    return %c0_i32, %c0_i32_0 : i32, i32
  }
  func.func @transform_5(%arg0: i32) -> (i32, i32) {
    %c0_i32 = arith.constant 0 : i32
    %c0_i32_0 = arith.constant 0 : i32
    return %arg0, %c0_i32 : i32, i32
  }
  func.func @transform_6(%arg0: i32) -> (i32, i32) {
    %c0_i32 = arith.constant 0 : i32
    %c0_i32_0 = arith.constant 0 : i32
    return %arg0, %c0_i32 : i32, i32
  }
}

module attributes {stable_mosaic.version = 14 : i64} {
  func.func @_hs_body(%arg0: i32, %arg1: memref<32x128x16xf32, #tpu.memory_space<vmem>>, %arg2: memref<128x16xf32, #tpu.memory_space<vmem>>, %arg3: memref<1x16xf32, #tpu.memory_space<vmem>>, %arg4: memref<1x16xf32, #tpu.memory_space<vmem>>, %arg5: memref<128x16xf32, #tpu.memory_space<vmem>>, %arg6: memref<128x1xf32, #tpu.memory_space<vmem>>) attributes {dimension_semantics = [#tpu.dimension_semantics<arbitrary>], iteration_bounds = array<i64: 80>, scalar_prefetch = 0 : i64, scratch_operands = 0 : i64, tpu.core_type = #tpu.core_type<tc>, window_params = [{transform_indices = @transform_0, window_bounds = array<i64: 32, 128, 16>}, {transform_indices = @transform_1, window_bounds = array<i64: 128, 16>}, {pipeline_mode = #tpu.pipeline_mode<synchronous>, transform_indices = @transform_2, window_bounds = array<i64: 1, 16>}, {pipeline_mode = #tpu.pipeline_mode<synchronous>, transform_indices = @transform_3, window_bounds = array<i64: 1, 16>}, {transform_indices = @transform_4, window_bounds = array<i64: 128, 16>}, {transform_indices = @transform_5, window_bounds = array<i64: 128, 1>}]} {
    %get3A = arith.constant 0 : index
    %get3A_0 = arith.constant 0 : index
    %get3A_1 = arith.constant 0 : index
    %get3A_2 = vector.load %arg1[%get3A, %get3A_0, %get3A_1] : memref<32x128x16xf32, #tpu.memory_space<vmem>>, vector<32x128x16xf32>
    %reduce_sum3A = arith.constant dense<0.000000e+00> : vector<128x16xf32>
    %reduce_sum3A_3 = vector.multi_reduction <add>, %get3A_2, %reduce_sum3A [0] : vector<32x128x16xf32> to vector<128x16xf32>
    %get3A_4 = arith.constant 0 : index
    %get3A_5 = arith.constant 0 : index
    %get3A_6 = vector.load %arg3[%get3A_4, %get3A_5] : memref<1x16xf32, #tpu.memory_space<vmem>>, vector<1x16xf32>
    %add3A = vector.broadcast %get3A_6 : vector<1x16xf32> to vector<128x16xf32>
    %add3A_7 = arith.addf %reduce_sum3A_3, %add3A : vector<128x16xf32>
    %get3A_8 = arith.constant 0 : index
    %get3A_9 = arith.constant 0 : index
    %get3A_10 = vector.load %arg2[%get3A_8, %get3A_9] : memref<128x16xf32, #tpu.memory_space<vmem>>, vector<128x16xf32>
    %add3A_11 = arith.addf %add3A_7, %get3A_10 : vector<128x16xf32>
    %max3A = arith.constant 0.000000e+00 : f32
    %max3A_12 = vector.broadcast %max3A : f32 to vector<128x16xf32>
    %max3A_13 = arith.maximumf %add3A_11, %max3A_12 : vector<128x16xf32>
    %get3A_14 = arith.constant 0 : index
    %get3A_15 = arith.constant 0 : index
    %get3A_16 = vector.load %arg4[%get3A_14, %get3A_15] : memref<1x16xf32, #tpu.memory_space<vmem>>, vector<1x16xf32>
    %mul3A = arith.mulf %get3A_16, %get3A_16 : vector<1x16xf32>
    %reduce_sum3A_17 = vector.shape_cast %mul3A : vector<1x16xf32> to vector<1x1x16xf32>
    %reduce_sum3A_18 = arith.constant dense<0.000000e+00> : vector<1xf32>
    %reduce_sum3A_19 = vector.multi_reduction <add>, %reduce_sum3A_17, %reduce_sum3A_18 [1, 2] : vector<1x1x16xf32> to vector<1xf32>
    %reduce_sum3A_20 = vector.shape_cast %reduce_sum3A_19 : vector<1xf32> to vector<1x1x1xf32>
    %reduce_sum3A_21 = vector.extract %reduce_sum3A_20[0, 0, 0] : f32 from vector<1x1x1xf32>
    %sqrt3A = math.sqrt %reduce_sum3A_21 : f32
    %reshape3A = vector.shape_cast %get3A_16 : vector<1x16xf32> to vector<16x1xf32>
    %dot_general3A = arith.constant dense<0.000000e+00> : vector<128x1xf32>
    %dot_general3A_22 = tpu.matmul %max3A_13, %reshape3A, %dot_general3A {dimension_numbers = #tpu.dot_dimension_numbers<[1], [0], [0], [1], [0, 0, 1, 1], [], []>, transpose_lhs_hint = false} : vector<128x16xf32>, vector<16x1xf32>, vector<128x1xf32> -> vector<128x1xf32>
    %div3A = vector.broadcast %sqrt3A : f32 to vector<128x1xf32>
    %div3A_23 = arith.divf %dot_general3A_22, %div3A : vector<128x1xf32>
    %tanh3A = math.tanh %div3A_23 : vector<128x1xf32>
    %swap3A = arith.constant 0 : index
    %swap3A_24 = arith.constant 0 : index
    %swap3A_25 = vector.load %arg5[%swap3A, %swap3A_24] : memref<128x16xf32, #tpu.memory_space<vmem>>, vector<128x16xf32>
    tpu.vector_store %arg5[%swap3A, %swap3A_24], %max3A_13 {strides = array<i32>} : memref<128x16xf32, #tpu.memory_space<vmem>>, vector<128x16xf32>,
    %swap3A_26 = arith.constant 0 : index
    %swap3A_27 = arith.constant 0 : index
    %swap3A_28 = vector.load %arg6[%swap3A_26, %swap3A_27] : memref<128x1xf32, #tpu.memory_space<vmem>>, vector<128x1xf32>
    tpu.vector_store %arg6[%swap3A_26, %swap3A_27], %tanh3A {strides = array<i32>} : memref<128x1xf32, #tpu.memory_space<vmem>>, vector<128x1xf32>,
    return
  }
  func.func @transform_0(%arg0: i32) -> (i32, i32, i32) {
    %c0_i32 = arith.constant 0 : i32
    %c0_i32_0 = arith.constant 0 : i32
    %c0_i32_1 = arith.constant 0 : i32
    return %c0_i32, %arg0, %c0_i32_0 : i32, i32, i32
  }
  func.func @transform_1(%arg0: i32) -> (i32, i32) {
    %c0_i32 = arith.constant 0 : i32
    %c0_i32_0 = arith.constant 0 : i32
    return %arg0, %c0_i32 : i32, i32
  }
  func.func @transform_2(%arg0: i32) -> (i32, i32) {
    %c0_i32 = arith.constant 0 : i32
    %c0_i32_0 = arith.constant 0 : i32
    %c0_i32_1 = arith.constant 0 : i32
    return %c0_i32, %c0_i32_0 : i32, i32
  }
  func.func @transform_3(%arg0: i32) -> (i32, i32) {
    %c0_i32 = arith.constant 0 : i32
    %c0_i32_0 = arith.constant 0 : i32
    %c0_i32_1 = arith.constant 0 : i32
    return %c0_i32, %c0_i32_0 : i32, i32
  }
  func.func @transform_4(%arg0: i32) -> (i32, i32) {
    %c0_i32 = arith.constant 0 : i32
    %c0_i32_0 = arith.constant 0 : i32
    return %arg0, %c0_i32 : i32, i32
  }
  func.func @transform_5(%arg0: i32) -> (i32, i32) {
    %c0_i32 = arith.constant 0 : i32
    %c0_i32_0 = arith.constant 0 : i32
    return %arg0, %c0_i32 : i32, i32
  }
}

module attributes {stable_mosaic.version = 14 : i64} {
  func.func @_rank_body(%arg0: i32, %arg1: memref<80x128xf32, #tpu.memory_space<vmem>>, %arg2: memref<80x128xf32, #tpu.memory_space<vmem>>, %arg3: memref<80x128xf32, #tpu.memory_space<vmem>>, %arg4: memref<128x1xf32, #tpu.memory_space<vmem>>, %arg5: memref<128x1xf32, #tpu.memory_space<vmem>>, %arg6: memref<128x1xf32, #tpu.memory_space<vmem>>, %arg7: memref<128x16xf32, #tpu.memory_space<vmem>>, %arg8: memref<16x16xf32, #tpu.memory_space<vmem>>, %arg9: memref<16x16xf32, #tpu.memory_space<vmem>>, %arg10: memref<128x1xf32, #tpu.memory_space<vmem>>, %arg11: memref<128x1xf32, #tpu.memory_space<vmem>>, %arg12: memref<128x1xf32, #tpu.memory_space<vmem>>, %arg13: memref<128x16xf32, #tpu.memory_space<vmem>>, %arg14: memref<128x16xf32, #tpu.memory_space<vmem>>, %arg15: memref<16x32xf32, #tpu.memory_space<vmem>>, %arg16: memref<16x16xf32, #tpu.memory_space<vmem>>, %arg17: memref<16x16xf32, #tpu.memory_space<vmem>>, %arg18: memref<16x16xf32, #tpu.memory_space<vmem>>) attributes {dimension_semantics = [#tpu.dimension_semantics<arbitrary>], iteration_bounds = array<i64: 80>, scalar_prefetch = 0 : i64, scratch_operands = 3 : i64, tpu.core_type = #tpu.core_type<tc>, window_params = [{pipeline_mode = #tpu.pipeline_mode<synchronous>, transform_indices = @transform_0, window_bounds = array<i64: 80, 128>}, {pipeline_mode = #tpu.pipeline_mode<synchronous>, transform_indices = @transform_1, window_bounds = array<i64: 80, 128>}, {pipeline_mode = #tpu.pipeline_mode<synchronous>, transform_indices = @transform_2, window_bounds = array<i64: 80, 128>}, {transform_indices = @transform_3, window_bounds = array<i64: 128, 1>}, {transform_indices = @transform_4, window_bounds = array<i64: 128, 1>}, {transform_indices = @transform_5, window_bounds = array<i64: 128, 1>}, {transform_indices = @transform_6, window_bounds = array<i64: 128, 16>}, {pipeline_mode = #tpu.pipeline_mode<synchronous>, transform_indices = @transform_7, window_bounds = array<i64: 16, 16>}, {pipeline_mode = #tpu.pipeline_mode<synchronous>, transform_indices = @transform_8, window_bounds = array<i64: 16, 16>}, {transform_indices = @transform_9, window_bounds = array<i64: 128, 1>}, {transform_indices = @transform_10, window_bounds = array<i64: 128, 1>}, {transform_indices = @transform_11, window_bounds = array<i64: 128, 1>}, {transform_indices = @transform_12, window_bounds = array<i64: 128, 16>}, {transform_indices = @transform_13, window_bounds = array<i64: 128, 16>}, {pipeline_mode = #tpu.pipeline_mode<synchronous>, transform_indices = @transform_14, window_bounds = array<i64: 16, 32>}]} {
    %get3A = arith.constant 0 : index
    %get3A_0 = arith.constant 0 : index
    %get3A_1 = vector.load %arg5[%get3A, %get3A_0] : memref<128x1xf32, #tpu.memory_space<vmem>>, vector<128x1xf32>
    %get3A_2 = arith.constant 0 : index
    %get3A_3 = arith.constant 0 : index
    %get3A_4 = vector.load %arg6[%get3A_2, %get3A_3] : memref<128x1xf32, #tpu.memory_space<vmem>>, vector<128x1xf32>
    %get3A_5 = arith.constant 0 : index
    %get3A_6 = arith.constant 0 : index
    %get3A_7 = vector.load %arg4[%get3A_5, %get3A_6] : memref<128x1xf32, #tpu.memory_space<vmem>>, vector<128x1xf32>
    %get3A_8 = arith.constant 0 : index
    %get3A_9 = arith.constant 0 : index
    %get3A_10 = vector.load %arg7[%get3A_8, %get3A_9] : memref<128x16xf32, #tpu.memory_space<vmem>>, vector<128x16xf32>
    %get3A_11 = arith.constant 0 : index
    %get3A_12 = arith.constant 0 : index
    %get3A_13 = vector.load %arg2[%get3A_11, %get3A_12] : memref<80x128xf32, #tpu.memory_space<vmem>>, vector<80x128xf32>
    %broadcast_in_dim3A = arith.constant 0.000000e+00 : f32
    %broadcast_in_dim3A_14 = vector.broadcast %broadcast_in_dim3A : f32 to vector<128x1xf32>
    %eq3A = arith.constant 0.000000e+00 : f32
    %eq3A_15 = vector.broadcast %eq3A : f32 to vector<80x128xf32>
    %eq3A_16 = arith.cmpf oeq, %get3A_13, %eq3A_15 : vector<80x128xf32>
    %jit3A = arith.constant 1.000000e+00 : f32
    %jit3A_17 = arith.constant 0.000000e+00 : f32
    %broadcast_in_dim3A_18 = vector.broadcast %jit3A : f32 to vector<80x128xf32>
    %broadcast_in_dim3A_19 = vector.broadcast %jit3A_17 : f32 to vector<80x128xf32>
    %select_n3A = arith.select %eq3A_16, %broadcast_in_dim3A_18, %broadcast_in_dim3A_19 : vector<80x128xi1>, vector<80x128xf32>
    %reduce_sum3A = vector.shape_cast %select_n3A : vector<80x128xf32> to vector<1x80x128xf32>
    %reduce_sum3A_20 = arith.constant dense<0.000000e+00> : vector<1xf32>
    %reduce_sum3A_21 = vector.multi_reduction <add>, %reduce_sum3A, %reduce_sum3A_20 [1, 2] : vector<1x80x128xf32> to vector<1xf32>
    %reduce_sum3A_22 = vector.shape_cast %reduce_sum3A_21 : vector<1xf32> to vector<1x1x1xf32>
    %reduce_sum3A_23 = vector.extract %reduce_sum3A_22[0, 0, 0] : f32 from vector<1x1x1xf32>
    %mul3A = arith.constant 9.000000e+00 : f32
    %mul3A_24 = arith.mulf %mul3A, %reduce_sum3A_23 : f32
    %add3A = arith.constant 9.000000e+00 : f32
    %add3A_25 = arith.addf %mul3A_24, %add3A : f32
    %div3A = arith.constant 1.000000e+01 : f32
    %div3A_26 = arith.divf %add3A_25, %div3A : f32
    %floor3A = math.floor %div3A_26 : f32
    %eq3A_27 = arith.constant 0.000000e+00 : f32
    %eq3A_28 = vector.broadcast %eq3A_27 : f32 to vector<128x1xf32>
    %eq3A_29 = arith.cmpf oeq, %get3A_1, %eq3A_28 : vector<128x1xf32>
    %jit3A_30 = arith.constant 0.000000e+00 : f32
    %broadcast_in_dim3A_31 = vector.broadcast %floor3A : f32 to vector<128x1xf32>
    %broadcast_in_dim3A_32 = vector.broadcast %jit3A_30 : f32 to vector<128x1xf32>
    %select_n3A_33 = arith.select %eq3A_29, %broadcast_in_dim3A_31, %broadcast_in_dim3A_32 : vector<128x1xi1>, vector<128x1xf32>
    %add3A_34 = arith.addf %broadcast_in_dim3A_14, %select_n3A_33 : vector<128x1xf32>
    %eq3A_35 = arith.constant 1.000000e+00 : f32
    %eq3A_36 = vector.broadcast %eq3A_35 : f32 to vector<80x128xf32>
    %eq3A_37 = arith.cmpf oeq, %get3A_13, %eq3A_36 : vector<80x128xf32>
    %jit3A_38 = arith.constant 1.000000e+00 : f32
    %jit3A_39 = arith.constant 0.000000e+00 : f32
    %broadcast_in_dim3A_40 = vector.broadcast %jit3A_38 : f32 to vector<80x128xf32>
    %broadcast_in_dim3A_41 = vector.broadcast %jit3A_39 : f32 to vector<80x128xf32>
    %select_n3A_42 = arith.select %eq3A_37, %broadcast_in_dim3A_40, %broadcast_in_dim3A_41 : vector<80x128xi1>, vector<80x128xf32>
    %reduce_sum3A_43 = vector.shape_cast %select_n3A_42 : vector<80x128xf32> to vector<1x80x128xf32>
    %reduce_sum3A_44 = arith.constant dense<0.000000e+00> : vector<1xf32>
    %reduce_sum3A_45 = vector.multi_reduction <add>, %reduce_sum3A_43, %reduce_sum3A_44 [1, 2] : vector<1x80x128xf32> to vector<1xf32>
    %reduce_sum3A_46 = vector.shape_cast %reduce_sum3A_45 : vector<1xf32> to vector<1x1x1xf32>
    %reduce_sum3A_47 = vector.extract %reduce_sum3A_46[0, 0, 0] : f32 from vector<1x1x1xf32>
    %mul3A_48 = arith.constant 9.000000e+00 : f32
    %mul3A_49 = arith.mulf %mul3A_48, %reduce_sum3A_47 : f32
    %add3A_50 = arith.constant 9.000000e+00 : f32
    %add3A_51 = arith.addf %mul3A_49, %add3A_50 : f32
    %div3A_52 = arith.constant 1.000000e+01 : f32
    %div3A_53 = arith.divf %add3A_51, %div3A_52 : f32
    %floor3A_54 = math.floor %div3A_53 : f32
    %eq3A_55 = arith.constant 1.000000e+00 : f32
    %eq3A_56 = vector.broadcast %eq3A_55 : f32 to vector<128x1xf32>
    %eq3A_57 = arith.cmpf oeq, %get3A_1, %eq3A_56 : vector<128x1xf32>
    %jit3A_58 = arith.constant 0.000000e+00 : f32
    %broadcast_in_dim3A_59 = vector.broadcast %floor3A_54 : f32 to vector<128x1xf32>
    %broadcast_in_dim3A_60 = vector.broadcast %jit3A_58 : f32 to vector<128x1xf32>
    %select_n3A_61 = arith.select %eq3A_57, %broadcast_in_dim3A_59, %broadcast_in_dim3A_60 : vector<128x1xi1>, vector<128x1xf32>
    %add3A_62 = arith.addf %add3A_34, %select_n3A_61 : vector<128x1xf32>
    %eq3A_63 = arith.constant 2.000000e+00 : f32
    %eq3A_64 = vector.broadcast %eq3A_63 : f32 to vector<80x128xf32>
    %eq3A_65 = arith.cmpf oeq, %get3A_13, %eq3A_64 : vector<80x128xf32>
    %jit3A_66 = arith.constant 1.000000e+00 : f32
    %jit3A_67 = arith.constant 0.000000e+00 : f32
    %broadcast_in_dim3A_68 = vector.broadcast %jit3A_66 : f32 to vector<80x128xf32>
    %broadcast_in_dim3A_69 = vector.broadcast %jit3A_67 : f32 to vector<80x128xf32>
    %select_n3A_70 = arith.select %eq3A_65, %broadcast_in_dim3A_68, %broadcast_in_dim3A_69 : vector<80x128xi1>, vector<80x128xf32>
    %reduce_sum3A_71 = vector.shape_cast %select_n3A_70 : vector<80x128xf32> to vector<1x80x128xf32>
    %reduce_sum3A_72 = arith.constant dense<0.000000e+00> : vector<1xf32>
    %reduce_sum3A_73 = vector.multi_reduction <add>, %reduce_sum3A_71, %reduce_sum3A_72 [1, 2] : vector<1x80x128xf32> to vector<1xf32>
    %reduce_sum3A_74 = vector.shape_cast %reduce_sum3A_73 : vector<1xf32> to vector<1x1x1xf32>
    %reduce_sum3A_75 = vector.extract %reduce_sum3A_74[0, 0, 0] : f32 from vector<1x1x1xf32>
    %mul3A_76 = arith.constant 9.000000e+00 : f32
    %mul3A_77 = arith.mulf %mul3A_76, %reduce_sum3A_75 : f32
    %add3A_78 = arith.constant 9.000000e+00 : f32
    %add3A_79 = arith.addf %mul3A_77, %add3A_78 : f32
    %div3A_80 = arith.constant 1.000000e+01 : f32
    %div3A_81 = arith.divf %add3A_79, %div3A_80 : f32
    %floor3A_82 = math.floor %div3A_81 : f32
    %eq3A_83 = arith.constant 2.000000e+00 : f32
    %eq3A_84 = vector.broadcast %eq3A_83 : f32 to vector<128x1xf32>
    %eq3A_85 = arith.cmpf oeq, %get3A_1, %eq3A_84 : vector<128x1xf32>
    %jit3A_86 = arith.constant 0.000000e+00 : f32
    %broadcast_in_dim3A_87 = vector.broadcast %floor3A_82 : f32 to vector<128x1xf32>
    %broadcast_in_dim3A_88 = vector.broadcast %jit3A_86 : f32 to vector<128x1xf32>
    %select_n3A_89 = arith.select %eq3A_85, %broadcast_in_dim3A_87, %broadcast_in_dim3A_88 : vector<128x1xi1>, vector<128x1xf32>
    %add3A_90 = arith.addf %add3A_62, %select_n3A_89 : vector<128x1xf32>
    %eq3A_91 = arith.constant 3.000000e+00 : f32
    %eq3A_92 = vector.broadcast %eq3A_91 : f32 to vector<80x128xf32>
    %eq3A_93 = arith.cmpf oeq, %get3A_13, %eq3A_92 : vector<80x128xf32>
    %jit3A_94 = arith.constant 1.000000e+00 : f32
    %jit3A_95 = arith.constant 0.000000e+00 : f32
    %broadcast_in_dim3A_96 = vector.broadcast %jit3A_94 : f32 to vector<80x128xf32>
    %broadcast_in_dim3A_97 = vector.broadcast %jit3A_95 : f32 to vector<80x128xf32>
    %select_n3A_98 = arith.select %eq3A_93, %broadcast_in_dim3A_96, %broadcast_in_dim3A_97 : vector<80x128xi1>, vector<80x128xf32>
    %reduce_sum3A_99 = vector.shape_cast %select_n3A_98 : vector<80x128xf32> to vector<1x80x128xf32>
    %reduce_sum3A_100 = arith.constant dense<0.000000e+00> : vector<1xf32>
    %reduce_sum3A_101 = vector.multi_reduction <add>, %reduce_sum3A_99, %reduce_sum3A_100 [1, 2] : vector<1x80x128xf32> to vector<1xf32>
    %reduce_sum3A_102 = vector.shape_cast %reduce_sum3A_101 : vector<1xf32> to vector<1x1x1xf32>
    %reduce_sum3A_103 = vector.extract %reduce_sum3A_102[0, 0, 0] : f32 from vector<1x1x1xf32>
    %mul3A_104 = arith.constant 9.000000e+00 : f32
    %mul3A_105 = arith.mulf %mul3A_104, %reduce_sum3A_103 : f32
    %add3A_106 = arith.constant 9.000000e+00 : f32
    %add3A_107 = arith.addf %mul3A_105, %add3A_106 : f32
    %div3A_108 = arith.constant 1.000000e+01 : f32
    %div3A_109 = arith.divf %add3A_107, %div3A_108 : f32
    %floor3A_110 = math.floor %div3A_109 : f32
    %eq3A_111 = arith.constant 3.000000e+00 : f32
    %eq3A_112 = vector.broadcast %eq3A_111 : f32 to vector<128x1xf32>
    %eq3A_113 = arith.cmpf oeq, %get3A_1, %eq3A_112 : vector<128x1xf32>
    %jit3A_114 = arith.constant 0.000000e+00 : f32
    %broadcast_in_dim3A_115 = vector.broadcast %floor3A_110 : f32 to vector<128x1xf32>
    %broadcast_in_dim3A_116 = vector.broadcast %jit3A_114 : f32 to vector<128x1xf32>
    %select_n3A_117 = arith.select %eq3A_113, %broadcast_in_dim3A_115, %broadcast_in_dim3A_116 : vector<128x1xi1>, vector<128x1xf32>
    %add3A_118 = arith.addf %add3A_90, %select_n3A_117 : vector<128x1xf32>
    %eq3A_119 = arith.constant 4.000000e+00 : f32
    %eq3A_120 = vector.broadcast %eq3A_119 : f32 to vector<80x128xf32>
    %eq3A_121 = arith.cmpf oeq, %get3A_13, %eq3A_120 : vector<80x128xf32>
    %jit3A_122 = arith.constant 1.000000e+00 : f32
    %jit3A_123 = arith.constant 0.000000e+00 : f32
    %broadcast_in_dim3A_124 = vector.broadcast %jit3A_122 : f32 to vector<80x128xf32>
    %broadcast_in_dim3A_125 = vector.broadcast %jit3A_123 : f32 to vector<80x128xf32>
    %select_n3A_126 = arith.select %eq3A_121, %broadcast_in_dim3A_124, %broadcast_in_dim3A_125 : vector<80x128xi1>, vector<80x128xf32>
    %reduce_sum3A_127 = vector.shape_cast %select_n3A_126 : vector<80x128xf32> to vector<1x80x128xf32>
    %reduce_sum3A_128 = arith.constant dense<0.000000e+00> : vector<1xf32>
    %reduce_sum3A_129 = vector.multi_reduction <add>, %reduce_sum3A_127, %reduce_sum3A_128 [1, 2] : vector<1x80x128xf32> to vector<1xf32>
    %reduce_sum3A_130 = vector.shape_cast %reduce_sum3A_129 : vector<1xf32> to vector<1x1x1xf32>
    %reduce_sum3A_131 = vector.extract %reduce_sum3A_130[0, 0, 0] : f32 from vector<1x1x1xf32>
    %mul3A_132 = arith.constant 9.000000e+00 : f32
    %mul3A_133 = arith.mulf %mul3A_132, %reduce_sum3A_131 : f32
    %add3A_134 = arith.constant 9.000000e+00 : f32
    %add3A_135 = arith.addf %mul3A_133, %add3A_134 : f32
    %div3A_136 = arith.constant 1.000000e+01 : f32
    %div3A_137 = arith.divf %add3A_135, %div3A_136 : f32
    %floor3A_138 = math.floor %div3A_137 : f32
    %eq3A_139 = arith.constant 4.000000e+00 : f32
    %eq3A_140 = vector.broadcast %eq3A_139 : f32 to vector<128x1xf32>
    %eq3A_141 = arith.cmpf oeq, %get3A_1, %eq3A_140 : vector<128x1xf32>
    %jit3A_142 = arith.constant 0.000000e+00 : f32
    %broadcast_in_dim3A_143 = vector.broadcast %floor3A_138 : f32 to vector<128x1xf32>
    %broadcast_in_dim3A_144 = vector.broadcast %jit3A_142 : f32 to vector<128x1xf32>
    %select_n3A_145 = arith.select %eq3A_141, %broadcast_in_dim3A_143, %broadcast_in_dim3A_144 : vector<128x1xi1>, vector<128x1xf32>
    %add3A_146 = arith.addf %add3A_118, %select_n3A_145 : vector<128x1xf32>
    %eq3A_147 = arith.constant 5.000000e+00 : f32
    %eq3A_148 = vector.broadcast %eq3A_147 : f32 to vector<80x128xf32>
    %eq3A_149 = arith.cmpf oeq, %get3A_13, %eq3A_148 : vector<80x128xf32>
    %jit3A_150 = arith.constant 1.000000e+00 : f32
    %jit3A_151 = arith.constant 0.000000e+00 : f32
    %broadcast_in_dim3A_152 = vector.broadcast %jit3A_150 : f32 to vector<80x128xf32>
    %broadcast_in_dim3A_153 = vector.broadcast %jit3A_151 : f32 to vector<80x128xf32>
    %select_n3A_154 = arith.select %eq3A_149, %broadcast_in_dim3A_152, %broadcast_in_dim3A_153 : vector<80x128xi1>, vector<80x128xf32>
    %reduce_sum3A_155 = vector.shape_cast %select_n3A_154 : vector<80x128xf32> to vector<1x80x128xf32>
    %reduce_sum3A_156 = arith.constant dense<0.000000e+00> : vector<1xf32>
    %reduce_sum3A_157 = vector.multi_reduction <add>, %reduce_sum3A_155, %reduce_sum3A_156 [1, 2] : vector<1x80x128xf32> to vector<1xf32>
    %reduce_sum3A_158 = vector.shape_cast %reduce_sum3A_157 : vector<1xf32> to vector<1x1x1xf32>
    %reduce_sum3A_159 = vector.extract %reduce_sum3A_158[0, 0, 0] : f32 from vector<1x1x1xf32>
    %mul3A_160 = arith.constant 9.000000e+00 : f32
    %mul3A_161 = arith.mulf %mul3A_160, %reduce_sum3A_159 : f32
    %add3A_162 = arith.constant 9.000000e+00 : f32
    %add3A_163 = arith.addf %mul3A_161, %add3A_162 : f32
    %div3A_164 = arith.constant 1.000000e+01 : f32
    %div3A_165 = arith.divf %add3A_163, %div3A_164 : f32
    %floor3A_166 = math.floor %div3A_165 : f32
    %eq3A_167 = arith.constant 5.000000e+00 : f32
    %eq3A_168 = vector.broadcast %eq3A_167 : f32 to vector<128x1xf32>
    %eq3A_169 = arith.cmpf oeq, %get3A_1, %eq3A_168 : vector<128x1xf32>
    %jit3A_170 = arith.constant 0.000000e+00 : f32
    %broadcast_in_dim3A_171 = vector.broadcast %floor3A_166 : f32 to vector<128x1xf32>
    %broadcast_in_dim3A_172 = vector.broadcast %jit3A_170 : f32 to vector<128x1xf32>
    %select_n3A_173 = arith.select %eq3A_169, %broadcast_in_dim3A_171, %broadcast_in_dim3A_172 : vector<128x1xi1>, vector<128x1xf32>
    %add3A_174 = arith.addf %add3A_146, %select_n3A_173 : vector<128x1xf32>
    %eq3A_175 = arith.constant 6.000000e+00 : f32
    %eq3A_176 = vector.broadcast %eq3A_175 : f32 to vector<80x128xf32>
    %eq3A_177 = arith.cmpf oeq, %get3A_13, %eq3A_176 : vector<80x128xf32>
    %jit3A_178 = arith.constant 1.000000e+00 : f32
    %jit3A_179 = arith.constant 0.000000e+00 : f32
    %broadcast_in_dim3A_180 = vector.broadcast %jit3A_178 : f32 to vector<80x128xf32>
    %broadcast_in_dim3A_181 = vector.broadcast %jit3A_179 : f32 to vector<80x128xf32>
    %select_n3A_182 = arith.select %eq3A_177, %broadcast_in_dim3A_180, %broadcast_in_dim3A_181 : vector<80x128xi1>, vector<80x128xf32>
    %reduce_sum3A_183 = vector.shape_cast %select_n3A_182 : vector<80x128xf32> to vector<1x80x128xf32>
    %reduce_sum3A_184 = arith.constant dense<0.000000e+00> : vector<1xf32>
    %reduce_sum3A_185 = vector.multi_reduction <add>, %reduce_sum3A_183, %reduce_sum3A_184 [1, 2] : vector<1x80x128xf32> to vector<1xf32>
    %reduce_sum3A_186 = vector.shape_cast %reduce_sum3A_185 : vector<1xf32> to vector<1x1x1xf32>
    %reduce_sum3A_187 = vector.extract %reduce_sum3A_186[0, 0, 0] : f32 from vector<1x1x1xf32>
    %mul3A_188 = arith.constant 9.000000e+00 : f32
    %mul3A_189 = arith.mulf %mul3A_188, %reduce_sum3A_187 : f32
    %add3A_190 = arith.constant 9.000000e+00 : f32
    %add3A_191 = arith.addf %mul3A_189, %add3A_190 : f32
    %div3A_192 = arith.constant 1.000000e+01 : f32
    %div3A_193 = arith.divf %add3A_191, %div3A_192 : f32
    %floor3A_194 = math.floor %div3A_193 : f32
    %eq3A_195 = arith.constant 6.000000e+00 : f32
    %eq3A_196 = vector.broadcast %eq3A_195 : f32 to vector<128x1xf32>
    %eq3A_197 = arith.cmpf oeq, %get3A_1, %eq3A_196 : vector<128x1xf32>
    %jit3A_198 = arith.constant 0.000000e+00 : f32
    %broadcast_in_dim3A_199 = vector.broadcast %floor3A_194 : f32 to vector<128x1xf32>
    %broadcast_in_dim3A_200 = vector.broadcast %jit3A_198 : f32 to vector<128x1xf32>
    %select_n3A_201 = arith.select %eq3A_197, %broadcast_in_dim3A_199, %broadcast_in_dim3A_200 : vector<128x1xi1>, vector<128x1xf32>
    %add3A_202 = arith.addf %add3A_174, %select_n3A_201 : vector<128x1xf32>
    %eq3A_203 = arith.constant 7.000000e+00 : f32
    %eq3A_204 = vector.broadcast %eq3A_203 : f32 to vector<80x128xf32>
    %eq3A_205 = arith.cmpf oeq, %get3A_13, %eq3A_204 : vector<80x128xf32>
    %jit3A_206 = arith.constant 1.000000e+00 : f32
    %jit3A_207 = arith.constant 0.000000e+00 : f32
    %broadcast_in_dim3A_208 = vector.broadcast %jit3A_206 : f32 to vector<80x128xf32>
    %broadcast_in_dim3A_209 = vector.broadcast %jit3A_207 : f32 to vector<80x128xf32>
    %select_n3A_210 = arith.select %eq3A_205, %broadcast_in_dim3A_208, %broadcast_in_dim3A_209 : vector<80x128xi1>, vector<80x128xf32>
    %reduce_sum3A_211 = vector.shape_cast %select_n3A_210 : vector<80x128xf32> to vector<1x80x128xf32>
    %reduce_sum3A_212 = arith.constant dense<0.000000e+00> : vector<1xf32>
    %reduce_sum3A_213 = vector.multi_reduction <add>, %reduce_sum3A_211, %reduce_sum3A_212 [1, 2] : vector<1x80x128xf32> to vector<1xf32>
    %reduce_sum3A_214 = vector.shape_cast %reduce_sum3A_213 : vector<1xf32> to vector<1x1x1xf32>
    %reduce_sum3A_215 = vector.extract %reduce_sum3A_214[0, 0, 0] : f32 from vector<1x1x1xf32>
    %mul3A_216 = arith.constant 9.000000e+00 : f32
    %mul3A_217 = arith.mulf %mul3A_216, %reduce_sum3A_215 : f32
    %add3A_218 = arith.constant 9.000000e+00 : f32
    %add3A_219 = arith.addf %mul3A_217, %add3A_218 : f32
    %div3A_220 = arith.constant 1.000000e+01 : f32
    %div3A_221 = arith.divf %add3A_219, %div3A_220 : f32
    %floor3A_222 = math.floor %div3A_221 : f32
    %eq3A_223 = arith.constant 7.000000e+00 : f32
    %eq3A_224 = vector.broadcast %eq3A_223 : f32 to vector<128x1xf32>
    %eq3A_225 = arith.cmpf oeq, %get3A_1, %eq3A_224 : vector<128x1xf32>
    %jit3A_226 = arith.constant 0.000000e+00 : f32
    %broadcast_in_dim3A_227 = vector.broadcast %floor3A_222 : f32 to vector<128x1xf32>
    %broadcast_in_dim3A_228 = vector.broadcast %jit3A_226 : f32 to vector<128x1xf32>
    %select_n3A_229 = arith.select %eq3A_225, %broadcast_in_dim3A_227, %broadcast_in_dim3A_228 : vector<128x1xi1>, vector<128x1xf32>
    %add3A_230 = arith.addf %add3A_202, %select_n3A_229 : vector<128x1xf32>
    %eq3A_231 = arith.constant 8.000000e+00 : f32
    %eq3A_232 = vector.broadcast %eq3A_231 : f32 to vector<80x128xf32>
    %eq3A_233 = arith.cmpf oeq, %get3A_13, %eq3A_232 : vector<80x128xf32>
    %jit3A_234 = arith.constant 1.000000e+00 : f32
    %jit3A_235 = arith.constant 0.000000e+00 : f32
    %broadcast_in_dim3A_236 = vector.broadcast %jit3A_234 : f32 to vector<80x128xf32>
    %broadcast_in_dim3A_237 = vector.broadcast %jit3A_235 : f32 to vector<80x128xf32>
    %select_n3A_238 = arith.select %eq3A_233, %broadcast_in_dim3A_236, %broadcast_in_dim3A_237 : vector<80x128xi1>, vector<80x128xf32>
    %reduce_sum3A_239 = vector.shape_cast %select_n3A_238 : vector<80x128xf32> to vector<1x80x128xf32>
    %reduce_sum3A_240 = arith.constant dense<0.000000e+00> : vector<1xf32>
    %reduce_sum3A_241 = vector.multi_reduction <add>, %reduce_sum3A_239, %reduce_sum3A_240 [1, 2] : vector<1x80x128xf32> to vector<1xf32>
    %reduce_sum3A_242 = vector.shape_cast %reduce_sum3A_241 : vector<1xf32> to vector<1x1x1xf32>
    %reduce_sum3A_243 = vector.extract %reduce_sum3A_242[0, 0, 0] : f32 from vector<1x1x1xf32>
    %mul3A_244 = arith.constant 9.000000e+00 : f32
    %mul3A_245 = arith.mulf %mul3A_244, %reduce_sum3A_243 : f32
    %add3A_246 = arith.constant 9.000000e+00 : f32
    %add3A_247 = arith.addf %mul3A_245, %add3A_246 : f32
    %div3A_248 = arith.constant 1.000000e+01 : f32
    %div3A_249 = arith.divf %add3A_247, %div3A_248 : f32
    %floor3A_250 = math.floor %div3A_249 : f32
    %eq3A_251 = arith.constant 8.000000e+00 : f32
    %eq3A_252 = vector.broadcast %eq3A_251 : f32 to vector<128x1xf32>
    %eq3A_253 = arith.cmpf oeq, %get3A_1, %eq3A_252 : vector<128x1xf32>
    %jit3A_254 = arith.constant 0.000000e+00 : f32
    %broadcast_in_dim3A_255 = vector.broadcast %floor3A_250 : f32 to vector<128x1xf32>
    %broadcast_in_dim3A_256 = vector.broadcast %jit3A_254 : f32 to vector<128x1xf32>
    %select_n3A_257 = arith.select %eq3A_253, %broadcast_in_dim3A_255, %broadcast_in_dim3A_256 : vector<128x1xi1>, vector<128x1xf32>
    %add3A_258 = arith.addf %add3A_230, %select_n3A_257 : vector<128x1xf32>
    %eq3A_259 = arith.constant 9.000000e+00 : f32
    %eq3A_260 = vector.broadcast %eq3A_259 : f32 to vector<80x128xf32>
    %eq3A_261 = arith.cmpf oeq, %get3A_13, %eq3A_260 : vector<80x128xf32>
    %jit3A_262 = arith.constant 1.000000e+00 : f32
    %jit3A_263 = arith.constant 0.000000e+00 : f32
    %broadcast_in_dim3A_264 = vector.broadcast %jit3A_262 : f32 to vector<80x128xf32>
    %broadcast_in_dim3A_265 = vector.broadcast %jit3A_263 : f32 to vector<80x128xf32>
    %select_n3A_266 = arith.select %eq3A_261, %broadcast_in_dim3A_264, %broadcast_in_dim3A_265 : vector<80x128xi1>, vector<80x128xf32>
    %reduce_sum3A_267 = vector.shape_cast %select_n3A_266 : vector<80x128xf32> to vector<1x80x128xf32>
    %reduce_sum3A_268 = arith.constant dense<0.000000e+00> : vector<1xf32>
    %reduce_sum3A_269 = vector.multi_reduction <add>, %reduce_sum3A_267, %reduce_sum3A_268 [1, 2] : vector<1x80x128xf32> to vector<1xf32>
    %reduce_sum3A_270 = vector.shape_cast %reduce_sum3A_269 : vector<1xf32> to vector<1x1x1xf32>
    %reduce_sum3A_271 = vector.extract %reduce_sum3A_270[0, 0, 0] : f32 from vector<1x1x1xf32>
    %mul3A_272 = arith.constant 9.000000e+00 : f32
    %mul3A_273 = arith.mulf %mul3A_272, %reduce_sum3A_271 : f32
    %add3A_274 = arith.constant 9.000000e+00 : f32
    %add3A_275 = arith.addf %mul3A_273, %add3A_274 : f32
    %div3A_276 = arith.constant 1.000000e+01 : f32
    %div3A_277 = arith.divf %add3A_275, %div3A_276 : f32
    %floor3A_278 = math.floor %div3A_277 : f32
    %eq3A_279 = arith.constant 9.000000e+00 : f32
    %eq3A_280 = vector.broadcast %eq3A_279 : f32 to vector<128x1xf32>
    %eq3A_281 = arith.cmpf oeq, %get3A_1, %eq3A_280 : vector<128x1xf32>
    %jit3A_282 = arith.constant 0.000000e+00 : f32
    %broadcast_in_dim3A_283 = vector.broadcast %floor3A_278 : f32 to vector<128x1xf32>
    %broadcast_in_dim3A_284 = vector.broadcast %jit3A_282 : f32 to vector<128x1xf32>
    %select_n3A_285 = arith.select %eq3A_281, %broadcast_in_dim3A_283, %broadcast_in_dim3A_284 : vector<128x1xi1>, vector<128x1xf32>
    %add3A_286 = arith.addf %add3A_258, %select_n3A_285 : vector<128x1xf32>
    %eq3A_287 = arith.constant 1.000000e+01 : f32
    %eq3A_288 = vector.broadcast %eq3A_287 : f32 to vector<80x128xf32>
    %eq3A_289 = arith.cmpf oeq, %get3A_13, %eq3A_288 : vector<80x128xf32>
    %jit3A_290 = arith.constant 1.000000e+00 : f32
    %jit3A_291 = arith.constant 0.000000e+00 : f32
    %broadcast_in_dim3A_292 = vector.broadcast %jit3A_290 : f32 to vector<80x128xf32>
    %broadcast_in_dim3A_293 = vector.broadcast %jit3A_291 : f32 to vector<80x128xf32>
    %select_n3A_294 = arith.select %eq3A_289, %broadcast_in_dim3A_292, %broadcast_in_dim3A_293 : vector<80x128xi1>, vector<80x128xf32>
    %reduce_sum3A_295 = vector.shape_cast %select_n3A_294 : vector<80x128xf32> to vector<1x80x128xf32>
    %reduce_sum3A_296 = arith.constant dense<0.000000e+00> : vector<1xf32>
    %reduce_sum3A_297 = vector.multi_reduction <add>, %reduce_sum3A_295, %reduce_sum3A_296 [1, 2] : vector<1x80x128xf32> to vector<1xf32>
    %reduce_sum3A_298 = vector.shape_cast %reduce_sum3A_297 : vector<1xf32> to vector<1x1x1xf32>
    %reduce_sum3A_299 = vector.extract %reduce_sum3A_298[0, 0, 0] : f32 from vector<1x1x1xf32>
    %mul3A_300 = arith.constant 9.000000e+00 : f32
    %mul3A_301 = arith.mulf %mul3A_300, %reduce_sum3A_299 : f32
    %add3A_302 = arith.constant 9.000000e+00 : f32
    %add3A_303 = arith.addf %mul3A_301, %add3A_302 : f32
    %div3A_304 = arith.constant 1.000000e+01 : f32
    %div3A_305 = arith.divf %add3A_303, %div3A_304 : f32
    %floor3A_306 = math.floor %div3A_305 : f32
    %eq3A_307 = arith.constant 1.000000e+01 : f32
    %eq3A_308 = vector.broadcast %eq3A_307 : f32 to vector<128x1xf32>
    %eq3A_309 = arith.cmpf oeq, %get3A_1, %eq3A_308 : vector<128x1xf32>
    %jit3A_310 = arith.constant 0.000000e+00 : f32
    %broadcast_in_dim3A_311 = vector.broadcast %floor3A_306 : f32 to vector<128x1xf32>
    %broadcast_in_dim3A_312 = vector.broadcast %jit3A_310 : f32 to vector<128x1xf32>
    %select_n3A_313 = arith.select %eq3A_309, %broadcast_in_dim3A_311, %broadcast_in_dim3A_312 : vector<128x1xi1>, vector<128x1xf32>
    %add3A_314 = arith.addf %add3A_286, %select_n3A_313 : vector<128x1xf32>
    %eq3A_315 = arith.constant 1.100000e+01 : f32
    %eq3A_316 = vector.broadcast %eq3A_315 : f32 to vector<80x128xf32>
    %eq3A_317 = arith.cmpf oeq, %get3A_13, %eq3A_316 : vector<80x128xf32>
    %jit3A_318 = arith.constant 1.000000e+00 : f32
    %jit3A_319 = arith.constant 0.000000e+00 : f32
    %broadcast_in_dim3A_320 = vector.broadcast %jit3A_318 : f32 to vector<80x128xf32>
    %broadcast_in_dim3A_321 = vector.broadcast %jit3A_319 : f32 to vector<80x128xf32>
    %select_n3A_322 = arith.select %eq3A_317, %broadcast_in_dim3A_320, %broadcast_in_dim3A_321 : vector<80x128xi1>, vector<80x128xf32>
    %reduce_sum3A_323 = vector.shape_cast %select_n3A_322 : vector<80x128xf32> to vector<1x80x128xf32>
    %reduce_sum3A_324 = arith.constant dense<0.000000e+00> : vector<1xf32>
    %reduce_sum3A_325 = vector.multi_reduction <add>, %reduce_sum3A_323, %reduce_sum3A_324 [1, 2] : vector<1x80x128xf32> to vector<1xf32>
    %reduce_sum3A_326 = vector.shape_cast %reduce_sum3A_325 : vector<1xf32> to vector<1x1x1xf32>
    %reduce_sum3A_327 = vector.extract %reduce_sum3A_326[0, 0, 0] : f32 from vector<1x1x1xf32>
    %mul3A_328 = arith.constant 9.000000e+00 : f32
    %mul3A_329 = arith.mulf %mul3A_328, %reduce_sum3A_327 : f32
    %add3A_330 = arith.constant 9.000000e+00 : f32
    %add3A_331 = arith.addf %mul3A_329, %add3A_330 : f32
    %div3A_332 = arith.constant 1.000000e+01 : f32
    %div3A_333 = arith.divf %add3A_331, %div3A_332 : f32
    %floor3A_334 = math.floor %div3A_333 : f32
    %eq3A_335 = arith.constant 1.100000e+01 : f32
    %eq3A_336 = vector.broadcast %eq3A_335 : f32 to vector<128x1xf32>
    %eq3A_337 = arith.cmpf oeq, %get3A_1, %eq3A_336 : vector<128x1xf32>
    %jit3A_338 = arith.constant 0.000000e+00 : f32
    %broadcast_in_dim3A_339 = vector.broadcast %floor3A_334 : f32 to vector<128x1xf32>
    %broadcast_in_dim3A_340 = vector.broadcast %jit3A_338 : f32 to vector<128x1xf32>
    %select_n3A_341 = arith.select %eq3A_337, %broadcast_in_dim3A_339, %broadcast_in_dim3A_340 : vector<128x1xi1>, vector<128x1xf32>
    %add3A_342 = arith.addf %add3A_314, %select_n3A_341 : vector<128x1xf32>
    %eq3A_343 = arith.constant 1.200000e+01 : f32
    %eq3A_344 = vector.broadcast %eq3A_343 : f32 to vector<80x128xf32>
    %eq3A_345 = arith.cmpf oeq, %get3A_13, %eq3A_344 : vector<80x128xf32>
    %jit3A_346 = arith.constant 1.000000e+00 : f32
    %jit3A_347 = arith.constant 0.000000e+00 : f32
    %broadcast_in_dim3A_348 = vector.broadcast %jit3A_346 : f32 to vector<80x128xf32>
    %broadcast_in_dim3A_349 = vector.broadcast %jit3A_347 : f32 to vector<80x128xf32>
    %select_n3A_350 = arith.select %eq3A_345, %broadcast_in_dim3A_348, %broadcast_in_dim3A_349 : vector<80x128xi1>, vector<80x128xf32>
    %reduce_sum3A_351 = vector.shape_cast %select_n3A_350 : vector<80x128xf32> to vector<1x80x128xf32>
    %reduce_sum3A_352 = arith.constant dense<0.000000e+00> : vector<1xf32>
    %reduce_sum3A_353 = vector.multi_reduction <add>, %reduce_sum3A_351, %reduce_sum3A_352 [1, 2] : vector<1x80x128xf32> to vector<1xf32>
    %reduce_sum3A_354 = vector.shape_cast %reduce_sum3A_353 : vector<1xf32> to vector<1x1x1xf32>
    %reduce_sum3A_355 = vector.extract %reduce_sum3A_354[0, 0, 0] : f32 from vector<1x1x1xf32>
    %mul3A_356 = arith.constant 9.000000e+00 : f32
    %mul3A_357 = arith.mulf %mul3A_356, %reduce_sum3A_355 : f32
    %add3A_358 = arith.constant 9.000000e+00 : f32
    %add3A_359 = arith.addf %mul3A_357, %add3A_358 : f32
    %div3A_360 = arith.constant 1.000000e+01 : f32
    %div3A_361 = arith.divf %add3A_359, %div3A_360 : f32
    %floor3A_362 = math.floor %div3A_361 : f32
    %eq3A_363 = arith.constant 1.200000e+01 : f32
    %eq3A_364 = vector.broadcast %eq3A_363 : f32 to vector<128x1xf32>
    %eq3A_365 = arith.cmpf oeq, %get3A_1, %eq3A_364 : vector<128x1xf32>
    %jit3A_366 = arith.constant 0.000000e+00 : f32
    %broadcast_in_dim3A_367 = vector.broadcast %floor3A_362 : f32 to vector<128x1xf32>
    %broadcast_in_dim3A_368 = vector.broadcast %jit3A_366 : f32 to vector<128x1xf32>
    %select_n3A_369 = arith.select %eq3A_365, %broadcast_in_dim3A_367, %broadcast_in_dim3A_368 : vector<128x1xi1>, vector<128x1xf32>
    %add3A_370 = arith.addf %add3A_342, %select_n3A_369 : vector<128x1xf32>
    %eq3A_371 = arith.constant 1.300000e+01 : f32
    %eq3A_372 = vector.broadcast %eq3A_371 : f32 to vector<80x128xf32>
    %eq3A_373 = arith.cmpf oeq, %get3A_13, %eq3A_372 : vector<80x128xf32>
    %jit3A_374 = arith.constant 1.000000e+00 : f32
    %jit3A_375 = arith.constant 0.000000e+00 : f32
    %broadcast_in_dim3A_376 = vector.broadcast %jit3A_374 : f32 to vector<80x128xf32>
    %broadcast_in_dim3A_377 = vector.broadcast %jit3A_375 : f32 to vector<80x128xf32>
    %select_n3A_378 = arith.select %eq3A_373, %broadcast_in_dim3A_376, %broadcast_in_dim3A_377 : vector<80x128xi1>, vector<80x128xf32>
    %reduce_sum3A_379 = vector.shape_cast %select_n3A_378 : vector<80x128xf32> to vector<1x80x128xf32>
    %reduce_sum3A_380 = arith.constant dense<0.000000e+00> : vector<1xf32>
    %reduce_sum3A_381 = vector.multi_reduction <add>, %reduce_sum3A_379, %reduce_sum3A_380 [1, 2] : vector<1x80x128xf32> to vector<1xf32>
    %reduce_sum3A_382 = vector.shape_cast %reduce_sum3A_381 : vector<1xf32> to vector<1x1x1xf32>
    %reduce_sum3A_383 = vector.extract %reduce_sum3A_382[0, 0, 0] : f32 from vector<1x1x1xf32>
    %mul3A_384 = arith.constant 9.000000e+00 : f32
    %mul3A_385 = arith.mulf %mul3A_384, %reduce_sum3A_383 : f32
    %add3A_386 = arith.constant 9.000000e+00 : f32
    %add3A_387 = arith.addf %mul3A_385, %add3A_386 : f32
    %div3A_388 = arith.constant 1.000000e+01 : f32
    %div3A_389 = arith.divf %add3A_387, %div3A_388 : f32
    %floor3A_390 = math.floor %div3A_389 : f32
    %eq3A_391 = arith.constant 1.300000e+01 : f32
    %eq3A_392 = vector.broadcast %eq3A_391 : f32 to vector<128x1xf32>
    %eq3A_393 = arith.cmpf oeq, %get3A_1, %eq3A_392 : vector<128x1xf32>
    %jit3A_394 = arith.constant 0.000000e+00 : f32
    %broadcast_in_dim3A_395 = vector.broadcast %floor3A_390 : f32 to vector<128x1xf32>
    %broadcast_in_dim3A_396 = vector.broadcast %jit3A_394 : f32 to vector<128x1xf32>
    %select_n3A_397 = arith.select %eq3A_393, %broadcast_in_dim3A_395, %broadcast_in_dim3A_396 : vector<128x1xi1>, vector<128x1xf32>
    %add3A_398 = arith.addf %add3A_370, %select_n3A_397 : vector<128x1xf32>
    %eq3A_399 = arith.constant 1.400000e+01 : f32
    %eq3A_400 = vector.broadcast %eq3A_399 : f32 to vector<80x128xf32>
    %eq3A_401 = arith.cmpf oeq, %get3A_13, %eq3A_400 : vector<80x128xf32>
    %jit3A_402 = arith.constant 1.000000e+00 : f32
    %jit3A_403 = arith.constant 0.000000e+00 : f32
    %broadcast_in_dim3A_404 = vector.broadcast %jit3A_402 : f32 to vector<80x128xf32>
    %broadcast_in_dim3A_405 = vector.broadcast %jit3A_403 : f32 to vector<80x128xf32>
    %select_n3A_406 = arith.select %eq3A_401, %broadcast_in_dim3A_404, %broadcast_in_dim3A_405 : vector<80x128xi1>, vector<80x128xf32>
    %reduce_sum3A_407 = vector.shape_cast %select_n3A_406 : vector<80x128xf32> to vector<1x80x128xf32>
    %reduce_sum3A_408 = arith.constant dense<0.000000e+00> : vector<1xf32>
    %reduce_sum3A_409 = vector.multi_reduction <add>, %reduce_sum3A_407, %reduce_sum3A_408 [1, 2] : vector<1x80x128xf32> to vector<1xf32>
    %reduce_sum3A_410 = vector.shape_cast %reduce_sum3A_409 : vector<1xf32> to vector<1x1x1xf32>
    %reduce_sum3A_411 = vector.extract %reduce_sum3A_410[0, 0, 0] : f32 from vector<1x1x1xf32>
    %mul3A_412 = arith.constant 9.000000e+00 : f32
    %mul3A_413 = arith.mulf %mul3A_412, %reduce_sum3A_411 : f32
    %add3A_414 = arith.constant 9.000000e+00 : f32
    %add3A_415 = arith.addf %mul3A_413, %add3A_414 : f32
    %div3A_416 = arith.constant 1.000000e+01 : f32
    %div3A_417 = arith.divf %add3A_415, %div3A_416 : f32
    %floor3A_418 = math.floor %div3A_417 : f32
    %eq3A_419 = arith.constant 1.400000e+01 : f32
    %eq3A_420 = vector.broadcast %eq3A_419 : f32 to vector<128x1xf32>
    %eq3A_421 = arith.cmpf oeq, %get3A_1, %eq3A_420 : vector<128x1xf32>
    %jit3A_422 = arith.constant 0.000000e+00 : f32
    %broadcast_in_dim3A_423 = vector.broadcast %floor3A_418 : f32 to vector<128x1xf32>
    %broadcast_in_dim3A_424 = vector.broadcast %jit3A_422 : f32 to vector<128x1xf32>
    %select_n3A_425 = arith.select %eq3A_421, %broadcast_in_dim3A_423, %broadcast_in_dim3A_424 : vector<128x1xi1>, vector<128x1xf32>
    %add3A_426 = arith.addf %add3A_398, %select_n3A_425 : vector<128x1xf32>
    %eq3A_427 = arith.constant 1.500000e+01 : f32
    %eq3A_428 = vector.broadcast %eq3A_427 : f32 to vector<80x128xf32>
    %eq3A_429 = arith.cmpf oeq, %get3A_13, %eq3A_428 : vector<80x128xf32>
    %jit3A_430 = arith.constant 1.000000e+00 : f32
    %jit3A_431 = arith.constant 0.000000e+00 : f32
    %broadcast_in_dim3A_432 = vector.broadcast %jit3A_430 : f32 to vector<80x128xf32>
    %broadcast_in_dim3A_433 = vector.broadcast %jit3A_431 : f32 to vector<80x128xf32>
    %select_n3A_434 = arith.select %eq3A_429, %broadcast_in_dim3A_432, %broadcast_in_dim3A_433 : vector<80x128xi1>, vector<80x128xf32>
    %reduce_sum3A_435 = vector.shape_cast %select_n3A_434 : vector<80x128xf32> to vector<1x80x128xf32>
    %reduce_sum3A_436 = arith.constant dense<0.000000e+00> : vector<1xf32>
    %reduce_sum3A_437 = vector.multi_reduction <add>, %reduce_sum3A_435, %reduce_sum3A_436 [1, 2] : vector<1x80x128xf32> to vector<1xf32>
    %reduce_sum3A_438 = vector.shape_cast %reduce_sum3A_437 : vector<1xf32> to vector<1x1x1xf32>
    %reduce_sum3A_439 = vector.extract %reduce_sum3A_438[0, 0, 0] : f32 from vector<1x1x1xf32>
    %mul3A_440 = arith.constant 9.000000e+00 : f32
    %mul3A_441 = arith.mulf %mul3A_440, %reduce_sum3A_439 : f32
    %add3A_442 = arith.constant 9.000000e+00 : f32
    %add3A_443 = arith.addf %mul3A_441, %add3A_442 : f32
    %div3A_444 = arith.constant 1.000000e+01 : f32
    %div3A_445 = arith.divf %add3A_443, %div3A_444 : f32
    %floor3A_446 = math.floor %div3A_445 : f32
    %eq3A_447 = arith.constant 1.500000e+01 : f32
    %eq3A_448 = vector.broadcast %eq3A_447 : f32 to vector<128x1xf32>
    %eq3A_449 = arith.cmpf oeq, %get3A_1, %eq3A_448 : vector<128x1xf32>
    %jit3A_450 = arith.constant 0.000000e+00 : f32
    %broadcast_in_dim3A_451 = vector.broadcast %floor3A_446 : f32 to vector<128x1xf32>
    %broadcast_in_dim3A_452 = vector.broadcast %jit3A_450 : f32 to vector<128x1xf32>
    %select_n3A_453 = arith.select %eq3A_449, %broadcast_in_dim3A_451, %broadcast_in_dim3A_452 : vector<128x1xi1>, vector<128x1xf32>
    %add3A_454 = arith.addf %add3A_426, %select_n3A_453 : vector<128x1xf32>
    %lt3A = arith.constant 1.600000e+01 : f32
    %lt3A_455 = vector.broadcast %lt3A : f32 to vector<128x1xf32>
    %lt3A_456 = arith.cmpf olt, %get3A_1, %lt3A_455 : vector<128x1xf32>
    %jit3A_457 = arith.constant -1.000000e+00 : f32
    %broadcast_in_dim3A_458 = vector.broadcast %jit3A_457 : f32 to vector<128x1xf32>
    %select_n3A_459 = arith.select %lt3A_456, %get3A_1, %broadcast_in_dim3A_458 : vector<128x1xi1>, vector<128x1xf32>
    %reduce_max3A = vector.shape_cast %select_n3A_459 : vector<128x1xf32> to vector<1x128x1xf32>
    %reduce_max3A_460 = arith.constant dense<0xFF800000> : vector<1xf32>
    %reduce_max3A_461 = vector.multi_reduction <maximumf>, %reduce_max3A, %reduce_max3A_460 [1, 2] : vector<1x128x1xf32> to vector<1xf32>
    %reduce_max3A_462 = vector.shape_cast %reduce_max3A_461 : vector<1xf32> to vector<1x1x1xf32>
    %reduce_max3A_463 = vector.extract %reduce_max3A_462[0, 0, 0] : f32 from vector<1x1x1xf32>
    %lt3A_464 = arith.constant 1.600000e+01 : f32
    %lt3A_465 = vector.broadcast %lt3A_464 : f32 to vector<128x1xf32>
    %lt3A_466 = arith.cmpf olt, %get3A_1, %lt3A_465 : vector<128x1xf32>
    %jit3A_467 = arith.constant 9.900000e+01 : f32
    %broadcast_in_dim3A_468 = vector.broadcast %jit3A_467 : f32 to vector<128x1xf32>
    %select_n3A_469 = arith.select %lt3A_466, %get3A_1, %broadcast_in_dim3A_468 : vector<128x1xi1>, vector<128x1xf32>
    %reduce_min3A = vector.shape_cast %select_n3A_469 : vector<128x1xf32> to vector<1x128x1xf32>
    %reduce_min3A_470 = arith.constant dense<0x7F800000> : vector<1xf32>
    %reduce_min3A_471 = vector.multi_reduction <minimumf>, %reduce_min3A, %reduce_min3A_470 [1, 2] : vector<1x128x1xf32> to vector<1xf32>
    %reduce_min3A_472 = vector.shape_cast %reduce_min3A_471 : vector<1xf32> to vector<1x1x1xf32>
    %reduce_min3A_473 = vector.extract %reduce_min3A_472[0, 0, 0] : f32 from vector<1x1x1xf32>
    %broadcast_in_dim3A_474 = arith.constant 0.000000e+00 : f32
    %broadcast_in_dim3A_475 = vector.broadcast %broadcast_in_dim3A_474 : f32 to vector<128x1xf32>
    %scan3A = arith.constant 0 : i32
    %scan3A_476 = arith.constant 80 : i32
    %scan3A_477 = arith.addi %scan3A, %scan3A_476 : i32
    %scan3A_478 = arith.constant 1 : i32
    %scan3A_479 = scf.for %scan3A_1343 = %scan3A to %scan3A_477 step %scan3A_478 iter_args(%scan3A_1344 = %broadcast_in_dim3A_475) -> (vector<128x1xf32>)  : i32 {
      %get3A_1345 = arith.index_cast %scan3A_1343 : i32 to index
      %get3A_1346 = arith.constant 0 : index
      %get3A_1347 = vector.load %arg2[%get3A_1345, %get3A_1346] : memref<80x128xf32, #tpu.memory_space<vmem>>, vector<1x128xf32>
      %lt3A_1348 = arith.constant 1.600000e+01 : f32
      %lt3A_1349 = vector.broadcast %lt3A_1348 : f32 to vector<1x128xf32>
      %lt3A_1350 = arith.cmpf olt, %get3A_1347, %lt3A_1349 : vector<1x128xf32>
      %jit3A_1351 = arith.constant 9.900000e+01 : f32
      %broadcast_in_dim3A_1352 = vector.broadcast %jit3A_1351 : f32 to vector<1x128xf32>
      %select_n3A_1353 = arith.select %lt3A_1350, %get3A_1347, %broadcast_in_dim3A_1352 : vector<1x128xi1>, vector<1x128xf32>
      %reduce_min3A_1354 = vector.shape_cast %select_n3A_1353 : vector<1x128xf32> to vector<1x1x128xf32>
      %reduce_min3A_1355 = arith.constant dense<0x7F800000> : vector<1xf32>
      %reduce_min3A_1356 = vector.multi_reduction <minimumf>, %reduce_min3A_1354, %reduce_min3A_1355 [1, 2] : vector<1x1x128xf32> to vector<1xf32>
      %reduce_min3A_1357 = vector.shape_cast %reduce_min3A_1356 : vector<1xf32> to vector<1x1x1xf32>
      %reduce_min3A_1358 = vector.extract %reduce_min3A_1357[0, 0, 0] : f32 from vector<1x1x1xf32>
      %lt3A_1359 = arith.constant 1.600000e+01 : f32
      %lt3A_1360 = vector.broadcast %lt3A_1359 : f32 to vector<1x128xf32>
      %lt3A_1361 = arith.cmpf olt, %get3A_1347, %lt3A_1360 : vector<1x128xf32>
      %jit3A_1362 = arith.constant -1.000000e+00 : f32
      %broadcast_in_dim3A_1363 = vector.broadcast %jit3A_1362 : f32 to vector<1x128xf32>
      %select_n3A_1364 = arith.select %lt3A_1361, %get3A_1347, %broadcast_in_dim3A_1363 : vector<1x128xi1>, vector<1x128xf32>
      %reduce_max3A_1365 = vector.shape_cast %select_n3A_1364 : vector<1x128xf32> to vector<1x1x128xf32>
      %reduce_max3A_1366 = arith.constant dense<0xFF800000> : vector<1xf32>
      %reduce_max3A_1367 = vector.multi_reduction <maximumf>, %reduce_max3A_1365, %reduce_max3A_1366 [1, 2] : vector<1x1x128xf32> to vector<1xf32>
      %reduce_max3A_1368 = vector.shape_cast %reduce_max3A_1367 : vector<1xf32> to vector<1x1x1xf32>
      %reduce_max3A_1369 = vector.extract %reduce_max3A_1368[0, 0, 0] : f32 from vector<1x1x1xf32>
      %le3A = arith.cmpf ole, %reduce_min3A_1358, %reduce_max3A_463 : f32
      %ge3A = arith.cmpf oge, %reduce_max3A_1369, %reduce_min3A_473 : f32
      %and3A_1370 = arith.andi %le3A, %ge3A : i1
      %convert_element_type3A_1371 = arith.extui %and3A_1370 : i1 to i32
      %cond3A_1372 = arith.constant 0 : i32
      %cond3A_1373 = arith.cmpi ne, %convert_element_type3A_1371, %cond3A_1372 : i32
      %cond3A_1374 = scf.if %cond3A_1373 -> (vector<128x1xf32>) {
        %get3A_1375 = arith.index_cast %scan3A_1343 : i32 to index
        %get3A_1376 = arith.constant 0 : index
        %get3A_1377 = vector.load %arg1[%get3A_1375, %get3A_1376] : memref<80x128xf32, #tpu.memory_space<vmem>>, vector<1x128xf32>
        %get3A_1378 = arith.index_cast %scan3A_1343 : i32 to index
        %get3A_1379 = arith.constant 0 : index
        %get3A_1380 = vector.load %arg3[%get3A_1378, %get3A_1379] : memref<80x128xf32, #tpu.memory_space<vmem>>, vector<1x128xf32>
        %eq3A_1381 = vector.broadcast %get3A_1347 : vector<1x128xf32> to vector<128x128xf32>
        %eq3A_1382 = vector.broadcast %get3A_1 : vector<128x1xf32> to vector<128x128xf32>
        %eq3A_1383 = arith.cmpf oeq, %eq3A_1381, %eq3A_1382 : vector<128x128xf32>
        %gt3A = vector.broadcast %get3A_1377 : vector<1x128xf32> to vector<128x128xf32>
        %gt3A_1384 = vector.broadcast %get3A_7 : vector<128x1xf32> to vector<128x128xf32>
        %gt3A_1385 = arith.cmpf ogt, %gt3A, %gt3A_1384 : vector<128x128xf32>
        %eq3A_1386 = vector.broadcast %get3A_1377 : vector<1x128xf32> to vector<128x128xf32>
        %eq3A_1387 = vector.broadcast %get3A_7 : vector<128x1xf32> to vector<128x128xf32>
        %eq3A_1388 = arith.cmpf oeq, %eq3A_1386, %eq3A_1387 : vector<128x128xf32>
        %lt3A_1389 = vector.broadcast %get3A_1380 : vector<1x128xf32> to vector<128x128xf32>
        %lt3A_1390 = vector.broadcast %get3A_4 : vector<128x1xf32> to vector<128x128xf32>
        %lt3A_1391 = arith.cmpf olt, %lt3A_1389, %lt3A_1390 : vector<128x128xf32>
        %and3A_1392 = arith.andi %eq3A_1388, %lt3A_1391 : vector<128x128xi1>
        %or3A = arith.ori %gt3A_1385, %and3A_1392 : vector<128x128xi1>
        %and3A_1393 = arith.andi %eq3A_1383, %or3A : vector<128x128xi1>
        %jit3A_1394 = arith.constant 1.000000e+00 : f32
        %jit3A_1395 = arith.constant 0.000000e+00 : f32
        %broadcast_in_dim3A_1396 = vector.broadcast %jit3A_1394 : f32 to vector<128x128xf32>
        %broadcast_in_dim3A_1397 = vector.broadcast %jit3A_1395 : f32 to vector<128x128xf32>
        %select_n3A_1398 = arith.select %and3A_1393, %broadcast_in_dim3A_1396, %broadcast_in_dim3A_1397 : vector<128x128xi1>, vector<128x128xf32>
        %reduce_sum3A_1399 = arith.constant dense<0.000000e+00> : vector<128xf32>
        %reduce_sum3A_1400 = vector.multi_reduction <add>, %select_n3A_1398, %reduce_sum3A_1399 [1] : vector<128x128xf32> to vector<128xf32>
        %broadcast_in_dim3A_1401 = vector.shape_cast %reduce_sum3A_1400 : vector<128xf32> to vector<128x1xf32>
        %add3A_1402 = arith.addf %scan3A_1344, %broadcast_in_dim3A_1401 : vector<128x1xf32>
        scf.yield %add3A_1402 : vector<128x1xf32>
      } else {
        scf.yield %scan3A_1344 : vector<128x1xf32>
      }
      scf.yield %cond3A_1374 : vector<128x1xf32>
    }
    %scan3A_480 = arith.constant 80 : i32
    %lt3A_481 = arith.cmpf olt, %scan3A_479, %add3A_454 : vector<128x1xf32>
    %lt3A_482 = arith.constant 1.600000e+01 : f32
    %lt3A_483 = vector.broadcast %lt3A_482 : f32 to vector<128x1xf32>
    %lt3A_484 = arith.cmpf olt, %get3A_1, %lt3A_483 : vector<128x1xf32>
    %and3A = arith.andi %lt3A_481, %lt3A_484 : vector<128x1xi1>
    %jit3A_485 = arith.constant 1.000000e+00 : f32
    %jit3A_486 = arith.constant 0.000000e+00 : f32
    %broadcast_in_dim3A_487 = vector.broadcast %jit3A_485 : f32 to vector<128x1xf32>
    %broadcast_in_dim3A_488 = vector.broadcast %jit3A_486 : f32 to vector<128x1xf32>
    %select_n3A_489 = arith.select %and3A, %broadcast_in_dim3A_487, %broadcast_in_dim3A_488 : vector<128x1xi1>, vector<128x1xf32>
    %mul3A_490 = vector.broadcast %get3A_7 : vector<128x1xf32> to vector<128x16xf32>
    %mul3A_491 = arith.mulf %get3A_10, %mul3A_490 : vector<128x16xf32>
    %mul3A_492 = vector.broadcast %select_n3A_489 : vector<128x1xf32> to vector<128x16xf32>
    %mul3A_493 = arith.mulf %mul3A_491, %mul3A_492 : vector<128x16xf32>
    %jit3A_494 = arith.constant 1.600000e+01 : f32
    %broadcast_in_dim3A_495 = vector.broadcast %jit3A_494 : f32 to vector<128x1xf32>
    %select_n3A_496 = arith.select %and3A, %get3A_1, %broadcast_in_dim3A_495 : vector<128x1xi1>, vector<128x1xf32>
    %swap3A = arith.constant 0 : index
    %swap3A_497 = arith.constant 0 : index
    %swap3A_498 = vector.load %arg10[%swap3A, %swap3A_497] : memref<128x1xf32, #tpu.memory_space<vmem>>, vector<128x1xf32>
    tpu.vector_store %arg10[%swap3A, %swap3A_497], %select_n3A_489 {strides = array<i32>} : memref<128x1xf32, #tpu.memory_space<vmem>>, vector<128x1xf32>,
    %swap3A_499 = arith.constant 0 : index
    %swap3A_500 = arith.constant 0 : index
    %swap3A_501 = vector.load %arg11[%swap3A_499, %swap3A_500] : memref<128x1xf32, #tpu.memory_space<vmem>>, vector<128x1xf32>
    tpu.vector_store %arg11[%swap3A_499, %swap3A_500], %select_n3A_496 {strides = array<i32>} : memref<128x1xf32, #tpu.memory_space<vmem>>, vector<128x1xf32>,
    %swap3A_502 = arith.constant 0 : index
    %swap3A_503 = arith.constant 0 : index
    %swap3A_504 = vector.load %arg12[%swap3A_502, %swap3A_503] : memref<128x1xf32, #tpu.memory_space<vmem>>, vector<128x1xf32>
    tpu.vector_store %arg12[%swap3A_502, %swap3A_503], %scan3A_479 {strides = array<i32>} : memref<128x1xf32, #tpu.memory_space<vmem>>, vector<128x1xf32>,
    %get3A_505 = arith.constant 0 : index
    %get3A_506 = arith.constant 0 : index
    %get3A_507 = vector.load %arg8[%get3A_505, %get3A_506] : memref<16x16xf32, #tpu.memory_space<vmem>>, vector<16x16xf32>
    %dot_general3A = arith.constant dense<0.000000e+00> : vector<128x16xf32>
    %dot_general3A_508 = tpu.matmul %mul3A_493, %get3A_507, %dot_general3A {dimension_numbers = #tpu.dot_dimension_numbers<[1], [0], [0], [1], [0, 0, 1, 1], [], []>, transpose_lhs_hint = false} : vector<128x16xf32>, vector<16x16xf32>, vector<128x16xf32> -> vector<128x16xf32>
    %swap3A_509 = arith.constant 0 : index
    %swap3A_510 = arith.constant 0 : index
    %swap3A_511 = vector.load %arg13[%swap3A_509, %swap3A_510] : memref<128x16xf32, #tpu.memory_space<vmem>>, vector<128x16xf32>
    tpu.vector_store %arg13[%swap3A_509, %swap3A_510], %dot_general3A_508 {strides = array<i32>} : memref<128x16xf32, #tpu.memory_space<vmem>>, vector<128x16xf32>,
    %get3A_512 = arith.constant 0 : index
    %get3A_513 = arith.constant 0 : index
    %get3A_514 = vector.load %arg9[%get3A_512, %get3A_513] : memref<16x16xf32, #tpu.memory_space<vmem>>, vector<16x16xf32>
    %dot_general3A_515 = arith.constant dense<0.000000e+00> : vector<128x16xf32>
    %dot_general3A_516 = tpu.matmul %mul3A_493, %get3A_514, %dot_general3A_515 {dimension_numbers = #tpu.dot_dimension_numbers<[1], [0], [0], [1], [0, 0, 1, 1], [], []>, transpose_lhs_hint = false} : vector<128x16xf32>, vector<16x16xf32>, vector<128x16xf32> -> vector<128x16xf32>
    %swap3A_517 = arith.constant 0 : index
    %swap3A_518 = arith.constant 0 : index
    %swap3A_519 = vector.load %arg14[%swap3A_517, %swap3A_518] : memref<128x16xf32, #tpu.memory_space<vmem>>, vector<128x16xf32>
    tpu.vector_store %arg14[%swap3A_517, %swap3A_518], %dot_general3A_516 {strides = array<i32>} : memref<128x16xf32, #tpu.memory_space<vmem>>, vector<128x16xf32>,
    %eq3A_520 = arith.constant 0 : i32
    %eq3A_521 = arith.cmpi eq, %arg0, %eq3A_520 : i32
    %convert_element_type3A = arith.extui %eq3A_521 : i1 to i32
    %cond3A = arith.constant 0 : i32
    %cond3A_522 = arith.cmpi ne, %convert_element_type3A, %cond3A : i32
    scf.if %cond3A_522 {
      %broadcast_in_dim3A_1343 = arith.constant 0xFF800000 : f32
      %broadcast_in_dim3A_1344 = vector.broadcast %broadcast_in_dim3A_1343 : f32 to vector<16x16xf32>
      %swap3A_1345 = arith.constant 0 : index
      %swap3A_1346 = arith.constant 0 : index
      %swap3A_1347 = vector.load %arg16[%swap3A_1345, %swap3A_1346] : memref<16x16xf32, #tpu.memory_space<vmem>>, vector<16x16xf32>
      tpu.vector_store %arg16[%swap3A_1345, %swap3A_1346], %broadcast_in_dim3A_1344 {strides = array<i32>} : memref<16x16xf32, #tpu.memory_space<vmem>>, vector<16x16xf32>,
      %broadcast_in_dim3A_1348 = arith.constant 0.000000e+00 : f32
      %broadcast_in_dim3A_1349 = vector.broadcast %broadcast_in_dim3A_1348 : f32 to vector<16x16xf32>
      %swap3A_1350 = arith.constant 0 : index
      %swap3A_1351 = arith.constant 0 : index
      %swap3A_1352 = vector.load %arg17[%swap3A_1350, %swap3A_1351] : memref<16x16xf32, #tpu.memory_space<vmem>>, vector<16x16xf32>
      tpu.vector_store %arg17[%swap3A_1350, %swap3A_1351], %broadcast_in_dim3A_1349 {strides = array<i32>} : memref<16x16xf32, #tpu.memory_space<vmem>>, vector<16x16xf32>,
      %broadcast_in_dim3A_1353 = arith.constant 0.000000e+00 : f32
      %broadcast_in_dim3A_1354 = vector.broadcast %broadcast_in_dim3A_1353 : f32 to vector<16x16xf32>
      %swap3A_1355 = arith.constant 0 : index
      %swap3A_1356 = arith.constant 0 : index
      %swap3A_1357 = vector.load %arg18[%swap3A_1355, %swap3A_1356] : memref<16x16xf32, #tpu.memory_space<vmem>>, vector<16x16xf32>
      tpu.vector_store %arg18[%swap3A_1355, %swap3A_1356], %broadcast_in_dim3A_1354 {strides = array<i32>} : memref<16x16xf32, #tpu.memory_space<vmem>>, vector<16x16xf32>,
    } else {
    }
    %eq3A_523 = arith.constant 0.000000e+00 : f32
    %eq3A_524 = vector.broadcast %eq3A_523 : f32 to vector<128x1xf32>
    %eq3A_525 = arith.cmpf oeq, %select_n3A_496, %eq3A_524 : vector<128x1xf32>
    %jit3A_526 = arith.constant 0xFF800000 : f32
    %broadcast_in_dim3A_527 = vector.shape_cast %eq3A_525 : vector<128x1xi1> to vector<128x1xi1>
    %broadcast_in_dim3A_528 = vector.broadcast %broadcast_in_dim3A_527 : vector<128x1xi1> to vector<128x16xi1>
    %broadcast_in_dim3A_529 = vector.broadcast %jit3A_526 : f32 to vector<128x16xf32>
    %select_n3A_530 = arith.select %broadcast_in_dim3A_528, %mul3A_493, %broadcast_in_dim3A_529 : vector<128x16xi1>, vector<128x16xf32>
    %jit3A_531 = arith.constant 0.000000e+00 : f32
    %broadcast_in_dim3A_532 = vector.shape_cast %eq3A_525 : vector<128x1xi1> to vector<128x1xi1>
    %broadcast_in_dim3A_533 = vector.broadcast %broadcast_in_dim3A_532 : vector<128x1xi1> to vector<128x16xi1>
    %broadcast_in_dim3A_534 = vector.broadcast %jit3A_531 : f32 to vector<128x16xf32>
    %select_n3A_535 = arith.select %broadcast_in_dim3A_533, %mul3A_493, %broadcast_in_dim3A_534 : vector<128x16xi1>, vector<128x16xf32>
    %get3A_536 = arith.constant 0 : index
    %get3A_537 = arith.constant 0 : index
    %get3A_538 = vector.load %arg16[%get3A_536, %get3A_537] : memref<16x16xf32, #tpu.memory_space<vmem>>, vector<1x16xf32>
    %reduce_max3A_539 = arith.constant dense<0xFF800000> : vector<16xf32>
    %reduce_max3A_540 = vector.multi_reduction <maximumf>, %select_n3A_530, %reduce_max3A_539 [0] : vector<128x16xf32> to vector<16xf32>
    %broadcast_in_dim3A_541 = vector.shape_cast %reduce_max3A_540 : vector<16xf32> to vector<1x16xf32>
    %max3A = arith.maximumf %get3A_538, %broadcast_in_dim3A_541 : vector<1x16xf32>
    %swap3A_542 = arith.constant 0 : index
    %swap3A_543 = arith.constant 0 : index
    %swap3A_544 = vector.load %arg16[%swap3A_542, %swap3A_543] : memref<16x16xf32, #tpu.memory_space<vmem>>, vector<1x16xf32>
    tpu.vector_store %arg16[%swap3A_542, %swap3A_543], %max3A {strides = array<i32>} : memref<16x16xf32, #tpu.memory_space<vmem>>, vector<1x16xf32>,
    %get3A_545 = arith.constant 0 : index
    %get3A_546 = arith.constant 0 : index
    %get3A_547 = vector.load %arg17[%get3A_545, %get3A_546] : memref<16x16xf32, #tpu.memory_space<vmem>>, vector<1x16xf32>
    %reduce_sum3A_548 = arith.constant dense<0.000000e+00> : vector<16xf32>
    %reduce_sum3A_549 = vector.multi_reduction <add>, %select_n3A_535, %reduce_sum3A_548 [0] : vector<128x16xf32> to vector<16xf32>
    %broadcast_in_dim3A_550 = vector.shape_cast %reduce_sum3A_549 : vector<16xf32> to vector<1x16xf32>
    %add3A_551 = arith.addf %get3A_547, %broadcast_in_dim3A_550 : vector<1x16xf32>
    %swap3A_552 = arith.constant 0 : index
    %swap3A_553 = arith.constant 0 : index
    %swap3A_554 = vector.load %arg17[%swap3A_552, %swap3A_553] : memref<16x16xf32, #tpu.memory_space<vmem>>, vector<1x16xf32>
    tpu.vector_store %arg17[%swap3A_552, %swap3A_553], %add3A_551 {strides = array<i32>} : memref<16x16xf32, #tpu.memory_space<vmem>>, vector<1x16xf32>,
    %get3A_555 = arith.constant 0 : index
    %get3A_556 = arith.constant 0 : index
    %get3A_557 = vector.load %arg18[%get3A_555, %get3A_556] : memref<16x16xf32, #tpu.memory_space<vmem>>, vector<1x16xf32>
    %jit3A_558 = arith.constant 1.000000e+00 : f32
    %jit3A_559 = arith.constant 0.000000e+00 : f32
    %broadcast_in_dim3A_560 = vector.broadcast %jit3A_558 : f32 to vector<128x1xf32>
    %broadcast_in_dim3A_561 = vector.broadcast %jit3A_559 : f32 to vector<128x1xf32>
    %select_n3A_562 = arith.select %eq3A_525, %broadcast_in_dim3A_560, %broadcast_in_dim3A_561 : vector<128x1xi1>, vector<128x1xf32>
    %reduce_sum3A_563 = vector.shape_cast %select_n3A_562 : vector<128x1xf32> to vector<1x128x1xf32>
    %reduce_sum3A_564 = arith.constant dense<0.000000e+00> : vector<1xf32>
    %reduce_sum3A_565 = vector.multi_reduction <add>, %reduce_sum3A_563, %reduce_sum3A_564 [1, 2] : vector<1x128x1xf32> to vector<1xf32>
    %reduce_sum3A_566 = vector.shape_cast %reduce_sum3A_565 : vector<1xf32> to vector<1x1x1xf32>
    %reduce_sum3A_567 = vector.extract %reduce_sum3A_566[0, 0, 0] : f32 from vector<1x1x1xf32>
    %add3A_568 = vector.broadcast %reduce_sum3A_567 : f32 to vector<1x16xf32>
    %add3A_569 = arith.addf %get3A_557, %add3A_568 : vector<1x16xf32>
    %swap3A_570 = arith.constant 0 : index
    %swap3A_571 = arith.constant 0 : index
    %swap3A_572 = vector.load %arg18[%swap3A_570, %swap3A_571] : memref<16x16xf32, #tpu.memory_space<vmem>>, vector<1x16xf32>
    tpu.vector_store %arg18[%swap3A_570, %swap3A_571], %add3A_569 {strides = array<i32>} : memref<16x16xf32, #tpu.memory_space<vmem>>, vector<1x16xf32>,
    %eq3A_573 = arith.constant 1.000000e+00 : f32
    %eq3A_574 = vector.broadcast %eq3A_573 : f32 to vector<128x1xf32>
    %eq3A_575 = arith.cmpf oeq, %select_n3A_496, %eq3A_574 : vector<128x1xf32>
    %jit3A_576 = arith.constant 0xFF800000 : f32
    %broadcast_in_dim3A_577 = vector.shape_cast %eq3A_575 : vector<128x1xi1> to vector<128x1xi1>
    %broadcast_in_dim3A_578 = vector.broadcast %broadcast_in_dim3A_577 : vector<128x1xi1> to vector<128x16xi1>
    %broadcast_in_dim3A_579 = vector.broadcast %jit3A_576 : f32 to vector<128x16xf32>
    %select_n3A_580 = arith.select %broadcast_in_dim3A_578, %mul3A_493, %broadcast_in_dim3A_579 : vector<128x16xi1>, vector<128x16xf32>
    %jit3A_581 = arith.constant 0.000000e+00 : f32
    %broadcast_in_dim3A_582 = vector.shape_cast %eq3A_575 : vector<128x1xi1> to vector<128x1xi1>
    %broadcast_in_dim3A_583 = vector.broadcast %broadcast_in_dim3A_582 : vector<128x1xi1> to vector<128x16xi1>
    %broadcast_in_dim3A_584 = vector.broadcast %jit3A_581 : f32 to vector<128x16xf32>
    %select_n3A_585 = arith.select %broadcast_in_dim3A_583, %mul3A_493, %broadcast_in_dim3A_584 : vector<128x16xi1>, vector<128x16xf32>
    %get3A_586 = arith.constant 1 : index
    %get3A_587 = arith.constant 0 : index
    %get3A_588 = vector.load %arg16[%get3A_586, %get3A_587] : memref<16x16xf32, #tpu.memory_space<vmem>>, vector<1x16xf32>
    %reduce_max3A_589 = arith.constant dense<0xFF800000> : vector<16xf32>
    %reduce_max3A_590 = vector.multi_reduction <maximumf>, %select_n3A_580, %reduce_max3A_589 [0] : vector<128x16xf32> to vector<16xf32>
    %broadcast_in_dim3A_591 = vector.shape_cast %reduce_max3A_590 : vector<16xf32> to vector<1x16xf32>
    %max3A_592 = arith.maximumf %get3A_588, %broadcast_in_dim3A_591 : vector<1x16xf32>
    %swap3A_593 = arith.constant 1 : index
    %swap3A_594 = arith.constant 0 : index
    %swap3A_595 = vector.load %arg16[%swap3A_593, %swap3A_594] : memref<16x16xf32, #tpu.memory_space<vmem>>, vector<1x16xf32>
    tpu.vector_store %arg16[%swap3A_593, %swap3A_594], %max3A_592 {strides = array<i32>} : memref<16x16xf32, #tpu.memory_space<vmem>>, vector<1x16xf32>,
    %get3A_596 = arith.constant 1 : index
    %get3A_597 = arith.constant 0 : index
    %get3A_598 = vector.load %arg17[%get3A_596, %get3A_597] : memref<16x16xf32, #tpu.memory_space<vmem>>, vector<1x16xf32>
    %reduce_sum3A_599 = arith.constant dense<0.000000e+00> : vector<16xf32>
    %reduce_sum3A_600 = vector.multi_reduction <add>, %select_n3A_585, %reduce_sum3A_599 [0] : vector<128x16xf32> to vector<16xf32>
    %broadcast_in_dim3A_601 = vector.shape_cast %reduce_sum3A_600 : vector<16xf32> to vector<1x16xf32>
    %add3A_602 = arith.addf %get3A_598, %broadcast_in_dim3A_601 : vector<1x16xf32>
    %swap3A_603 = arith.constant 1 : index
    %swap3A_604 = arith.constant 0 : index
    %swap3A_605 = vector.load %arg17[%swap3A_603, %swap3A_604] : memref<16x16xf32, #tpu.memory_space<vmem>>, vector<1x16xf32>
    tpu.vector_store %arg17[%swap3A_603, %swap3A_604], %add3A_602 {strides = array<i32>} : memref<16x16xf32, #tpu.memory_space<vmem>>, vector<1x16xf32>,
    %get3A_606 = arith.constant 1 : index
    %get3A_607 = arith.constant 0 : index
    %get3A_608 = vector.load %arg18[%get3A_606, %get3A_607] : memref<16x16xf32, #tpu.memory_space<vmem>>, vector<1x16xf32>
    %jit3A_609 = arith.constant 1.000000e+00 : f32
    %jit3A_610 = arith.constant 0.000000e+00 : f32
    %broadcast_in_dim3A_611 = vector.broadcast %jit3A_609 : f32 to vector<128x1xf32>
    %broadcast_in_dim3A_612 = vector.broadcast %jit3A_610 : f32 to vector<128x1xf32>
    %select_n3A_613 = arith.select %eq3A_575, %broadcast_in_dim3A_611, %broadcast_in_dim3A_612 : vector<128x1xi1>, vector<128x1xf32>
    %reduce_sum3A_614 = vector.shape_cast %select_n3A_613 : vector<128x1xf32> to vector<1x128x1xf32>
    %reduce_sum3A_615 = arith.constant dense<0.000000e+00> : vector<1xf32>
    %reduce_sum3A_616 = vector.multi_reduction <add>, %reduce_sum3A_614, %reduce_sum3A_615 [1, 2] : vector<1x128x1xf32> to vector<1xf32>
    %reduce_sum3A_617 = vector.shape_cast %reduce_sum3A_616 : vector<1xf32> to vector<1x1x1xf32>
    %reduce_sum3A_618 = vector.extract %reduce_sum3A_617[0, 0, 0] : f32 from vector<1x1x1xf32>
    %add3A_619 = vector.broadcast %reduce_sum3A_618 : f32 to vector<1x16xf32>
    %add3A_620 = arith.addf %get3A_608, %add3A_619 : vector<1x16xf32>
    %swap3A_621 = arith.constant 1 : index
    %swap3A_622 = arith.constant 0 : index
    %swap3A_623 = vector.load %arg18[%swap3A_621, %swap3A_622] : memref<16x16xf32, #tpu.memory_space<vmem>>, vector<1x16xf32>
    tpu.vector_store %arg18[%swap3A_621, %swap3A_622], %add3A_620 {strides = array<i32>} : memref<16x16xf32, #tpu.memory_space<vmem>>, vector<1x16xf32>,
    %eq3A_624 = arith.constant 2.000000e+00 : f32
    %eq3A_625 = vector.broadcast %eq3A_624 : f32 to vector<128x1xf32>
    %eq3A_626 = arith.cmpf oeq, %select_n3A_496, %eq3A_625 : vector<128x1xf32>
    %jit3A_627 = arith.constant 0xFF800000 : f32
    %broadcast_in_dim3A_628 = vector.shape_cast %eq3A_626 : vector<128x1xi1> to vector<128x1xi1>
    %broadcast_in_dim3A_629 = vector.broadcast %broadcast_in_dim3A_628 : vector<128x1xi1> to vector<128x16xi1>
    %broadcast_in_dim3A_630 = vector.broadcast %jit3A_627 : f32 to vector<128x16xf32>
    %select_n3A_631 = arith.select %broadcast_in_dim3A_629, %mul3A_493, %broadcast_in_dim3A_630 : vector<128x16xi1>, vector<128x16xf32>
    %jit3A_632 = arith.constant 0.000000e+00 : f32
    %broadcast_in_dim3A_633 = vector.shape_cast %eq3A_626 : vector<128x1xi1> to vector<128x1xi1>
    %broadcast_in_dim3A_634 = vector.broadcast %broadcast_in_dim3A_633 : vector<128x1xi1> to vector<128x16xi1>
    %broadcast_in_dim3A_635 = vector.broadcast %jit3A_632 : f32 to vector<128x16xf32>
    %select_n3A_636 = arith.select %broadcast_in_dim3A_634, %mul3A_493, %broadcast_in_dim3A_635 : vector<128x16xi1>, vector<128x16xf32>
    %get3A_637 = arith.constant 2 : index
    %get3A_638 = arith.constant 0 : index
    %get3A_639 = vector.load %arg16[%get3A_637, %get3A_638] : memref<16x16xf32, #tpu.memory_space<vmem>>, vector<1x16xf32>
    %reduce_max3A_640 = arith.constant dense<0xFF800000> : vector<16xf32>
    %reduce_max3A_641 = vector.multi_reduction <maximumf>, %select_n3A_631, %reduce_max3A_640 [0] : vector<128x16xf32> to vector<16xf32>
    %broadcast_in_dim3A_642 = vector.shape_cast %reduce_max3A_641 : vector<16xf32> to vector<1x16xf32>
    %max3A_643 = arith.maximumf %get3A_639, %broadcast_in_dim3A_642 : vector<1x16xf32>
    %swap3A_644 = arith.constant 2 : index
    %swap3A_645 = arith.constant 0 : index
    %swap3A_646 = vector.load %arg16[%swap3A_644, %swap3A_645] : memref<16x16xf32, #tpu.memory_space<vmem>>, vector<1x16xf32>
    tpu.vector_store %arg16[%swap3A_644, %swap3A_645], %max3A_643 {strides = array<i32>} : memref<16x16xf32, #tpu.memory_space<vmem>>, vector<1x16xf32>,
    %get3A_647 = arith.constant 2 : index
    %get3A_648 = arith.constant 0 : index
    %get3A_649 = vector.load %arg17[%get3A_647, %get3A_648] : memref<16x16xf32, #tpu.memory_space<vmem>>, vector<1x16xf32>
    %reduce_sum3A_650 = arith.constant dense<0.000000e+00> : vector<16xf32>
    %reduce_sum3A_651 = vector.multi_reduction <add>, %select_n3A_636, %reduce_sum3A_650 [0] : vector<128x16xf32> to vector<16xf32>
    %broadcast_in_dim3A_652 = vector.shape_cast %reduce_sum3A_651 : vector<16xf32> to vector<1x16xf32>
    %add3A_653 = arith.addf %get3A_649, %broadcast_in_dim3A_652 : vector<1x16xf32>
    %swap3A_654 = arith.constant 2 : index
    %swap3A_655 = arith.constant 0 : index
    %swap3A_656 = vector.load %arg17[%swap3A_654, %swap3A_655] : memref<16x16xf32, #tpu.memory_space<vmem>>, vector<1x16xf32>
    tpu.vector_store %arg17[%swap3A_654, %swap3A_655], %add3A_653 {strides = array<i32>} : memref<16x16xf32, #tpu.memory_space<vmem>>, vector<1x16xf32>,
    %get3A_657 = arith.constant 2 : index
    %get3A_658 = arith.constant 0 : index
    %get3A_659 = vector.load %arg18[%get3A_657, %get3A_658] : memref<16x16xf32, #tpu.memory_space<vmem>>, vector<1x16xf32>
    %jit3A_660 = arith.constant 1.000000e+00 : f32
    %jit3A_661 = arith.constant 0.000000e+00 : f32
    %broadcast_in_dim3A_662 = vector.broadcast %jit3A_660 : f32 to vector<128x1xf32>
    %broadcast_in_dim3A_663 = vector.broadcast %jit3A_661 : f32 to vector<128x1xf32>
    %select_n3A_664 = arith.select %eq3A_626, %broadcast_in_dim3A_662, %broadcast_in_dim3A_663 : vector<128x1xi1>, vector<128x1xf32>
    %reduce_sum3A_665 = vector.shape_cast %select_n3A_664 : vector<128x1xf32> to vector<1x128x1xf32>
    %reduce_sum3A_666 = arith.constant dense<0.000000e+00> : vector<1xf32>
    %reduce_sum3A_667 = vector.multi_reduction <add>, %reduce_sum3A_665, %reduce_sum3A_666 [1, 2] : vector<1x128x1xf32> to vector<1xf32>
    %reduce_sum3A_668 = vector.shape_cast %reduce_sum3A_667 : vector<1xf32> to vector<1x1x1xf32>
    %reduce_sum3A_669 = vector.extract %reduce_sum3A_668[0, 0, 0] : f32 from vector<1x1x1xf32>
    %add3A_670 = vector.broadcast %reduce_sum3A_669 : f32 to vector<1x16xf32>
    %add3A_671 = arith.addf %get3A_659, %add3A_670 : vector<1x16xf32>
    %swap3A_672 = arith.constant 2 : index
    %swap3A_673 = arith.constant 0 : index
    %swap3A_674 = vector.load %arg18[%swap3A_672, %swap3A_673] : memref<16x16xf32, #tpu.memory_space<vmem>>, vector<1x16xf32>
    tpu.vector_store %arg18[%swap3A_672, %swap3A_673], %add3A_671 {strides = array<i32>} : memref<16x16xf32, #tpu.memory_space<vmem>>, vector<1x16xf32>,
    %eq3A_675 = arith.constant 3.000000e+00 : f32
    %eq3A_676 = vector.broadcast %eq3A_675 : f32 to vector<128x1xf32>
    %eq3A_677 = arith.cmpf oeq, %select_n3A_496, %eq3A_676 : vector<128x1xf32>
    %jit3A_678 = arith.constant 0xFF800000 : f32
    %broadcast_in_dim3A_679 = vector.shape_cast %eq3A_677 : vector<128x1xi1> to vector<128x1xi1>
    %broadcast_in_dim3A_680 = vector.broadcast %broadcast_in_dim3A_679 : vector<128x1xi1> to vector<128x16xi1>
    %broadcast_in_dim3A_681 = vector.broadcast %jit3A_678 : f32 to vector<128x16xf32>
    %select_n3A_682 = arith.select %broadcast_in_dim3A_680, %mul3A_493, %broadcast_in_dim3A_681 : vector<128x16xi1>, vector<128x16xf32>
    %jit3A_683 = arith.constant 0.000000e+00 : f32
    %broadcast_in_dim3A_684 = vector.shape_cast %eq3A_677 : vector<128x1xi1> to vector<128x1xi1>
    %broadcast_in_dim3A_685 = vector.broadcast %broadcast_in_dim3A_684 : vector<128x1xi1> to vector<128x16xi1>
    %broadcast_in_dim3A_686 = vector.broadcast %jit3A_683 : f32 to vector<128x16xf32>
    %select_n3A_687 = arith.select %broadcast_in_dim3A_685, %mul3A_493, %broadcast_in_dim3A_686 : vector<128x16xi1>, vector<128x16xf32>
    %get3A_688 = arith.constant 3 : index
    %get3A_689 = arith.constant 0 : index
    %get3A_690 = vector.load %arg16[%get3A_688, %get3A_689] : memref<16x16xf32, #tpu.memory_space<vmem>>, vector<1x16xf32>
    %reduce_max3A_691 = arith.constant dense<0xFF800000> : vector<16xf32>
    %reduce_max3A_692 = vector.multi_reduction <maximumf>, %select_n3A_682, %reduce_max3A_691 [0] : vector<128x16xf32> to vector<16xf32>
    %broadcast_in_dim3A_693 = vector.shape_cast %reduce_max3A_692 : vector<16xf32> to vector<1x16xf32>
    %max3A_694 = arith.maximumf %get3A_690, %broadcast_in_dim3A_693 : vector<1x16xf32>
    %swap3A_695 = arith.constant 3 : index
    %swap3A_696 = arith.constant 0 : index
    %swap3A_697 = vector.load %arg16[%swap3A_695, %swap3A_696] : memref<16x16xf32, #tpu.memory_space<vmem>>, vector<1x16xf32>
    tpu.vector_store %arg16[%swap3A_695, %swap3A_696], %max3A_694 {strides = array<i32>} : memref<16x16xf32, #tpu.memory_space<vmem>>, vector<1x16xf32>,
    %get3A_698 = arith.constant 3 : index
    %get3A_699 = arith.constant 0 : index
    %get3A_700 = vector.load %arg17[%get3A_698, %get3A_699] : memref<16x16xf32, #tpu.memory_space<vmem>>, vector<1x16xf32>
    %reduce_sum3A_701 = arith.constant dense<0.000000e+00> : vector<16xf32>
    %reduce_sum3A_702 = vector.multi_reduction <add>, %select_n3A_687, %reduce_sum3A_701 [0] : vector<128x16xf32> to vector<16xf32>
    %broadcast_in_dim3A_703 = vector.shape_cast %reduce_sum3A_702 : vector<16xf32> to vector<1x16xf32>
    %add3A_704 = arith.addf %get3A_700, %broadcast_in_dim3A_703 : vector<1x16xf32>
    %swap3A_705 = arith.constant 3 : index
    %swap3A_706 = arith.constant 0 : index
    %swap3A_707 = vector.load %arg17[%swap3A_705, %swap3A_706] : memref<16x16xf32, #tpu.memory_space<vmem>>, vector<1x16xf32>
    tpu.vector_store %arg17[%swap3A_705, %swap3A_706], %add3A_704 {strides = array<i32>} : memref<16x16xf32, #tpu.memory_space<vmem>>, vector<1x16xf32>,
    %get3A_708 = arith.constant 3 : index
    %get3A_709 = arith.constant 0 : index
    %get3A_710 = vector.load %arg18[%get3A_708, %get3A_709] : memref<16x16xf32, #tpu.memory_space<vmem>>, vector<1x16xf32>
    %jit3A_711 = arith.constant 1.000000e+00 : f32
    %jit3A_712 = arith.constant 0.000000e+00 : f32
    %broadcast_in_dim3A_713 = vector.broadcast %jit3A_711 : f32 to vector<128x1xf32>
    %broadcast_in_dim3A_714 = vector.broadcast %jit3A_712 : f32 to vector<128x1xf32>
    %select_n3A_715 = arith.select %eq3A_677, %broadcast_in_dim3A_713, %broadcast_in_dim3A_714 : vector<128x1xi1>, vector<128x1xf32>
    %reduce_sum3A_716 = vector.shape_cast %select_n3A_715 : vector<128x1xf32> to vector<1x128x1xf32>
    %reduce_sum3A_717 = arith.constant dense<0.000000e+00> : vector<1xf32>
    %reduce_sum3A_718 = vector.multi_reduction <add>, %reduce_sum3A_716, %reduce_sum3A_717 [1, 2] : vector<1x128x1xf32> to vector<1xf32>
    %reduce_sum3A_719 = vector.shape_cast %reduce_sum3A_718 : vector<1xf32> to vector<1x1x1xf32>
    %reduce_sum3A_720 = vector.extract %reduce_sum3A_719[0, 0, 0] : f32 from vector<1x1x1xf32>
    %add3A_721 = vector.broadcast %reduce_sum3A_720 : f32 to vector<1x16xf32>
    %add3A_722 = arith.addf %get3A_710, %add3A_721 : vector<1x16xf32>
    %swap3A_723 = arith.constant 3 : index
    %swap3A_724 = arith.constant 0 : index
    %swap3A_725 = vector.load %arg18[%swap3A_723, %swap3A_724] : memref<16x16xf32, #tpu.memory_space<vmem>>, vector<1x16xf32>
    tpu.vector_store %arg18[%swap3A_723, %swap3A_724], %add3A_722 {strides = array<i32>} : memref<16x16xf32, #tpu.memory_space<vmem>>, vector<1x16xf32>,
    %eq3A_726 = arith.constant 4.000000e+00 : f32
    %eq3A_727 = vector.broadcast %eq3A_726 : f32 to vector<128x1xf32>
    %eq3A_728 = arith.cmpf oeq, %select_n3A_496, %eq3A_727 : vector<128x1xf32>
    %jit3A_729 = arith.constant 0xFF800000 : f32
    %broadcast_in_dim3A_730 = vector.shape_cast %eq3A_728 : vector<128x1xi1> to vector<128x1xi1>
    %broadcast_in_dim3A_731 = vector.broadcast %broadcast_in_dim3A_730 : vector<128x1xi1> to vector<128x16xi1>
    %broadcast_in_dim3A_732 = vector.broadcast %jit3A_729 : f32 to vector<128x16xf32>
    %select_n3A_733 = arith.select %broadcast_in_dim3A_731, %mul3A_493, %broadcast_in_dim3A_732 : vector<128x16xi1>, vector<128x16xf32>
    %jit3A_734 = arith.constant 0.000000e+00 : f32
    %broadcast_in_dim3A_735 = vector.shape_cast %eq3A_728 : vector<128x1xi1> to vector<128x1xi1>
    %broadcast_in_dim3A_736 = vector.broadcast %broadcast_in_dim3A_735 : vector<128x1xi1> to vector<128x16xi1>
    %broadcast_in_dim3A_737 = vector.broadcast %jit3A_734 : f32 to vector<128x16xf32>
    %select_n3A_738 = arith.select %broadcast_in_dim3A_736, %mul3A_493, %broadcast_in_dim3A_737 : vector<128x16xi1>, vector<128x16xf32>
    %get3A_739 = arith.constant 4 : index
    %get3A_740 = arith.constant 0 : index
    %get3A_741 = vector.load %arg16[%get3A_739, %get3A_740] : memref<16x16xf32, #tpu.memory_space<vmem>>, vector<1x16xf32>
    %reduce_max3A_742 = arith.constant dense<0xFF800000> : vector<16xf32>
    %reduce_max3A_743 = vector.multi_reduction <maximumf>, %select_n3A_733, %reduce_max3A_742 [0] : vector<128x16xf32> to vector<16xf32>
    %broadcast_in_dim3A_744 = vector.shape_cast %reduce_max3A_743 : vector<16xf32> to vector<1x16xf32>
    %max3A_745 = arith.maximumf %get3A_741, %broadcast_in_dim3A_744 : vector<1x16xf32>
    %swap3A_746 = arith.constant 4 : index
    %swap3A_747 = arith.constant 0 : index
    %swap3A_748 = vector.load %arg16[%swap3A_746, %swap3A_747] : memref<16x16xf32, #tpu.memory_space<vmem>>, vector<1x16xf32>
    tpu.vector_store %arg16[%swap3A_746, %swap3A_747], %max3A_745 {strides = array<i32>} : memref<16x16xf32, #tpu.memory_space<vmem>>, vector<1x16xf32>,
    %get3A_749 = arith.constant 4 : index
    %get3A_750 = arith.constant 0 : index
    %get3A_751 = vector.load %arg17[%get3A_749, %get3A_750] : memref<16x16xf32, #tpu.memory_space<vmem>>, vector<1x16xf32>
    %reduce_sum3A_752 = arith.constant dense<0.000000e+00> : vector<16xf32>
    %reduce_sum3A_753 = vector.multi_reduction <add>, %select_n3A_738, %reduce_sum3A_752 [0] : vector<128x16xf32> to vector<16xf32>
    %broadcast_in_dim3A_754 = vector.shape_cast %reduce_sum3A_753 : vector<16xf32> to vector<1x16xf32>
    %add3A_755 = arith.addf %get3A_751, %broadcast_in_dim3A_754 : vector<1x16xf32>
    %swap3A_756 = arith.constant 4 : index
    %swap3A_757 = arith.constant 0 : index
    %swap3A_758 = vector.load %arg17[%swap3A_756, %swap3A_757] : memref<16x16xf32, #tpu.memory_space<vmem>>, vector<1x16xf32>
    tpu.vector_store %arg17[%swap3A_756, %swap3A_757], %add3A_755 {strides = array<i32>} : memref<16x16xf32, #tpu.memory_space<vmem>>, vector<1x16xf32>,
    %get3A_759 = arith.constant 4 : index
    %get3A_760 = arith.constant 0 : index
    %get3A_761 = vector.load %arg18[%get3A_759, %get3A_760] : memref<16x16xf32, #tpu.memory_space<vmem>>, vector<1x16xf32>
    %jit3A_762 = arith.constant 1.000000e+00 : f32
    %jit3A_763 = arith.constant 0.000000e+00 : f32
    %broadcast_in_dim3A_764 = vector.broadcast %jit3A_762 : f32 to vector<128x1xf32>
    %broadcast_in_dim3A_765 = vector.broadcast %jit3A_763 : f32 to vector<128x1xf32>
    %select_n3A_766 = arith.select %eq3A_728, %broadcast_in_dim3A_764, %broadcast_in_dim3A_765 : vector<128x1xi1>, vector<128x1xf32>
    %reduce_sum3A_767 = vector.shape_cast %select_n3A_766 : vector<128x1xf32> to vector<1x128x1xf32>
    %reduce_sum3A_768 = arith.constant dense<0.000000e+00> : vector<1xf32>
    %reduce_sum3A_769 = vector.multi_reduction <add>, %reduce_sum3A_767, %reduce_sum3A_768 [1, 2] : vector<1x128x1xf32> to vector<1xf32>
    %reduce_sum3A_770 = vector.shape_cast %reduce_sum3A_769 : vector<1xf32> to vector<1x1x1xf32>
    %reduce_sum3A_771 = vector.extract %reduce_sum3A_770[0, 0, 0] : f32 from vector<1x1x1xf32>
    %add3A_772 = vector.broadcast %reduce_sum3A_771 : f32 to vector<1x16xf32>
    %add3A_773 = arith.addf %get3A_761, %add3A_772 : vector<1x16xf32>
    %swap3A_774 = arith.constant 4 : index
    %swap3A_775 = arith.constant 0 : index
    %swap3A_776 = vector.load %arg18[%swap3A_774, %swap3A_775] : memref<16x16xf32, #tpu.memory_space<vmem>>, vector<1x16xf32>
    tpu.vector_store %arg18[%swap3A_774, %swap3A_775], %add3A_773 {strides = array<i32>} : memref<16x16xf32, #tpu.memory_space<vmem>>, vector<1x16xf32>,
    %eq3A_777 = arith.constant 5.000000e+00 : f32
    %eq3A_778 = vector.broadcast %eq3A_777 : f32 to vector<128x1xf32>
    %eq3A_779 = arith.cmpf oeq, %select_n3A_496, %eq3A_778 : vector<128x1xf32>
    %jit3A_780 = arith.constant 0xFF800000 : f32
    %broadcast_in_dim3A_781 = vector.shape_cast %eq3A_779 : vector<128x1xi1> to vector<128x1xi1>
    %broadcast_in_dim3A_782 = vector.broadcast %broadcast_in_dim3A_781 : vector<128x1xi1> to vector<128x16xi1>
    %broadcast_in_dim3A_783 = vector.broadcast %jit3A_780 : f32 to vector<128x16xf32>
    %select_n3A_784 = arith.select %broadcast_in_dim3A_782, %mul3A_493, %broadcast_in_dim3A_783 : vector<128x16xi1>, vector<128x16xf32>
    %jit3A_785 = arith.constant 0.000000e+00 : f32
    %broadcast_in_dim3A_786 = vector.shape_cast %eq3A_779 : vector<128x1xi1> to vector<128x1xi1>
    %broadcast_in_dim3A_787 = vector.broadcast %broadcast_in_dim3A_786 : vector<128x1xi1> to vector<128x16xi1>
    %broadcast_in_dim3A_788 = vector.broadcast %jit3A_785 : f32 to vector<128x16xf32>
    %select_n3A_789 = arith.select %broadcast_in_dim3A_787, %mul3A_493, %broadcast_in_dim3A_788 : vector<128x16xi1>, vector<128x16xf32>
    %get3A_790 = arith.constant 5 : index
    %get3A_791 = arith.constant 0 : index
    %get3A_792 = vector.load %arg16[%get3A_790, %get3A_791] : memref<16x16xf32, #tpu.memory_space<vmem>>, vector<1x16xf32>
    %reduce_max3A_793 = arith.constant dense<0xFF800000> : vector<16xf32>
    %reduce_max3A_794 = vector.multi_reduction <maximumf>, %select_n3A_784, %reduce_max3A_793 [0] : vector<128x16xf32> to vector<16xf32>
    %broadcast_in_dim3A_795 = vector.shape_cast %reduce_max3A_794 : vector<16xf32> to vector<1x16xf32>
    %max3A_796 = arith.maximumf %get3A_792, %broadcast_in_dim3A_795 : vector<1x16xf32>
    %swap3A_797 = arith.constant 5 : index
    %swap3A_798 = arith.constant 0 : index
    %swap3A_799 = vector.load %arg16[%swap3A_797, %swap3A_798] : memref<16x16xf32, #tpu.memory_space<vmem>>, vector<1x16xf32>
    tpu.vector_store %arg16[%swap3A_797, %swap3A_798], %max3A_796 {strides = array<i32>} : memref<16x16xf32, #tpu.memory_space<vmem>>, vector<1x16xf32>,
    %get3A_800 = arith.constant 5 : index
    %get3A_801 = arith.constant 0 : index
    %get3A_802 = vector.load %arg17[%get3A_800, %get3A_801] : memref<16x16xf32, #tpu.memory_space<vmem>>, vector<1x16xf32>
    %reduce_sum3A_803 = arith.constant dense<0.000000e+00> : vector<16xf32>
    %reduce_sum3A_804 = vector.multi_reduction <add>, %select_n3A_789, %reduce_sum3A_803 [0] : vector<128x16xf32> to vector<16xf32>
    %broadcast_in_dim3A_805 = vector.shape_cast %reduce_sum3A_804 : vector<16xf32> to vector<1x16xf32>
    %add3A_806 = arith.addf %get3A_802, %broadcast_in_dim3A_805 : vector<1x16xf32>
    %swap3A_807 = arith.constant 5 : index
    %swap3A_808 = arith.constant 0 : index
    %swap3A_809 = vector.load %arg17[%swap3A_807, %swap3A_808] : memref<16x16xf32, #tpu.memory_space<vmem>>, vector<1x16xf32>
    tpu.vector_store %arg17[%swap3A_807, %swap3A_808], %add3A_806 {strides = array<i32>} : memref<16x16xf32, #tpu.memory_space<vmem>>, vector<1x16xf32>,
    %get3A_810 = arith.constant 5 : index
    %get3A_811 = arith.constant 0 : index
    %get3A_812 = vector.load %arg18[%get3A_810, %get3A_811] : memref<16x16xf32, #tpu.memory_space<vmem>>, vector<1x16xf32>
    %jit3A_813 = arith.constant 1.000000e+00 : f32
    %jit3A_814 = arith.constant 0.000000e+00 : f32
    %broadcast_in_dim3A_815 = vector.broadcast %jit3A_813 : f32 to vector<128x1xf32>
    %broadcast_in_dim3A_816 = vector.broadcast %jit3A_814 : f32 to vector<128x1xf32>
    %select_n3A_817 = arith.select %eq3A_779, %broadcast_in_dim3A_815, %broadcast_in_dim3A_816 : vector<128x1xi1>, vector<128x1xf32>
    %reduce_sum3A_818 = vector.shape_cast %select_n3A_817 : vector<128x1xf32> to vector<1x128x1xf32>
    %reduce_sum3A_819 = arith.constant dense<0.000000e+00> : vector<1xf32>
    %reduce_sum3A_820 = vector.multi_reduction <add>, %reduce_sum3A_818, %reduce_sum3A_819 [1, 2] : vector<1x128x1xf32> to vector<1xf32>
    %reduce_sum3A_821 = vector.shape_cast %reduce_sum3A_820 : vector<1xf32> to vector<1x1x1xf32>
    %reduce_sum3A_822 = vector.extract %reduce_sum3A_821[0, 0, 0] : f32 from vector<1x1x1xf32>
    %add3A_823 = vector.broadcast %reduce_sum3A_822 : f32 to vector<1x16xf32>
    %add3A_824 = arith.addf %get3A_812, %add3A_823 : vector<1x16xf32>
    %swap3A_825 = arith.constant 5 : index
    %swap3A_826 = arith.constant 0 : index
    %swap3A_827 = vector.load %arg18[%swap3A_825, %swap3A_826] : memref<16x16xf32, #tpu.memory_space<vmem>>, vector<1x16xf32>
    tpu.vector_store %arg18[%swap3A_825, %swap3A_826], %add3A_824 {strides = array<i32>} : memref<16x16xf32, #tpu.memory_space<vmem>>, vector<1x16xf32>,
    %eq3A_828 = arith.constant 6.000000e+00 : f32
    %eq3A_829 = vector.broadcast %eq3A_828 : f32 to vector<128x1xf32>
    %eq3A_830 = arith.cmpf oeq, %select_n3A_496, %eq3A_829 : vector<128x1xf32>
    %jit3A_831 = arith.constant 0xFF800000 : f32
    %broadcast_in_dim3A_832 = vector.shape_cast %eq3A_830 : vector<128x1xi1> to vector<128x1xi1>
    %broadcast_in_dim3A_833 = vector.broadcast %broadcast_in_dim3A_832 : vector<128x1xi1> to vector<128x16xi1>
    %broadcast_in_dim3A_834 = vector.broadcast %jit3A_831 : f32 to vector<128x16xf32>
    %select_n3A_835 = arith.select %broadcast_in_dim3A_833, %mul3A_493, %broadcast_in_dim3A_834 : vector<128x16xi1>, vector<128x16xf32>
    %jit3A_836 = arith.constant 0.000000e+00 : f32
    %broadcast_in_dim3A_837 = vector.shape_cast %eq3A_830 : vector<128x1xi1> to vector<128x1xi1>
    %broadcast_in_dim3A_838 = vector.broadcast %broadcast_in_dim3A_837 : vector<128x1xi1> to vector<128x16xi1>
    %broadcast_in_dim3A_839 = vector.broadcast %jit3A_836 : f32 to vector<128x16xf32>
    %select_n3A_840 = arith.select %broadcast_in_dim3A_838, %mul3A_493, %broadcast_in_dim3A_839 : vector<128x16xi1>, vector<128x16xf32>
    %get3A_841 = arith.constant 6 : index
    %get3A_842 = arith.constant 0 : index
    %get3A_843 = vector.load %arg16[%get3A_841, %get3A_842] : memref<16x16xf32, #tpu.memory_space<vmem>>, vector<1x16xf32>
    %reduce_max3A_844 = arith.constant dense<0xFF800000> : vector<16xf32>
    %reduce_max3A_845 = vector.multi_reduction <maximumf>, %select_n3A_835, %reduce_max3A_844 [0] : vector<128x16xf32> to vector<16xf32>
    %broadcast_in_dim3A_846 = vector.shape_cast %reduce_max3A_845 : vector<16xf32> to vector<1x16xf32>
    %max3A_847 = arith.maximumf %get3A_843, %broadcast_in_dim3A_846 : vector<1x16xf32>
    %swap3A_848 = arith.constant 6 : index
    %swap3A_849 = arith.constant 0 : index
    %swap3A_850 = vector.load %arg16[%swap3A_848, %swap3A_849] : memref<16x16xf32, #tpu.memory_space<vmem>>, vector<1x16xf32>
    tpu.vector_store %arg16[%swap3A_848, %swap3A_849], %max3A_847 {strides = array<i32>} : memref<16x16xf32, #tpu.memory_space<vmem>>, vector<1x16xf32>,
    %get3A_851 = arith.constant 6 : index
    %get3A_852 = arith.constant 0 : index
    %get3A_853 = vector.load %arg17[%get3A_851, %get3A_852] : memref<16x16xf32, #tpu.memory_space<vmem>>, vector<1x16xf32>
    %reduce_sum3A_854 = arith.constant dense<0.000000e+00> : vector<16xf32>
    %reduce_sum3A_855 = vector.multi_reduction <add>, %select_n3A_840, %reduce_sum3A_854 [0] : vector<128x16xf32> to vector<16xf32>
    %broadcast_in_dim3A_856 = vector.shape_cast %reduce_sum3A_855 : vector<16xf32> to vector<1x16xf32>
    %add3A_857 = arith.addf %get3A_853, %broadcast_in_dim3A_856 : vector<1x16xf32>
    %swap3A_858 = arith.constant 6 : index
    %swap3A_859 = arith.constant 0 : index
    %swap3A_860 = vector.load %arg17[%swap3A_858, %swap3A_859] : memref<16x16xf32, #tpu.memory_space<vmem>>, vector<1x16xf32>
    tpu.vector_store %arg17[%swap3A_858, %swap3A_859], %add3A_857 {strides = array<i32>} : memref<16x16xf32, #tpu.memory_space<vmem>>, vector<1x16xf32>,
    %get3A_861 = arith.constant 6 : index
    %get3A_862 = arith.constant 0 : index
    %get3A_863 = vector.load %arg18[%get3A_861, %get3A_862] : memref<16x16xf32, #tpu.memory_space<vmem>>, vector<1x16xf32>
    %jit3A_864 = arith.constant 1.000000e+00 : f32
    %jit3A_865 = arith.constant 0.000000e+00 : f32
    %broadcast_in_dim3A_866 = vector.broadcast %jit3A_864 : f32 to vector<128x1xf32>
    %broadcast_in_dim3A_867 = vector.broadcast %jit3A_865 : f32 to vector<128x1xf32>
    %select_n3A_868 = arith.select %eq3A_830, %broadcast_in_dim3A_866, %broadcast_in_dim3A_867 : vector<128x1xi1>, vector<128x1xf32>
    %reduce_sum3A_869 = vector.shape_cast %select_n3A_868 : vector<128x1xf32> to vector<1x128x1xf32>
    %reduce_sum3A_870 = arith.constant dense<0.000000e+00> : vector<1xf32>
    %reduce_sum3A_871 = vector.multi_reduction <add>, %reduce_sum3A_869, %reduce_sum3A_870 [1, 2] : vector<1x128x1xf32> to vector<1xf32>
    %reduce_sum3A_872 = vector.shape_cast %reduce_sum3A_871 : vector<1xf32> to vector<1x1x1xf32>
    %reduce_sum3A_873 = vector.extract %reduce_sum3A_872[0, 0, 0] : f32 from vector<1x1x1xf32>
    %add3A_874 = vector.broadcast %reduce_sum3A_873 : f32 to vector<1x16xf32>
    %add3A_875 = arith.addf %get3A_863, %add3A_874 : vector<1x16xf32>
    %swap3A_876 = arith.constant 6 : index
    %swap3A_877 = arith.constant 0 : index
    %swap3A_878 = vector.load %arg18[%swap3A_876, %swap3A_877] : memref<16x16xf32, #tpu.memory_space<vmem>>, vector<1x16xf32>
    tpu.vector_store %arg18[%swap3A_876, %swap3A_877], %add3A_875 {strides = array<i32>} : memref<16x16xf32, #tpu.memory_space<vmem>>, vector<1x16xf32>,
    %eq3A_879 = arith.constant 7.000000e+00 : f32
    %eq3A_880 = vector.broadcast %eq3A_879 : f32 to vector<128x1xf32>
    %eq3A_881 = arith.cmpf oeq, %select_n3A_496, %eq3A_880 : vector<128x1xf32>
    %jit3A_882 = arith.constant 0xFF800000 : f32
    %broadcast_in_dim3A_883 = vector.shape_cast %eq3A_881 : vector<128x1xi1> to vector<128x1xi1>
    %broadcast_in_dim3A_884 = vector.broadcast %broadcast_in_dim3A_883 : vector<128x1xi1> to vector<128x16xi1>
    %broadcast_in_dim3A_885 = vector.broadcast %jit3A_882 : f32 to vector<128x16xf32>
    %select_n3A_886 = arith.select %broadcast_in_dim3A_884, %mul3A_493, %broadcast_in_dim3A_885 : vector<128x16xi1>, vector<128x16xf32>
    %jit3A_887 = arith.constant 0.000000e+00 : f32
    %broadcast_in_dim3A_888 = vector.shape_cast %eq3A_881 : vector<128x1xi1> to vector<128x1xi1>
    %broadcast_in_dim3A_889 = vector.broadcast %broadcast_in_dim3A_888 : vector<128x1xi1> to vector<128x16xi1>
    %broadcast_in_dim3A_890 = vector.broadcast %jit3A_887 : f32 to vector<128x16xf32>
    %select_n3A_891 = arith.select %broadcast_in_dim3A_889, %mul3A_493, %broadcast_in_dim3A_890 : vector<128x16xi1>, vector<128x16xf32>
    %get3A_892 = arith.constant 7 : index
    %get3A_893 = arith.constant 0 : index
    %get3A_894 = vector.load %arg16[%get3A_892, %get3A_893] : memref<16x16xf32, #tpu.memory_space<vmem>>, vector<1x16xf32>
    %reduce_max3A_895 = arith.constant dense<0xFF800000> : vector<16xf32>
    %reduce_max3A_896 = vector.multi_reduction <maximumf>, %select_n3A_886, %reduce_max3A_895 [0] : vector<128x16xf32> to vector<16xf32>
    %broadcast_in_dim3A_897 = vector.shape_cast %reduce_max3A_896 : vector<16xf32> to vector<1x16xf32>
    %max3A_898 = arith.maximumf %get3A_894, %broadcast_in_dim3A_897 : vector<1x16xf32>
    %swap3A_899 = arith.constant 7 : index
    %swap3A_900 = arith.constant 0 : index
    %swap3A_901 = vector.load %arg16[%swap3A_899, %swap3A_900] : memref<16x16xf32, #tpu.memory_space<vmem>>, vector<1x16xf32>
    tpu.vector_store %arg16[%swap3A_899, %swap3A_900], %max3A_898 {strides = array<i32>} : memref<16x16xf32, #tpu.memory_space<vmem>>, vector<1x16xf32>,
    %get3A_902 = arith.constant 7 : index
    %get3A_903 = arith.constant 0 : index
    %get3A_904 = vector.load %arg17[%get3A_902, %get3A_903] : memref<16x16xf32, #tpu.memory_space<vmem>>, vector<1x16xf32>
    %reduce_sum3A_905 = arith.constant dense<0.000000e+00> : vector<16xf32>
    %reduce_sum3A_906 = vector.multi_reduction <add>, %select_n3A_891, %reduce_sum3A_905 [0] : vector<128x16xf32> to vector<16xf32>
    %broadcast_in_dim3A_907 = vector.shape_cast %reduce_sum3A_906 : vector<16xf32> to vector<1x16xf32>
    %add3A_908 = arith.addf %get3A_904, %broadcast_in_dim3A_907 : vector<1x16xf32>
    %swap3A_909 = arith.constant 7 : index
    %swap3A_910 = arith.constant 0 : index
    %swap3A_911 = vector.load %arg17[%swap3A_909, %swap3A_910] : memref<16x16xf32, #tpu.memory_space<vmem>>, vector<1x16xf32>
    tpu.vector_store %arg17[%swap3A_909, %swap3A_910], %add3A_908 {strides = array<i32>} : memref<16x16xf32, #tpu.memory_space<vmem>>, vector<1x16xf32>,
    %get3A_912 = arith.constant 7 : index
    %get3A_913 = arith.constant 0 : index
    %get3A_914 = vector.load %arg18[%get3A_912, %get3A_913] : memref<16x16xf32, #tpu.memory_space<vmem>>, vector<1x16xf32>
    %jit3A_915 = arith.constant 1.000000e+00 : f32
    %jit3A_916 = arith.constant 0.000000e+00 : f32
    %broadcast_in_dim3A_917 = vector.broadcast %jit3A_915 : f32 to vector<128x1xf32>
    %broadcast_in_dim3A_918 = vector.broadcast %jit3A_916 : f32 to vector<128x1xf32>
    %select_n3A_919 = arith.select %eq3A_881, %broadcast_in_dim3A_917, %broadcast_in_dim3A_918 : vector<128x1xi1>, vector<128x1xf32>
    %reduce_sum3A_920 = vector.shape_cast %select_n3A_919 : vector<128x1xf32> to vector<1x128x1xf32>
    %reduce_sum3A_921 = arith.constant dense<0.000000e+00> : vector<1xf32>
    %reduce_sum3A_922 = vector.multi_reduction <add>, %reduce_sum3A_920, %reduce_sum3A_921 [1, 2] : vector<1x128x1xf32> to vector<1xf32>
    %reduce_sum3A_923 = vector.shape_cast %reduce_sum3A_922 : vector<1xf32> to vector<1x1x1xf32>
    %reduce_sum3A_924 = vector.extract %reduce_sum3A_923[0, 0, 0] : f32 from vector<1x1x1xf32>
    %add3A_925 = vector.broadcast %reduce_sum3A_924 : f32 to vector<1x16xf32>
    %add3A_926 = arith.addf %get3A_914, %add3A_925 : vector<1x16xf32>
    %swap3A_927 = arith.constant 7 : index
    %swap3A_928 = arith.constant 0 : index
    %swap3A_929 = vector.load %arg18[%swap3A_927, %swap3A_928] : memref<16x16xf32, #tpu.memory_space<vmem>>, vector<1x16xf32>
    tpu.vector_store %arg18[%swap3A_927, %swap3A_928], %add3A_926 {strides = array<i32>} : memref<16x16xf32, #tpu.memory_space<vmem>>, vector<1x16xf32>,
    %eq3A_930 = arith.constant 8.000000e+00 : f32
    %eq3A_931 = vector.broadcast %eq3A_930 : f32 to vector<128x1xf32>
    %eq3A_932 = arith.cmpf oeq, %select_n3A_496, %eq3A_931 : vector<128x1xf32>
    %jit3A_933 = arith.constant 0xFF800000 : f32
    %broadcast_in_dim3A_934 = vector.shape_cast %eq3A_932 : vector<128x1xi1> to vector<128x1xi1>
    %broadcast_in_dim3A_935 = vector.broadcast %broadcast_in_dim3A_934 : vector<128x1xi1> to vector<128x16xi1>
    %broadcast_in_dim3A_936 = vector.broadcast %jit3A_933 : f32 to vector<128x16xf32>
    %select_n3A_937 = arith.select %broadcast_in_dim3A_935, %mul3A_493, %broadcast_in_dim3A_936 : vector<128x16xi1>, vector<128x16xf32>
    %jit3A_938 = arith.constant 0.000000e+00 : f32
    %broadcast_in_dim3A_939 = vector.shape_cast %eq3A_932 : vector<128x1xi1> to vector<128x1xi1>
    %broadcast_in_dim3A_940 = vector.broadcast %broadcast_in_dim3A_939 : vector<128x1xi1> to vector<128x16xi1>
    %broadcast_in_dim3A_941 = vector.broadcast %jit3A_938 : f32 to vector<128x16xf32>
    %select_n3A_942 = arith.select %broadcast_in_dim3A_940, %mul3A_493, %broadcast_in_dim3A_941 : vector<128x16xi1>, vector<128x16xf32>
    %get3A_943 = arith.constant 8 : index
    %get3A_944 = arith.constant 0 : index
    %get3A_945 = vector.load %arg16[%get3A_943, %get3A_944] : memref<16x16xf32, #tpu.memory_space<vmem>>, vector<1x16xf32>
    %reduce_max3A_946 = arith.constant dense<0xFF800000> : vector<16xf32>
    %reduce_max3A_947 = vector.multi_reduction <maximumf>, %select_n3A_937, %reduce_max3A_946 [0] : vector<128x16xf32> to vector<16xf32>
    %broadcast_in_dim3A_948 = vector.shape_cast %reduce_max3A_947 : vector<16xf32> to vector<1x16xf32>
    %max3A_949 = arith.maximumf %get3A_945, %broadcast_in_dim3A_948 : vector<1x16xf32>
    %swap3A_950 = arith.constant 8 : index
    %swap3A_951 = arith.constant 0 : index
    %swap3A_952 = vector.load %arg16[%swap3A_950, %swap3A_951] : memref<16x16xf32, #tpu.memory_space<vmem>>, vector<1x16xf32>
    tpu.vector_store %arg16[%swap3A_950, %swap3A_951], %max3A_949 {strides = array<i32>} : memref<16x16xf32, #tpu.memory_space<vmem>>, vector<1x16xf32>,
    %get3A_953 = arith.constant 8 : index
    %get3A_954 = arith.constant 0 : index
    %get3A_955 = vector.load %arg17[%get3A_953, %get3A_954] : memref<16x16xf32, #tpu.memory_space<vmem>>, vector<1x16xf32>
    %reduce_sum3A_956 = arith.constant dense<0.000000e+00> : vector<16xf32>
    %reduce_sum3A_957 = vector.multi_reduction <add>, %select_n3A_942, %reduce_sum3A_956 [0] : vector<128x16xf32> to vector<16xf32>
    %broadcast_in_dim3A_958 = vector.shape_cast %reduce_sum3A_957 : vector<16xf32> to vector<1x16xf32>
    %add3A_959 = arith.addf %get3A_955, %broadcast_in_dim3A_958 : vector<1x16xf32>
    %swap3A_960 = arith.constant 8 : index
    %swap3A_961 = arith.constant 0 : index
    %swap3A_962 = vector.load %arg17[%swap3A_960, %swap3A_961] : memref<16x16xf32, #tpu.memory_space<vmem>>, vector<1x16xf32>
    tpu.vector_store %arg17[%swap3A_960, %swap3A_961], %add3A_959 {strides = array<i32>} : memref<16x16xf32, #tpu.memory_space<vmem>>, vector<1x16xf32>,
    %get3A_963 = arith.constant 8 : index
    %get3A_964 = arith.constant 0 : index
    %get3A_965 = vector.load %arg18[%get3A_963, %get3A_964] : memref<16x16xf32, #tpu.memory_space<vmem>>, vector<1x16xf32>
    %jit3A_966 = arith.constant 1.000000e+00 : f32
    %jit3A_967 = arith.constant 0.000000e+00 : f32
    %broadcast_in_dim3A_968 = vector.broadcast %jit3A_966 : f32 to vector<128x1xf32>
    %broadcast_in_dim3A_969 = vector.broadcast %jit3A_967 : f32 to vector<128x1xf32>
    %select_n3A_970 = arith.select %eq3A_932, %broadcast_in_dim3A_968, %broadcast_in_dim3A_969 : vector<128x1xi1>, vector<128x1xf32>
    %reduce_sum3A_971 = vector.shape_cast %select_n3A_970 : vector<128x1xf32> to vector<1x128x1xf32>
    %reduce_sum3A_972 = arith.constant dense<0.000000e+00> : vector<1xf32>
    %reduce_sum3A_973 = vector.multi_reduction <add>, %reduce_sum3A_971, %reduce_sum3A_972 [1, 2] : vector<1x128x1xf32> to vector<1xf32>
    %reduce_sum3A_974 = vector.shape_cast %reduce_sum3A_973 : vector<1xf32> to vector<1x1x1xf32>
    %reduce_sum3A_975 = vector.extract %reduce_sum3A_974[0, 0, 0] : f32 from vector<1x1x1xf32>
    %add3A_976 = vector.broadcast %reduce_sum3A_975 : f32 to vector<1x16xf32>
    %add3A_977 = arith.addf %get3A_965, %add3A_976 : vector<1x16xf32>
    %swap3A_978 = arith.constant 8 : index
    %swap3A_979 = arith.constant 0 : index
    %swap3A_980 = vector.load %arg18[%swap3A_978, %swap3A_979] : memref<16x16xf32, #tpu.memory_space<vmem>>, vector<1x16xf32>
    tpu.vector_store %arg18[%swap3A_978, %swap3A_979], %add3A_977 {strides = array<i32>} : memref<16x16xf32, #tpu.memory_space<vmem>>, vector<1x16xf32>,
    %eq3A_981 = arith.constant 9.000000e+00 : f32
    %eq3A_982 = vector.broadcast %eq3A_981 : f32 to vector<128x1xf32>
    %eq3A_983 = arith.cmpf oeq, %select_n3A_496, %eq3A_982 : vector<128x1xf32>
    %jit3A_984 = arith.constant 0xFF800000 : f32
    %broadcast_in_dim3A_985 = vector.shape_cast %eq3A_983 : vector<128x1xi1> to vector<128x1xi1>
    %broadcast_in_dim3A_986 = vector.broadcast %broadcast_in_dim3A_985 : vector<128x1xi1> to vector<128x16xi1>
    %broadcast_in_dim3A_987 = vector.broadcast %jit3A_984 : f32 to vector<128x16xf32>
    %select_n3A_988 = arith.select %broadcast_in_dim3A_986, %mul3A_493, %broadcast_in_dim3A_987 : vector<128x16xi1>, vector<128x16xf32>
    %jit3A_989 = arith.constant 0.000000e+00 : f32
    %broadcast_in_dim3A_990 = vector.shape_cast %eq3A_983 : vector<128x1xi1> to vector<128x1xi1>
    %broadcast_in_dim3A_991 = vector.broadcast %broadcast_in_dim3A_990 : vector<128x1xi1> to vector<128x16xi1>
    %broadcast_in_dim3A_992 = vector.broadcast %jit3A_989 : f32 to vector<128x16xf32>
    %select_n3A_993 = arith.select %broadcast_in_dim3A_991, %mul3A_493, %broadcast_in_dim3A_992 : vector<128x16xi1>, vector<128x16xf32>
    %get3A_994 = arith.constant 9 : index
    %get3A_995 = arith.constant 0 : index
    %get3A_996 = vector.load %arg16[%get3A_994, %get3A_995] : memref<16x16xf32, #tpu.memory_space<vmem>>, vector<1x16xf32>
    %reduce_max3A_997 = arith.constant dense<0xFF800000> : vector<16xf32>
    %reduce_max3A_998 = vector.multi_reduction <maximumf>, %select_n3A_988, %reduce_max3A_997 [0] : vector<128x16xf32> to vector<16xf32>
    %broadcast_in_dim3A_999 = vector.shape_cast %reduce_max3A_998 : vector<16xf32> to vector<1x16xf32>
    %max3A_1000 = arith.maximumf %get3A_996, %broadcast_in_dim3A_999 : vector<1x16xf32>
    %swap3A_1001 = arith.constant 9 : index
    %swap3A_1002 = arith.constant 0 : index
    %swap3A_1003 = vector.load %arg16[%swap3A_1001, %swap3A_1002] : memref<16x16xf32, #tpu.memory_space<vmem>>, vector<1x16xf32>
    tpu.vector_store %arg16[%swap3A_1001, %swap3A_1002], %max3A_1000 {strides = array<i32>} : memref<16x16xf32, #tpu.memory_space<vmem>>, vector<1x16xf32>,
    %get3A_1004 = arith.constant 9 : index
    %get3A_1005 = arith.constant 0 : index
    %get3A_1006 = vector.load %arg17[%get3A_1004, %get3A_1005] : memref<16x16xf32, #tpu.memory_space<vmem>>, vector<1x16xf32>
    %reduce_sum3A_1007 = arith.constant dense<0.000000e+00> : vector<16xf32>
    %reduce_sum3A_1008 = vector.multi_reduction <add>, %select_n3A_993, %reduce_sum3A_1007 [0] : vector<128x16xf32> to vector<16xf32>
    %broadcast_in_dim3A_1009 = vector.shape_cast %reduce_sum3A_1008 : vector<16xf32> to vector<1x16xf32>
    %add3A_1010 = arith.addf %get3A_1006, %broadcast_in_dim3A_1009 : vector<1x16xf32>
    %swap3A_1011 = arith.constant 9 : index
    %swap3A_1012 = arith.constant 0 : index
    %swap3A_1013 = vector.load %arg17[%swap3A_1011, %swap3A_1012] : memref<16x16xf32, #tpu.memory_space<vmem>>, vector<1x16xf32>
    tpu.vector_store %arg17[%swap3A_1011, %swap3A_1012], %add3A_1010 {strides = array<i32>} : memref<16x16xf32, #tpu.memory_space<vmem>>, vector<1x16xf32>,
    %get3A_1014 = arith.constant 9 : index
    %get3A_1015 = arith.constant 0 : index
    %get3A_1016 = vector.load %arg18[%get3A_1014, %get3A_1015] : memref<16x16xf32, #tpu.memory_space<vmem>>, vector<1x16xf32>
    %jit3A_1017 = arith.constant 1.000000e+00 : f32
    %jit3A_1018 = arith.constant 0.000000e+00 : f32
    %broadcast_in_dim3A_1019 = vector.broadcast %jit3A_1017 : f32 to vector<128x1xf32>
    %broadcast_in_dim3A_1020 = vector.broadcast %jit3A_1018 : f32 to vector<128x1xf32>
    %select_n3A_1021 = arith.select %eq3A_983, %broadcast_in_dim3A_1019, %broadcast_in_dim3A_1020 : vector<128x1xi1>, vector<128x1xf32>
    %reduce_sum3A_1022 = vector.shape_cast %select_n3A_1021 : vector<128x1xf32> to vector<1x128x1xf32>
    %reduce_sum3A_1023 = arith.constant dense<0.000000e+00> : vector<1xf32>
    %reduce_sum3A_1024 = vector.multi_reduction <add>, %reduce_sum3A_1022, %reduce_sum3A_1023 [1, 2] : vector<1x128x1xf32> to vector<1xf32>
    %reduce_sum3A_1025 = vector.shape_cast %reduce_sum3A_1024 : vector<1xf32> to vector<1x1x1xf32>
    %reduce_sum3A_1026 = vector.extract %reduce_sum3A_1025[0, 0, 0] : f32 from vector<1x1x1xf32>
    %add3A_1027 = vector.broadcast %reduce_sum3A_1026 : f32 to vector<1x16xf32>
    %add3A_1028 = arith.addf %get3A_1016, %add3A_1027 : vector<1x16xf32>
    %swap3A_1029 = arith.constant 9 : index
    %swap3A_1030 = arith.constant 0 : index
    %swap3A_1031 = vector.load %arg18[%swap3A_1029, %swap3A_1030] : memref<16x16xf32, #tpu.memory_space<vmem>>, vector<1x16xf32>
    tpu.vector_store %arg18[%swap3A_1029, %swap3A_1030], %add3A_1028 {strides = array<i32>} : memref<16x16xf32, #tpu.memory_space<vmem>>, vector<1x16xf32>,
    %eq3A_1032 = arith.constant 1.000000e+01 : f32
    %eq3A_1033 = vector.broadcast %eq3A_1032 : f32 to vector<128x1xf32>
    %eq3A_1034 = arith.cmpf oeq, %select_n3A_496, %eq3A_1033 : vector<128x1xf32>
    %jit3A_1035 = arith.constant 0xFF800000 : f32
    %broadcast_in_dim3A_1036 = vector.shape_cast %eq3A_1034 : vector<128x1xi1> to vector<128x1xi1>
    %broadcast_in_dim3A_1037 = vector.broadcast %broadcast_in_dim3A_1036 : vector<128x1xi1> to vector<128x16xi1>
    %broadcast_in_dim3A_1038 = vector.broadcast %jit3A_1035 : f32 to vector<128x16xf32>
    %select_n3A_1039 = arith.select %broadcast_in_dim3A_1037, %mul3A_493, %broadcast_in_dim3A_1038 : vector<128x16xi1>, vector<128x16xf32>
    %jit3A_1040 = arith.constant 0.000000e+00 : f32
    %broadcast_in_dim3A_1041 = vector.shape_cast %eq3A_1034 : vector<128x1xi1> to vector<128x1xi1>
    %broadcast_in_dim3A_1042 = vector.broadcast %broadcast_in_dim3A_1041 : vector<128x1xi1> to vector<128x16xi1>
    %broadcast_in_dim3A_1043 = vector.broadcast %jit3A_1040 : f32 to vector<128x16xf32>
    %select_n3A_1044 = arith.select %broadcast_in_dim3A_1042, %mul3A_493, %broadcast_in_dim3A_1043 : vector<128x16xi1>, vector<128x16xf32>
    %get3A_1045 = arith.constant 10 : index
    %get3A_1046 = arith.constant 0 : index
    %get3A_1047 = vector.load %arg16[%get3A_1045, %get3A_1046] : memref<16x16xf32, #tpu.memory_space<vmem>>, vector<1x16xf32>
    %reduce_max3A_1048 = arith.constant dense<0xFF800000> : vector<16xf32>
    %reduce_max3A_1049 = vector.multi_reduction <maximumf>, %select_n3A_1039, %reduce_max3A_1048 [0] : vector<128x16xf32> to vector<16xf32>
    %broadcast_in_dim3A_1050 = vector.shape_cast %reduce_max3A_1049 : vector<16xf32> to vector<1x16xf32>
    %max3A_1051 = arith.maximumf %get3A_1047, %broadcast_in_dim3A_1050 : vector<1x16xf32>
    %swap3A_1052 = arith.constant 10 : index
    %swap3A_1053 = arith.constant 0 : index
    %swap3A_1054 = vector.load %arg16[%swap3A_1052, %swap3A_1053] : memref<16x16xf32, #tpu.memory_space<vmem>>, vector<1x16xf32>
    tpu.vector_store %arg16[%swap3A_1052, %swap3A_1053], %max3A_1051 {strides = array<i32>} : memref<16x16xf32, #tpu.memory_space<vmem>>, vector<1x16xf32>,
    %get3A_1055 = arith.constant 10 : index
    %get3A_1056 = arith.constant 0 : index
    %get3A_1057 = vector.load %arg17[%get3A_1055, %get3A_1056] : memref<16x16xf32, #tpu.memory_space<vmem>>, vector<1x16xf32>
    %reduce_sum3A_1058 = arith.constant dense<0.000000e+00> : vector<16xf32>
    %reduce_sum3A_1059 = vector.multi_reduction <add>, %select_n3A_1044, %reduce_sum3A_1058 [0] : vector<128x16xf32> to vector<16xf32>
    %broadcast_in_dim3A_1060 = vector.shape_cast %reduce_sum3A_1059 : vector<16xf32> to vector<1x16xf32>
    %add3A_1061 = arith.addf %get3A_1057, %broadcast_in_dim3A_1060 : vector<1x16xf32>
    %swap3A_1062 = arith.constant 10 : index
    %swap3A_1063 = arith.constant 0 : index
    %swap3A_1064 = vector.load %arg17[%swap3A_1062, %swap3A_1063] : memref<16x16xf32, #tpu.memory_space<vmem>>, vector<1x16xf32>
    tpu.vector_store %arg17[%swap3A_1062, %swap3A_1063], %add3A_1061 {strides = array<i32>} : memref<16x16xf32, #tpu.memory_space<vmem>>, vector<1x16xf32>,
    %get3A_1065 = arith.constant 10 : index
    %get3A_1066 = arith.constant 0 : index
    %get3A_1067 = vector.load %arg18[%get3A_1065, %get3A_1066] : memref<16x16xf32, #tpu.memory_space<vmem>>, vector<1x16xf32>
    %jit3A_1068 = arith.constant 1.000000e+00 : f32
    %jit3A_1069 = arith.constant 0.000000e+00 : f32
    %broadcast_in_dim3A_1070 = vector.broadcast %jit3A_1068 : f32 to vector<128x1xf32>
    %broadcast_in_dim3A_1071 = vector.broadcast %jit3A_1069 : f32 to vector<128x1xf32>
    %select_n3A_1072 = arith.select %eq3A_1034, %broadcast_in_dim3A_1070, %broadcast_in_dim3A_1071 : vector<128x1xi1>, vector<128x1xf32>
    %reduce_sum3A_1073 = vector.shape_cast %select_n3A_1072 : vector<128x1xf32> to vector<1x128x1xf32>
    %reduce_sum3A_1074 = arith.constant dense<0.000000e+00> : vector<1xf32>
    %reduce_sum3A_1075 = vector.multi_reduction <add>, %reduce_sum3A_1073, %reduce_sum3A_1074 [1, 2] : vector<1x128x1xf32> to vector<1xf32>
    %reduce_sum3A_1076 = vector.shape_cast %reduce_sum3A_1075 : vector<1xf32> to vector<1x1x1xf32>
    %reduce_sum3A_1077 = vector.extract %reduce_sum3A_1076[0, 0, 0] : f32 from vector<1x1x1xf32>
    %add3A_1078 = vector.broadcast %reduce_sum3A_1077 : f32 to vector<1x16xf32>
    %add3A_1079 = arith.addf %get3A_1067, %add3A_1078 : vector<1x16xf32>
    %swap3A_1080 = arith.constant 10 : index
    %swap3A_1081 = arith.constant 0 : index
    %swap3A_1082 = vector.load %arg18[%swap3A_1080, %swap3A_1081] : memref<16x16xf32, #tpu.memory_space<vmem>>, vector<1x16xf32>
    tpu.vector_store %arg18[%swap3A_1080, %swap3A_1081], %add3A_1079 {strides = array<i32>} : memref<16x16xf32, #tpu.memory_space<vmem>>, vector<1x16xf32>,
    %eq3A_1083 = arith.constant 1.100000e+01 : f32
    %eq3A_1084 = vector.broadcast %eq3A_1083 : f32 to vector<128x1xf32>
    %eq3A_1085 = arith.cmpf oeq, %select_n3A_496, %eq3A_1084 : vector<128x1xf32>
    %jit3A_1086 = arith.constant 0xFF800000 : f32
    %broadcast_in_dim3A_1087 = vector.shape_cast %eq3A_1085 : vector<128x1xi1> to vector<128x1xi1>
    %broadcast_in_dim3A_1088 = vector.broadcast %broadcast_in_dim3A_1087 : vector<128x1xi1> to vector<128x16xi1>
    %broadcast_in_dim3A_1089 = vector.broadcast %jit3A_1086 : f32 to vector<128x16xf32>
    %select_n3A_1090 = arith.select %broadcast_in_dim3A_1088, %mul3A_493, %broadcast_in_dim3A_1089 : vector<128x16xi1>, vector<128x16xf32>
    %jit3A_1091 = arith.constant 0.000000e+00 : f32
    %broadcast_in_dim3A_1092 = vector.shape_cast %eq3A_1085 : vector<128x1xi1> to vector<128x1xi1>
    %broadcast_in_dim3A_1093 = vector.broadcast %broadcast_in_dim3A_1092 : vector<128x1xi1> to vector<128x16xi1>
    %broadcast_in_dim3A_1094 = vector.broadcast %jit3A_1091 : f32 to vector<128x16xf32>
    %select_n3A_1095 = arith.select %broadcast_in_dim3A_1093, %mul3A_493, %broadcast_in_dim3A_1094 : vector<128x16xi1>, vector<128x16xf32>
    %get3A_1096 = arith.constant 11 : index
    %get3A_1097 = arith.constant 0 : index
    %get3A_1098 = vector.load %arg16[%get3A_1096, %get3A_1097] : memref<16x16xf32, #tpu.memory_space<vmem>>, vector<1x16xf32>
    %reduce_max3A_1099 = arith.constant dense<0xFF800000> : vector<16xf32>
    %reduce_max3A_1100 = vector.multi_reduction <maximumf>, %select_n3A_1090, %reduce_max3A_1099 [0] : vector<128x16xf32> to vector<16xf32>
    %broadcast_in_dim3A_1101 = vector.shape_cast %reduce_max3A_1100 : vector<16xf32> to vector<1x16xf32>
    %max3A_1102 = arith.maximumf %get3A_1098, %broadcast_in_dim3A_1101 : vector<1x16xf32>
    %swap3A_1103 = arith.constant 11 : index
    %swap3A_1104 = arith.constant 0 : index
    %swap3A_1105 = vector.load %arg16[%swap3A_1103, %swap3A_1104] : memref<16x16xf32, #tpu.memory_space<vmem>>, vector<1x16xf32>
    tpu.vector_store %arg16[%swap3A_1103, %swap3A_1104], %max3A_1102 {strides = array<i32>} : memref<16x16xf32, #tpu.memory_space<vmem>>, vector<1x16xf32>,
    %get3A_1106 = arith.constant 11 : index
    %get3A_1107 = arith.constant 0 : index
    %get3A_1108 = vector.load %arg17[%get3A_1106, %get3A_1107] : memref<16x16xf32, #tpu.memory_space<vmem>>, vector<1x16xf32>
    %reduce_sum3A_1109 = arith.constant dense<0.000000e+00> : vector<16xf32>
    %reduce_sum3A_1110 = vector.multi_reduction <add>, %select_n3A_1095, %reduce_sum3A_1109 [0] : vector<128x16xf32> to vector<16xf32>
    %broadcast_in_dim3A_1111 = vector.shape_cast %reduce_sum3A_1110 : vector<16xf32> to vector<1x16xf32>
    %add3A_1112 = arith.addf %get3A_1108, %broadcast_in_dim3A_1111 : vector<1x16xf32>
    %swap3A_1113 = arith.constant 11 : index
    %swap3A_1114 = arith.constant 0 : index
    %swap3A_1115 = vector.load %arg17[%swap3A_1113, %swap3A_1114] : memref<16x16xf32, #tpu.memory_space<vmem>>, vector<1x16xf32>
    tpu.vector_store %arg17[%swap3A_1113, %swap3A_1114], %add3A_1112 {strides = array<i32>} : memref<16x16xf32, #tpu.memory_space<vmem>>, vector<1x16xf32>,
    %get3A_1116 = arith.constant 11 : index
    %get3A_1117 = arith.constant 0 : index
    %get3A_1118 = vector.load %arg18[%get3A_1116, %get3A_1117] : memref<16x16xf32, #tpu.memory_space<vmem>>, vector<1x16xf32>
    %jit3A_1119 = arith.constant 1.000000e+00 : f32
    %jit3A_1120 = arith.constant 0.000000e+00 : f32
    %broadcast_in_dim3A_1121 = vector.broadcast %jit3A_1119 : f32 to vector<128x1xf32>
    %broadcast_in_dim3A_1122 = vector.broadcast %jit3A_1120 : f32 to vector<128x1xf32>
    %select_n3A_1123 = arith.select %eq3A_1085, %broadcast_in_dim3A_1121, %broadcast_in_dim3A_1122 : vector<128x1xi1>, vector<128x1xf32>
    %reduce_sum3A_1124 = vector.shape_cast %select_n3A_1123 : vector<128x1xf32> to vector<1x128x1xf32>
    %reduce_sum3A_1125 = arith.constant dense<0.000000e+00> : vector<1xf32>
    %reduce_sum3A_1126 = vector.multi_reduction <add>, %reduce_sum3A_1124, %reduce_sum3A_1125 [1, 2] : vector<1x128x1xf32> to vector<1xf32>
    %reduce_sum3A_1127 = vector.shape_cast %reduce_sum3A_1126 : vector<1xf32> to vector<1x1x1xf32>
    %reduce_sum3A_1128 = vector.extract %reduce_sum3A_1127[0, 0, 0] : f32 from vector<1x1x1xf32>
    %add3A_1129 = vector.broadcast %reduce_sum3A_1128 : f32 to vector<1x16xf32>
    %add3A_1130 = arith.addf %get3A_1118, %add3A_1129 : vector<1x16xf32>
    %swap3A_1131 = arith.constant 11 : index
    %swap3A_1132 = arith.constant 0 : index
    %swap3A_1133 = vector.load %arg18[%swap3A_1131, %swap3A_1132] : memref<16x16xf32, #tpu.memory_space<vmem>>, vector<1x16xf32>
    tpu.vector_store %arg18[%swap3A_1131, %swap3A_1132], %add3A_1130 {strides = array<i32>} : memref<16x16xf32, #tpu.memory_space<vmem>>, vector<1x16xf32>,
    %eq3A_1134 = arith.constant 1.200000e+01 : f32
    %eq3A_1135 = vector.broadcast %eq3A_1134 : f32 to vector<128x1xf32>
    %eq3A_1136 = arith.cmpf oeq, %select_n3A_496, %eq3A_1135 : vector<128x1xf32>
    %jit3A_1137 = arith.constant 0xFF800000 : f32
    %broadcast_in_dim3A_1138 = vector.shape_cast %eq3A_1136 : vector<128x1xi1> to vector<128x1xi1>
    %broadcast_in_dim3A_1139 = vector.broadcast %broadcast_in_dim3A_1138 : vector<128x1xi1> to vector<128x16xi1>
    %broadcast_in_dim3A_1140 = vector.broadcast %jit3A_1137 : f32 to vector<128x16xf32>
    %select_n3A_1141 = arith.select %broadcast_in_dim3A_1139, %mul3A_493, %broadcast_in_dim3A_1140 : vector<128x16xi1>, vector<128x16xf32>
    %jit3A_1142 = arith.constant 0.000000e+00 : f32
    %broadcast_in_dim3A_1143 = vector.shape_cast %eq3A_1136 : vector<128x1xi1> to vector<128x1xi1>
    %broadcast_in_dim3A_1144 = vector.broadcast %broadcast_in_dim3A_1143 : vector<128x1xi1> to vector<128x16xi1>
    %broadcast_in_dim3A_1145 = vector.broadcast %jit3A_1142 : f32 to vector<128x16xf32>
    %select_n3A_1146 = arith.select %broadcast_in_dim3A_1144, %mul3A_493, %broadcast_in_dim3A_1145 : vector<128x16xi1>, vector<128x16xf32>
    %get3A_1147 = arith.constant 12 : index
    %get3A_1148 = arith.constant 0 : index
    %get3A_1149 = vector.load %arg16[%get3A_1147, %get3A_1148] : memref<16x16xf32, #tpu.memory_space<vmem>>, vector<1x16xf32>
    %reduce_max3A_1150 = arith.constant dense<0xFF800000> : vector<16xf32>
    %reduce_max3A_1151 = vector.multi_reduction <maximumf>, %select_n3A_1141, %reduce_max3A_1150 [0] : vector<128x16xf32> to vector<16xf32>
    %broadcast_in_dim3A_1152 = vector.shape_cast %reduce_max3A_1151 : vector<16xf32> to vector<1x16xf32>
    %max3A_1153 = arith.maximumf %get3A_1149, %broadcast_in_dim3A_1152 : vector<1x16xf32>
    %swap3A_1154 = arith.constant 12 : index
    %swap3A_1155 = arith.constant 0 : index
    %swap3A_1156 = vector.load %arg16[%swap3A_1154, %swap3A_1155] : memref<16x16xf32, #tpu.memory_space<vmem>>, vector<1x16xf32>
    tpu.vector_store %arg16[%swap3A_1154, %swap3A_1155], %max3A_1153 {strides = array<i32>} : memref<16x16xf32, #tpu.memory_space<vmem>>, vector<1x16xf32>,
    %get3A_1157 = arith.constant 12 : index
    %get3A_1158 = arith.constant 0 : index
    %get3A_1159 = vector.load %arg17[%get3A_1157, %get3A_1158] : memref<16x16xf32, #tpu.memory_space<vmem>>, vector<1x16xf32>
    %reduce_sum3A_1160 = arith.constant dense<0.000000e+00> : vector<16xf32>
    %reduce_sum3A_1161 = vector.multi_reduction <add>, %select_n3A_1146, %reduce_sum3A_1160 [0] : vector<128x16xf32> to vector<16xf32>
    %broadcast_in_dim3A_1162 = vector.shape_cast %reduce_sum3A_1161 : vector<16xf32> to vector<1x16xf32>
    %add3A_1163 = arith.addf %get3A_1159, %broadcast_in_dim3A_1162 : vector<1x16xf32>
    %swap3A_1164 = arith.constant 12 : index
    %swap3A_1165 = arith.constant 0 : index
    %swap3A_1166 = vector.load %arg17[%swap3A_1164, %swap3A_1165] : memref<16x16xf32, #tpu.memory_space<vmem>>, vector<1x16xf32>
    tpu.vector_store %arg17[%swap3A_1164, %swap3A_1165], %add3A_1163 {strides = array<i32>} : memref<16x16xf32, #tpu.memory_space<vmem>>, vector<1x16xf32>,
    %get3A_1167 = arith.constant 12 : index
    %get3A_1168 = arith.constant 0 : index
    %get3A_1169 = vector.load %arg18[%get3A_1167, %get3A_1168] : memref<16x16xf32, #tpu.memory_space<vmem>>, vector<1x16xf32>
    %jit3A_1170 = arith.constant 1.000000e+00 : f32
    %jit3A_1171 = arith.constant 0.000000e+00 : f32
    %broadcast_in_dim3A_1172 = vector.broadcast %jit3A_1170 : f32 to vector<128x1xf32>
    %broadcast_in_dim3A_1173 = vector.broadcast %jit3A_1171 : f32 to vector<128x1xf32>
    %select_n3A_1174 = arith.select %eq3A_1136, %broadcast_in_dim3A_1172, %broadcast_in_dim3A_1173 : vector<128x1xi1>, vector<128x1xf32>
    %reduce_sum3A_1175 = vector.shape_cast %select_n3A_1174 : vector<128x1xf32> to vector<1x128x1xf32>
    %reduce_sum3A_1176 = arith.constant dense<0.000000e+00> : vector<1xf32>
    %reduce_sum3A_1177 = vector.multi_reduction <add>, %reduce_sum3A_1175, %reduce_sum3A_1176 [1, 2] : vector<1x128x1xf32> to vector<1xf32>
    %reduce_sum3A_1178 = vector.shape_cast %reduce_sum3A_1177 : vector<1xf32> to vector<1x1x1xf32>
    %reduce_sum3A_1179 = vector.extract %reduce_sum3A_1178[0, 0, 0] : f32 from vector<1x1x1xf32>
    %add3A_1180 = vector.broadcast %reduce_sum3A_1179 : f32 to vector<1x16xf32>
    %add3A_1181 = arith.addf %get3A_1169, %add3A_1180 : vector<1x16xf32>
    %swap3A_1182 = arith.constant 12 : index
    %swap3A_1183 = arith.constant 0 : index
    %swap3A_1184 = vector.load %arg18[%swap3A_1182, %swap3A_1183] : memref<16x16xf32, #tpu.memory_space<vmem>>, vector<1x16xf32>
    tpu.vector_store %arg18[%swap3A_1182, %swap3A_1183], %add3A_1181 {strides = array<i32>} : memref<16x16xf32, #tpu.memory_space<vmem>>, vector<1x16xf32>,
    %eq3A_1185 = arith.constant 1.300000e+01 : f32
    %eq3A_1186 = vector.broadcast %eq3A_1185 : f32 to vector<128x1xf32>
    %eq3A_1187 = arith.cmpf oeq, %select_n3A_496, %eq3A_1186 : vector<128x1xf32>
    %jit3A_1188 = arith.constant 0xFF800000 : f32
    %broadcast_in_dim3A_1189 = vector.shape_cast %eq3A_1187 : vector<128x1xi1> to vector<128x1xi1>
    %broadcast_in_dim3A_1190 = vector.broadcast %broadcast_in_dim3A_1189 : vector<128x1xi1> to vector<128x16xi1>
    %broadcast_in_dim3A_1191 = vector.broadcast %jit3A_1188 : f32 to vector<128x16xf32>
    %select_n3A_1192 = arith.select %broadcast_in_dim3A_1190, %mul3A_493, %broadcast_in_dim3A_1191 : vector<128x16xi1>, vector<128x16xf32>
    %jit3A_1193 = arith.constant 0.000000e+00 : f32
    %broadcast_in_dim3A_1194 = vector.shape_cast %eq3A_1187 : vector<128x1xi1> to vector<128x1xi1>
    %broadcast_in_dim3A_1195 = vector.broadcast %broadcast_in_dim3A_1194 : vector<128x1xi1> to vector<128x16xi1>
    %broadcast_in_dim3A_1196 = vector.broadcast %jit3A_1193 : f32 to vector<128x16xf32>
    %select_n3A_1197 = arith.select %broadcast_in_dim3A_1195, %mul3A_493, %broadcast_in_dim3A_1196 : vector<128x16xi1>, vector<128x16xf32>
    %get3A_1198 = arith.constant 13 : index
    %get3A_1199 = arith.constant 0 : index
    %get3A_1200 = vector.load %arg16[%get3A_1198, %get3A_1199] : memref<16x16xf32, #tpu.memory_space<vmem>>, vector<1x16xf32>
    %reduce_max3A_1201 = arith.constant dense<0xFF800000> : vector<16xf32>
    %reduce_max3A_1202 = vector.multi_reduction <maximumf>, %select_n3A_1192, %reduce_max3A_1201 [0] : vector<128x16xf32> to vector<16xf32>
    %broadcast_in_dim3A_1203 = vector.shape_cast %reduce_max3A_1202 : vector<16xf32> to vector<1x16xf32>
    %max3A_1204 = arith.maximumf %get3A_1200, %broadcast_in_dim3A_1203 : vector<1x16xf32>
    %swap3A_1205 = arith.constant 13 : index
    %swap3A_1206 = arith.constant 0 : index
    %swap3A_1207 = vector.load %arg16[%swap3A_1205, %swap3A_1206] : memref<16x16xf32, #tpu.memory_space<vmem>>, vector<1x16xf32>
    tpu.vector_store %arg16[%swap3A_1205, %swap3A_1206], %max3A_1204 {strides = array<i32>} : memref<16x16xf32, #tpu.memory_space<vmem>>, vector<1x16xf32>,
    %get3A_1208 = arith.constant 13 : index
    %get3A_1209 = arith.constant 0 : index
    %get3A_1210 = vector.load %arg17[%get3A_1208, %get3A_1209] : memref<16x16xf32, #tpu.memory_space<vmem>>, vector<1x16xf32>
    %reduce_sum3A_1211 = arith.constant dense<0.000000e+00> : vector<16xf32>
    %reduce_sum3A_1212 = vector.multi_reduction <add>, %select_n3A_1197, %reduce_sum3A_1211 [0] : vector<128x16xf32> to vector<16xf32>
    %broadcast_in_dim3A_1213 = vector.shape_cast %reduce_sum3A_1212 : vector<16xf32> to vector<1x16xf32>
    %add3A_1214 = arith.addf %get3A_1210, %broadcast_in_dim3A_1213 : vector<1x16xf32>
    %swap3A_1215 = arith.constant 13 : index
    %swap3A_1216 = arith.constant 0 : index
    %swap3A_1217 = vector.load %arg17[%swap3A_1215, %swap3A_1216] : memref<16x16xf32, #tpu.memory_space<vmem>>, vector<1x16xf32>
    tpu.vector_store %arg17[%swap3A_1215, %swap3A_1216], %add3A_1214 {strides = array<i32>} : memref<16x16xf32, #tpu.memory_space<vmem>>, vector<1x16xf32>,
    %get3A_1218 = arith.constant 13 : index
    %get3A_1219 = arith.constant 0 : index
    %get3A_1220 = vector.load %arg18[%get3A_1218, %get3A_1219] : memref<16x16xf32, #tpu.memory_space<vmem>>, vector<1x16xf32>
    %jit3A_1221 = arith.constant 1.000000e+00 : f32
    %jit3A_1222 = arith.constant 0.000000e+00 : f32
    %broadcast_in_dim3A_1223 = vector.broadcast %jit3A_1221 : f32 to vector<128x1xf32>
    %broadcast_in_dim3A_1224 = vector.broadcast %jit3A_1222 : f32 to vector<128x1xf32>
    %select_n3A_1225 = arith.select %eq3A_1187, %broadcast_in_dim3A_1223, %broadcast_in_dim3A_1224 : vector<128x1xi1>, vector<128x1xf32>
    %reduce_sum3A_1226 = vector.shape_cast %select_n3A_1225 : vector<128x1xf32> to vector<1x128x1xf32>
    %reduce_sum3A_1227 = arith.constant dense<0.000000e+00> : vector<1xf32>
    %reduce_sum3A_1228 = vector.multi_reduction <add>, %reduce_sum3A_1226, %reduce_sum3A_1227 [1, 2] : vector<1x128x1xf32> to vector<1xf32>
    %reduce_sum3A_1229 = vector.shape_cast %reduce_sum3A_1228 : vector<1xf32> to vector<1x1x1xf32>
    %reduce_sum3A_1230 = vector.extract %reduce_sum3A_1229[0, 0, 0] : f32 from vector<1x1x1xf32>
    %add3A_1231 = vector.broadcast %reduce_sum3A_1230 : f32 to vector<1x16xf32>
    %add3A_1232 = arith.addf %get3A_1220, %add3A_1231 : vector<1x16xf32>
    %swap3A_1233 = arith.constant 13 : index
    %swap3A_1234 = arith.constant 0 : index
    %swap3A_1235 = vector.load %arg18[%swap3A_1233, %swap3A_1234] : memref<16x16xf32, #tpu.memory_space<vmem>>, vector<1x16xf32>
    tpu.vector_store %arg18[%swap3A_1233, %swap3A_1234], %add3A_1232 {strides = array<i32>} : memref<16x16xf32, #tpu.memory_space<vmem>>, vector<1x16xf32>,
    %eq3A_1236 = arith.constant 1.400000e+01 : f32
    %eq3A_1237 = vector.broadcast %eq3A_1236 : f32 to vector<128x1xf32>
    %eq3A_1238 = arith.cmpf oeq, %select_n3A_496, %eq3A_1237 : vector<128x1xf32>
    %jit3A_1239 = arith.constant 0xFF800000 : f32
    %broadcast_in_dim3A_1240 = vector.shape_cast %eq3A_1238 : vector<128x1xi1> to vector<128x1xi1>
    %broadcast_in_dim3A_1241 = vector.broadcast %broadcast_in_dim3A_1240 : vector<128x1xi1> to vector<128x16xi1>
    %broadcast_in_dim3A_1242 = vector.broadcast %jit3A_1239 : f32 to vector<128x16xf32>
    %select_n3A_1243 = arith.select %broadcast_in_dim3A_1241, %mul3A_493, %broadcast_in_dim3A_1242 : vector<128x16xi1>, vector<128x16xf32>
    %jit3A_1244 = arith.constant 0.000000e+00 : f32
    %broadcast_in_dim3A_1245 = vector.shape_cast %eq3A_1238 : vector<128x1xi1> to vector<128x1xi1>
    %broadcast_in_dim3A_1246 = vector.broadcast %broadcast_in_dim3A_1245 : vector<128x1xi1> to vector<128x16xi1>
    %broadcast_in_dim3A_1247 = vector.broadcast %jit3A_1244 : f32 to vector<128x16xf32>
    %select_n3A_1248 = arith.select %broadcast_in_dim3A_1246, %mul3A_493, %broadcast_in_dim3A_1247 : vector<128x16xi1>, vector<128x16xf32>
    %get3A_1249 = arith.constant 14 : index
    %get3A_1250 = arith.constant 0 : index
    %get3A_1251 = vector.load %arg16[%get3A_1249, %get3A_1250] : memref<16x16xf32, #tpu.memory_space<vmem>>, vector<1x16xf32>
    %reduce_max3A_1252 = arith.constant dense<0xFF800000> : vector<16xf32>
    %reduce_max3A_1253 = vector.multi_reduction <maximumf>, %select_n3A_1243, %reduce_max3A_1252 [0] : vector<128x16xf32> to vector<16xf32>
    %broadcast_in_dim3A_1254 = vector.shape_cast %reduce_max3A_1253 : vector<16xf32> to vector<1x16xf32>
    %max3A_1255 = arith.maximumf %get3A_1251, %broadcast_in_dim3A_1254 : vector<1x16xf32>
    %swap3A_1256 = arith.constant 14 : index
    %swap3A_1257 = arith.constant 0 : index
    %swap3A_1258 = vector.load %arg16[%swap3A_1256, %swap3A_1257] : memref<16x16xf32, #tpu.memory_space<vmem>>, vector<1x16xf32>
    tpu.vector_store %arg16[%swap3A_1256, %swap3A_1257], %max3A_1255 {strides = array<i32>} : memref<16x16xf32, #tpu.memory_space<vmem>>, vector<1x16xf32>,
    %get3A_1259 = arith.constant 14 : index
    %get3A_1260 = arith.constant 0 : index
    %get3A_1261 = vector.load %arg17[%get3A_1259, %get3A_1260] : memref<16x16xf32, #tpu.memory_space<vmem>>, vector<1x16xf32>
    %reduce_sum3A_1262 = arith.constant dense<0.000000e+00> : vector<16xf32>
    %reduce_sum3A_1263 = vector.multi_reduction <add>, %select_n3A_1248, %reduce_sum3A_1262 [0] : vector<128x16xf32> to vector<16xf32>
    %broadcast_in_dim3A_1264 = vector.shape_cast %reduce_sum3A_1263 : vector<16xf32> to vector<1x16xf32>
    %add3A_1265 = arith.addf %get3A_1261, %broadcast_in_dim3A_1264 : vector<1x16xf32>
    %swap3A_1266 = arith.constant 14 : index
    %swap3A_1267 = arith.constant 0 : index
    %swap3A_1268 = vector.load %arg17[%swap3A_1266, %swap3A_1267] : memref<16x16xf32, #tpu.memory_space<vmem>>, vector<1x16xf32>
    tpu.vector_store %arg17[%swap3A_1266, %swap3A_1267], %add3A_1265 {strides = array<i32>} : memref<16x16xf32, #tpu.memory_space<vmem>>, vector<1x16xf32>,
    %get3A_1269 = arith.constant 14 : index
    %get3A_1270 = arith.constant 0 : index
    %get3A_1271 = vector.load %arg18[%get3A_1269, %get3A_1270] : memref<16x16xf32, #tpu.memory_space<vmem>>, vector<1x16xf32>
    %jit3A_1272 = arith.constant 1.000000e+00 : f32
    %jit3A_1273 = arith.constant 0.000000e+00 : f32
    %broadcast_in_dim3A_1274 = vector.broadcast %jit3A_1272 : f32 to vector<128x1xf32>
    %broadcast_in_dim3A_1275 = vector.broadcast %jit3A_1273 : f32 to vector<128x1xf32>
    %select_n3A_1276 = arith.select %eq3A_1238, %broadcast_in_dim3A_1274, %broadcast_in_dim3A_1275 : vector<128x1xi1>, vector<128x1xf32>
    %reduce_sum3A_1277 = vector.shape_cast %select_n3A_1276 : vector<128x1xf32> to vector<1x128x1xf32>
    %reduce_sum3A_1278 = arith.constant dense<0.000000e+00> : vector<1xf32>
    %reduce_sum3A_1279 = vector.multi_reduction <add>, %reduce_sum3A_1277, %reduce_sum3A_1278 [1, 2] : vector<1x128x1xf32> to vector<1xf32>
    %reduce_sum3A_1280 = vector.shape_cast %reduce_sum3A_1279 : vector<1xf32> to vector<1x1x1xf32>
    %reduce_sum3A_1281 = vector.extract %reduce_sum3A_1280[0, 0, 0] : f32 from vector<1x1x1xf32>
    %add3A_1282 = vector.broadcast %reduce_sum3A_1281 : f32 to vector<1x16xf32>
    %add3A_1283 = arith.addf %get3A_1271, %add3A_1282 : vector<1x16xf32>
    %swap3A_1284 = arith.constant 14 : index
    %swap3A_1285 = arith.constant 0 : index
    %swap3A_1286 = vector.load %arg18[%swap3A_1284, %swap3A_1285] : memref<16x16xf32, #tpu.memory_space<vmem>>, vector<1x16xf32>
    tpu.vector_store %arg18[%swap3A_1284, %swap3A_1285], %add3A_1283 {strides = array<i32>} : memref<16x16xf32, #tpu.memory_space<vmem>>, vector<1x16xf32>,
    %eq3A_1287 = arith.constant 1.500000e+01 : f32
    %eq3A_1288 = vector.broadcast %eq3A_1287 : f32 to vector<128x1xf32>
    %eq3A_1289 = arith.cmpf oeq, %select_n3A_496, %eq3A_1288 : vector<128x1xf32>
    %jit3A_1290 = arith.constant 0xFF800000 : f32
    %broadcast_in_dim3A_1291 = vector.shape_cast %eq3A_1289 : vector<128x1xi1> to vector<128x1xi1>
    %broadcast_in_dim3A_1292 = vector.broadcast %broadcast_in_dim3A_1291 : vector<128x1xi1> to vector<128x16xi1>
    %broadcast_in_dim3A_1293 = vector.broadcast %jit3A_1290 : f32 to vector<128x16xf32>
    %select_n3A_1294 = arith.select %broadcast_in_dim3A_1292, %mul3A_493, %broadcast_in_dim3A_1293 : vector<128x16xi1>, vector<128x16xf32>
    %jit3A_1295 = arith.constant 0.000000e+00 : f32
    %broadcast_in_dim3A_1296 = vector.shape_cast %eq3A_1289 : vector<128x1xi1> to vector<128x1xi1>
    %broadcast_in_dim3A_1297 = vector.broadcast %broadcast_in_dim3A_1296 : vector<128x1xi1> to vector<128x16xi1>
    %broadcast_in_dim3A_1298 = vector.broadcast %jit3A_1295 : f32 to vector<128x16xf32>
    %select_n3A_1299 = arith.select %broadcast_in_dim3A_1297, %mul3A_493, %broadcast_in_dim3A_1298 : vector<128x16xi1>, vector<128x16xf32>
    %get3A_1300 = arith.constant 15 : index
    %get3A_1301 = arith.constant 0 : index
    %get3A_1302 = vector.load %arg16[%get3A_1300, %get3A_1301] : memref<16x16xf32, #tpu.memory_space<vmem>>, vector<1x16xf32>
    %reduce_max3A_1303 = arith.constant dense<0xFF800000> : vector<16xf32>
    %reduce_max3A_1304 = vector.multi_reduction <maximumf>, %select_n3A_1294, %reduce_max3A_1303 [0] : vector<128x16xf32> to vector<16xf32>
    %broadcast_in_dim3A_1305 = vector.shape_cast %reduce_max3A_1304 : vector<16xf32> to vector<1x16xf32>
    %max3A_1306 = arith.maximumf %get3A_1302, %broadcast_in_dim3A_1305 : vector<1x16xf32>
    %swap3A_1307 = arith.constant 15 : index
    %swap3A_1308 = arith.constant 0 : index
    %swap3A_1309 = vector.load %arg16[%swap3A_1307, %swap3A_1308] : memref<16x16xf32, #tpu.memory_space<vmem>>, vector<1x16xf32>
    tpu.vector_store %arg16[%swap3A_1307, %swap3A_1308], %max3A_1306 {strides = array<i32>} : memref<16x16xf32, #tpu.memory_space<vmem>>, vector<1x16xf32>,
    %get3A_1310 = arith.constant 15 : index
    %get3A_1311 = arith.constant 0 : index
    %get3A_1312 = vector.load %arg17[%get3A_1310, %get3A_1311] : memref<16x16xf32, #tpu.memory_space<vmem>>, vector<1x16xf32>
    %reduce_sum3A_1313 = arith.constant dense<0.000000e+00> : vector<16xf32>
    %reduce_sum3A_1314 = vector.multi_reduction <add>, %select_n3A_1299, %reduce_sum3A_1313 [0] : vector<128x16xf32> to vector<16xf32>
    %broadcast_in_dim3A_1315 = vector.shape_cast %reduce_sum3A_1314 : vector<16xf32> to vector<1x16xf32>
    %add3A_1316 = arith.addf %get3A_1312, %broadcast_in_dim3A_1315 : vector<1x16xf32>
    %swap3A_1317 = arith.constant 15 : index
    %swap3A_1318 = arith.constant 0 : index
    %swap3A_1319 = vector.load %arg17[%swap3A_1317, %swap3A_1318] : memref<16x16xf32, #tpu.memory_space<vmem>>, vector<1x16xf32>
    tpu.vector_store %arg17[%swap3A_1317, %swap3A_1318], %add3A_1316 {strides = array<i32>} : memref<16x16xf32, #tpu.memory_space<vmem>>, vector<1x16xf32>,
    %get3A_1320 = arith.constant 15 : index
    %get3A_1321 = arith.constant 0 : index
    %get3A_1322 = vector.load %arg18[%get3A_1320, %get3A_1321] : memref<16x16xf32, #tpu.memory_space<vmem>>, vector<1x16xf32>
    %jit3A_1323 = arith.constant 1.000000e+00 : f32
    %jit3A_1324 = arith.constant 0.000000e+00 : f32
    %broadcast_in_dim3A_1325 = vector.broadcast %jit3A_1323 : f32 to vector<128x1xf32>
    %broadcast_in_dim3A_1326 = vector.broadcast %jit3A_1324 : f32 to vector<128x1xf32>
    %select_n3A_1327 = arith.select %eq3A_1289, %broadcast_in_dim3A_1325, %broadcast_in_dim3A_1326 : vector<128x1xi1>, vector<128x1xf32>
    %reduce_sum3A_1328 = vector.shape_cast %select_n3A_1327 : vector<128x1xf32> to vector<1x128x1xf32>
    %reduce_sum3A_1329 = arith.constant dense<0.000000e+00> : vector<1xf32>
    %reduce_sum3A_1330 = vector.multi_reduction <add>, %reduce_sum3A_1328, %reduce_sum3A_1329 [1, 2] : vector<1x128x1xf32> to vector<1xf32>
    %reduce_sum3A_1331 = vector.shape_cast %reduce_sum3A_1330 : vector<1xf32> to vector<1x1x1xf32>
    %reduce_sum3A_1332 = vector.extract %reduce_sum3A_1331[0, 0, 0] : f32 from vector<1x1x1xf32>
    %add3A_1333 = vector.broadcast %reduce_sum3A_1332 : f32 to vector<1x16xf32>
    %add3A_1334 = arith.addf %get3A_1322, %add3A_1333 : vector<1x16xf32>
    %swap3A_1335 = arith.constant 15 : index
    %swap3A_1336 = arith.constant 0 : index
    %swap3A_1337 = vector.load %arg18[%swap3A_1335, %swap3A_1336] : memref<16x16xf32, #tpu.memory_space<vmem>>, vector<1x16xf32>
    tpu.vector_store %arg18[%swap3A_1335, %swap3A_1336], %add3A_1334 {strides = array<i32>} : memref<16x16xf32, #tpu.memory_space<vmem>>, vector<1x16xf32>,
    %eq3A_1338 = arith.constant 79 : i32
    %eq3A_1339 = arith.cmpi eq, %arg0, %eq3A_1338 : i32
    %convert_element_type3A_1340 = arith.extui %eq3A_1339 : i1 to i32
    %cond3A_1341 = arith.constant 0 : i32
    %cond3A_1342 = arith.cmpi ne, %convert_element_type3A_1340, %cond3A_1341 : i32
    scf.if %cond3A_1342 {
      %get3A_1343 = arith.constant 0 : index
      %get3A_1344 = arith.constant 0 : index
      %get3A_1345 = vector.load %arg17[%get3A_1343, %get3A_1344] : memref<16x16xf32, #tpu.memory_space<vmem>>, vector<16x16xf32>
      %get3A_1346 = arith.constant 0 : index
      %get3A_1347 = arith.constant 0 : index
      %get3A_1348 = vector.load %arg18[%get3A_1346, %get3A_1347] : memref<16x16xf32, #tpu.memory_space<vmem>>, vector<16x16xf32>
      %max3A_1349 = arith.constant 1.000000e+00 : f32
      %max3A_1350 = vector.broadcast %max3A_1349 : f32 to vector<16x16xf32>
      %max3A_1351 = arith.maximumf %get3A_1348, %max3A_1350 : vector<16x16xf32>
      %div3A_1352 = arith.divf %get3A_1345, %max3A_1351 : vector<16x16xf32>
      %get3A_1353 = arith.constant 0 : index
      %get3A_1354 = arith.constant 0 : index
      %get3A_1355 = vector.load %arg16[%get3A_1353, %get3A_1354] : memref<16x16xf32, #tpu.memory_space<vmem>>, vector<16x16xf32>
      %concatenate3A = tpu.concatenate %get3A_1355, %div3A_1352 in 1 : vector<16x16xf32>, vector<16x16xf32> -> vector<16x32xf32>
      %swap3A_1356 = arith.constant 0 : index
      %swap3A_1357 = arith.constant 0 : index
      %swap3A_1358 = vector.load %arg15[%swap3A_1356, %swap3A_1357] : memref<16x32xf32, #tpu.memory_space<vmem>>, vector<16x32xf32>
      tpu.vector_store %arg15[%swap3A_1356, %swap3A_1357], %concatenate3A {strides = array<i32>} : memref<16x32xf32, #tpu.memory_space<vmem>>, vector<16x32xf32>,
    } else {
    }
    return
  }
  func.func @transform_0(%arg0: i32) -> (i32, i32) {
    %c0_i32 = arith.constant 0 : i32
    %c0_i32_0 = arith.constant 0 : i32
    %c0_i32_1 = arith.constant 0 : i32
    return %c0_i32, %c0_i32_0 : i32, i32
  }
  func.func @transform_1(%arg0: i32) -> (i32, i32) {
    %c0_i32 = arith.constant 0 : i32
    %c0_i32_0 = arith.constant 0 : i32
    %c0_i32_1 = arith.constant 0 : i32
    return %c0_i32, %c0_i32_0 : i32, i32
  }
  func.func @transform_2(%arg0: i32) -> (i32, i32) {
    %c0_i32 = arith.constant 0 : i32
    %c0_i32_0 = arith.constant 0 : i32
    %c0_i32_1 = arith.constant 0 : i32
    return %c0_i32, %c0_i32_0 : i32, i32
  }
  func.func @transform_3(%arg0: i32) -> (i32, i32) {
    %c0_i32 = arith.constant 0 : i32
    %c0_i32_0 = arith.constant 0 : i32
    return %arg0, %c0_i32 : i32, i32
  }
  func.func @transform_4(%arg0: i32) -> (i32, i32) {
    %c0_i32 = arith.constant 0 : i32
    %c0_i32_0 = arith.constant 0 : i32
    return %arg0, %c0_i32 : i32, i32
  }
  func.func @transform_5(%arg0: i32) -> (i32, i32) {
    %c0_i32 = arith.constant 0 : i32
    %c0_i32_0 = arith.constant 0 : i32
    return %arg0, %c0_i32 : i32, i32
  }
  func.func @transform_6(%arg0: i32) -> (i32, i32) {
    %c0_i32 = arith.constant 0 : i32
    %c0_i32_0 = arith.constant 0 : i32
    return %arg0, %c0_i32 : i32, i32
  }
  func.func @transform_7(%arg0: i32) -> (i32, i32) {
    %c0_i32 = arith.constant 0 : i32
    %c0_i32_0 = arith.constant 0 : i32
    %c0_i32_1 = arith.constant 0 : i32
    return %c0_i32, %c0_i32_0 : i32, i32
  }
  func.func @transform_8(%arg0: i32) -> (i32, i32) {
    %c0_i32 = arith.constant 0 : i32
    %c0_i32_0 = arith.constant 0 : i32
    %c0_i32_1 = arith.constant 0 : i32
    return %c0_i32, %c0_i32_0 : i32, i32
  }
  func.func @transform_9(%arg0: i32) -> (i32, i32) {
    %c0_i32 = arith.constant 0 : i32
    %c0_i32_0 = arith.constant 0 : i32
    return %arg0, %c0_i32 : i32, i32
  }
  func.func @transform_10(%arg0: i32) -> (i32, i32) {
    %c0_i32 = arith.constant 0 : i32
    %c0_i32_0 = arith.constant 0 : i32
    return %arg0, %c0_i32 : i32, i32
  }
  func.func @transform_11(%arg0: i32) -> (i32, i32) {
    %c0_i32 = arith.constant 0 : i32
    %c0_i32_0 = arith.constant 0 : i32
    return %arg0, %c0_i32 : i32, i32
  }
  func.func @transform_12(%arg0: i32) -> (i32, i32) {
    %c0_i32 = arith.constant 0 : i32
    %c0_i32_0 = arith.constant 0 : i32
    return %arg0, %c0_i32 : i32, i32
  }
  func.func @transform_13(%arg0: i32) -> (i32, i32) {
    %c0_i32 = arith.constant 0 : i32
    %c0_i32_0 = arith.constant 0 : i32
    return %arg0, %c0_i32 : i32, i32
  }
  func.func @transform_14(%arg0: i32) -> (i32, i32) {
    %c0_i32 = arith.constant 0 : i32
    %c0_i32_0 = arith.constant 0 : i32
    %c0_i32_1 = arith.constant 0 : i32
    return %c0_i32, %c0_i32_0 : i32, i32
  }
}

module attributes {stable_mosaic.version = 14 : i64} {
  func.func @_out_body(%arg0: memref<16x32xf32, #tpu.memory_space<vmem>>, %arg1: memref<16x32xf32, #tpu.memory_space<vmem>>, %arg2: memref<16x32xf32, #tpu.memory_space<vmem>>, %arg3: memref<128x128xf32, #tpu.memory_space<vmem>>, %arg4: memref<1x128xf32, #tpu.memory_space<vmem>>, %arg5: memref<128x320xf32, #tpu.memory_space<vmem>>, %arg6: memref<1x320xf32, #tpu.memory_space<vmem>>, %arg7: memref<320x128xf32, #tpu.memory_space<vmem>>, %arg8: memref<1x128xf32, #tpu.memory_space<vmem>>, %arg9: memref<16x16xf32, #tpu.memory_space<vmem>>) attributes {dimension_semantics = [], scalar_prefetch = 0 : i64, scratch_operands = 0 : i64, tpu.core_type = #tpu.core_type<tc>} {
    %get3A = arith.constant 0 : index
    %get3A_0 = arith.constant 0 : index
    %get3A_1 = vector.load %arg0[%get3A, %get3A_0] : memref<16x32xf32, #tpu.memory_space<vmem>>, vector<16x32xf32>
    %get3A_2 = arith.constant 0 : index
    %get3A_3 = arith.constant 0 : index
    %get3A_4 = vector.load %arg1[%get3A_2, %get3A_3] : memref<16x32xf32, #tpu.memory_space<vmem>>, vector<16x32xf32>
    %add3A = arith.addf %get3A_1, %get3A_4 : vector<16x32xf32>
    %get3A_5 = arith.constant 0 : index
    %get3A_6 = arith.constant 0 : index
    %get3A_7 = vector.load %arg2[%get3A_5, %get3A_6] : memref<16x32xf32, #tpu.memory_space<vmem>>, vector<16x32xf32>
    %add3A_8 = arith.addf %add3A, %get3A_7 : vector<16x32xf32>
    %max3A = arith.constant 0.000000e+00 : f32
    %max3A_9 = vector.broadcast %max3A : f32 to vector<16x32xf32>
    %max3A_10 = arith.maximumf %add3A_8, %max3A_9 : vector<16x32xf32>
    %broadcast_in_dim3A = arith.constant 0.000000e+00 : f32
    %broadcast_in_dim3A_11 = vector.broadcast %broadcast_in_dim3A : f32 to vector<16x96xf32>
    %concatenate3A = tpu.concatenate %max3A_10, %broadcast_in_dim3A_11 in 1 : vector<16x32xf32>, vector<16x96xf32> -> vector<16x128xf32>
    %get3A_12 = arith.constant 0 : index
    %get3A_13 = arith.constant 0 : index
    %get3A_14 = vector.load %arg3[%get3A_12, %get3A_13] : memref<128x128xf32, #tpu.memory_space<vmem>>, vector<128x128xf32>
    %dot_general3A = arith.constant dense<0.000000e+00> : vector<16x128xf32>
    %dot_general3A_15 = tpu.matmul %concatenate3A, %get3A_14, %dot_general3A {dimension_numbers = #tpu.dot_dimension_numbers<[1], [0], [0], [1], [0, 0, 1, 1], [], []>, transpose_lhs_hint = false} : vector<16x128xf32>, vector<128x128xf32>, vector<16x128xf32> -> vector<16x128xf32>
    %get3A_16 = arith.constant 0 : index
    %get3A_17 = arith.constant 0 : index
    %get3A_18 = vector.load %arg4[%get3A_16, %get3A_17] : memref<1x128xf32, #tpu.memory_space<vmem>>, vector<1x128xf32>
    %add3A_19 = vector.broadcast %get3A_18 : vector<1x128xf32> to vector<16x128xf32>
    %add3A_20 = arith.addf %dot_general3A_15, %add3A_19 : vector<16x128xf32>
    %max3A_21 = arith.constant 0.000000e+00 : f32
    %max3A_22 = vector.broadcast %max3A_21 : f32 to vector<16x128xf32>
    %max3A_23 = arith.maximumf %add3A_20, %max3A_22 : vector<16x128xf32>
    %get3A_24 = arith.constant 0 : index
    %get3A_25 = arith.constant 0 : index
    %get3A_26 = vector.load %arg5[%get3A_24, %get3A_25] : memref<128x320xf32, #tpu.memory_space<vmem>>, vector<128x320xf32>
    %dot_general3A_27 = arith.constant dense<0.000000e+00> : vector<16x320xf32>
    %dot_general3A_28 = tpu.matmul %max3A_23, %get3A_26, %dot_general3A_27 {dimension_numbers = #tpu.dot_dimension_numbers<[1], [0], [0], [1], [0, 0, 1, 1], [], []>, transpose_lhs_hint = false} : vector<16x128xf32>, vector<128x320xf32>, vector<16x320xf32> -> vector<16x320xf32>
    %get3A_29 = arith.constant 0 : index
    %get3A_30 = arith.constant 0 : index
    %get3A_31 = vector.load %arg6[%get3A_29, %get3A_30] : memref<1x320xf32, #tpu.memory_space<vmem>>, vector<1x320xf32>
    %add3A_32 = vector.broadcast %get3A_31 : vector<1x320xf32> to vector<16x320xf32>
    %add3A_33 = arith.addf %dot_general3A_28, %add3A_32 : vector<16x320xf32>
    %max3A_34 = arith.constant 0.000000e+00 : f32
    %max3A_35 = vector.broadcast %max3A_34 : f32 to vector<16x320xf32>
    %max3A_36 = arith.maximumf %add3A_33, %max3A_35 : vector<16x320xf32>
    %get3A_37 = arith.constant 0 : index
    %get3A_38 = arith.constant 0 : index
    %get3A_39 = vector.load %arg7[%get3A_37, %get3A_38] : memref<320x128xf32, #tpu.memory_space<vmem>>, vector<320x128xf32>
    %dot_general3A_40 = arith.constant dense<0.000000e+00> : vector<16x128xf32>
    %dot_general3A_41 = tpu.matmul %max3A_36, %get3A_39, %dot_general3A_40 {dimension_numbers = #tpu.dot_dimension_numbers<[1], [0], [0], [1], [0, 0, 1, 1], [], []>, transpose_lhs_hint = false} : vector<16x320xf32>, vector<320x128xf32>, vector<16x128xf32> -> vector<16x128xf32>
    %get3A_42 = arith.constant 0 : index
    %get3A_43 = arith.constant 0 : index
    %get3A_44 = vector.load %arg8[%get3A_42, %get3A_43] : memref<1x128xf32, #tpu.memory_space<vmem>>, vector<1x128xf32>
    %add3A_45 = vector.broadcast %get3A_44 : vector<1x128xf32> to vector<16x128xf32>
    %add3A_46 = arith.addf %dot_general3A_41, %add3A_45 : vector<16x128xf32>
    %slice3A = vector.extract_strided_slice %add3A_46 {offsets = [0, 0], sizes = [16, 16], strides = [1, 1]} : vector<16x128xf32> to vector<16x16xf32>
    %swap3A = arith.constant 0 : index
    %swap3A_47 = arith.constant 0 : index
    %swap3A_48 = vector.load %arg9[%swap3A, %swap3A_47] : memref<16x16xf32, #tpu.memory_space<vmem>>, vector<16x16xf32>
    tpu.vector_store %arg9[%swap3A, %swap3A_47], %slice3A {strides = array<i32>} : memref<16x16xf32, #tpu.memory_space<vmem>>, vector<16x16xf32>,
    return
  }
}

module attributes {stable_mosaic.version = 14 : i64} {
  func.func @_rank_body(%arg0: i32, %arg1: memref<80x128xf32, #tpu.memory_space<vmem>>, %arg2: memref<80x128xf32, #tpu.memory_space<vmem>>, %arg3: memref<80x128xf32, #tpu.memory_space<vmem>>, %arg4: memref<128x1xf32, #tpu.memory_space<vmem>>, %arg5: memref<128x1xf32, #tpu.memory_space<vmem>>, %arg6: memref<128x1xf32, #tpu.memory_space<vmem>>, %arg7: memref<128x16xf32, #tpu.memory_space<vmem>>, %arg8: memref<16x16xf32, #tpu.memory_space<vmem>>, %arg9: memref<16x16xf32, #tpu.memory_space<vmem>>, %arg10: memref<128x1xf32, #tpu.memory_space<vmem>>, %arg11: memref<128x1xf32, #tpu.memory_space<vmem>>, %arg12: memref<128x1xf32, #tpu.memory_space<vmem>>, %arg13: memref<128x16xf32, #tpu.memory_space<vmem>>, %arg14: memref<128x16xf32, #tpu.memory_space<vmem>>, %arg15: memref<16x32xf32, #tpu.memory_space<vmem>>, %arg16: memref<16x16xf32, #tpu.memory_space<vmem>>, %arg17: memref<16x16xf32, #tpu.memory_space<vmem>>, %arg18: memref<16x16xf32, #tpu.memory_space<vmem>>) attributes {dimension_semantics = [#tpu.dimension_semantics<arbitrary>], iteration_bounds = array<i64: 80>, scalar_prefetch = 0 : i64, scratch_operands = 3 : i64, tpu.core_type = #tpu.core_type<tc>, window_params = [{pipeline_mode = #tpu.pipeline_mode<synchronous>, transform_indices = @transform_0, window_bounds = array<i64: 80, 128>}, {pipeline_mode = #tpu.pipeline_mode<synchronous>, transform_indices = @transform_1, window_bounds = array<i64: 80, 128>}, {pipeline_mode = #tpu.pipeline_mode<synchronous>, transform_indices = @transform_2, window_bounds = array<i64: 80, 128>}, {transform_indices = @transform_3, window_bounds = array<i64: 128, 1>}, {transform_indices = @transform_4, window_bounds = array<i64: 128, 1>}, {transform_indices = @transform_5, window_bounds = array<i64: 128, 1>}, {transform_indices = @transform_6, window_bounds = array<i64: 128, 16>}, {pipeline_mode = #tpu.pipeline_mode<synchronous>, transform_indices = @transform_7, window_bounds = array<i64: 16, 16>}, {pipeline_mode = #tpu.pipeline_mode<synchronous>, transform_indices = @transform_8, window_bounds = array<i64: 16, 16>}, {transform_indices = @transform_9, window_bounds = array<i64: 128, 1>}, {transform_indices = @transform_10, window_bounds = array<i64: 128, 1>}, {transform_indices = @transform_11, window_bounds = array<i64: 128, 1>}, {transform_indices = @transform_12, window_bounds = array<i64: 128, 16>}, {transform_indices = @transform_13, window_bounds = array<i64: 128, 16>}, {pipeline_mode = #tpu.pipeline_mode<synchronous>, transform_indices = @transform_14, window_bounds = array<i64: 16, 32>}]} {
    %get3A = arith.constant 0 : index
    %get3A_0 = arith.constant 0 : index
    %get3A_1 = vector.load %arg5[%get3A, %get3A_0] : memref<128x1xf32, #tpu.memory_space<vmem>>, vector<128x1xf32>
    %get3A_2 = arith.constant 0 : index
    %get3A_3 = arith.constant 0 : index
    %get3A_4 = vector.load %arg6[%get3A_2, %get3A_3] : memref<128x1xf32, #tpu.memory_space<vmem>>, vector<128x1xf32>
    %get3A_5 = arith.constant 0 : index
    %get3A_6 = arith.constant 0 : index
    %get3A_7 = vector.load %arg4[%get3A_5, %get3A_6] : memref<128x1xf32, #tpu.memory_space<vmem>>, vector<128x1xf32>
    %get3A_8 = arith.constant 0 : index
    %get3A_9 = arith.constant 0 : index
    %get3A_10 = vector.load %arg7[%get3A_8, %get3A_9] : memref<128x16xf32, #tpu.memory_space<vmem>>, vector<128x16xf32>
    %get3A_11 = arith.constant 0 : index
    %get3A_12 = arith.constant 0 : index
    %get3A_13 = vector.load %arg2[%get3A_11, %get3A_12] : memref<80x128xf32, #tpu.memory_space<vmem>>, vector<80x128xf32>
    %broadcast_in_dim3A = arith.constant 0.000000e+00 : f32
    %broadcast_in_dim3A_14 = vector.broadcast %broadcast_in_dim3A : f32 to vector<128x1xf32>
    %eq3A = arith.constant 0.000000e+00 : f32
    %eq3A_15 = vector.broadcast %eq3A : f32 to vector<80x128xf32>
    %eq3A_16 = arith.cmpf oeq, %get3A_13, %eq3A_15 : vector<80x128xf32>
    %jit3A = arith.constant 1.000000e+00 : f32
    %jit3A_17 = arith.constant 0.000000e+00 : f32
    %broadcast_in_dim3A_18 = vector.broadcast %jit3A : f32 to vector<80x128xf32>
    %broadcast_in_dim3A_19 = vector.broadcast %jit3A_17 : f32 to vector<80x128xf32>
    %select_n3A = arith.select %eq3A_16, %broadcast_in_dim3A_18, %broadcast_in_dim3A_19 : vector<80x128xi1>, vector<80x128xf32>
    %reduce_sum3A = vector.shape_cast %select_n3A : vector<80x128xf32> to vector<1x80x128xf32>
    %reduce_sum3A_20 = arith.constant dense<0.000000e+00> : vector<1xf32>
    %reduce_sum3A_21 = vector.multi_reduction <add>, %reduce_sum3A, %reduce_sum3A_20 [1, 2] : vector<1x80x128xf32> to vector<1xf32>
    %reduce_sum3A_22 = vector.shape_cast %reduce_sum3A_21 : vector<1xf32> to vector<1x1x1xf32>
    %reduce_sum3A_23 = vector.extract %reduce_sum3A_22[0, 0, 0] : f32 from vector<1x1x1xf32>
    %mul3A = arith.constant 9.000000e+00 : f32
    %mul3A_24 = arith.mulf %mul3A, %reduce_sum3A_23 : f32
    %add3A = arith.constant 9.000000e+00 : f32
    %add3A_25 = arith.addf %mul3A_24, %add3A : f32
    %div3A = arith.constant 1.000000e+01 : f32
    %div3A_26 = arith.divf %add3A_25, %div3A : f32
    %floor3A = math.floor %div3A_26 : f32
    %eq3A_27 = arith.constant 0.000000e+00 : f32
    %eq3A_28 = vector.broadcast %eq3A_27 : f32 to vector<128x1xf32>
    %eq3A_29 = arith.cmpf oeq, %get3A_1, %eq3A_28 : vector<128x1xf32>
    %jit3A_30 = arith.constant 0.000000e+00 : f32
    %broadcast_in_dim3A_31 = vector.broadcast %floor3A : f32 to vector<128x1xf32>
    %broadcast_in_dim3A_32 = vector.broadcast %jit3A_30 : f32 to vector<128x1xf32>
    %select_n3A_33 = arith.select %eq3A_29, %broadcast_in_dim3A_31, %broadcast_in_dim3A_32 : vector<128x1xi1>, vector<128x1xf32>
    %add3A_34 = arith.addf %broadcast_in_dim3A_14, %select_n3A_33 : vector<128x1xf32>
    %eq3A_35 = arith.constant 1.000000e+00 : f32
    %eq3A_36 = vector.broadcast %eq3A_35 : f32 to vector<80x128xf32>
    %eq3A_37 = arith.cmpf oeq, %get3A_13, %eq3A_36 : vector<80x128xf32>
    %jit3A_38 = arith.constant 1.000000e+00 : f32
    %jit3A_39 = arith.constant 0.000000e+00 : f32
    %broadcast_in_dim3A_40 = vector.broadcast %jit3A_38 : f32 to vector<80x128xf32>
    %broadcast_in_dim3A_41 = vector.broadcast %jit3A_39 : f32 to vector<80x128xf32>
    %select_n3A_42 = arith.select %eq3A_37, %broadcast_in_dim3A_40, %broadcast_in_dim3A_41 : vector<80x128xi1>, vector<80x128xf32>
    %reduce_sum3A_43 = vector.shape_cast %select_n3A_42 : vector<80x128xf32> to vector<1x80x128xf32>
    %reduce_sum3A_44 = arith.constant dense<0.000000e+00> : vector<1xf32>
    %reduce_sum3A_45 = vector.multi_reduction <add>, %reduce_sum3A_43, %reduce_sum3A_44 [1, 2] : vector<1x80x128xf32> to vector<1xf32>
    %reduce_sum3A_46 = vector.shape_cast %reduce_sum3A_45 : vector<1xf32> to vector<1x1x1xf32>
    %reduce_sum3A_47 = vector.extract %reduce_sum3A_46[0, 0, 0] : f32 from vector<1x1x1xf32>
    %mul3A_48 = arith.constant 9.000000e+00 : f32
    %mul3A_49 = arith.mulf %mul3A_48, %reduce_sum3A_47 : f32
    %add3A_50 = arith.constant 9.000000e+00 : f32
    %add3A_51 = arith.addf %mul3A_49, %add3A_50 : f32
    %div3A_52 = arith.constant 1.000000e+01 : f32
    %div3A_53 = arith.divf %add3A_51, %div3A_52 : f32
    %floor3A_54 = math.floor %div3A_53 : f32
    %eq3A_55 = arith.constant 1.000000e+00 : f32
    %eq3A_56 = vector.broadcast %eq3A_55 : f32 to vector<128x1xf32>
    %eq3A_57 = arith.cmpf oeq, %get3A_1, %eq3A_56 : vector<128x1xf32>
    %jit3A_58 = arith.constant 0.000000e+00 : f32
    %broadcast_in_dim3A_59 = vector.broadcast %floor3A_54 : f32 to vector<128x1xf32>
    %broadcast_in_dim3A_60 = vector.broadcast %jit3A_58 : f32 to vector<128x1xf32>
    %select_n3A_61 = arith.select %eq3A_57, %broadcast_in_dim3A_59, %broadcast_in_dim3A_60 : vector<128x1xi1>, vector<128x1xf32>
    %add3A_62 = arith.addf %add3A_34, %select_n3A_61 : vector<128x1xf32>
    %eq3A_63 = arith.constant 2.000000e+00 : f32
    %eq3A_64 = vector.broadcast %eq3A_63 : f32 to vector<80x128xf32>
    %eq3A_65 = arith.cmpf oeq, %get3A_13, %eq3A_64 : vector<80x128xf32>
    %jit3A_66 = arith.constant 1.000000e+00 : f32
    %jit3A_67 = arith.constant 0.000000e+00 : f32
    %broadcast_in_dim3A_68 = vector.broadcast %jit3A_66 : f32 to vector<80x128xf32>
    %broadcast_in_dim3A_69 = vector.broadcast %jit3A_67 : f32 to vector<80x128xf32>
    %select_n3A_70 = arith.select %eq3A_65, %broadcast_in_dim3A_68, %broadcast_in_dim3A_69 : vector<80x128xi1>, vector<80x128xf32>
    %reduce_sum3A_71 = vector.shape_cast %select_n3A_70 : vector<80x128xf32> to vector<1x80x128xf32>
    %reduce_sum3A_72 = arith.constant dense<0.000000e+00> : vector<1xf32>
    %reduce_sum3A_73 = vector.multi_reduction <add>, %reduce_sum3A_71, %reduce_sum3A_72 [1, 2] : vector<1x80x128xf32> to vector<1xf32>
    %reduce_sum3A_74 = vector.shape_cast %reduce_sum3A_73 : vector<1xf32> to vector<1x1x1xf32>
    %reduce_sum3A_75 = vector.extract %reduce_sum3A_74[0, 0, 0] : f32 from vector<1x1x1xf32>
    %mul3A_76 = arith.constant 9.000000e+00 : f32
    %mul3A_77 = arith.mulf %mul3A_76, %reduce_sum3A_75 : f32
    %add3A_78 = arith.constant 9.000000e+00 : f32
    %add3A_79 = arith.addf %mul3A_77, %add3A_78 : f32
    %div3A_80 = arith.constant 1.000000e+01 : f32
    %div3A_81 = arith.divf %add3A_79, %div3A_80 : f32
    %floor3A_82 = math.floor %div3A_81 : f32
    %eq3A_83 = arith.constant 2.000000e+00 : f32
    %eq3A_84 = vector.broadcast %eq3A_83 : f32 to vector<128x1xf32>
    %eq3A_85 = arith.cmpf oeq, %get3A_1, %eq3A_84 : vector<128x1xf32>
    %jit3A_86 = arith.constant 0.000000e+00 : f32
    %broadcast_in_dim3A_87 = vector.broadcast %floor3A_82 : f32 to vector<128x1xf32>
    %broadcast_in_dim3A_88 = vector.broadcast %jit3A_86 : f32 to vector<128x1xf32>
    %select_n3A_89 = arith.select %eq3A_85, %broadcast_in_dim3A_87, %broadcast_in_dim3A_88 : vector<128x1xi1>, vector<128x1xf32>
    %add3A_90 = arith.addf %add3A_62, %select_n3A_89 : vector<128x1xf32>
    %eq3A_91 = arith.constant 3.000000e+00 : f32
    %eq3A_92 = vector.broadcast %eq3A_91 : f32 to vector<80x128xf32>
    %eq3A_93 = arith.cmpf oeq, %get3A_13, %eq3A_92 : vector<80x128xf32>
    %jit3A_94 = arith.constant 1.000000e+00 : f32
    %jit3A_95 = arith.constant 0.000000e+00 : f32
    %broadcast_in_dim3A_96 = vector.broadcast %jit3A_94 : f32 to vector<80x128xf32>
    %broadcast_in_dim3A_97 = vector.broadcast %jit3A_95 : f32 to vector<80x128xf32>
    %select_n3A_98 = arith.select %eq3A_93, %broadcast_in_dim3A_96, %broadcast_in_dim3A_97 : vector<80x128xi1>, vector<80x128xf32>
    %reduce_sum3A_99 = vector.shape_cast %select_n3A_98 : vector<80x128xf32> to vector<1x80x128xf32>
    %reduce_sum3A_100 = arith.constant dense<0.000000e+00> : vector<1xf32>
    %reduce_sum3A_101 = vector.multi_reduction <add>, %reduce_sum3A_99, %reduce_sum3A_100 [1, 2] : vector<1x80x128xf32> to vector<1xf32>
    %reduce_sum3A_102 = vector.shape_cast %reduce_sum3A_101 : vector<1xf32> to vector<1x1x1xf32>
    %reduce_sum3A_103 = vector.extract %reduce_sum3A_102[0, 0, 0] : f32 from vector<1x1x1xf32>
    %mul3A_104 = arith.constant 9.000000e+00 : f32
    %mul3A_105 = arith.mulf %mul3A_104, %reduce_sum3A_103 : f32
    %add3A_106 = arith.constant 9.000000e+00 : f32
    %add3A_107 = arith.addf %mul3A_105, %add3A_106 : f32
    %div3A_108 = arith.constant 1.000000e+01 : f32
    %div3A_109 = arith.divf %add3A_107, %div3A_108 : f32
    %floor3A_110 = math.floor %div3A_109 : f32
    %eq3A_111 = arith.constant 3.000000e+00 : f32
    %eq3A_112 = vector.broadcast %eq3A_111 : f32 to vector<128x1xf32>
    %eq3A_113 = arith.cmpf oeq, %get3A_1, %eq3A_112 : vector<128x1xf32>
    %jit3A_114 = arith.constant 0.000000e+00 : f32
    %broadcast_in_dim3A_115 = vector.broadcast %floor3A_110 : f32 to vector<128x1xf32>
    %broadcast_in_dim3A_116 = vector.broadcast %jit3A_114 : f32 to vector<128x1xf32>
    %select_n3A_117 = arith.select %eq3A_113, %broadcast_in_dim3A_115, %broadcast_in_dim3A_116 : vector<128x1xi1>, vector<128x1xf32>
    %add3A_118 = arith.addf %add3A_90, %select_n3A_117 : vector<128x1xf32>
    %eq3A_119 = arith.constant 4.000000e+00 : f32
    %eq3A_120 = vector.broadcast %eq3A_119 : f32 to vector<80x128xf32>
    %eq3A_121 = arith.cmpf oeq, %get3A_13, %eq3A_120 : vector<80x128xf32>
    %jit3A_122 = arith.constant 1.000000e+00 : f32
    %jit3A_123 = arith.constant 0.000000e+00 : f32
    %broadcast_in_dim3A_124 = vector.broadcast %jit3A_122 : f32 to vector<80x128xf32>
    %broadcast_in_dim3A_125 = vector.broadcast %jit3A_123 : f32 to vector<80x128xf32>
    %select_n3A_126 = arith.select %eq3A_121, %broadcast_in_dim3A_124, %broadcast_in_dim3A_125 : vector<80x128xi1>, vector<80x128xf32>
    %reduce_sum3A_127 = vector.shape_cast %select_n3A_126 : vector<80x128xf32> to vector<1x80x128xf32>
    %reduce_sum3A_128 = arith.constant dense<0.000000e+00> : vector<1xf32>
    %reduce_sum3A_129 = vector.multi_reduction <add>, %reduce_sum3A_127, %reduce_sum3A_128 [1, 2] : vector<1x80x128xf32> to vector<1xf32>
    %reduce_sum3A_130 = vector.shape_cast %reduce_sum3A_129 : vector<1xf32> to vector<1x1x1xf32>
    %reduce_sum3A_131 = vector.extract %reduce_sum3A_130[0, 0, 0] : f32 from vector<1x1x1xf32>
    %mul3A_132 = arith.constant 9.000000e+00 : f32
    %mul3A_133 = arith.mulf %mul3A_132, %reduce_sum3A_131 : f32
    %add3A_134 = arith.constant 9.000000e+00 : f32
    %add3A_135 = arith.addf %mul3A_133, %add3A_134 : f32
    %div3A_136 = arith.constant 1.000000e+01 : f32
    %div3A_137 = arith.divf %add3A_135, %div3A_136 : f32
    %floor3A_138 = math.floor %div3A_137 : f32
    %eq3A_139 = arith.constant 4.000000e+00 : f32
    %eq3A_140 = vector.broadcast %eq3A_139 : f32 to vector<128x1xf32>
    %eq3A_141 = arith.cmpf oeq, %get3A_1, %eq3A_140 : vector<128x1xf32>
    %jit3A_142 = arith.constant 0.000000e+00 : f32
    %broadcast_in_dim3A_143 = vector.broadcast %floor3A_138 : f32 to vector<128x1xf32>
    %broadcast_in_dim3A_144 = vector.broadcast %jit3A_142 : f32 to vector<128x1xf32>
    %select_n3A_145 = arith.select %eq3A_141, %broadcast_in_dim3A_143, %broadcast_in_dim3A_144 : vector<128x1xi1>, vector<128x1xf32>
    %add3A_146 = arith.addf %add3A_118, %select_n3A_145 : vector<128x1xf32>
    %eq3A_147 = arith.constant 5.000000e+00 : f32
    %eq3A_148 = vector.broadcast %eq3A_147 : f32 to vector<80x128xf32>
    %eq3A_149 = arith.cmpf oeq, %get3A_13, %eq3A_148 : vector<80x128xf32>
    %jit3A_150 = arith.constant 1.000000e+00 : f32
    %jit3A_151 = arith.constant 0.000000e+00 : f32
    %broadcast_in_dim3A_152 = vector.broadcast %jit3A_150 : f32 to vector<80x128xf32>
    %broadcast_in_dim3A_153 = vector.broadcast %jit3A_151 : f32 to vector<80x128xf32>
    %select_n3A_154 = arith.select %eq3A_149, %broadcast_in_dim3A_152, %broadcast_in_dim3A_153 : vector<80x128xi1>, vector<80x128xf32>
    %reduce_sum3A_155 = vector.shape_cast %select_n3A_154 : vector<80x128xf32> to vector<1x80x128xf32>
    %reduce_sum3A_156 = arith.constant dense<0.000000e+00> : vector<1xf32>
    %reduce_sum3A_157 = vector.multi_reduction <add>, %reduce_sum3A_155, %reduce_sum3A_156 [1, 2] : vector<1x80x128xf32> to vector<1xf32>
    %reduce_sum3A_158 = vector.shape_cast %reduce_sum3A_157 : vector<1xf32> to vector<1x1x1xf32>
    %reduce_sum3A_159 = vector.extract %reduce_sum3A_158[0, 0, 0] : f32 from vector<1x1x1xf32>
    %mul3A_160 = arith.constant 9.000000e+00 : f32
    %mul3A_161 = arith.mulf %mul3A_160, %reduce_sum3A_159 : f32
    %add3A_162 = arith.constant 9.000000e+00 : f32
    %add3A_163 = arith.addf %mul3A_161, %add3A_162 : f32
    %div3A_164 = arith.constant 1.000000e+01 : f32
    %div3A_165 = arith.divf %add3A_163, %div3A_164 : f32
    %floor3A_166 = math.floor %div3A_165 : f32
    %eq3A_167 = arith.constant 5.000000e+00 : f32
    %eq3A_168 = vector.broadcast %eq3A_167 : f32 to vector<128x1xf32>
    %eq3A_169 = arith.cmpf oeq, %get3A_1, %eq3A_168 : vector<128x1xf32>
    %jit3A_170 = arith.constant 0.000000e+00 : f32
    %broadcast_in_dim3A_171 = vector.broadcast %floor3A_166 : f32 to vector<128x1xf32>
    %broadcast_in_dim3A_172 = vector.broadcast %jit3A_170 : f32 to vector<128x1xf32>
    %select_n3A_173 = arith.select %eq3A_169, %broadcast_in_dim3A_171, %broadcast_in_dim3A_172 : vector<128x1xi1>, vector<128x1xf32>
    %add3A_174 = arith.addf %add3A_146, %select_n3A_173 : vector<128x1xf32>
    %eq3A_175 = arith.constant 6.000000e+00 : f32
    %eq3A_176 = vector.broadcast %eq3A_175 : f32 to vector<80x128xf32>
    %eq3A_177 = arith.cmpf oeq, %get3A_13, %eq3A_176 : vector<80x128xf32>
    %jit3A_178 = arith.constant 1.000000e+00 : f32
    %jit3A_179 = arith.constant 0.000000e+00 : f32
    %broadcast_in_dim3A_180 = vector.broadcast %jit3A_178 : f32 to vector<80x128xf32>
    %broadcast_in_dim3A_181 = vector.broadcast %jit3A_179 : f32 to vector<80x128xf32>
    %select_n3A_182 = arith.select %eq3A_177, %broadcast_in_dim3A_180, %broadcast_in_dim3A_181 : vector<80x128xi1>, vector<80x128xf32>
    %reduce_sum3A_183 = vector.shape_cast %select_n3A_182 : vector<80x128xf32> to vector<1x80x128xf32>
    %reduce_sum3A_184 = arith.constant dense<0.000000e+00> : vector<1xf32>
    %reduce_sum3A_185 = vector.multi_reduction <add>, %reduce_sum3A_183, %reduce_sum3A_184 [1, 2] : vector<1x80x128xf32> to vector<1xf32>
    %reduce_sum3A_186 = vector.shape_cast %reduce_sum3A_185 : vector<1xf32> to vector<1x1x1xf32>
    %reduce_sum3A_187 = vector.extract %reduce_sum3A_186[0, 0, 0] : f32 from vector<1x1x1xf32>
    %mul3A_188 = arith.constant 9.000000e+00 : f32
    %mul3A_189 = arith.mulf %mul3A_188, %reduce_sum3A_187 : f32
    %add3A_190 = arith.constant 9.000000e+00 : f32
    %add3A_191 = arith.addf %mul3A_189, %add3A_190 : f32
    %div3A_192 = arith.constant 1.000000e+01 : f32
    %div3A_193 = arith.divf %add3A_191, %div3A_192 : f32
    %floor3A_194 = math.floor %div3A_193 : f32
    %eq3A_195 = arith.constant 6.000000e+00 : f32
    %eq3A_196 = vector.broadcast %eq3A_195 : f32 to vector<128x1xf32>
    %eq3A_197 = arith.cmpf oeq, %get3A_1, %eq3A_196 : vector<128x1xf32>
    %jit3A_198 = arith.constant 0.000000e+00 : f32
    %broadcast_in_dim3A_199 = vector.broadcast %floor3A_194 : f32 to vector<128x1xf32>
    %broadcast_in_dim3A_200 = vector.broadcast %jit3A_198 : f32 to vector<128x1xf32>
    %select_n3A_201 = arith.select %eq3A_197, %broadcast_in_dim3A_199, %broadcast_in_dim3A_200 : vector<128x1xi1>, vector<128x1xf32>
    %add3A_202 = arith.addf %add3A_174, %select_n3A_201 : vector<128x1xf32>
    %eq3A_203 = arith.constant 7.000000e+00 : f32
    %eq3A_204 = vector.broadcast %eq3A_203 : f32 to vector<80x128xf32>
    %eq3A_205 = arith.cmpf oeq, %get3A_13, %eq3A_204 : vector<80x128xf32>
    %jit3A_206 = arith.constant 1.000000e+00 : f32
    %jit3A_207 = arith.constant 0.000000e+00 : f32
    %broadcast_in_dim3A_208 = vector.broadcast %jit3A_206 : f32 to vector<80x128xf32>
    %broadcast_in_dim3A_209 = vector.broadcast %jit3A_207 : f32 to vector<80x128xf32>
    %select_n3A_210 = arith.select %eq3A_205, %broadcast_in_dim3A_208, %broadcast_in_dim3A_209 : vector<80x128xi1>, vector<80x128xf32>
    %reduce_sum3A_211 = vector.shape_cast %select_n3A_210 : vector<80x128xf32> to vector<1x80x128xf32>
    %reduce_sum3A_212 = arith.constant dense<0.000000e+00> : vector<1xf32>
    %reduce_sum3A_213 = vector.multi_reduction <add>, %reduce_sum3A_211, %reduce_sum3A_212 [1, 2] : vector<1x80x128xf32> to vector<1xf32>
    %reduce_sum3A_214 = vector.shape_cast %reduce_sum3A_213 : vector<1xf32> to vector<1x1x1xf32>
    %reduce_sum3A_215 = vector.extract %reduce_sum3A_214[0, 0, 0] : f32 from vector<1x1x1xf32>
    %mul3A_216 = arith.constant 9.000000e+00 : f32
    %mul3A_217 = arith.mulf %mul3A_216, %reduce_sum3A_215 : f32
    %add3A_218 = arith.constant 9.000000e+00 : f32
    %add3A_219 = arith.addf %mul3A_217, %add3A_218 : f32
    %div3A_220 = arith.constant 1.000000e+01 : f32
    %div3A_221 = arith.divf %add3A_219, %div3A_220 : f32
    %floor3A_222 = math.floor %div3A_221 : f32
    %eq3A_223 = arith.constant 7.000000e+00 : f32
    %eq3A_224 = vector.broadcast %eq3A_223 : f32 to vector<128x1xf32>
    %eq3A_225 = arith.cmpf oeq, %get3A_1, %eq3A_224 : vector<128x1xf32>
    %jit3A_226 = arith.constant 0.000000e+00 : f32
    %broadcast_in_dim3A_227 = vector.broadcast %floor3A_222 : f32 to vector<128x1xf32>
    %broadcast_in_dim3A_228 = vector.broadcast %jit3A_226 : f32 to vector<128x1xf32>
    %select_n3A_229 = arith.select %eq3A_225, %broadcast_in_dim3A_227, %broadcast_in_dim3A_228 : vector<128x1xi1>, vector<128x1xf32>
    %add3A_230 = arith.addf %add3A_202, %select_n3A_229 : vector<128x1xf32>
    %eq3A_231 = arith.constant 8.000000e+00 : f32
    %eq3A_232 = vector.broadcast %eq3A_231 : f32 to vector<80x128xf32>
    %eq3A_233 = arith.cmpf oeq, %get3A_13, %eq3A_232 : vector<80x128xf32>
    %jit3A_234 = arith.constant 1.000000e+00 : f32
    %jit3A_235 = arith.constant 0.000000e+00 : f32
    %broadcast_in_dim3A_236 = vector.broadcast %jit3A_234 : f32 to vector<80x128xf32>
    %broadcast_in_dim3A_237 = vector.broadcast %jit3A_235 : f32 to vector<80x128xf32>
    %select_n3A_238 = arith.select %eq3A_233, %broadcast_in_dim3A_236, %broadcast_in_dim3A_237 : vector<80x128xi1>, vector<80x128xf32>
    %reduce_sum3A_239 = vector.shape_cast %select_n3A_238 : vector<80x128xf32> to vector<1x80x128xf32>
    %reduce_sum3A_240 = arith.constant dense<0.000000e+00> : vector<1xf32>
    %reduce_sum3A_241 = vector.multi_reduction <add>, %reduce_sum3A_239, %reduce_sum3A_240 [1, 2] : vector<1x80x128xf32> to vector<1xf32>
    %reduce_sum3A_242 = vector.shape_cast %reduce_sum3A_241 : vector<1xf32> to vector<1x1x1xf32>
    %reduce_sum3A_243 = vector.extract %reduce_sum3A_242[0, 0, 0] : f32 from vector<1x1x1xf32>
    %mul3A_244 = arith.constant 9.000000e+00 : f32
    %mul3A_245 = arith.mulf %mul3A_244, %reduce_sum3A_243 : f32
    %add3A_246 = arith.constant 9.000000e+00 : f32
    %add3A_247 = arith.addf %mul3A_245, %add3A_246 : f32
    %div3A_248 = arith.constant 1.000000e+01 : f32
    %div3A_249 = arith.divf %add3A_247, %div3A_248 : f32
    %floor3A_250 = math.floor %div3A_249 : f32
    %eq3A_251 = arith.constant 8.000000e+00 : f32
    %eq3A_252 = vector.broadcast %eq3A_251 : f32 to vector<128x1xf32>
    %eq3A_253 = arith.cmpf oeq, %get3A_1, %eq3A_252 : vector<128x1xf32>
    %jit3A_254 = arith.constant 0.000000e+00 : f32
    %broadcast_in_dim3A_255 = vector.broadcast %floor3A_250 : f32 to vector<128x1xf32>
    %broadcast_in_dim3A_256 = vector.broadcast %jit3A_254 : f32 to vector<128x1xf32>
    %select_n3A_257 = arith.select %eq3A_253, %broadcast_in_dim3A_255, %broadcast_in_dim3A_256 : vector<128x1xi1>, vector<128x1xf32>
    %add3A_258 = arith.addf %add3A_230, %select_n3A_257 : vector<128x1xf32>
    %eq3A_259 = arith.constant 9.000000e+00 : f32
    %eq3A_260 = vector.broadcast %eq3A_259 : f32 to vector<80x128xf32>
    %eq3A_261 = arith.cmpf oeq, %get3A_13, %eq3A_260 : vector<80x128xf32>
    %jit3A_262 = arith.constant 1.000000e+00 : f32
    %jit3A_263 = arith.constant 0.000000e+00 : f32
    %broadcast_in_dim3A_264 = vector.broadcast %jit3A_262 : f32 to vector<80x128xf32>
    %broadcast_in_dim3A_265 = vector.broadcast %jit3A_263 : f32 to vector<80x128xf32>
    %select_n3A_266 = arith.select %eq3A_261, %broadcast_in_dim3A_264, %broadcast_in_dim3A_265 : vector<80x128xi1>, vector<80x128xf32>
    %reduce_sum3A_267 = vector.shape_cast %select_n3A_266 : vector<80x128xf32> to vector<1x80x128xf32>
    %reduce_sum3A_268 = arith.constant dense<0.000000e+00> : vector<1xf32>
    %reduce_sum3A_269 = vector.multi_reduction <add>, %reduce_sum3A_267, %reduce_sum3A_268 [1, 2] : vector<1x80x128xf32> to vector<1xf32>
    %reduce_sum3A_270 = vector.shape_cast %reduce_sum3A_269 : vector<1xf32> to vector<1x1x1xf32>
    %reduce_sum3A_271 = vector.extract %reduce_sum3A_270[0, 0, 0] : f32 from vector<1x1x1xf32>
    %mul3A_272 = arith.constant 9.000000e+00 : f32
    %mul3A_273 = arith.mulf %mul3A_272, %reduce_sum3A_271 : f32
    %add3A_274 = arith.constant 9.000000e+00 : f32
    %add3A_275 = arith.addf %mul3A_273, %add3A_274 : f32
    %div3A_276 = arith.constant 1.000000e+01 : f32
    %div3A_277 = arith.divf %add3A_275, %div3A_276 : f32
    %floor3A_278 = math.floor %div3A_277 : f32
    %eq3A_279 = arith.constant 9.000000e+00 : f32
    %eq3A_280 = vector.broadcast %eq3A_279 : f32 to vector<128x1xf32>
    %eq3A_281 = arith.cmpf oeq, %get3A_1, %eq3A_280 : vector<128x1xf32>
    %jit3A_282 = arith.constant 0.000000e+00 : f32
    %broadcast_in_dim3A_283 = vector.broadcast %floor3A_278 : f32 to vector<128x1xf32>
    %broadcast_in_dim3A_284 = vector.broadcast %jit3A_282 : f32 to vector<128x1xf32>
    %select_n3A_285 = arith.select %eq3A_281, %broadcast_in_dim3A_283, %broadcast_in_dim3A_284 : vector<128x1xi1>, vector<128x1xf32>
    %add3A_286 = arith.addf %add3A_258, %select_n3A_285 : vector<128x1xf32>
    %eq3A_287 = arith.constant 1.000000e+01 : f32
    %eq3A_288 = vector.broadcast %eq3A_287 : f32 to vector<80x128xf32>
    %eq3A_289 = arith.cmpf oeq, %get3A_13, %eq3A_288 : vector<80x128xf32>
    %jit3A_290 = arith.constant 1.000000e+00 : f32
    %jit3A_291 = arith.constant 0.000000e+00 : f32
    %broadcast_in_dim3A_292 = vector.broadcast %jit3A_290 : f32 to vector<80x128xf32>
    %broadcast_in_dim3A_293 = vector.broadcast %jit3A_291 : f32 to vector<80x128xf32>
    %select_n3A_294 = arith.select %eq3A_289, %broadcast_in_dim3A_292, %broadcast_in_dim3A_293 : vector<80x128xi1>, vector<80x128xf32>
    %reduce_sum3A_295 = vector.shape_cast %select_n3A_294 : vector<80x128xf32> to vector<1x80x128xf32>
    %reduce_sum3A_296 = arith.constant dense<0.000000e+00> : vector<1xf32>
    %reduce_sum3A_297 = vector.multi_reduction <add>, %reduce_sum3A_295, %reduce_sum3A_296 [1, 2] : vector<1x80x128xf32> to vector<1xf32>
    %reduce_sum3A_298 = vector.shape_cast %reduce_sum3A_297 : vector<1xf32> to vector<1x1x1xf32>
    %reduce_sum3A_299 = vector.extract %reduce_sum3A_298[0, 0, 0] : f32 from vector<1x1x1xf32>
    %mul3A_300 = arith.constant 9.000000e+00 : f32
    %mul3A_301 = arith.mulf %mul3A_300, %reduce_sum3A_299 : f32
    %add3A_302 = arith.constant 9.000000e+00 : f32
    %add3A_303 = arith.addf %mul3A_301, %add3A_302 : f32
    %div3A_304 = arith.constant 1.000000e+01 : f32
    %div3A_305 = arith.divf %add3A_303, %div3A_304 : f32
    %floor3A_306 = math.floor %div3A_305 : f32
    %eq3A_307 = arith.constant 1.000000e+01 : f32
    %eq3A_308 = vector.broadcast %eq3A_307 : f32 to vector<128x1xf32>
    %eq3A_309 = arith.cmpf oeq, %get3A_1, %eq3A_308 : vector<128x1xf32>
    %jit3A_310 = arith.constant 0.000000e+00 : f32
    %broadcast_in_dim3A_311 = vector.broadcast %floor3A_306 : f32 to vector<128x1xf32>
    %broadcast_in_dim3A_312 = vector.broadcast %jit3A_310 : f32 to vector<128x1xf32>
    %select_n3A_313 = arith.select %eq3A_309, %broadcast_in_dim3A_311, %broadcast_in_dim3A_312 : vector<128x1xi1>, vector<128x1xf32>
    %add3A_314 = arith.addf %add3A_286, %select_n3A_313 : vector<128x1xf32>
    %eq3A_315 = arith.constant 1.100000e+01 : f32
    %eq3A_316 = vector.broadcast %eq3A_315 : f32 to vector<80x128xf32>
    %eq3A_317 = arith.cmpf oeq, %get3A_13, %eq3A_316 : vector<80x128xf32>
    %jit3A_318 = arith.constant 1.000000e+00 : f32
    %jit3A_319 = arith.constant 0.000000e+00 : f32
    %broadcast_in_dim3A_320 = vector.broadcast %jit3A_318 : f32 to vector<80x128xf32>
    %broadcast_in_dim3A_321 = vector.broadcast %jit3A_319 : f32 to vector<80x128xf32>
    %select_n3A_322 = arith.select %eq3A_317, %broadcast_in_dim3A_320, %broadcast_in_dim3A_321 : vector<80x128xi1>, vector<80x128xf32>
    %reduce_sum3A_323 = vector.shape_cast %select_n3A_322 : vector<80x128xf32> to vector<1x80x128xf32>
    %reduce_sum3A_324 = arith.constant dense<0.000000e+00> : vector<1xf32>
    %reduce_sum3A_325 = vector.multi_reduction <add>, %reduce_sum3A_323, %reduce_sum3A_324 [1, 2] : vector<1x80x128xf32> to vector<1xf32>
    %reduce_sum3A_326 = vector.shape_cast %reduce_sum3A_325 : vector<1xf32> to vector<1x1x1xf32>
    %reduce_sum3A_327 = vector.extract %reduce_sum3A_326[0, 0, 0] : f32 from vector<1x1x1xf32>
    %mul3A_328 = arith.constant 9.000000e+00 : f32
    %mul3A_329 = arith.mulf %mul3A_328, %reduce_sum3A_327 : f32
    %add3A_330 = arith.constant 9.000000e+00 : f32
    %add3A_331 = arith.addf %mul3A_329, %add3A_330 : f32
    %div3A_332 = arith.constant 1.000000e+01 : f32
    %div3A_333 = arith.divf %add3A_331, %div3A_332 : f32
    %floor3A_334 = math.floor %div3A_333 : f32
    %eq3A_335 = arith.constant 1.100000e+01 : f32
    %eq3A_336 = vector.broadcast %eq3A_335 : f32 to vector<128x1xf32>
    %eq3A_337 = arith.cmpf oeq, %get3A_1, %eq3A_336 : vector<128x1xf32>
    %jit3A_338 = arith.constant 0.000000e+00 : f32
    %broadcast_in_dim3A_339 = vector.broadcast %floor3A_334 : f32 to vector<128x1xf32>
    %broadcast_in_dim3A_340 = vector.broadcast %jit3A_338 : f32 to vector<128x1xf32>
    %select_n3A_341 = arith.select %eq3A_337, %broadcast_in_dim3A_339, %broadcast_in_dim3A_340 : vector<128x1xi1>, vector<128x1xf32>
    %add3A_342 = arith.addf %add3A_314, %select_n3A_341 : vector<128x1xf32>
    %eq3A_343 = arith.constant 1.200000e+01 : f32
    %eq3A_344 = vector.broadcast %eq3A_343 : f32 to vector<80x128xf32>
    %eq3A_345 = arith.cmpf oeq, %get3A_13, %eq3A_344 : vector<80x128xf32>
    %jit3A_346 = arith.constant 1.000000e+00 : f32
    %jit3A_347 = arith.constant 0.000000e+00 : f32
    %broadcast_in_dim3A_348 = vector.broadcast %jit3A_346 : f32 to vector<80x128xf32>
    %broadcast_in_dim3A_349 = vector.broadcast %jit3A_347 : f32 to vector<80x128xf32>
    %select_n3A_350 = arith.select %eq3A_345, %broadcast_in_dim3A_348, %broadcast_in_dim3A_349 : vector<80x128xi1>, vector<80x128xf32>
    %reduce_sum3A_351 = vector.shape_cast %select_n3A_350 : vector<80x128xf32> to vector<1x80x128xf32>
    %reduce_sum3A_352 = arith.constant dense<0.000000e+00> : vector<1xf32>
    %reduce_sum3A_353 = vector.multi_reduction <add>, %reduce_sum3A_351, %reduce_sum3A_352 [1, 2] : vector<1x80x128xf32> to vector<1xf32>
    %reduce_sum3A_354 = vector.shape_cast %reduce_sum3A_353 : vector<1xf32> to vector<1x1x1xf32>
    %reduce_sum3A_355 = vector.extract %reduce_sum3A_354[0, 0, 0] : f32 from vector<1x1x1xf32>
    %mul3A_356 = arith.constant 9.000000e+00 : f32
    %mul3A_357 = arith.mulf %mul3A_356, %reduce_sum3A_355 : f32
    %add3A_358 = arith.constant 9.000000e+00 : f32
    %add3A_359 = arith.addf %mul3A_357, %add3A_358 : f32
    %div3A_360 = arith.constant 1.000000e+01 : f32
    %div3A_361 = arith.divf %add3A_359, %div3A_360 : f32
    %floor3A_362 = math.floor %div3A_361 : f32
    %eq3A_363 = arith.constant 1.200000e+01 : f32
    %eq3A_364 = vector.broadcast %eq3A_363 : f32 to vector<128x1xf32>
    %eq3A_365 = arith.cmpf oeq, %get3A_1, %eq3A_364 : vector<128x1xf32>
    %jit3A_366 = arith.constant 0.000000e+00 : f32
    %broadcast_in_dim3A_367 = vector.broadcast %floor3A_362 : f32 to vector<128x1xf32>
    %broadcast_in_dim3A_368 = vector.broadcast %jit3A_366 : f32 to vector<128x1xf32>
    %select_n3A_369 = arith.select %eq3A_365, %broadcast_in_dim3A_367, %broadcast_in_dim3A_368 : vector<128x1xi1>, vector<128x1xf32>
    %add3A_370 = arith.addf %add3A_342, %select_n3A_369 : vector<128x1xf32>
    %eq3A_371 = arith.constant 1.300000e+01 : f32
    %eq3A_372 = vector.broadcast %eq3A_371 : f32 to vector<80x128xf32>
    %eq3A_373 = arith.cmpf oeq, %get3A_13, %eq3A_372 : vector<80x128xf32>
    %jit3A_374 = arith.constant 1.000000e+00 : f32
    %jit3A_375 = arith.constant 0.000000e+00 : f32
    %broadcast_in_dim3A_376 = vector.broadcast %jit3A_374 : f32 to vector<80x128xf32>
    %broadcast_in_dim3A_377 = vector.broadcast %jit3A_375 : f32 to vector<80x128xf32>
    %select_n3A_378 = arith.select %eq3A_373, %broadcast_in_dim3A_376, %broadcast_in_dim3A_377 : vector<80x128xi1>, vector<80x128xf32>
    %reduce_sum3A_379 = vector.shape_cast %select_n3A_378 : vector<80x128xf32> to vector<1x80x128xf32>
    %reduce_sum3A_380 = arith.constant dense<0.000000e+00> : vector<1xf32>
    %reduce_sum3A_381 = vector.multi_reduction <add>, %reduce_sum3A_379, %reduce_sum3A_380 [1, 2] : vector<1x80x128xf32> to vector<1xf32>
    %reduce_sum3A_382 = vector.shape_cast %reduce_sum3A_381 : vector<1xf32> to vector<1x1x1xf32>
    %reduce_sum3A_383 = vector.extract %reduce_sum3A_382[0, 0, 0] : f32 from vector<1x1x1xf32>
    %mul3A_384 = arith.constant 9.000000e+00 : f32
    %mul3A_385 = arith.mulf %mul3A_384, %reduce_sum3A_383 : f32
    %add3A_386 = arith.constant 9.000000e+00 : f32
    %add3A_387 = arith.addf %mul3A_385, %add3A_386 : f32
    %div3A_388 = arith.constant 1.000000e+01 : f32
    %div3A_389 = arith.divf %add3A_387, %div3A_388 : f32
    %floor3A_390 = math.floor %div3A_389 : f32
    %eq3A_391 = arith.constant 1.300000e+01 : f32
    %eq3A_392 = vector.broadcast %eq3A_391 : f32 to vector<128x1xf32>
    %eq3A_393 = arith.cmpf oeq, %get3A_1, %eq3A_392 : vector<128x1xf32>
    %jit3A_394 = arith.constant 0.000000e+00 : f32
    %broadcast_in_dim3A_395 = vector.broadcast %floor3A_390 : f32 to vector<128x1xf32>
    %broadcast_in_dim3A_396 = vector.broadcast %jit3A_394 : f32 to vector<128x1xf32>
    %select_n3A_397 = arith.select %eq3A_393, %broadcast_in_dim3A_395, %broadcast_in_dim3A_396 : vector<128x1xi1>, vector<128x1xf32>
    %add3A_398 = arith.addf %add3A_370, %select_n3A_397 : vector<128x1xf32>
    %eq3A_399 = arith.constant 1.400000e+01 : f32
    %eq3A_400 = vector.broadcast %eq3A_399 : f32 to vector<80x128xf32>
    %eq3A_401 = arith.cmpf oeq, %get3A_13, %eq3A_400 : vector<80x128xf32>
    %jit3A_402 = arith.constant 1.000000e+00 : f32
    %jit3A_403 = arith.constant 0.000000e+00 : f32
    %broadcast_in_dim3A_404 = vector.broadcast %jit3A_402 : f32 to vector<80x128xf32>
    %broadcast_in_dim3A_405 = vector.broadcast %jit3A_403 : f32 to vector<80x128xf32>
    %select_n3A_406 = arith.select %eq3A_401, %broadcast_in_dim3A_404, %broadcast_in_dim3A_405 : vector<80x128xi1>, vector<80x128xf32>
    %reduce_sum3A_407 = vector.shape_cast %select_n3A_406 : vector<80x128xf32> to vector<1x80x128xf32>
    %reduce_sum3A_408 = arith.constant dense<0.000000e+00> : vector<1xf32>
    %reduce_sum3A_409 = vector.multi_reduction <add>, %reduce_sum3A_407, %reduce_sum3A_408 [1, 2] : vector<1x80x128xf32> to vector<1xf32>
    %reduce_sum3A_410 = vector.shape_cast %reduce_sum3A_409 : vector<1xf32> to vector<1x1x1xf32>
    %reduce_sum3A_411 = vector.extract %reduce_sum3A_410[0, 0, 0] : f32 from vector<1x1x1xf32>
    %mul3A_412 = arith.constant 9.000000e+00 : f32
    %mul3A_413 = arith.mulf %mul3A_412, %reduce_sum3A_411 : f32
    %add3A_414 = arith.constant 9.000000e+00 : f32
    %add3A_415 = arith.addf %mul3A_413, %add3A_414 : f32
    %div3A_416 = arith.constant 1.000000e+01 : f32
    %div3A_417 = arith.divf %add3A_415, %div3A_416 : f32
    %floor3A_418 = math.floor %div3A_417 : f32
    %eq3A_419 = arith.constant 1.400000e+01 : f32
    %eq3A_420 = vector.broadcast %eq3A_419 : f32 to vector<128x1xf32>
    %eq3A_421 = arith.cmpf oeq, %get3A_1, %eq3A_420 : vector<128x1xf32>
    %jit3A_422 = arith.constant 0.000000e+00 : f32
    %broadcast_in_dim3A_423 = vector.broadcast %floor3A_418 : f32 to vector<128x1xf32>
    %broadcast_in_dim3A_424 = vector.broadcast %jit3A_422 : f32 to vector<128x1xf32>
    %select_n3A_425 = arith.select %eq3A_421, %broadcast_in_dim3A_423, %broadcast_in_dim3A_424 : vector<128x1xi1>, vector<128x1xf32>
    %add3A_426 = arith.addf %add3A_398, %select_n3A_425 : vector<128x1xf32>
    %eq3A_427 = arith.constant 1.500000e+01 : f32
    %eq3A_428 = vector.broadcast %eq3A_427 : f32 to vector<80x128xf32>
    %eq3A_429 = arith.cmpf oeq, %get3A_13, %eq3A_428 : vector<80x128xf32>
    %jit3A_430 = arith.constant 1.000000e+00 : f32
    %jit3A_431 = arith.constant 0.000000e+00 : f32
    %broadcast_in_dim3A_432 = vector.broadcast %jit3A_430 : f32 to vector<80x128xf32>
    %broadcast_in_dim3A_433 = vector.broadcast %jit3A_431 : f32 to vector<80x128xf32>
    %select_n3A_434 = arith.select %eq3A_429, %broadcast_in_dim3A_432, %broadcast_in_dim3A_433 : vector<80x128xi1>, vector<80x128xf32>
    %reduce_sum3A_435 = vector.shape_cast %select_n3A_434 : vector<80x128xf32> to vector<1x80x128xf32>
    %reduce_sum3A_436 = arith.constant dense<0.000000e+00> : vector<1xf32>
    %reduce_sum3A_437 = vector.multi_reduction <add>, %reduce_sum3A_435, %reduce_sum3A_436 [1, 2] : vector<1x80x128xf32> to vector<1xf32>
    %reduce_sum3A_438 = vector.shape_cast %reduce_sum3A_437 : vector<1xf32> to vector<1x1x1xf32>
    %reduce_sum3A_439 = vector.extract %reduce_sum3A_438[0, 0, 0] : f32 from vector<1x1x1xf32>
    %mul3A_440 = arith.constant 9.000000e+00 : f32
    %mul3A_441 = arith.mulf %mul3A_440, %reduce_sum3A_439 : f32
    %add3A_442 = arith.constant 9.000000e+00 : f32
    %add3A_443 = arith.addf %mul3A_441, %add3A_442 : f32
    %div3A_444 = arith.constant 1.000000e+01 : f32
    %div3A_445 = arith.divf %add3A_443, %div3A_444 : f32
    %floor3A_446 = math.floor %div3A_445 : f32
    %eq3A_447 = arith.constant 1.500000e+01 : f32
    %eq3A_448 = vector.broadcast %eq3A_447 : f32 to vector<128x1xf32>
    %eq3A_449 = arith.cmpf oeq, %get3A_1, %eq3A_448 : vector<128x1xf32>
    %jit3A_450 = arith.constant 0.000000e+00 : f32
    %broadcast_in_dim3A_451 = vector.broadcast %floor3A_446 : f32 to vector<128x1xf32>
    %broadcast_in_dim3A_452 = vector.broadcast %jit3A_450 : f32 to vector<128x1xf32>
    %select_n3A_453 = arith.select %eq3A_449, %broadcast_in_dim3A_451, %broadcast_in_dim3A_452 : vector<128x1xi1>, vector<128x1xf32>
    %add3A_454 = arith.addf %add3A_426, %select_n3A_453 : vector<128x1xf32>
    %lt3A = arith.constant 1.600000e+01 : f32
    %lt3A_455 = vector.broadcast %lt3A : f32 to vector<128x1xf32>
    %lt3A_456 = arith.cmpf olt, %get3A_1, %lt3A_455 : vector<128x1xf32>
    %jit3A_457 = arith.constant -1.000000e+00 : f32
    %broadcast_in_dim3A_458 = vector.broadcast %jit3A_457 : f32 to vector<128x1xf32>
    %select_n3A_459 = arith.select %lt3A_456, %get3A_1, %broadcast_in_dim3A_458 : vector<128x1xi1>, vector<128x1xf32>
    %reduce_max3A = vector.shape_cast %select_n3A_459 : vector<128x1xf32> to vector<1x128x1xf32>
    %reduce_max3A_460 = arith.constant dense<0xFF800000> : vector<1xf32>
    %reduce_max3A_461 = vector.multi_reduction <maximumf>, %reduce_max3A, %reduce_max3A_460 [1, 2] : vector<1x128x1xf32> to vector<1xf32>
    %reduce_max3A_462 = vector.shape_cast %reduce_max3A_461 : vector<1xf32> to vector<1x1x1xf32>
    %reduce_max3A_463 = vector.extract %reduce_max3A_462[0, 0, 0] : f32 from vector<1x1x1xf32>
    %lt3A_464 = arith.constant 1.600000e+01 : f32
    %lt3A_465 = vector.broadcast %lt3A_464 : f32 to vector<128x1xf32>
    %lt3A_466 = arith.cmpf olt, %get3A_1, %lt3A_465 : vector<128x1xf32>
    %jit3A_467 = arith.constant 9.900000e+01 : f32
    %broadcast_in_dim3A_468 = vector.broadcast %jit3A_467 : f32 to vector<128x1xf32>
    %select_n3A_469 = arith.select %lt3A_466, %get3A_1, %broadcast_in_dim3A_468 : vector<128x1xi1>, vector<128x1xf32>
    %reduce_min3A = vector.shape_cast %select_n3A_469 : vector<128x1xf32> to vector<1x128x1xf32>
    %reduce_min3A_470 = arith.constant dense<0x7F800000> : vector<1xf32>
    %reduce_min3A_471 = vector.multi_reduction <minimumf>, %reduce_min3A, %reduce_min3A_470 [1, 2] : vector<1x128x1xf32> to vector<1xf32>
    %reduce_min3A_472 = vector.shape_cast %reduce_min3A_471 : vector<1xf32> to vector<1x1x1xf32>
    %reduce_min3A_473 = vector.extract %reduce_min3A_472[0, 0, 0] : f32 from vector<1x1x1xf32>
    %broadcast_in_dim3A_474 = arith.constant 0.000000e+00 : f32
    %broadcast_in_dim3A_475 = vector.broadcast %broadcast_in_dim3A_474 : f32 to vector<128x1xf32>
    %scan3A = arith.constant 0 : i32
    %scan3A_476 = arith.constant 80 : i32
    %scan3A_477 = arith.addi %scan3A, %scan3A_476 : i32
    %scan3A_478 = arith.constant 1 : i32
    %scan3A_479 = scf.for %scan3A_1343 = %scan3A to %scan3A_477 step %scan3A_478 iter_args(%scan3A_1344 = %broadcast_in_dim3A_475) -> (vector<128x1xf32>)  : i32 {
      %get3A_1345 = arith.index_cast %scan3A_1343 : i32 to index
      %get3A_1346 = arith.constant 0 : index
      %get3A_1347 = vector.load %arg2[%get3A_1345, %get3A_1346] : memref<80x128xf32, #tpu.memory_space<vmem>>, vector<1x128xf32>
      %lt3A_1348 = arith.constant 1.600000e+01 : f32
      %lt3A_1349 = vector.broadcast %lt3A_1348 : f32 to vector<1x128xf32>
      %lt3A_1350 = arith.cmpf olt, %get3A_1347, %lt3A_1349 : vector<1x128xf32>
      %jit3A_1351 = arith.constant 9.900000e+01 : f32
      %broadcast_in_dim3A_1352 = vector.broadcast %jit3A_1351 : f32 to vector<1x128xf32>
      %select_n3A_1353 = arith.select %lt3A_1350, %get3A_1347, %broadcast_in_dim3A_1352 : vector<1x128xi1>, vector<1x128xf32>
      %reduce_min3A_1354 = vector.shape_cast %select_n3A_1353 : vector<1x128xf32> to vector<1x1x128xf32>
      %reduce_min3A_1355 = arith.constant dense<0x7F800000> : vector<1xf32>
      %reduce_min3A_1356 = vector.multi_reduction <minimumf>, %reduce_min3A_1354, %reduce_min3A_1355 [1, 2] : vector<1x1x128xf32> to vector<1xf32>
      %reduce_min3A_1357 = vector.shape_cast %reduce_min3A_1356 : vector<1xf32> to vector<1x1x1xf32>
      %reduce_min3A_1358 = vector.extract %reduce_min3A_1357[0, 0, 0] : f32 from vector<1x1x1xf32>
      %lt3A_1359 = arith.constant 1.600000e+01 : f32
      %lt3A_1360 = vector.broadcast %lt3A_1359 : f32 to vector<1x128xf32>
      %lt3A_1361 = arith.cmpf olt, %get3A_1347, %lt3A_1360 : vector<1x128xf32>
      %jit3A_1362 = arith.constant -1.000000e+00 : f32
      %broadcast_in_dim3A_1363 = vector.broadcast %jit3A_1362 : f32 to vector<1x128xf32>
      %select_n3A_1364 = arith.select %lt3A_1361, %get3A_1347, %broadcast_in_dim3A_1363 : vector<1x128xi1>, vector<1x128xf32>
      %reduce_max3A_1365 = vector.shape_cast %select_n3A_1364 : vector<1x128xf32> to vector<1x1x128xf32>
      %reduce_max3A_1366 = arith.constant dense<0xFF800000> : vector<1xf32>
      %reduce_max3A_1367 = vector.multi_reduction <maximumf>, %reduce_max3A_1365, %reduce_max3A_1366 [1, 2] : vector<1x1x128xf32> to vector<1xf32>
      %reduce_max3A_1368 = vector.shape_cast %reduce_max3A_1367 : vector<1xf32> to vector<1x1x1xf32>
      %reduce_max3A_1369 = vector.extract %reduce_max3A_1368[0, 0, 0] : f32 from vector<1x1x1xf32>
      %le3A = arith.cmpf ole, %reduce_min3A_1358, %reduce_max3A_463 : f32
      %ge3A = arith.cmpf oge, %reduce_max3A_1369, %reduce_min3A_473 : f32
      %and3A_1370 = arith.andi %le3A, %ge3A : i1
      %convert_element_type3A_1371 = arith.extui %and3A_1370 : i1 to i32
      %cond3A_1372 = arith.constant 0 : i32
      %cond3A_1373 = arith.cmpi ne, %convert_element_type3A_1371, %cond3A_1372 : i32
      %cond3A_1374 = scf.if %cond3A_1373 -> (vector<128x1xf32>) {
        %get3A_1375 = arith.index_cast %scan3A_1343 : i32 to index
        %get3A_1376 = arith.constant 0 : index
        %get3A_1377 = vector.load %arg1[%get3A_1375, %get3A_1376] : memref<80x128xf32, #tpu.memory_space<vmem>>, vector<1x128xf32>
        %get3A_1378 = arith.index_cast %scan3A_1343 : i32 to index
        %get3A_1379 = arith.constant 0 : index
        %get3A_1380 = vector.load %arg3[%get3A_1378, %get3A_1379] : memref<80x128xf32, #tpu.memory_space<vmem>>, vector<1x128xf32>
        %eq3A_1381 = vector.broadcast %get3A_1347 : vector<1x128xf32> to vector<128x128xf32>
        %eq3A_1382 = vector.broadcast %get3A_1 : vector<128x1xf32> to vector<128x128xf32>
        %eq3A_1383 = arith.cmpf oeq, %eq3A_1381, %eq3A_1382 : vector<128x128xf32>
        %gt3A = vector.broadcast %get3A_1377 : vector<1x128xf32> to vector<128x128xf32>
        %gt3A_1384 = vector.broadcast %get3A_7 : vector<128x1xf32> to vector<128x128xf32>
        %gt3A_1385 = arith.cmpf ogt, %gt3A, %gt3A_1384 : vector<128x128xf32>
        %eq3A_1386 = vector.broadcast %get3A_1377 : vector<1x128xf32> to vector<128x128xf32>
        %eq3A_1387 = vector.broadcast %get3A_7 : vector<128x1xf32> to vector<128x128xf32>
        %eq3A_1388 = arith.cmpf oeq, %eq3A_1386, %eq3A_1387 : vector<128x128xf32>
        %lt3A_1389 = vector.broadcast %get3A_1380 : vector<1x128xf32> to vector<128x128xf32>
        %lt3A_1390 = vector.broadcast %get3A_4 : vector<128x1xf32> to vector<128x128xf32>
        %lt3A_1391 = arith.cmpf olt, %lt3A_1389, %lt3A_1390 : vector<128x128xf32>
        %and3A_1392 = arith.andi %eq3A_1388, %lt3A_1391 : vector<128x128xi1>
        %or3A = arith.ori %gt3A_1385, %and3A_1392 : vector<128x128xi1>
        %and3A_1393 = arith.andi %eq3A_1383, %or3A : vector<128x128xi1>
        %jit3A_1394 = arith.constant 1.000000e+00 : f32
        %jit3A_1395 = arith.constant 0.000000e+00 : f32
        %broadcast_in_dim3A_1396 = vector.broadcast %jit3A_1394 : f32 to vector<128x128xf32>
        %broadcast_in_dim3A_1397 = vector.broadcast %jit3A_1395 : f32 to vector<128x128xf32>
        %select_n3A_1398 = arith.select %and3A_1393, %broadcast_in_dim3A_1396, %broadcast_in_dim3A_1397 : vector<128x128xi1>, vector<128x128xf32>
        %reduce_sum3A_1399 = arith.constant dense<0.000000e+00> : vector<128xf32>
        %reduce_sum3A_1400 = vector.multi_reduction <add>, %select_n3A_1398, %reduce_sum3A_1399 [1] : vector<128x128xf32> to vector<128xf32>
        %broadcast_in_dim3A_1401 = vector.shape_cast %reduce_sum3A_1400 : vector<128xf32> to vector<128x1xf32>
        %add3A_1402 = arith.addf %scan3A_1344, %broadcast_in_dim3A_1401 : vector<128x1xf32>
        scf.yield %add3A_1402 : vector<128x1xf32>
      } else {
        scf.yield %scan3A_1344 : vector<128x1xf32>
      }
      scf.yield %cond3A_1374 : vector<128x1xf32>
    }
    %scan3A_480 = arith.constant 80 : i32
    %lt3A_481 = arith.cmpf olt, %scan3A_479, %add3A_454 : vector<128x1xf32>
    %lt3A_482 = arith.constant 1.600000e+01 : f32
    %lt3A_483 = vector.broadcast %lt3A_482 : f32 to vector<128x1xf32>
    %lt3A_484 = arith.cmpf olt, %get3A_1, %lt3A_483 : vector<128x1xf32>
    %and3A = arith.andi %lt3A_481, %lt3A_484 : vector<128x1xi1>
    %jit3A_485 = arith.constant 1.000000e+00 : f32
    %jit3A_486 = arith.constant 0.000000e+00 : f32
    %broadcast_in_dim3A_487 = vector.broadcast %jit3A_485 : f32 to vector<128x1xf32>
    %broadcast_in_dim3A_488 = vector.broadcast %jit3A_486 : f32 to vector<128x1xf32>
    %select_n3A_489 = arith.select %and3A, %broadcast_in_dim3A_487, %broadcast_in_dim3A_488 : vector<128x1xi1>, vector<128x1xf32>
    %mul3A_490 = vector.broadcast %get3A_7 : vector<128x1xf32> to vector<128x16xf32>
    %mul3A_491 = arith.mulf %get3A_10, %mul3A_490 : vector<128x16xf32>
    %mul3A_492 = vector.broadcast %select_n3A_489 : vector<128x1xf32> to vector<128x16xf32>
    %mul3A_493 = arith.mulf %mul3A_491, %mul3A_492 : vector<128x16xf32>
    %jit3A_494 = arith.constant 1.600000e+01 : f32
    %broadcast_in_dim3A_495 = vector.broadcast %jit3A_494 : f32 to vector<128x1xf32>
    %select_n3A_496 = arith.select %and3A, %get3A_1, %broadcast_in_dim3A_495 : vector<128x1xi1>, vector<128x1xf32>
    %swap3A = arith.constant 0 : index
    %swap3A_497 = arith.constant 0 : index
    %swap3A_498 = vector.load %arg10[%swap3A, %swap3A_497] : memref<128x1xf32, #tpu.memory_space<vmem>>, vector<128x1xf32>
    tpu.vector_store %arg10[%swap3A, %swap3A_497], %select_n3A_489 {strides = array<i32>} : memref<128x1xf32, #tpu.memory_space<vmem>>, vector<128x1xf32>,
    %swap3A_499 = arith.constant 0 : index
    %swap3A_500 = arith.constant 0 : index
    %swap3A_501 = vector.load %arg11[%swap3A_499, %swap3A_500] : memref<128x1xf32, #tpu.memory_space<vmem>>, vector<128x1xf32>
    tpu.vector_store %arg11[%swap3A_499, %swap3A_500], %select_n3A_496 {strides = array<i32>} : memref<128x1xf32, #tpu.memory_space<vmem>>, vector<128x1xf32>,
    %swap3A_502 = arith.constant 0 : index
    %swap3A_503 = arith.constant 0 : index
    %swap3A_504 = vector.load %arg12[%swap3A_502, %swap3A_503] : memref<128x1xf32, #tpu.memory_space<vmem>>, vector<128x1xf32>
    tpu.vector_store %arg12[%swap3A_502, %swap3A_503], %scan3A_479 {strides = array<i32>} : memref<128x1xf32, #tpu.memory_space<vmem>>, vector<128x1xf32>,
    %get3A_505 = arith.constant 0 : index
    %get3A_506 = arith.constant 0 : index
    %get3A_507 = vector.load %arg8[%get3A_505, %get3A_506] : memref<16x16xf32, #tpu.memory_space<vmem>>, vector<16x16xf32>
    %dot_general3A = arith.constant dense<0.000000e+00> : vector<128x16xf32>
    %dot_general3A_508 = tpu.matmul %mul3A_493, %get3A_507, %dot_general3A {dimension_numbers = #tpu.dot_dimension_numbers<[1], [0], [0], [1], [0, 0, 1, 1], [], []>, transpose_lhs_hint = false} : vector<128x16xf32>, vector<16x16xf32>, vector<128x16xf32> -> vector<128x16xf32>
    %swap3A_509 = arith.constant 0 : index
    %swap3A_510 = arith.constant 0 : index
    %swap3A_511 = vector.load %arg13[%swap3A_509, %swap3A_510] : memref<128x16xf32, #tpu.memory_space<vmem>>, vector<128x16xf32>
    tpu.vector_store %arg13[%swap3A_509, %swap3A_510], %dot_general3A_508 {strides = array<i32>} : memref<128x16xf32, #tpu.memory_space<vmem>>, vector<128x16xf32>,
    %get3A_512 = arith.constant 0 : index
    %get3A_513 = arith.constant 0 : index
    %get3A_514 = vector.load %arg9[%get3A_512, %get3A_513] : memref<16x16xf32, #tpu.memory_space<vmem>>, vector<16x16xf32>
    %dot_general3A_515 = arith.constant dense<0.000000e+00> : vector<128x16xf32>
    %dot_general3A_516 = tpu.matmul %mul3A_493, %get3A_514, %dot_general3A_515 {dimension_numbers = #tpu.dot_dimension_numbers<[1], [0], [0], [1], [0, 0, 1, 1], [], []>, transpose_lhs_hint = false} : vector<128x16xf32>, vector<16x16xf32>, vector<128x16xf32> -> vector<128x16xf32>
    %swap3A_517 = arith.constant 0 : index
    %swap3A_518 = arith.constant 0 : index
    %swap3A_519 = vector.load %arg14[%swap3A_517, %swap3A_518] : memref<128x16xf32, #tpu.memory_space<vmem>>, vector<128x16xf32>
    tpu.vector_store %arg14[%swap3A_517, %swap3A_518], %dot_general3A_516 {strides = array<i32>} : memref<128x16xf32, #tpu.memory_space<vmem>>, vector<128x16xf32>,
    %eq3A_520 = arith.constant 0 : i32
    %eq3A_521 = arith.cmpi eq, %arg0, %eq3A_520 : i32
    %convert_element_type3A = arith.extui %eq3A_521 : i1 to i32
    %cond3A = arith.constant 0 : i32
    %cond3A_522 = arith.cmpi ne, %convert_element_type3A, %cond3A : i32
    scf.if %cond3A_522 {
      %broadcast_in_dim3A_1343 = arith.constant 0xFF800000 : f32
      %broadcast_in_dim3A_1344 = vector.broadcast %broadcast_in_dim3A_1343 : f32 to vector<16x16xf32>
      %swap3A_1345 = arith.constant 0 : index
      %swap3A_1346 = arith.constant 0 : index
      %swap3A_1347 = vector.load %arg16[%swap3A_1345, %swap3A_1346] : memref<16x16xf32, #tpu.memory_space<vmem>>, vector<16x16xf32>
      tpu.vector_store %arg16[%swap3A_1345, %swap3A_1346], %broadcast_in_dim3A_1344 {strides = array<i32>} : memref<16x16xf32, #tpu.memory_space<vmem>>, vector<16x16xf32>,
      %broadcast_in_dim3A_1348 = arith.constant 0.000000e+00 : f32
      %broadcast_in_dim3A_1349 = vector.broadcast %broadcast_in_dim3A_1348 : f32 to vector<16x16xf32>
      %swap3A_1350 = arith.constant 0 : index
      %swap3A_1351 = arith.constant 0 : index
      %swap3A_1352 = vector.load %arg17[%swap3A_1350, %swap3A_1351] : memref<16x16xf32, #tpu.memory_space<vmem>>, vector<16x16xf32>
      tpu.vector_store %arg17[%swap3A_1350, %swap3A_1351], %broadcast_in_dim3A_1349 {strides = array<i32>} : memref<16x16xf32, #tpu.memory_space<vmem>>, vector<16x16xf32>,
      %broadcast_in_dim3A_1353 = arith.constant 0.000000e+00 : f32
      %broadcast_in_dim3A_1354 = vector.broadcast %broadcast_in_dim3A_1353 : f32 to vector<16x16xf32>
      %swap3A_1355 = arith.constant 0 : index
      %swap3A_1356 = arith.constant 0 : index
      %swap3A_1357 = vector.load %arg18[%swap3A_1355, %swap3A_1356] : memref<16x16xf32, #tpu.memory_space<vmem>>, vector<16x16xf32>
      tpu.vector_store %arg18[%swap3A_1355, %swap3A_1356], %broadcast_in_dim3A_1354 {strides = array<i32>} : memref<16x16xf32, #tpu.memory_space<vmem>>, vector<16x16xf32>,
    } else {
    }
    %eq3A_523 = arith.constant 0.000000e+00 : f32
    %eq3A_524 = vector.broadcast %eq3A_523 : f32 to vector<128x1xf32>
    %eq3A_525 = arith.cmpf oeq, %select_n3A_496, %eq3A_524 : vector<128x1xf32>
    %jit3A_526 = arith.constant 0xFF800000 : f32
    %broadcast_in_dim3A_527 = vector.shape_cast %eq3A_525 : vector<128x1xi1> to vector<128x1xi1>
    %broadcast_in_dim3A_528 = vector.broadcast %broadcast_in_dim3A_527 : vector<128x1xi1> to vector<128x16xi1>
    %broadcast_in_dim3A_529 = vector.broadcast %jit3A_526 : f32 to vector<128x16xf32>
    %select_n3A_530 = arith.select %broadcast_in_dim3A_528, %mul3A_493, %broadcast_in_dim3A_529 : vector<128x16xi1>, vector<128x16xf32>
    %jit3A_531 = arith.constant 0.000000e+00 : f32
    %broadcast_in_dim3A_532 = vector.shape_cast %eq3A_525 : vector<128x1xi1> to vector<128x1xi1>
    %broadcast_in_dim3A_533 = vector.broadcast %broadcast_in_dim3A_532 : vector<128x1xi1> to vector<128x16xi1>
    %broadcast_in_dim3A_534 = vector.broadcast %jit3A_531 : f32 to vector<128x16xf32>
    %select_n3A_535 = arith.select %broadcast_in_dim3A_533, %mul3A_493, %broadcast_in_dim3A_534 : vector<128x16xi1>, vector<128x16xf32>
    %get3A_536 = arith.constant 0 : index
    %get3A_537 = arith.constant 0 : index
    %get3A_538 = vector.load %arg16[%get3A_536, %get3A_537] : memref<16x16xf32, #tpu.memory_space<vmem>>, vector<1x16xf32>
    %reduce_max3A_539 = arith.constant dense<0xFF800000> : vector<16xf32>
    %reduce_max3A_540 = vector.multi_reduction <maximumf>, %select_n3A_530, %reduce_max3A_539 [0] : vector<128x16xf32> to vector<16xf32>
    %broadcast_in_dim3A_541 = vector.shape_cast %reduce_max3A_540 : vector<16xf32> to vector<1x16xf32>
    %max3A = arith.maximumf %get3A_538, %broadcast_in_dim3A_541 : vector<1x16xf32>
    %swap3A_542 = arith.constant 0 : index
    %swap3A_543 = arith.constant 0 : index
    %swap3A_544 = vector.load %arg16[%swap3A_542, %swap3A_543] : memref<16x16xf32, #tpu.memory_space<vmem>>, vector<1x16xf32>
    tpu.vector_store %arg16[%swap3A_542, %swap3A_543], %max3A {strides = array<i32>} : memref<16x16xf32, #tpu.memory_space<vmem>>, vector<1x16xf32>,
    %get3A_545 = arith.constant 0 : index
    %get3A_546 = arith.constant 0 : index
    %get3A_547 = vector.load %arg17[%get3A_545, %get3A_546] : memref<16x16xf32, #tpu.memory_space<vmem>>, vector<1x16xf32>
    %reduce_sum3A_548 = arith.constant dense<0.000000e+00> : vector<16xf32>
    %reduce_sum3A_549 = vector.multi_reduction <add>, %select_n3A_535, %reduce_sum3A_548 [0] : vector<128x16xf32> to vector<16xf32>
    %broadcast_in_dim3A_550 = vector.shape_cast %reduce_sum3A_549 : vector<16xf32> to vector<1x16xf32>
    %add3A_551 = arith.addf %get3A_547, %broadcast_in_dim3A_550 : vector<1x16xf32>
    %swap3A_552 = arith.constant 0 : index
    %swap3A_553 = arith.constant 0 : index
    %swap3A_554 = vector.load %arg17[%swap3A_552, %swap3A_553] : memref<16x16xf32, #tpu.memory_space<vmem>>, vector<1x16xf32>
    tpu.vector_store %arg17[%swap3A_552, %swap3A_553], %add3A_551 {strides = array<i32>} : memref<16x16xf32, #tpu.memory_space<vmem>>, vector<1x16xf32>,
    %get3A_555 = arith.constant 0 : index
    %get3A_556 = arith.constant 0 : index
    %get3A_557 = vector.load %arg18[%get3A_555, %get3A_556] : memref<16x16xf32, #tpu.memory_space<vmem>>, vector<1x16xf32>
    %jit3A_558 = arith.constant 1.000000e+00 : f32
    %jit3A_559 = arith.constant 0.000000e+00 : f32
    %broadcast_in_dim3A_560 = vector.broadcast %jit3A_558 : f32 to vector<128x1xf32>
    %broadcast_in_dim3A_561 = vector.broadcast %jit3A_559 : f32 to vector<128x1xf32>
    %select_n3A_562 = arith.select %eq3A_525, %broadcast_in_dim3A_560, %broadcast_in_dim3A_561 : vector<128x1xi1>, vector<128x1xf32>
    %reduce_sum3A_563 = vector.shape_cast %select_n3A_562 : vector<128x1xf32> to vector<1x128x1xf32>
    %reduce_sum3A_564 = arith.constant dense<0.000000e+00> : vector<1xf32>
    %reduce_sum3A_565 = vector.multi_reduction <add>, %reduce_sum3A_563, %reduce_sum3A_564 [1, 2] : vector<1x128x1xf32> to vector<1xf32>
    %reduce_sum3A_566 = vector.shape_cast %reduce_sum3A_565 : vector<1xf32> to vector<1x1x1xf32>
    %reduce_sum3A_567 = vector.extract %reduce_sum3A_566[0, 0, 0] : f32 from vector<1x1x1xf32>
    %add3A_568 = vector.broadcast %reduce_sum3A_567 : f32 to vector<1x16xf32>
    %add3A_569 = arith.addf %get3A_557, %add3A_568 : vector<1x16xf32>
    %swap3A_570 = arith.constant 0 : index
    %swap3A_571 = arith.constant 0 : index
    %swap3A_572 = vector.load %arg18[%swap3A_570, %swap3A_571] : memref<16x16xf32, #tpu.memory_space<vmem>>, vector<1x16xf32>
    tpu.vector_store %arg18[%swap3A_570, %swap3A_571], %add3A_569 {strides = array<i32>} : memref<16x16xf32, #tpu.memory_space<vmem>>, vector<1x16xf32>,
    %eq3A_573 = arith.constant 1.000000e+00 : f32
    %eq3A_574 = vector.broadcast %eq3A_573 : f32 to vector<128x1xf32>
    %eq3A_575 = arith.cmpf oeq, %select_n3A_496, %eq3A_574 : vector<128x1xf32>
    %jit3A_576 = arith.constant 0xFF800000 : f32
    %broadcast_in_dim3A_577 = vector.shape_cast %eq3A_575 : vector<128x1xi1> to vector<128x1xi1>
    %broadcast_in_dim3A_578 = vector.broadcast %broadcast_in_dim3A_577 : vector<128x1xi1> to vector<128x16xi1>
    %broadcast_in_dim3A_579 = vector.broadcast %jit3A_576 : f32 to vector<128x16xf32>
    %select_n3A_580 = arith.select %broadcast_in_dim3A_578, %mul3A_493, %broadcast_in_dim3A_579 : vector<128x16xi1>, vector<128x16xf32>
    %jit3A_581 = arith.constant 0.000000e+00 : f32
    %broadcast_in_dim3A_582 = vector.shape_cast %eq3A_575 : vector<128x1xi1> to vector<128x1xi1>
    %broadcast_in_dim3A_583 = vector.broadcast %broadcast_in_dim3A_582 : vector<128x1xi1> to vector<128x16xi1>
    %broadcast_in_dim3A_584 = vector.broadcast %jit3A_581 : f32 to vector<128x16xf32>
    %select_n3A_585 = arith.select %broadcast_in_dim3A_583, %mul3A_493, %broadcast_in_dim3A_584 : vector<128x16xi1>, vector<128x16xf32>
    %get3A_586 = arith.constant 1 : index
    %get3A_587 = arith.constant 0 : index
    %get3A_588 = vector.load %arg16[%get3A_586, %get3A_587] : memref<16x16xf32, #tpu.memory_space<vmem>>, vector<1x16xf32>
    %reduce_max3A_589 = arith.constant dense<0xFF800000> : vector<16xf32>
    %reduce_max3A_590 = vector.multi_reduction <maximumf>, %select_n3A_580, %reduce_max3A_589 [0] : vector<128x16xf32> to vector<16xf32>
    %broadcast_in_dim3A_591 = vector.shape_cast %reduce_max3A_590 : vector<16xf32> to vector<1x16xf32>
    %max3A_592 = arith.maximumf %get3A_588, %broadcast_in_dim3A_591 : vector<1x16xf32>
    %swap3A_593 = arith.constant 1 : index
    %swap3A_594 = arith.constant 0 : index
    %swap3A_595 = vector.load %arg16[%swap3A_593, %swap3A_594] : memref<16x16xf32, #tpu.memory_space<vmem>>, vector<1x16xf32>
    tpu.vector_store %arg16[%swap3A_593, %swap3A_594], %max3A_592 {strides = array<i32>} : memref<16x16xf32, #tpu.memory_space<vmem>>, vector<1x16xf32>,
    %get3A_596 = arith.constant 1 : index
    %get3A_597 = arith.constant 0 : index
    %get3A_598 = vector.load %arg17[%get3A_596, %get3A_597] : memref<16x16xf32, #tpu.memory_space<vmem>>, vector<1x16xf32>
    %reduce_sum3A_599 = arith.constant dense<0.000000e+00> : vector<16xf32>
    %reduce_sum3A_600 = vector.multi_reduction <add>, %select_n3A_585, %reduce_sum3A_599 [0] : vector<128x16xf32> to vector<16xf32>
    %broadcast_in_dim3A_601 = vector.shape_cast %reduce_sum3A_600 : vector<16xf32> to vector<1x16xf32>
    %add3A_602 = arith.addf %get3A_598, %broadcast_in_dim3A_601 : vector<1x16xf32>
    %swap3A_603 = arith.constant 1 : index
    %swap3A_604 = arith.constant 0 : index
    %swap3A_605 = vector.load %arg17[%swap3A_603, %swap3A_604] : memref<16x16xf32, #tpu.memory_space<vmem>>, vector<1x16xf32>
    tpu.vector_store %arg17[%swap3A_603, %swap3A_604], %add3A_602 {strides = array<i32>} : memref<16x16xf32, #tpu.memory_space<vmem>>, vector<1x16xf32>,
    %get3A_606 = arith.constant 1 : index
    %get3A_607 = arith.constant 0 : index
    %get3A_608 = vector.load %arg18[%get3A_606, %get3A_607] : memref<16x16xf32, #tpu.memory_space<vmem>>, vector<1x16xf32>
    %jit3A_609 = arith.constant 1.000000e+00 : f32
    %jit3A_610 = arith.constant 0.000000e+00 : f32
    %broadcast_in_dim3A_611 = vector.broadcast %jit3A_609 : f32 to vector<128x1xf32>
    %broadcast_in_dim3A_612 = vector.broadcast %jit3A_610 : f32 to vector<128x1xf32>
    %select_n3A_613 = arith.select %eq3A_575, %broadcast_in_dim3A_611, %broadcast_in_dim3A_612 : vector<128x1xi1>, vector<128x1xf32>
    %reduce_sum3A_614 = vector.shape_cast %select_n3A_613 : vector<128x1xf32> to vector<1x128x1xf32>
    %reduce_sum3A_615 = arith.constant dense<0.000000e+00> : vector<1xf32>
    %reduce_sum3A_616 = vector.multi_reduction <add>, %reduce_sum3A_614, %reduce_sum3A_615 [1, 2] : vector<1x128x1xf32> to vector<1xf32>
    %reduce_sum3A_617 = vector.shape_cast %reduce_sum3A_616 : vector<1xf32> to vector<1x1x1xf32>
    %reduce_sum3A_618 = vector.extract %reduce_sum3A_617[0, 0, 0] : f32 from vector<1x1x1xf32>
    %add3A_619 = vector.broadcast %reduce_sum3A_618 : f32 to vector<1x16xf32>
    %add3A_620 = arith.addf %get3A_608, %add3A_619 : vector<1x16xf32>
    %swap3A_621 = arith.constant 1 : index
    %swap3A_622 = arith.constant 0 : index
    %swap3A_623 = vector.load %arg18[%swap3A_621, %swap3A_622] : memref<16x16xf32, #tpu.memory_space<vmem>>, vector<1x16xf32>
    tpu.vector_store %arg18[%swap3A_621, %swap3A_622], %add3A_620 {strides = array<i32>} : memref<16x16xf32, #tpu.memory_space<vmem>>, vector<1x16xf32>,
    %eq3A_624 = arith.constant 2.000000e+00 : f32
    %eq3A_625 = vector.broadcast %eq3A_624 : f32 to vector<128x1xf32>
    %eq3A_626 = arith.cmpf oeq, %select_n3A_496, %eq3A_625 : vector<128x1xf32>
    %jit3A_627 = arith.constant 0xFF800000 : f32
    %broadcast_in_dim3A_628 = vector.shape_cast %eq3A_626 : vector<128x1xi1> to vector<128x1xi1>
    %broadcast_in_dim3A_629 = vector.broadcast %broadcast_in_dim3A_628 : vector<128x1xi1> to vector<128x16xi1>
    %broadcast_in_dim3A_630 = vector.broadcast %jit3A_627 : f32 to vector<128x16xf32>
    %select_n3A_631 = arith.select %broadcast_in_dim3A_629, %mul3A_493, %broadcast_in_dim3A_630 : vector<128x16xi1>, vector<128x16xf32>
    %jit3A_632 = arith.constant 0.000000e+00 : f32
    %broadcast_in_dim3A_633 = vector.shape_cast %eq3A_626 : vector<128x1xi1> to vector<128x1xi1>
    %broadcast_in_dim3A_634 = vector.broadcast %broadcast_in_dim3A_633 : vector<128x1xi1> to vector<128x16xi1>
    %broadcast_in_dim3A_635 = vector.broadcast %jit3A_632 : f32 to vector<128x16xf32>
    %select_n3A_636 = arith.select %broadcast_in_dim3A_634, %mul3A_493, %broadcast_in_dim3A_635 : vector<128x16xi1>, vector<128x16xf32>
    %get3A_637 = arith.constant 2 : index
    %get3A_638 = arith.constant 0 : index
    %get3A_639 = vector.load %arg16[%get3A_637, %get3A_638] : memref<16x16xf32, #tpu.memory_space<vmem>>, vector<1x16xf32>
    %reduce_max3A_640 = arith.constant dense<0xFF800000> : vector<16xf32>
    %reduce_max3A_641 = vector.multi_reduction <maximumf>, %select_n3A_631, %reduce_max3A_640 [0] : vector<128x16xf32> to vector<16xf32>
    %broadcast_in_dim3A_642 = vector.shape_cast %reduce_max3A_641 : vector<16xf32> to vector<1x16xf32>
    %max3A_643 = arith.maximumf %get3A_639, %broadcast_in_dim3A_642 : vector<1x16xf32>
    %swap3A_644 = arith.constant 2 : index
    %swap3A_645 = arith.constant 0 : index
    %swap3A_646 = vector.load %arg16[%swap3A_644, %swap3A_645] : memref<16x16xf32, #tpu.memory_space<vmem>>, vector<1x16xf32>
    tpu.vector_store %arg16[%swap3A_644, %swap3A_645], %max3A_643 {strides = array<i32>} : memref<16x16xf32, #tpu.memory_space<vmem>>, vector<1x16xf32>,
    %get3A_647 = arith.constant 2 : index
    %get3A_648 = arith.constant 0 : index
    %get3A_649 = vector.load %arg17[%get3A_647, %get3A_648] : memref<16x16xf32, #tpu.memory_space<vmem>>, vector<1x16xf32>
    %reduce_sum3A_650 = arith.constant dense<0.000000e+00> : vector<16xf32>
    %reduce_sum3A_651 = vector.multi_reduction <add>, %select_n3A_636, %reduce_sum3A_650 [0] : vector<128x16xf32> to vector<16xf32>
    %broadcast_in_dim3A_652 = vector.shape_cast %reduce_sum3A_651 : vector<16xf32> to vector<1x16xf32>
    %add3A_653 = arith.addf %get3A_649, %broadcast_in_dim3A_652 : vector<1x16xf32>
    %swap3A_654 = arith.constant 2 : index
    %swap3A_655 = arith.constant 0 : index
    %swap3A_656 = vector.load %arg17[%swap3A_654, %swap3A_655] : memref<16x16xf32, #tpu.memory_space<vmem>>, vector<1x16xf32>
    tpu.vector_store %arg17[%swap3A_654, %swap3A_655], %add3A_653 {strides = array<i32>} : memref<16x16xf32, #tpu.memory_space<vmem>>, vector<1x16xf32>,
    %get3A_657 = arith.constant 2 : index
    %get3A_658 = arith.constant 0 : index
    %get3A_659 = vector.load %arg18[%get3A_657, %get3A_658] : memref<16x16xf32, #tpu.memory_space<vmem>>, vector<1x16xf32>
    %jit3A_660 = arith.constant 1.000000e+00 : f32
    %jit3A_661 = arith.constant 0.000000e+00 : f32
    %broadcast_in_dim3A_662 = vector.broadcast %jit3A_660 : f32 to vector<128x1xf32>
    %broadcast_in_dim3A_663 = vector.broadcast %jit3A_661 : f32 to vector<128x1xf32>
    %select_n3A_664 = arith.select %eq3A_626, %broadcast_in_dim3A_662, %broadcast_in_dim3A_663 : vector<128x1xi1>, vector<128x1xf32>
    %reduce_sum3A_665 = vector.shape_cast %select_n3A_664 : vector<128x1xf32> to vector<1x128x1xf32>
    %reduce_sum3A_666 = arith.constant dense<0.000000e+00> : vector<1xf32>
    %reduce_sum3A_667 = vector.multi_reduction <add>, %reduce_sum3A_665, %reduce_sum3A_666 [1, 2] : vector<1x128x1xf32> to vector<1xf32>
    %reduce_sum3A_668 = vector.shape_cast %reduce_sum3A_667 : vector<1xf32> to vector<1x1x1xf32>
    %reduce_sum3A_669 = vector.extract %reduce_sum3A_668[0, 0, 0] : f32 from vector<1x1x1xf32>
    %add3A_670 = vector.broadcast %reduce_sum3A_669 : f32 to vector<1x16xf32>
    %add3A_671 = arith.addf %get3A_659, %add3A_670 : vector<1x16xf32>
    %swap3A_672 = arith.constant 2 : index
    %swap3A_673 = arith.constant 0 : index
    %swap3A_674 = vector.load %arg18[%swap3A_672, %swap3A_673] : memref<16x16xf32, #tpu.memory_space<vmem>>, vector<1x16xf32>
    tpu.vector_store %arg18[%swap3A_672, %swap3A_673], %add3A_671 {strides = array<i32>} : memref<16x16xf32, #tpu.memory_space<vmem>>, vector<1x16xf32>,
    %eq3A_675 = arith.constant 3.000000e+00 : f32
    %eq3A_676 = vector.broadcast %eq3A_675 : f32 to vector<128x1xf32>
    %eq3A_677 = arith.cmpf oeq, %select_n3A_496, %eq3A_676 : vector<128x1xf32>
    %jit3A_678 = arith.constant 0xFF800000 : f32
    %broadcast_in_dim3A_679 = vector.shape_cast %eq3A_677 : vector<128x1xi1> to vector<128x1xi1>
    %broadcast_in_dim3A_680 = vector.broadcast %broadcast_in_dim3A_679 : vector<128x1xi1> to vector<128x16xi1>
    %broadcast_in_dim3A_681 = vector.broadcast %jit3A_678 : f32 to vector<128x16xf32>
    %select_n3A_682 = arith.select %broadcast_in_dim3A_680, %mul3A_493, %broadcast_in_dim3A_681 : vector<128x16xi1>, vector<128x16xf32>
    %jit3A_683 = arith.constant 0.000000e+00 : f32
    %broadcast_in_dim3A_684 = vector.shape_cast %eq3A_677 : vector<128x1xi1> to vector<128x1xi1>
    %broadcast_in_dim3A_685 = vector.broadcast %broadcast_in_dim3A_684 : vector<128x1xi1> to vector<128x16xi1>
    %broadcast_in_dim3A_686 = vector.broadcast %jit3A_683 : f32 to vector<128x16xf32>
    %select_n3A_687 = arith.select %broadcast_in_dim3A_685, %mul3A_493, %broadcast_in_dim3A_686 : vector<128x16xi1>, vector<128x16xf32>
    %get3A_688 = arith.constant 3 : index
    %get3A_689 = arith.constant 0 : index
    %get3A_690 = vector.load %arg16[%get3A_688, %get3A_689] : memref<16x16xf32, #tpu.memory_space<vmem>>, vector<1x16xf32>
    %reduce_max3A_691 = arith.constant dense<0xFF800000> : vector<16xf32>
    %reduce_max3A_692 = vector.multi_reduction <maximumf>, %select_n3A_682, %reduce_max3A_691 [0] : vector<128x16xf32> to vector<16xf32>
    %broadcast_in_dim3A_693 = vector.shape_cast %reduce_max3A_692 : vector<16xf32> to vector<1x16xf32>
    %max3A_694 = arith.maximumf %get3A_690, %broadcast_in_dim3A_693 : vector<1x16xf32>
    %swap3A_695 = arith.constant 3 : index
    %swap3A_696 = arith.constant 0 : index
    %swap3A_697 = vector.load %arg16[%swap3A_695, %swap3A_696] : memref<16x16xf32, #tpu.memory_space<vmem>>, vector<1x16xf32>
    tpu.vector_store %arg16[%swap3A_695, %swap3A_696], %max3A_694 {strides = array<i32>} : memref<16x16xf32, #tpu.memory_space<vmem>>, vector<1x16xf32>,
    %get3A_698 = arith.constant 3 : index
    %get3A_699 = arith.constant 0 : index
    %get3A_700 = vector.load %arg17[%get3A_698, %get3A_699] : memref<16x16xf32, #tpu.memory_space<vmem>>, vector<1x16xf32>
    %reduce_sum3A_701 = arith.constant dense<0.000000e+00> : vector<16xf32>
    %reduce_sum3A_702 = vector.multi_reduction <add>, %select_n3A_687, %reduce_sum3A_701 [0] : vector<128x16xf32> to vector<16xf32>
    %broadcast_in_dim3A_703 = vector.shape_cast %reduce_sum3A_702 : vector<16xf32> to vector<1x16xf32>
    %add3A_704 = arith.addf %get3A_700, %broadcast_in_dim3A_703 : vector<1x16xf32>
    %swap3A_705 = arith.constant 3 : index
    %swap3A_706 = arith.constant 0 : index
    %swap3A_707 = vector.load %arg17[%swap3A_705, %swap3A_706] : memref<16x16xf32, #tpu.memory_space<vmem>>, vector<1x16xf32>
    tpu.vector_store %arg17[%swap3A_705, %swap3A_706], %add3A_704 {strides = array<i32>} : memref<16x16xf32, #tpu.memory_space<vmem>>, vector<1x16xf32>,
    %get3A_708 = arith.constant 3 : index
    %get3A_709 = arith.constant 0 : index
    %get3A_710 = vector.load %arg18[%get3A_708, %get3A_709] : memref<16x16xf32, #tpu.memory_space<vmem>>, vector<1x16xf32>
    %jit3A_711 = arith.constant 1.000000e+00 : f32
    %jit3A_712 = arith.constant 0.000000e+00 : f32
    %broadcast_in_dim3A_713 = vector.broadcast %jit3A_711 : f32 to vector<128x1xf32>
    %broadcast_in_dim3A_714 = vector.broadcast %jit3A_712 : f32 to vector<128x1xf32>
    %select_n3A_715 = arith.select %eq3A_677, %broadcast_in_dim3A_713, %broadcast_in_dim3A_714 : vector<128x1xi1>, vector<128x1xf32>
    %reduce_sum3A_716 = vector.shape_cast %select_n3A_715 : vector<128x1xf32> to vector<1x128x1xf32>
    %reduce_sum3A_717 = arith.constant dense<0.000000e+00> : vector<1xf32>
    %reduce_sum3A_718 = vector.multi_reduction <add>, %reduce_sum3A_716, %reduce_sum3A_717 [1, 2] : vector<1x128x1xf32> to vector<1xf32>
    %reduce_sum3A_719 = vector.shape_cast %reduce_sum3A_718 : vector<1xf32> to vector<1x1x1xf32>
    %reduce_sum3A_720 = vector.extract %reduce_sum3A_719[0, 0, 0] : f32 from vector<1x1x1xf32>
    %add3A_721 = vector.broadcast %reduce_sum3A_720 : f32 to vector<1x16xf32>
    %add3A_722 = arith.addf %get3A_710, %add3A_721 : vector<1x16xf32>
    %swap3A_723 = arith.constant 3 : index
    %swap3A_724 = arith.constant 0 : index
    %swap3A_725 = vector.load %arg18[%swap3A_723, %swap3A_724] : memref<16x16xf32, #tpu.memory_space<vmem>>, vector<1x16xf32>
    tpu.vector_store %arg18[%swap3A_723, %swap3A_724], %add3A_722 {strides = array<i32>} : memref<16x16xf32, #tpu.memory_space<vmem>>, vector<1x16xf32>,
    %eq3A_726 = arith.constant 4.000000e+00 : f32
    %eq3A_727 = vector.broadcast %eq3A_726 : f32 to vector<128x1xf32>
    %eq3A_728 = arith.cmpf oeq, %select_n3A_496, %eq3A_727 : vector<128x1xf32>
    %jit3A_729 = arith.constant 0xFF800000 : f32
    %broadcast_in_dim3A_730 = vector.shape_cast %eq3A_728 : vector<128x1xi1> to vector<128x1xi1>
    %broadcast_in_dim3A_731 = vector.broadcast %broadcast_in_dim3A_730 : vector<128x1xi1> to vector<128x16xi1>
    %broadcast_in_dim3A_732 = vector.broadcast %jit3A_729 : f32 to vector<128x16xf32>
    %select_n3A_733 = arith.select %broadcast_in_dim3A_731, %mul3A_493, %broadcast_in_dim3A_732 : vector<128x16xi1>, vector<128x16xf32>
    %jit3A_734 = arith.constant 0.000000e+00 : f32
    %broadcast_in_dim3A_735 = vector.shape_cast %eq3A_728 : vector<128x1xi1> to vector<128x1xi1>
    %broadcast_in_dim3A_736 = vector.broadcast %broadcast_in_dim3A_735 : vector<128x1xi1> to vector<128x16xi1>
    %broadcast_in_dim3A_737 = vector.broadcast %jit3A_734 : f32 to vector<128x16xf32>
    %select_n3A_738 = arith.select %broadcast_in_dim3A_736, %mul3A_493, %broadcast_in_dim3A_737 : vector<128x16xi1>, vector<128x16xf32>
    %get3A_739 = arith.constant 4 : index
    %get3A_740 = arith.constant 0 : index
    %get3A_741 = vector.load %arg16[%get3A_739, %get3A_740] : memref<16x16xf32, #tpu.memory_space<vmem>>, vector<1x16xf32>
    %reduce_max3A_742 = arith.constant dense<0xFF800000> : vector<16xf32>
    %reduce_max3A_743 = vector.multi_reduction <maximumf>, %select_n3A_733, %reduce_max3A_742 [0] : vector<128x16xf32> to vector<16xf32>
    %broadcast_in_dim3A_744 = vector.shape_cast %reduce_max3A_743 : vector<16xf32> to vector<1x16xf32>
    %max3A_745 = arith.maximumf %get3A_741, %broadcast_in_dim3A_744 : vector<1x16xf32>
    %swap3A_746 = arith.constant 4 : index
    %swap3A_747 = arith.constant 0 : index
    %swap3A_748 = vector.load %arg16[%swap3A_746, %swap3A_747] : memref<16x16xf32, #tpu.memory_space<vmem>>, vector<1x16xf32>
    tpu.vector_store %arg16[%swap3A_746, %swap3A_747], %max3A_745 {strides = array<i32>} : memref<16x16xf32, #tpu.memory_space<vmem>>, vector<1x16xf32>,
    %get3A_749 = arith.constant 4 : index
    %get3A_750 = arith.constant 0 : index
    %get3A_751 = vector.load %arg17[%get3A_749, %get3A_750] : memref<16x16xf32, #tpu.memory_space<vmem>>, vector<1x16xf32>
    %reduce_sum3A_752 = arith.constant dense<0.000000e+00> : vector<16xf32>
    %reduce_sum3A_753 = vector.multi_reduction <add>, %select_n3A_738, %reduce_sum3A_752 [0] : vector<128x16xf32> to vector<16xf32>
    %broadcast_in_dim3A_754 = vector.shape_cast %reduce_sum3A_753 : vector<16xf32> to vector<1x16xf32>
    %add3A_755 = arith.addf %get3A_751, %broadcast_in_dim3A_754 : vector<1x16xf32>
    %swap3A_756 = arith.constant 4 : index
    %swap3A_757 = arith.constant 0 : index
    %swap3A_758 = vector.load %arg17[%swap3A_756, %swap3A_757] : memref<16x16xf32, #tpu.memory_space<vmem>>, vector<1x16xf32>
    tpu.vector_store %arg17[%swap3A_756, %swap3A_757], %add3A_755 {strides = array<i32>} : memref<16x16xf32, #tpu.memory_space<vmem>>, vector<1x16xf32>,
    %get3A_759 = arith.constant 4 : index
    %get3A_760 = arith.constant 0 : index
    %get3A_761 = vector.load %arg18[%get3A_759, %get3A_760] : memref<16x16xf32, #tpu.memory_space<vmem>>, vector<1x16xf32>
    %jit3A_762 = arith.constant 1.000000e+00 : f32
    %jit3A_763 = arith.constant 0.000000e+00 : f32
    %broadcast_in_dim3A_764 = vector.broadcast %jit3A_762 : f32 to vector<128x1xf32>
    %broadcast_in_dim3A_765 = vector.broadcast %jit3A_763 : f32 to vector<128x1xf32>
    %select_n3A_766 = arith.select %eq3A_728, %broadcast_in_dim3A_764, %broadcast_in_dim3A_765 : vector<128x1xi1>, vector<128x1xf32>
    %reduce_sum3A_767 = vector.shape_cast %select_n3A_766 : vector<128x1xf32> to vector<1x128x1xf32>
    %reduce_sum3A_768 = arith.constant dense<0.000000e+00> : vector<1xf32>
    %reduce_sum3A_769 = vector.multi_reduction <add>, %reduce_sum3A_767, %reduce_sum3A_768 [1, 2] : vector<1x128x1xf32> to vector<1xf32>
    %reduce_sum3A_770 = vector.shape_cast %reduce_sum3A_769 : vector<1xf32> to vector<1x1x1xf32>
    %reduce_sum3A_771 = vector.extract %reduce_sum3A_770[0, 0, 0] : f32 from vector<1x1x1xf32>
    %add3A_772 = vector.broadcast %reduce_sum3A_771 : f32 to vector<1x16xf32>
    %add3A_773 = arith.addf %get3A_761, %add3A_772 : vector<1x16xf32>
    %swap3A_774 = arith.constant 4 : index
    %swap3A_775 = arith.constant 0 : index
    %swap3A_776 = vector.load %arg18[%swap3A_774, %swap3A_775] : memref<16x16xf32, #tpu.memory_space<vmem>>, vector<1x16xf32>
    tpu.vector_store %arg18[%swap3A_774, %swap3A_775], %add3A_773 {strides = array<i32>} : memref<16x16xf32, #tpu.memory_space<vmem>>, vector<1x16xf32>,
    %eq3A_777 = arith.constant 5.000000e+00 : f32
    %eq3A_778 = vector.broadcast %eq3A_777 : f32 to vector<128x1xf32>
    %eq3A_779 = arith.cmpf oeq, %select_n3A_496, %eq3A_778 : vector<128x1xf32>
    %jit3A_780 = arith.constant 0xFF800000 : f32
    %broadcast_in_dim3A_781 = vector.shape_cast %eq3A_779 : vector<128x1xi1> to vector<128x1xi1>
    %broadcast_in_dim3A_782 = vector.broadcast %broadcast_in_dim3A_781 : vector<128x1xi1> to vector<128x16xi1>
    %broadcast_in_dim3A_783 = vector.broadcast %jit3A_780 : f32 to vector<128x16xf32>
    %select_n3A_784 = arith.select %broadcast_in_dim3A_782, %mul3A_493, %broadcast_in_dim3A_783 : vector<128x16xi1>, vector<128x16xf32>
    %jit3A_785 = arith.constant 0.000000e+00 : f32
    %broadcast_in_dim3A_786 = vector.shape_cast %eq3A_779 : vector<128x1xi1> to vector<128x1xi1>
    %broadcast_in_dim3A_787 = vector.broadcast %broadcast_in_dim3A_786 : vector<128x1xi1> to vector<128x16xi1>
    %broadcast_in_dim3A_788 = vector.broadcast %jit3A_785 : f32 to vector<128x16xf32>
    %select_n3A_789 = arith.select %broadcast_in_dim3A_787, %mul3A_493, %broadcast_in_dim3A_788 : vector<128x16xi1>, vector<128x16xf32>
    %get3A_790 = arith.constant 5 : index
    %get3A_791 = arith.constant 0 : index
    %get3A_792 = vector.load %arg16[%get3A_790, %get3A_791] : memref<16x16xf32, #tpu.memory_space<vmem>>, vector<1x16xf32>
    %reduce_max3A_793 = arith.constant dense<0xFF800000> : vector<16xf32>
    %reduce_max3A_794 = vector.multi_reduction <maximumf>, %select_n3A_784, %reduce_max3A_793 [0] : vector<128x16xf32> to vector<16xf32>
    %broadcast_in_dim3A_795 = vector.shape_cast %reduce_max3A_794 : vector<16xf32> to vector<1x16xf32>
    %max3A_796 = arith.maximumf %get3A_792, %broadcast_in_dim3A_795 : vector<1x16xf32>
    %swap3A_797 = arith.constant 5 : index
    %swap3A_798 = arith.constant 0 : index
    %swap3A_799 = vector.load %arg16[%swap3A_797, %swap3A_798] : memref<16x16xf32, #tpu.memory_space<vmem>>, vector<1x16xf32>
    tpu.vector_store %arg16[%swap3A_797, %swap3A_798], %max3A_796 {strides = array<i32>} : memref<16x16xf32, #tpu.memory_space<vmem>>, vector<1x16xf32>,
    %get3A_800 = arith.constant 5 : index
    %get3A_801 = arith.constant 0 : index
    %get3A_802 = vector.load %arg17[%get3A_800, %get3A_801] : memref<16x16xf32, #tpu.memory_space<vmem>>, vector<1x16xf32>
    %reduce_sum3A_803 = arith.constant dense<0.000000e+00> : vector<16xf32>
    %reduce_sum3A_804 = vector.multi_reduction <add>, %select_n3A_789, %reduce_sum3A_803 [0] : vector<128x16xf32> to vector<16xf32>
    %broadcast_in_dim3A_805 = vector.shape_cast %reduce_sum3A_804 : vector<16xf32> to vector<1x16xf32>
    %add3A_806 = arith.addf %get3A_802, %broadcast_in_dim3A_805 : vector<1x16xf32>
    %swap3A_807 = arith.constant 5 : index
    %swap3A_808 = arith.constant 0 : index
    %swap3A_809 = vector.load %arg17[%swap3A_807, %swap3A_808] : memref<16x16xf32, #tpu.memory_space<vmem>>, vector<1x16xf32>
    tpu.vector_store %arg17[%swap3A_807, %swap3A_808], %add3A_806 {strides = array<i32>} : memref<16x16xf32, #tpu.memory_space<vmem>>, vector<1x16xf32>,
    %get3A_810 = arith.constant 5 : index
    %get3A_811 = arith.constant 0 : index
    %get3A_812 = vector.load %arg18[%get3A_810, %get3A_811] : memref<16x16xf32, #tpu.memory_space<vmem>>, vector<1x16xf32>
    %jit3A_813 = arith.constant 1.000000e+00 : f32
    %jit3A_814 = arith.constant 0.000000e+00 : f32
    %broadcast_in_dim3A_815 = vector.broadcast %jit3A_813 : f32 to vector<128x1xf32>
    %broadcast_in_dim3A_816 = vector.broadcast %jit3A_814 : f32 to vector<128x1xf32>
    %select_n3A_817 = arith.select %eq3A_779, %broadcast_in_dim3A_815, %broadcast_in_dim3A_816 : vector<128x1xi1>, vector<128x1xf32>
    %reduce_sum3A_818 = vector.shape_cast %select_n3A_817 : vector<128x1xf32> to vector<1x128x1xf32>
    %reduce_sum3A_819 = arith.constant dense<0.000000e+00> : vector<1xf32>
    %reduce_sum3A_820 = vector.multi_reduction <add>, %reduce_sum3A_818, %reduce_sum3A_819 [1, 2] : vector<1x128x1xf32> to vector<1xf32>
    %reduce_sum3A_821 = vector.shape_cast %reduce_sum3A_820 : vector<1xf32> to vector<1x1x1xf32>
    %reduce_sum3A_822 = vector.extract %reduce_sum3A_821[0, 0, 0] : f32 from vector<1x1x1xf32>
    %add3A_823 = vector.broadcast %reduce_sum3A_822 : f32 to vector<1x16xf32>
    %add3A_824 = arith.addf %get3A_812, %add3A_823 : vector<1x16xf32>
    %swap3A_825 = arith.constant 5 : index
    %swap3A_826 = arith.constant 0 : index
    %swap3A_827 = vector.load %arg18[%swap3A_825, %swap3A_826] : memref<16x16xf32, #tpu.memory_space<vmem>>, vector<1x16xf32>
    tpu.vector_store %arg18[%swap3A_825, %swap3A_826], %add3A_824 {strides = array<i32>} : memref<16x16xf32, #tpu.memory_space<vmem>>, vector<1x16xf32>,
    %eq3A_828 = arith.constant 6.000000e+00 : f32
    %eq3A_829 = vector.broadcast %eq3A_828 : f32 to vector<128x1xf32>
    %eq3A_830 = arith.cmpf oeq, %select_n3A_496, %eq3A_829 : vector<128x1xf32>
    %jit3A_831 = arith.constant 0xFF800000 : f32
    %broadcast_in_dim3A_832 = vector.shape_cast %eq3A_830 : vector<128x1xi1> to vector<128x1xi1>
    %broadcast_in_dim3A_833 = vector.broadcast %broadcast_in_dim3A_832 : vector<128x1xi1> to vector<128x16xi1>
    %broadcast_in_dim3A_834 = vector.broadcast %jit3A_831 : f32 to vector<128x16xf32>
    %select_n3A_835 = arith.select %broadcast_in_dim3A_833, %mul3A_493, %broadcast_in_dim3A_834 : vector<128x16xi1>, vector<128x16xf32>
    %jit3A_836 = arith.constant 0.000000e+00 : f32
    %broadcast_in_dim3A_837 = vector.shape_cast %eq3A_830 : vector<128x1xi1> to vector<128x1xi1>
    %broadcast_in_dim3A_838 = vector.broadcast %broadcast_in_dim3A_837 : vector<128x1xi1> to vector<128x16xi1>
    %broadcast_in_dim3A_839 = vector.broadcast %jit3A_836 : f32 to vector<128x16xf32>
    %select_n3A_840 = arith.select %broadcast_in_dim3A_838, %mul3A_493, %broadcast_in_dim3A_839 : vector<128x16xi1>, vector<128x16xf32>
    %get3A_841 = arith.constant 6 : index
    %get3A_842 = arith.constant 0 : index
    %get3A_843 = vector.load %arg16[%get3A_841, %get3A_842] : memref<16x16xf32, #tpu.memory_space<vmem>>, vector<1x16xf32>
    %reduce_max3A_844 = arith.constant dense<0xFF800000> : vector<16xf32>
    %reduce_max3A_845 = vector.multi_reduction <maximumf>, %select_n3A_835, %reduce_max3A_844 [0] : vector<128x16xf32> to vector<16xf32>
    %broadcast_in_dim3A_846 = vector.shape_cast %reduce_max3A_845 : vector<16xf32> to vector<1x16xf32>
    %max3A_847 = arith.maximumf %get3A_843, %broadcast_in_dim3A_846 : vector<1x16xf32>
    %swap3A_848 = arith.constant 6 : index
    %swap3A_849 = arith.constant 0 : index
    %swap3A_850 = vector.load %arg16[%swap3A_848, %swap3A_849] : memref<16x16xf32, #tpu.memory_space<vmem>>, vector<1x16xf32>
    tpu.vector_store %arg16[%swap3A_848, %swap3A_849], %max3A_847 {strides = array<i32>} : memref<16x16xf32, #tpu.memory_space<vmem>>, vector<1x16xf32>,
    %get3A_851 = arith.constant 6 : index
    %get3A_852 = arith.constant 0 : index
    %get3A_853 = vector.load %arg17[%get3A_851, %get3A_852] : memref<16x16xf32, #tpu.memory_space<vmem>>, vector<1x16xf32>
    %reduce_sum3A_854 = arith.constant dense<0.000000e+00> : vector<16xf32>
    %reduce_sum3A_855 = vector.multi_reduction <add>, %select_n3A_840, %reduce_sum3A_854 [0] : vector<128x16xf32> to vector<16xf32>
    %broadcast_in_dim3A_856 = vector.shape_cast %reduce_sum3A_855 : vector<16xf32> to vector<1x16xf32>
    %add3A_857 = arith.addf %get3A_853, %broadcast_in_dim3A_856 : vector<1x16xf32>
    %swap3A_858 = arith.constant 6 : index
    %swap3A_859 = arith.constant 0 : index
    %swap3A_860 = vector.load %arg17[%swap3A_858, %swap3A_859] : memref<16x16xf32, #tpu.memory_space<vmem>>, vector<1x16xf32>
    tpu.vector_store %arg17[%swap3A_858, %swap3A_859], %add3A_857 {strides = array<i32>} : memref<16x16xf32, #tpu.memory_space<vmem>>, vector<1x16xf32>,
    %get3A_861 = arith.constant 6 : index
    %get3A_862 = arith.constant 0 : index
    %get3A_863 = vector.load %arg18[%get3A_861, %get3A_862] : memref<16x16xf32, #tpu.memory_space<vmem>>, vector<1x16xf32>
    %jit3A_864 = arith.constant 1.000000e+00 : f32
    %jit3A_865 = arith.constant 0.000000e+00 : f32
    %broadcast_in_dim3A_866 = vector.broadcast %jit3A_864 : f32 to vector<128x1xf32>
    %broadcast_in_dim3A_867 = vector.broadcast %jit3A_865 : f32 to vector<128x1xf32>
    %select_n3A_868 = arith.select %eq3A_830, %broadcast_in_dim3A_866, %broadcast_in_dim3A_867 : vector<128x1xi1>, vector<128x1xf32>
    %reduce_sum3A_869 = vector.shape_cast %select_n3A_868 : vector<128x1xf32> to vector<1x128x1xf32>
    %reduce_sum3A_870 = arith.constant dense<0.000000e+00> : vector<1xf32>
    %reduce_sum3A_871 = vector.multi_reduction <add>, %reduce_sum3A_869, %reduce_sum3A_870 [1, 2] : vector<1x128x1xf32> to vector<1xf32>
    %reduce_sum3A_872 = vector.shape_cast %reduce_sum3A_871 : vector<1xf32> to vector<1x1x1xf32>
    %reduce_sum3A_873 = vector.extract %reduce_sum3A_872[0, 0, 0] : f32 from vector<1x1x1xf32>
    %add3A_874 = vector.broadcast %reduce_sum3A_873 : f32 to vector<1x16xf32>
    %add3A_875 = arith.addf %get3A_863, %add3A_874 : vector<1x16xf32>
    %swap3A_876 = arith.constant 6 : index
    %swap3A_877 = arith.constant 0 : index
    %swap3A_878 = vector.load %arg18[%swap3A_876, %swap3A_877] : memref<16x16xf32, #tpu.memory_space<vmem>>, vector<1x16xf32>
    tpu.vector_store %arg18[%swap3A_876, %swap3A_877], %add3A_875 {strides = array<i32>} : memref<16x16xf32, #tpu.memory_space<vmem>>, vector<1x16xf32>,
    %eq3A_879 = arith.constant 7.000000e+00 : f32
    %eq3A_880 = vector.broadcast %eq3A_879 : f32 to vector<128x1xf32>
    %eq3A_881 = arith.cmpf oeq, %select_n3A_496, %eq3A_880 : vector<128x1xf32>
    %jit3A_882 = arith.constant 0xFF800000 : f32
    %broadcast_in_dim3A_883 = vector.shape_cast %eq3A_881 : vector<128x1xi1> to vector<128x1xi1>
    %broadcast_in_dim3A_884 = vector.broadcast %broadcast_in_dim3A_883 : vector<128x1xi1> to vector<128x16xi1>
    %broadcast_in_dim3A_885 = vector.broadcast %jit3A_882 : f32 to vector<128x16xf32>
    %select_n3A_886 = arith.select %broadcast_in_dim3A_884, %mul3A_493, %broadcast_in_dim3A_885 : vector<128x16xi1>, vector<128x16xf32>
    %jit3A_887 = arith.constant 0.000000e+00 : f32
    %broadcast_in_dim3A_888 = vector.shape_cast %eq3A_881 : vector<128x1xi1> to vector<128x1xi1>
    %broadcast_in_dim3A_889 = vector.broadcast %broadcast_in_dim3A_888 : vector<128x1xi1> to vector<128x16xi1>
    %broadcast_in_dim3A_890 = vector.broadcast %jit3A_887 : f32 to vector<128x16xf32>
    %select_n3A_891 = arith.select %broadcast_in_dim3A_889, %mul3A_493, %broadcast_in_dim3A_890 : vector<128x16xi1>, vector<128x16xf32>
    %get3A_892 = arith.constant 7 : index
    %get3A_893 = arith.constant 0 : index
    %get3A_894 = vector.load %arg16[%get3A_892, %get3A_893] : memref<16x16xf32, #tpu.memory_space<vmem>>, vector<1x16xf32>
    %reduce_max3A_895 = arith.constant dense<0xFF800000> : vector<16xf32>
    %reduce_max3A_896 = vector.multi_reduction <maximumf>, %select_n3A_886, %reduce_max3A_895 [0] : vector<128x16xf32> to vector<16xf32>
    %broadcast_in_dim3A_897 = vector.shape_cast %reduce_max3A_896 : vector<16xf32> to vector<1x16xf32>
    %max3A_898 = arith.maximumf %get3A_894, %broadcast_in_dim3A_897 : vector<1x16xf32>
    %swap3A_899 = arith.constant 7 : index
    %swap3A_900 = arith.constant 0 : index
    %swap3A_901 = vector.load %arg16[%swap3A_899, %swap3A_900] : memref<16x16xf32, #tpu.memory_space<vmem>>, vector<1x16xf32>
    tpu.vector_store %arg16[%swap3A_899, %swap3A_900], %max3A_898 {strides = array<i32>} : memref<16x16xf32, #tpu.memory_space<vmem>>, vector<1x16xf32>,
    %get3A_902 = arith.constant 7 : index
    %get3A_903 = arith.constant 0 : index
    %get3A_904 = vector.load %arg17[%get3A_902, %get3A_903] : memref<16x16xf32, #tpu.memory_space<vmem>>, vector<1x16xf32>
    %reduce_sum3A_905 = arith.constant dense<0.000000e+00> : vector<16xf32>
    %reduce_sum3A_906 = vector.multi_reduction <add>, %select_n3A_891, %reduce_sum3A_905 [0] : vector<128x16xf32> to vector<16xf32>
    %broadcast_in_dim3A_907 = vector.shape_cast %reduce_sum3A_906 : vector<16xf32> to vector<1x16xf32>
    %add3A_908 = arith.addf %get3A_904, %broadcast_in_dim3A_907 : vector<1x16xf32>
    %swap3A_909 = arith.constant 7 : index
    %swap3A_910 = arith.constant 0 : index
    %swap3A_911 = vector.load %arg17[%swap3A_909, %swap3A_910] : memref<16x16xf32, #tpu.memory_space<vmem>>, vector<1x16xf32>
    tpu.vector_store %arg17[%swap3A_909, %swap3A_910], %add3A_908 {strides = array<i32>} : memref<16x16xf32, #tpu.memory_space<vmem>>, vector<1x16xf32>,
    %get3A_912 = arith.constant 7 : index
    %get3A_913 = arith.constant 0 : index
    %get3A_914 = vector.load %arg18[%get3A_912, %get3A_913] : memref<16x16xf32, #tpu.memory_space<vmem>>, vector<1x16xf32>
    %jit3A_915 = arith.constant 1.000000e+00 : f32
    %jit3A_916 = arith.constant 0.000000e+00 : f32
    %broadcast_in_dim3A_917 = vector.broadcast %jit3A_915 : f32 to vector<128x1xf32>
    %broadcast_in_dim3A_918 = vector.broadcast %jit3A_916 : f32 to vector<128x1xf32>
    %select_n3A_919 = arith.select %eq3A_881, %broadcast_in_dim3A_917, %broadcast_in_dim3A_918 : vector<128x1xi1>, vector<128x1xf32>
    %reduce_sum3A_920 = vector.shape_cast %select_n3A_919 : vector<128x1xf32> to vector<1x128x1xf32>
    %reduce_sum3A_921 = arith.constant dense<0.000000e+00> : vector<1xf32>
    %reduce_sum3A_922 = vector.multi_reduction <add>, %reduce_sum3A_920, %reduce_sum3A_921 [1, 2] : vector<1x128x1xf32> to vector<1xf32>
    %reduce_sum3A_923 = vector.shape_cast %reduce_sum3A_922 : vector<1xf32> to vector<1x1x1xf32>
    %reduce_sum3A_924 = vector.extract %reduce_sum3A_923[0, 0, 0] : f32 from vector<1x1x1xf32>
    %add3A_925 = vector.broadcast %reduce_sum3A_924 : f32 to vector<1x16xf32>
    %add3A_926 = arith.addf %get3A_914, %add3A_925 : vector<1x16xf32>
    %swap3A_927 = arith.constant 7 : index
    %swap3A_928 = arith.constant 0 : index
    %swap3A_929 = vector.load %arg18[%swap3A_927, %swap3A_928] : memref<16x16xf32, #tpu.memory_space<vmem>>, vector<1x16xf32>
    tpu.vector_store %arg18[%swap3A_927, %swap3A_928], %add3A_926 {strides = array<i32>} : memref<16x16xf32, #tpu.memory_space<vmem>>, vector<1x16xf32>,
    %eq3A_930 = arith.constant 8.000000e+00 : f32
    %eq3A_931 = vector.broadcast %eq3A_930 : f32 to vector<128x1xf32>
    %eq3A_932 = arith.cmpf oeq, %select_n3A_496, %eq3A_931 : vector<128x1xf32>
    %jit3A_933 = arith.constant 0xFF800000 : f32
    %broadcast_in_dim3A_934 = vector.shape_cast %eq3A_932 : vector<128x1xi1> to vector<128x1xi1>
    %broadcast_in_dim3A_935 = vector.broadcast %broadcast_in_dim3A_934 : vector<128x1xi1> to vector<128x16xi1>
    %broadcast_in_dim3A_936 = vector.broadcast %jit3A_933 : f32 to vector<128x16xf32>
    %select_n3A_937 = arith.select %broadcast_in_dim3A_935, %mul3A_493, %broadcast_in_dim3A_936 : vector<128x16xi1>, vector<128x16xf32>
    %jit3A_938 = arith.constant 0.000000e+00 : f32
    %broadcast_in_dim3A_939 = vector.shape_cast %eq3A_932 : vector<128x1xi1> to vector<128x1xi1>
    %broadcast_in_dim3A_940 = vector.broadcast %broadcast_in_dim3A_939 : vector<128x1xi1> to vector<128x16xi1>
    %broadcast_in_dim3A_941 = vector.broadcast %jit3A_938 : f32 to vector<128x16xf32>
    %select_n3A_942 = arith.select %broadcast_in_dim3A_940, %mul3A_493, %broadcast_in_dim3A_941 : vector<128x16xi1>, vector<128x16xf32>
    %get3A_943 = arith.constant 8 : index
    %get3A_944 = arith.constant 0 : index
    %get3A_945 = vector.load %arg16[%get3A_943, %get3A_944] : memref<16x16xf32, #tpu.memory_space<vmem>>, vector<1x16xf32>
    %reduce_max3A_946 = arith.constant dense<0xFF800000> : vector<16xf32>
    %reduce_max3A_947 = vector.multi_reduction <maximumf>, %select_n3A_937, %reduce_max3A_946 [0] : vector<128x16xf32> to vector<16xf32>
    %broadcast_in_dim3A_948 = vector.shape_cast %reduce_max3A_947 : vector<16xf32> to vector<1x16xf32>
    %max3A_949 = arith.maximumf %get3A_945, %broadcast_in_dim3A_948 : vector<1x16xf32>
    %swap3A_950 = arith.constant 8 : index
    %swap3A_951 = arith.constant 0 : index
    %swap3A_952 = vector.load %arg16[%swap3A_950, %swap3A_951] : memref<16x16xf32, #tpu.memory_space<vmem>>, vector<1x16xf32>
    tpu.vector_store %arg16[%swap3A_950, %swap3A_951], %max3A_949 {strides = array<i32>} : memref<16x16xf32, #tpu.memory_space<vmem>>, vector<1x16xf32>,
    %get3A_953 = arith.constant 8 : index
    %get3A_954 = arith.constant 0 : index
    %get3A_955 = vector.load %arg17[%get3A_953, %get3A_954] : memref<16x16xf32, #tpu.memory_space<vmem>>, vector<1x16xf32>
    %reduce_sum3A_956 = arith.constant dense<0.000000e+00> : vector<16xf32>
    %reduce_sum3A_957 = vector.multi_reduction <add>, %select_n3A_942, %reduce_sum3A_956 [0] : vector<128x16xf32> to vector<16xf32>
    %broadcast_in_dim3A_958 = vector.shape_cast %reduce_sum3A_957 : vector<16xf32> to vector<1x16xf32>
    %add3A_959 = arith.addf %get3A_955, %broadcast_in_dim3A_958 : vector<1x16xf32>
    %swap3A_960 = arith.constant 8 : index
    %swap3A_961 = arith.constant 0 : index
    %swap3A_962 = vector.load %arg17[%swap3A_960, %swap3A_961] : memref<16x16xf32, #tpu.memory_space<vmem>>, vector<1x16xf32>
    tpu.vector_store %arg17[%swap3A_960, %swap3A_961], %add3A_959 {strides = array<i32>} : memref<16x16xf32, #tpu.memory_space<vmem>>, vector<1x16xf32>,
    %get3A_963 = arith.constant 8 : index
    %get3A_964 = arith.constant 0 : index
    %get3A_965 = vector.load %arg18[%get3A_963, %get3A_964] : memref<16x16xf32, #tpu.memory_space<vmem>>, vector<1x16xf32>
    %jit3A_966 = arith.constant 1.000000e+00 : f32
    %jit3A_967 = arith.constant 0.000000e+00 : f32
    %broadcast_in_dim3A_968 = vector.broadcast %jit3A_966 : f32 to vector<128x1xf32>
    %broadcast_in_dim3A_969 = vector.broadcast %jit3A_967 : f32 to vector<128x1xf32>
    %select_n3A_970 = arith.select %eq3A_932, %broadcast_in_dim3A_968, %broadcast_in_dim3A_969 : vector<128x1xi1>, vector<128x1xf32>
    %reduce_sum3A_971 = vector.shape_cast %select_n3A_970 : vector<128x1xf32> to vector<1x128x1xf32>
    %reduce_sum3A_972 = arith.constant dense<0.000000e+00> : vector<1xf32>
    %reduce_sum3A_973 = vector.multi_reduction <add>, %reduce_sum3A_971, %reduce_sum3A_972 [1, 2] : vector<1x128x1xf32> to vector<1xf32>
    %reduce_sum3A_974 = vector.shape_cast %reduce_sum3A_973 : vector<1xf32> to vector<1x1x1xf32>
    %reduce_sum3A_975 = vector.extract %reduce_sum3A_974[0, 0, 0] : f32 from vector<1x1x1xf32>
    %add3A_976 = vector.broadcast %reduce_sum3A_975 : f32 to vector<1x16xf32>
    %add3A_977 = arith.addf %get3A_965, %add3A_976 : vector<1x16xf32>
    %swap3A_978 = arith.constant 8 : index
    %swap3A_979 = arith.constant 0 : index
    %swap3A_980 = vector.load %arg18[%swap3A_978, %swap3A_979] : memref<16x16xf32, #tpu.memory_space<vmem>>, vector<1x16xf32>
    tpu.vector_store %arg18[%swap3A_978, %swap3A_979], %add3A_977 {strides = array<i32>} : memref<16x16xf32, #tpu.memory_space<vmem>>, vector<1x16xf32>,
    %eq3A_981 = arith.constant 9.000000e+00 : f32
    %eq3A_982 = vector.broadcast %eq3A_981 : f32 to vector<128x1xf32>
    %eq3A_983 = arith.cmpf oeq, %select_n3A_496, %eq3A_982 : vector<128x1xf32>
    %jit3A_984 = arith.constant 0xFF800000 : f32
    %broadcast_in_dim3A_985 = vector.shape_cast %eq3A_983 : vector<128x1xi1> to vector<128x1xi1>
    %broadcast_in_dim3A_986 = vector.broadcast %broadcast_in_dim3A_985 : vector<128x1xi1> to vector<128x16xi1>
    %broadcast_in_dim3A_987 = vector.broadcast %jit3A_984 : f32 to vector<128x16xf32>
    %select_n3A_988 = arith.select %broadcast_in_dim3A_986, %mul3A_493, %broadcast_in_dim3A_987 : vector<128x16xi1>, vector<128x16xf32>
    %jit3A_989 = arith.constant 0.000000e+00 : f32
    %broadcast_in_dim3A_990 = vector.shape_cast %eq3A_983 : vector<128x1xi1> to vector<128x1xi1>
    %broadcast_in_dim3A_991 = vector.broadcast %broadcast_in_dim3A_990 : vector<128x1xi1> to vector<128x16xi1>
    %broadcast_in_dim3A_992 = vector.broadcast %jit3A_989 : f32 to vector<128x16xf32>
    %select_n3A_993 = arith.select %broadcast_in_dim3A_991, %mul3A_493, %broadcast_in_dim3A_992 : vector<128x16xi1>, vector<128x16xf32>
    %get3A_994 = arith.constant 9 : index
    %get3A_995 = arith.constant 0 : index
    %get3A_996 = vector.load %arg16[%get3A_994, %get3A_995] : memref<16x16xf32, #tpu.memory_space<vmem>>, vector<1x16xf32>
    %reduce_max3A_997 = arith.constant dense<0xFF800000> : vector<16xf32>
    %reduce_max3A_998 = vector.multi_reduction <maximumf>, %select_n3A_988, %reduce_max3A_997 [0] : vector<128x16xf32> to vector<16xf32>
    %broadcast_in_dim3A_999 = vector.shape_cast %reduce_max3A_998 : vector<16xf32> to vector<1x16xf32>
    %max3A_1000 = arith.maximumf %get3A_996, %broadcast_in_dim3A_999 : vector<1x16xf32>
    %swap3A_1001 = arith.constant 9 : index
    %swap3A_1002 = arith.constant 0 : index
    %swap3A_1003 = vector.load %arg16[%swap3A_1001, %swap3A_1002] : memref<16x16xf32, #tpu.memory_space<vmem>>, vector<1x16xf32>
    tpu.vector_store %arg16[%swap3A_1001, %swap3A_1002], %max3A_1000 {strides = array<i32>} : memref<16x16xf32, #tpu.memory_space<vmem>>, vector<1x16xf32>,
    %get3A_1004 = arith.constant 9 : index
    %get3A_1005 = arith.constant 0 : index
    %get3A_1006 = vector.load %arg17[%get3A_1004, %get3A_1005] : memref<16x16xf32, #tpu.memory_space<vmem>>, vector<1x16xf32>
    %reduce_sum3A_1007 = arith.constant dense<0.000000e+00> : vector<16xf32>
    %reduce_sum3A_1008 = vector.multi_reduction <add>, %select_n3A_993, %reduce_sum3A_1007 [0] : vector<128x16xf32> to vector<16xf32>
    %broadcast_in_dim3A_1009 = vector.shape_cast %reduce_sum3A_1008 : vector<16xf32> to vector<1x16xf32>
    %add3A_1010 = arith.addf %get3A_1006, %broadcast_in_dim3A_1009 : vector<1x16xf32>
    %swap3A_1011 = arith.constant 9 : index
    %swap3A_1012 = arith.constant 0 : index
    %swap3A_1013 = vector.load %arg17[%swap3A_1011, %swap3A_1012] : memref<16x16xf32, #tpu.memory_space<vmem>>, vector<1x16xf32>
    tpu.vector_store %arg17[%swap3A_1011, %swap3A_1012], %add3A_1010 {strides = array<i32>} : memref<16x16xf32, #tpu.memory_space<vmem>>, vector<1x16xf32>,
    %get3A_1014 = arith.constant 9 : index
    %get3A_1015 = arith.constant 0 : index
    %get3A_1016 = vector.load %arg18[%get3A_1014, %get3A_1015] : memref<16x16xf32, #tpu.memory_space<vmem>>, vector<1x16xf32>
    %jit3A_1017 = arith.constant 1.000000e+00 : f32
    %jit3A_1018 = arith.constant 0.000000e+00 : f32
    %broadcast_in_dim3A_1019 = vector.broadcast %jit3A_1017 : f32 to vector<128x1xf32>
    %broadcast_in_dim3A_1020 = vector.broadcast %jit3A_1018 : f32 to vector<128x1xf32>
    %select_n3A_1021 = arith.select %eq3A_983, %broadcast_in_dim3A_1019, %broadcast_in_dim3A_1020 : vector<128x1xi1>, vector<128x1xf32>
    %reduce_sum3A_1022 = vector.shape_cast %select_n3A_1021 : vector<128x1xf32> to vector<1x128x1xf32>
    %reduce_sum3A_1023 = arith.constant dense<0.000000e+00> : vector<1xf32>
    %reduce_sum3A_1024 = vector.multi_reduction <add>, %reduce_sum3A_1022, %reduce_sum3A_1023 [1, 2] : vector<1x128x1xf32> to vector<1xf32>
    %reduce_sum3A_1025 = vector.shape_cast %reduce_sum3A_1024 : vector<1xf32> to vector<1x1x1xf32>
    %reduce_sum3A_1026 = vector.extract %reduce_sum3A_1025[0, 0, 0] : f32 from vector<1x1x1xf32>
    %add3A_1027 = vector.broadcast %reduce_sum3A_1026 : f32 to vector<1x16xf32>
    %add3A_1028 = arith.addf %get3A_1016, %add3A_1027 : vector<1x16xf32>
    %swap3A_1029 = arith.constant 9 : index
    %swap3A_1030 = arith.constant 0 : index
    %swap3A_1031 = vector.load %arg18[%swap3A_1029, %swap3A_1030] : memref<16x16xf32, #tpu.memory_space<vmem>>, vector<1x16xf32>
    tpu.vector_store %arg18[%swap3A_1029, %swap3A_1030], %add3A_1028 {strides = array<i32>} : memref<16x16xf32, #tpu.memory_space<vmem>>, vector<1x16xf32>,
    %eq3A_1032 = arith.constant 1.000000e+01 : f32
    %eq3A_1033 = vector.broadcast %eq3A_1032 : f32 to vector<128x1xf32>
    %eq3A_1034 = arith.cmpf oeq, %select_n3A_496, %eq3A_1033 : vector<128x1xf32>
    %jit3A_1035 = arith.constant 0xFF800000 : f32
    %broadcast_in_dim3A_1036 = vector.shape_cast %eq3A_1034 : vector<128x1xi1> to vector<128x1xi1>
    %broadcast_in_dim3A_1037 = vector.broadcast %broadcast_in_dim3A_1036 : vector<128x1xi1> to vector<128x16xi1>
    %broadcast_in_dim3A_1038 = vector.broadcast %jit3A_1035 : f32 to vector<128x16xf32>
    %select_n3A_1039 = arith.select %broadcast_in_dim3A_1037, %mul3A_493, %broadcast_in_dim3A_1038 : vector<128x16xi1>, vector<128x16xf32>
    %jit3A_1040 = arith.constant 0.000000e+00 : f32
    %broadcast_in_dim3A_1041 = vector.shape_cast %eq3A_1034 : vector<128x1xi1> to vector<128x1xi1>
    %broadcast_in_dim3A_1042 = vector.broadcast %broadcast_in_dim3A_1041 : vector<128x1xi1> to vector<128x16xi1>
    %broadcast_in_dim3A_1043 = vector.broadcast %jit3A_1040 : f32 to vector<128x16xf32>
    %select_n3A_1044 = arith.select %broadcast_in_dim3A_1042, %mul3A_493, %broadcast_in_dim3A_1043 : vector<128x16xi1>, vector<128x16xf32>
    %get3A_1045 = arith.constant 10 : index
    %get3A_1046 = arith.constant 0 : index
    %get3A_1047 = vector.load %arg16[%get3A_1045, %get3A_1046] : memref<16x16xf32, #tpu.memory_space<vmem>>, vector<1x16xf32>
    %reduce_max3A_1048 = arith.constant dense<0xFF800000> : vector<16xf32>
    %reduce_max3A_1049 = vector.multi_reduction <maximumf>, %select_n3A_1039, %reduce_max3A_1048 [0] : vector<128x16xf32> to vector<16xf32>
    %broadcast_in_dim3A_1050 = vector.shape_cast %reduce_max3A_1049 : vector<16xf32> to vector<1x16xf32>
    %max3A_1051 = arith.maximumf %get3A_1047, %broadcast_in_dim3A_1050 : vector<1x16xf32>
    %swap3A_1052 = arith.constant 10 : index
    %swap3A_1053 = arith.constant 0 : index
    %swap3A_1054 = vector.load %arg16[%swap3A_1052, %swap3A_1053] : memref<16x16xf32, #tpu.memory_space<vmem>>, vector<1x16xf32>
    tpu.vector_store %arg16[%swap3A_1052, %swap3A_1053], %max3A_1051 {strides = array<i32>} : memref<16x16xf32, #tpu.memory_space<vmem>>, vector<1x16xf32>,
    %get3A_1055 = arith.constant 10 : index
    %get3A_1056 = arith.constant 0 : index
    %get3A_1057 = vector.load %arg17[%get3A_1055, %get3A_1056] : memref<16x16xf32, #tpu.memory_space<vmem>>, vector<1x16xf32>
    %reduce_sum3A_1058 = arith.constant dense<0.000000e+00> : vector<16xf32>
    %reduce_sum3A_1059 = vector.multi_reduction <add>, %select_n3A_1044, %reduce_sum3A_1058 [0] : vector<128x16xf32> to vector<16xf32>
    %broadcast_in_dim3A_1060 = vector.shape_cast %reduce_sum3A_1059 : vector<16xf32> to vector<1x16xf32>
    %add3A_1061 = arith.addf %get3A_1057, %broadcast_in_dim3A_1060 : vector<1x16xf32>
    %swap3A_1062 = arith.constant 10 : index
    %swap3A_1063 = arith.constant 0 : index
    %swap3A_1064 = vector.load %arg17[%swap3A_1062, %swap3A_1063] : memref<16x16xf32, #tpu.memory_space<vmem>>, vector<1x16xf32>
    tpu.vector_store %arg17[%swap3A_1062, %swap3A_1063], %add3A_1061 {strides = array<i32>} : memref<16x16xf32, #tpu.memory_space<vmem>>, vector<1x16xf32>,
    %get3A_1065 = arith.constant 10 : index
    %get3A_1066 = arith.constant 0 : index
    %get3A_1067 = vector.load %arg18[%get3A_1065, %get3A_1066] : memref<16x16xf32, #tpu.memory_space<vmem>>, vector<1x16xf32>
    %jit3A_1068 = arith.constant 1.000000e+00 : f32
    %jit3A_1069 = arith.constant 0.000000e+00 : f32
    %broadcast_in_dim3A_1070 = vector.broadcast %jit3A_1068 : f32 to vector<128x1xf32>
    %broadcast_in_dim3A_1071 = vector.broadcast %jit3A_1069 : f32 to vector<128x1xf32>
    %select_n3A_1072 = arith.select %eq3A_1034, %broadcast_in_dim3A_1070, %broadcast_in_dim3A_1071 : vector<128x1xi1>, vector<128x1xf32>
    %reduce_sum3A_1073 = vector.shape_cast %select_n3A_1072 : vector<128x1xf32> to vector<1x128x1xf32>
    %reduce_sum3A_1074 = arith.constant dense<0.000000e+00> : vector<1xf32>
    %reduce_sum3A_1075 = vector.multi_reduction <add>, %reduce_sum3A_1073, %reduce_sum3A_1074 [1, 2] : vector<1x128x1xf32> to vector<1xf32>
    %reduce_sum3A_1076 = vector.shape_cast %reduce_sum3A_1075 : vector<1xf32> to vector<1x1x1xf32>
    %reduce_sum3A_1077 = vector.extract %reduce_sum3A_1076[0, 0, 0] : f32 from vector<1x1x1xf32>
    %add3A_1078 = vector.broadcast %reduce_sum3A_1077 : f32 to vector<1x16xf32>
    %add3A_1079 = arith.addf %get3A_1067, %add3A_1078 : vector<1x16xf32>
    %swap3A_1080 = arith.constant 10 : index
    %swap3A_1081 = arith.constant 0 : index
    %swap3A_1082 = vector.load %arg18[%swap3A_1080, %swap3A_1081] : memref<16x16xf32, #tpu.memory_space<vmem>>, vector<1x16xf32>
    tpu.vector_store %arg18[%swap3A_1080, %swap3A_1081], %add3A_1079 {strides = array<i32>} : memref<16x16xf32, #tpu.memory_space<vmem>>, vector<1x16xf32>,
    %eq3A_1083 = arith.constant 1.100000e+01 : f32
    %eq3A_1084 = vector.broadcast %eq3A_1083 : f32 to vector<128x1xf32>
    %eq3A_1085 = arith.cmpf oeq, %select_n3A_496, %eq3A_1084 : vector<128x1xf32>
    %jit3A_1086 = arith.constant 0xFF800000 : f32
    %broadcast_in_dim3A_1087 = vector.shape_cast %eq3A_1085 : vector<128x1xi1> to vector<128x1xi1>
    %broadcast_in_dim3A_1088 = vector.broadcast %broadcast_in_dim3A_1087 : vector<128x1xi1> to vector<128x16xi1>
    %broadcast_in_dim3A_1089 = vector.broadcast %jit3A_1086 : f32 to vector<128x16xf32>
    %select_n3A_1090 = arith.select %broadcast_in_dim3A_1088, %mul3A_493, %broadcast_in_dim3A_1089 : vector<128x16xi1>, vector<128x16xf32>
    %jit3A_1091 = arith.constant 0.000000e+00 : f32
    %broadcast_in_dim3A_1092 = vector.shape_cast %eq3A_1085 : vector<128x1xi1> to vector<128x1xi1>
    %broadcast_in_dim3A_1093 = vector.broadcast %broadcast_in_dim3A_1092 : vector<128x1xi1> to vector<128x16xi1>
    %broadcast_in_dim3A_1094 = vector.broadcast %jit3A_1091 : f32 to vector<128x16xf32>
    %select_n3A_1095 = arith.select %broadcast_in_dim3A_1093, %mul3A_493, %broadcast_in_dim3A_1094 : vector<128x16xi1>, vector<128x16xf32>
    %get3A_1096 = arith.constant 11 : index
    %get3A_1097 = arith.constant 0 : index
    %get3A_1098 = vector.load %arg16[%get3A_1096, %get3A_1097] : memref<16x16xf32, #tpu.memory_space<vmem>>, vector<1x16xf32>
    %reduce_max3A_1099 = arith.constant dense<0xFF800000> : vector<16xf32>
    %reduce_max3A_1100 = vector.multi_reduction <maximumf>, %select_n3A_1090, %reduce_max3A_1099 [0] : vector<128x16xf32> to vector<16xf32>
    %broadcast_in_dim3A_1101 = vector.shape_cast %reduce_max3A_1100 : vector<16xf32> to vector<1x16xf32>
    %max3A_1102 = arith.maximumf %get3A_1098, %broadcast_in_dim3A_1101 : vector<1x16xf32>
    %swap3A_1103 = arith.constant 11 : index
    %swap3A_1104 = arith.constant 0 : index
    %swap3A_1105 = vector.load %arg16[%swap3A_1103, %swap3A_1104] : memref<16x16xf32, #tpu.memory_space<vmem>>, vector<1x16xf32>
    tpu.vector_store %arg16[%swap3A_1103, %swap3A_1104], %max3A_1102 {strides = array<i32>} : memref<16x16xf32, #tpu.memory_space<vmem>>, vector<1x16xf32>,
    %get3A_1106 = arith.constant 11 : index
    %get3A_1107 = arith.constant 0 : index
    %get3A_1108 = vector.load %arg17[%get3A_1106, %get3A_1107] : memref<16x16xf32, #tpu.memory_space<vmem>>, vector<1x16xf32>
    %reduce_sum3A_1109 = arith.constant dense<0.000000e+00> : vector<16xf32>
    %reduce_sum3A_1110 = vector.multi_reduction <add>, %select_n3A_1095, %reduce_sum3A_1109 [0] : vector<128x16xf32> to vector<16xf32>
    %broadcast_in_dim3A_1111 = vector.shape_cast %reduce_sum3A_1110 : vector<16xf32> to vector<1x16xf32>
    %add3A_1112 = arith.addf %get3A_1108, %broadcast_in_dim3A_1111 : vector<1x16xf32>
    %swap3A_1113 = arith.constant 11 : index
    %swap3A_1114 = arith.constant 0 : index
    %swap3A_1115 = vector.load %arg17[%swap3A_1113, %swap3A_1114] : memref<16x16xf32, #tpu.memory_space<vmem>>, vector<1x16xf32>
    tpu.vector_store %arg17[%swap3A_1113, %swap3A_1114], %add3A_1112 {strides = array<i32>} : memref<16x16xf32, #tpu.memory_space<vmem>>, vector<1x16xf32>,
    %get3A_1116 = arith.constant 11 : index
    %get3A_1117 = arith.constant 0 : index
    %get3A_1118 = vector.load %arg18[%get3A_1116, %get3A_1117] : memref<16x16xf32, #tpu.memory_space<vmem>>, vector<1x16xf32>
    %jit3A_1119 = arith.constant 1.000000e+00 : f32
    %jit3A_1120 = arith.constant 0.000000e+00 : f32
    %broadcast_in_dim3A_1121 = vector.broadcast %jit3A_1119 : f32 to vector<128x1xf32>
    %broadcast_in_dim3A_1122 = vector.broadcast %jit3A_1120 : f32 to vector<128x1xf32>
    %select_n3A_1123 = arith.select %eq3A_1085, %broadcast_in_dim3A_1121, %broadcast_in_dim3A_1122 : vector<128x1xi1>, vector<128x1xf32>
    %reduce_sum3A_1124 = vector.shape_cast %select_n3A_1123 : vector<128x1xf32> to vector<1x128x1xf32>
    %reduce_sum3A_1125 = arith.constant dense<0.000000e+00> : vector<1xf32>
    %reduce_sum3A_1126 = vector.multi_reduction <add>, %reduce_sum3A_1124, %reduce_sum3A_1125 [1, 2] : vector<1x128x1xf32> to vector<1xf32>
    %reduce_sum3A_1127 = vector.shape_cast %reduce_sum3A_1126 : vector<1xf32> to vector<1x1x1xf32>
    %reduce_sum3A_1128 = vector.extract %reduce_sum3A_1127[0, 0, 0] : f32 from vector<1x1x1xf32>
    %add3A_1129 = vector.broadcast %reduce_sum3A_1128 : f32 to vector<1x16xf32>
    %add3A_1130 = arith.addf %get3A_1118, %add3A_1129 : vector<1x16xf32>
    %swap3A_1131 = arith.constant 11 : index
    %swap3A_1132 = arith.constant 0 : index
    %swap3A_1133 = vector.load %arg18[%swap3A_1131, %swap3A_1132] : memref<16x16xf32, #tpu.memory_space<vmem>>, vector<1x16xf32>
    tpu.vector_store %arg18[%swap3A_1131, %swap3A_1132], %add3A_1130 {strides = array<i32>} : memref<16x16xf32, #tpu.memory_space<vmem>>, vector<1x16xf32>,
    %eq3A_1134 = arith.constant 1.200000e+01 : f32
    %eq3A_1135 = vector.broadcast %eq3A_1134 : f32 to vector<128x1xf32>
    %eq3A_1136 = arith.cmpf oeq, %select_n3A_496, %eq3A_1135 : vector<128x1xf32>
    %jit3A_1137 = arith.constant 0xFF800000 : f32
    %broadcast_in_dim3A_1138 = vector.shape_cast %eq3A_1136 : vector<128x1xi1> to vector<128x1xi1>
    %broadcast_in_dim3A_1139 = vector.broadcast %broadcast_in_dim3A_1138 : vector<128x1xi1> to vector<128x16xi1>
    %broadcast_in_dim3A_1140 = vector.broadcast %jit3A_1137 : f32 to vector<128x16xf32>
    %select_n3A_1141 = arith.select %broadcast_in_dim3A_1139, %mul3A_493, %broadcast_in_dim3A_1140 : vector<128x16xi1>, vector<128x16xf32>
    %jit3A_1142 = arith.constant 0.000000e+00 : f32
    %broadcast_in_dim3A_1143 = vector.shape_cast %eq3A_1136 : vector<128x1xi1> to vector<128x1xi1>
    %broadcast_in_dim3A_1144 = vector.broadcast %broadcast_in_dim3A_1143 : vector<128x1xi1> to vector<128x16xi1>
    %broadcast_in_dim3A_1145 = vector.broadcast %jit3A_1142 : f32 to vector<128x16xf32>
    %select_n3A_1146 = arith.select %broadcast_in_dim3A_1144, %mul3A_493, %broadcast_in_dim3A_1145 : vector<128x16xi1>, vector<128x16xf32>
    %get3A_1147 = arith.constant 12 : index
    %get3A_1148 = arith.constant 0 : index
    %get3A_1149 = vector.load %arg16[%get3A_1147, %get3A_1148] : memref<16x16xf32, #tpu.memory_space<vmem>>, vector<1x16xf32>
    %reduce_max3A_1150 = arith.constant dense<0xFF800000> : vector<16xf32>
    %reduce_max3A_1151 = vector.multi_reduction <maximumf>, %select_n3A_1141, %reduce_max3A_1150 [0] : vector<128x16xf32> to vector<16xf32>
    %broadcast_in_dim3A_1152 = vector.shape_cast %reduce_max3A_1151 : vector<16xf32> to vector<1x16xf32>
    %max3A_1153 = arith.maximumf %get3A_1149, %broadcast_in_dim3A_1152 : vector<1x16xf32>
    %swap3A_1154 = arith.constant 12 : index
    %swap3A_1155 = arith.constant 0 : index
    %swap3A_1156 = vector.load %arg16[%swap3A_1154, %swap3A_1155] : memref<16x16xf32, #tpu.memory_space<vmem>>, vector<1x16xf32>
    tpu.vector_store %arg16[%swap3A_1154, %swap3A_1155], %max3A_1153 {strides = array<i32>} : memref<16x16xf32, #tpu.memory_space<vmem>>, vector<1x16xf32>,
    %get3A_1157 = arith.constant 12 : index
    %get3A_1158 = arith.constant 0 : index
    %get3A_1159 = vector.load %arg17[%get3A_1157, %get3A_1158] : memref<16x16xf32, #tpu.memory_space<vmem>>, vector<1x16xf32>
    %reduce_sum3A_1160 = arith.constant dense<0.000000e+00> : vector<16xf32>
    %reduce_sum3A_1161 = vector.multi_reduction <add>, %select_n3A_1146, %reduce_sum3A_1160 [0] : vector<128x16xf32> to vector<16xf32>
    %broadcast_in_dim3A_1162 = vector.shape_cast %reduce_sum3A_1161 : vector<16xf32> to vector<1x16xf32>
    %add3A_1163 = arith.addf %get3A_1159, %broadcast_in_dim3A_1162 : vector<1x16xf32>
    %swap3A_1164 = arith.constant 12 : index
    %swap3A_1165 = arith.constant 0 : index
    %swap3A_1166 = vector.load %arg17[%swap3A_1164, %swap3A_1165] : memref<16x16xf32, #tpu.memory_space<vmem>>, vector<1x16xf32>
    tpu.vector_store %arg17[%swap3A_1164, %swap3A_1165], %add3A_1163 {strides = array<i32>} : memref<16x16xf32, #tpu.memory_space<vmem>>, vector<1x16xf32>,
    %get3A_1167 = arith.constant 12 : index
    %get3A_1168 = arith.constant 0 : index
    %get3A_1169 = vector.load %arg18[%get3A_1167, %get3A_1168] : memref<16x16xf32, #tpu.memory_space<vmem>>, vector<1x16xf32>
    %jit3A_1170 = arith.constant 1.000000e+00 : f32
    %jit3A_1171 = arith.constant 0.000000e+00 : f32
    %broadcast_in_dim3A_1172 = vector.broadcast %jit3A_1170 : f32 to vector<128x1xf32>
    %broadcast_in_dim3A_1173 = vector.broadcast %jit3A_1171 : f32 to vector<128x1xf32>
    %select_n3A_1174 = arith.select %eq3A_1136, %broadcast_in_dim3A_1172, %broadcast_in_dim3A_1173 : vector<128x1xi1>, vector<128x1xf32>
    %reduce_sum3A_1175 = vector.shape_cast %select_n3A_1174 : vector<128x1xf32> to vector<1x128x1xf32>
    %reduce_sum3A_1176 = arith.constant dense<0.000000e+00> : vector<1xf32>
    %reduce_sum3A_1177 = vector.multi_reduction <add>, %reduce_sum3A_1175, %reduce_sum3A_1176 [1, 2] : vector<1x128x1xf32> to vector<1xf32>
    %reduce_sum3A_1178 = vector.shape_cast %reduce_sum3A_1177 : vector<1xf32> to vector<1x1x1xf32>
    %reduce_sum3A_1179 = vector.extract %reduce_sum3A_1178[0, 0, 0] : f32 from vector<1x1x1xf32>
    %add3A_1180 = vector.broadcast %reduce_sum3A_1179 : f32 to vector<1x16xf32>
    %add3A_1181 = arith.addf %get3A_1169, %add3A_1180 : vector<1x16xf32>
    %swap3A_1182 = arith.constant 12 : index
    %swap3A_1183 = arith.constant 0 : index
    %swap3A_1184 = vector.load %arg18[%swap3A_1182, %swap3A_1183] : memref<16x16xf32, #tpu.memory_space<vmem>>, vector<1x16xf32>
    tpu.vector_store %arg18[%swap3A_1182, %swap3A_1183], %add3A_1181 {strides = array<i32>} : memref<16x16xf32, #tpu.memory_space<vmem>>, vector<1x16xf32>,
    %eq3A_1185 = arith.constant 1.300000e+01 : f32
    %eq3A_1186 = vector.broadcast %eq3A_1185 : f32 to vector<128x1xf32>
    %eq3A_1187 = arith.cmpf oeq, %select_n3A_496, %eq3A_1186 : vector<128x1xf32>
    %jit3A_1188 = arith.constant 0xFF800000 : f32
    %broadcast_in_dim3A_1189 = vector.shape_cast %eq3A_1187 : vector<128x1xi1> to vector<128x1xi1>
    %broadcast_in_dim3A_1190 = vector.broadcast %broadcast_in_dim3A_1189 : vector<128x1xi1> to vector<128x16xi1>
    %broadcast_in_dim3A_1191 = vector.broadcast %jit3A_1188 : f32 to vector<128x16xf32>
    %select_n3A_1192 = arith.select %broadcast_in_dim3A_1190, %mul3A_493, %broadcast_in_dim3A_1191 : vector<128x16xi1>, vector<128x16xf32>
    %jit3A_1193 = arith.constant 0.000000e+00 : f32
    %broadcast_in_dim3A_1194 = vector.shape_cast %eq3A_1187 : vector<128x1xi1> to vector<128x1xi1>
    %broadcast_in_dim3A_1195 = vector.broadcast %broadcast_in_dim3A_1194 : vector<128x1xi1> to vector<128x16xi1>
    %broadcast_in_dim3A_1196 = vector.broadcast %jit3A_1193 : f32 to vector<128x16xf32>
    %select_n3A_1197 = arith.select %broadcast_in_dim3A_1195, %mul3A_493, %broadcast_in_dim3A_1196 : vector<128x16xi1>, vector<128x16xf32>
    %get3A_1198 = arith.constant 13 : index
    %get3A_1199 = arith.constant 0 : index
    %get3A_1200 = vector.load %arg16[%get3A_1198, %get3A_1199] : memref<16x16xf32, #tpu.memory_space<vmem>>, vector<1x16xf32>
    %reduce_max3A_1201 = arith.constant dense<0xFF800000> : vector<16xf32>
    %reduce_max3A_1202 = vector.multi_reduction <maximumf>, %select_n3A_1192, %reduce_max3A_1201 [0] : vector<128x16xf32> to vector<16xf32>
    %broadcast_in_dim3A_1203 = vector.shape_cast %reduce_max3A_1202 : vector<16xf32> to vector<1x16xf32>
    %max3A_1204 = arith.maximumf %get3A_1200, %broadcast_in_dim3A_1203 : vector<1x16xf32>
    %swap3A_1205 = arith.constant 13 : index
    %swap3A_1206 = arith.constant 0 : index
    %swap3A_1207 = vector.load %arg16[%swap3A_1205, %swap3A_1206] : memref<16x16xf32, #tpu.memory_space<vmem>>, vector<1x16xf32>
    tpu.vector_store %arg16[%swap3A_1205, %swap3A_1206], %max3A_1204 {strides = array<i32>} : memref<16x16xf32, #tpu.memory_space<vmem>>, vector<1x16xf32>,
    %get3A_1208 = arith.constant 13 : index
    %get3A_1209 = arith.constant 0 : index
    %get3A_1210 = vector.load %arg17[%get3A_1208, %get3A_1209] : memref<16x16xf32, #tpu.memory_space<vmem>>, vector<1x16xf32>
    %reduce_sum3A_1211 = arith.constant dense<0.000000e+00> : vector<16xf32>
    %reduce_sum3A_1212 = vector.multi_reduction <add>, %select_n3A_1197, %reduce_sum3A_1211 [0] : vector<128x16xf32> to vector<16xf32>
    %broadcast_in_dim3A_1213 = vector.shape_cast %reduce_sum3A_1212 : vector<16xf32> to vector<1x16xf32>
    %add3A_1214 = arith.addf %get3A_1210, %broadcast_in_dim3A_1213 : vector<1x16xf32>
    %swap3A_1215 = arith.constant 13 : index
    %swap3A_1216 = arith.constant 0 : index
    %swap3A_1217 = vector.load %arg17[%swap3A_1215, %swap3A_1216] : memref<16x16xf32, #tpu.memory_space<vmem>>, vector<1x16xf32>
    tpu.vector_store %arg17[%swap3A_1215, %swap3A_1216], %add3A_1214 {strides = array<i32>} : memref<16x16xf32, #tpu.memory_space<vmem>>, vector<1x16xf32>,
    %get3A_1218 = arith.constant 13 : index
    %get3A_1219 = arith.constant 0 : index
    %get3A_1220 = vector.load %arg18[%get3A_1218, %get3A_1219] : memref<16x16xf32, #tpu.memory_space<vmem>>, vector<1x16xf32>
    %jit3A_1221 = arith.constant 1.000000e+00 : f32
    %jit3A_1222 = arith.constant 0.000000e+00 : f32
    %broadcast_in_dim3A_1223 = vector.broadcast %jit3A_1221 : f32 to vector<128x1xf32>
    %broadcast_in_dim3A_1224 = vector.broadcast %jit3A_1222 : f32 to vector<128x1xf32>
    %select_n3A_1225 = arith.select %eq3A_1187, %broadcast_in_dim3A_1223, %broadcast_in_dim3A_1224 : vector<128x1xi1>, vector<128x1xf32>
    %reduce_sum3A_1226 = vector.shape_cast %select_n3A_1225 : vector<128x1xf32> to vector<1x128x1xf32>
    %reduce_sum3A_1227 = arith.constant dense<0.000000e+00> : vector<1xf32>
    %reduce_sum3A_1228 = vector.multi_reduction <add>, %reduce_sum3A_1226, %reduce_sum3A_1227 [1, 2] : vector<1x128x1xf32> to vector<1xf32>
    %reduce_sum3A_1229 = vector.shape_cast %reduce_sum3A_1228 : vector<1xf32> to vector<1x1x1xf32>
    %reduce_sum3A_1230 = vector.extract %reduce_sum3A_1229[0, 0, 0] : f32 from vector<1x1x1xf32>
    %add3A_1231 = vector.broadcast %reduce_sum3A_1230 : f32 to vector<1x16xf32>
    %add3A_1232 = arith.addf %get3A_1220, %add3A_1231 : vector<1x16xf32>
    %swap3A_1233 = arith.constant 13 : index
    %swap3A_1234 = arith.constant 0 : index
    %swap3A_1235 = vector.load %arg18[%swap3A_1233, %swap3A_1234] : memref<16x16xf32, #tpu.memory_space<vmem>>, vector<1x16xf32>
    tpu.vector_store %arg18[%swap3A_1233, %swap3A_1234], %add3A_1232 {strides = array<i32>} : memref<16x16xf32, #tpu.memory_space<vmem>>, vector<1x16xf32>,
    %eq3A_1236 = arith.constant 1.400000e+01 : f32
    %eq3A_1237 = vector.broadcast %eq3A_1236 : f32 to vector<128x1xf32>
    %eq3A_1238 = arith.cmpf oeq, %select_n3A_496, %eq3A_1237 : vector<128x1xf32>
    %jit3A_1239 = arith.constant 0xFF800000 : f32
    %broadcast_in_dim3A_1240 = vector.shape_cast %eq3A_1238 : vector<128x1xi1> to vector<128x1xi1>
    %broadcast_in_dim3A_1241 = vector.broadcast %broadcast_in_dim3A_1240 : vector<128x1xi1> to vector<128x16xi1>
    %broadcast_in_dim3A_1242 = vector.broadcast %jit3A_1239 : f32 to vector<128x16xf32>
    %select_n3A_1243 = arith.select %broadcast_in_dim3A_1241, %mul3A_493, %broadcast_in_dim3A_1242 : vector<128x16xi1>, vector<128x16xf32>
    %jit3A_1244 = arith.constant 0.000000e+00 : f32
    %broadcast_in_dim3A_1245 = vector.shape_cast %eq3A_1238 : vector<128x1xi1> to vector<128x1xi1>
    %broadcast_in_dim3A_1246 = vector.broadcast %broadcast_in_dim3A_1245 : vector<128x1xi1> to vector<128x16xi1>
    %broadcast_in_dim3A_1247 = vector.broadcast %jit3A_1244 : f32 to vector<128x16xf32>
    %select_n3A_1248 = arith.select %broadcast_in_dim3A_1246, %mul3A_493, %broadcast_in_dim3A_1247 : vector<128x16xi1>, vector<128x16xf32>
    %get3A_1249 = arith.constant 14 : index
    %get3A_1250 = arith.constant 0 : index
    %get3A_1251 = vector.load %arg16[%get3A_1249, %get3A_1250] : memref<16x16xf32, #tpu.memory_space<vmem>>, vector<1x16xf32>
    %reduce_max3A_1252 = arith.constant dense<0xFF800000> : vector<16xf32>
    %reduce_max3A_1253 = vector.multi_reduction <maximumf>, %select_n3A_1243, %reduce_max3A_1252 [0] : vector<128x16xf32> to vector<16xf32>
    %broadcast_in_dim3A_1254 = vector.shape_cast %reduce_max3A_1253 : vector<16xf32> to vector<1x16xf32>
    %max3A_1255 = arith.maximumf %get3A_1251, %broadcast_in_dim3A_1254 : vector<1x16xf32>
    %swap3A_1256 = arith.constant 14 : index
    %swap3A_1257 = arith.constant 0 : index
    %swap3A_1258 = vector.load %arg16[%swap3A_1256, %swap3A_1257] : memref<16x16xf32, #tpu.memory_space<vmem>>, vector<1x16xf32>
    tpu.vector_store %arg16[%swap3A_1256, %swap3A_1257], %max3A_1255 {strides = array<i32>} : memref<16x16xf32, #tpu.memory_space<vmem>>, vector<1x16xf32>,
    %get3A_1259 = arith.constant 14 : index
    %get3A_1260 = arith.constant 0 : index
    %get3A_1261 = vector.load %arg17[%get3A_1259, %get3A_1260] : memref<16x16xf32, #tpu.memory_space<vmem>>, vector<1x16xf32>
    %reduce_sum3A_1262 = arith.constant dense<0.000000e+00> : vector<16xf32>
    %reduce_sum3A_1263 = vector.multi_reduction <add>, %select_n3A_1248, %reduce_sum3A_1262 [0] : vector<128x16xf32> to vector<16xf32>
    %broadcast_in_dim3A_1264 = vector.shape_cast %reduce_sum3A_1263 : vector<16xf32> to vector<1x16xf32>
    %add3A_1265 = arith.addf %get3A_1261, %broadcast_in_dim3A_1264 : vector<1x16xf32>
    %swap3A_1266 = arith.constant 14 : index
    %swap3A_1267 = arith.constant 0 : index
    %swap3A_1268 = vector.load %arg17[%swap3A_1266, %swap3A_1267] : memref<16x16xf32, #tpu.memory_space<vmem>>, vector<1x16xf32>
    tpu.vector_store %arg17[%swap3A_1266, %swap3A_1267], %add3A_1265 {strides = array<i32>} : memref<16x16xf32, #tpu.memory_space<vmem>>, vector<1x16xf32>,
    %get3A_1269 = arith.constant 14 : index
    %get3A_1270 = arith.constant 0 : index
    %get3A_1271 = vector.load %arg18[%get3A_1269, %get3A_1270] : memref<16x16xf32, #tpu.memory_space<vmem>>, vector<1x16xf32>
    %jit3A_1272 = arith.constant 1.000000e+00 : f32
    %jit3A_1273 = arith.constant 0.000000e+00 : f32
    %broadcast_in_dim3A_1274 = vector.broadcast %jit3A_1272 : f32 to vector<128x1xf32>
    %broadcast_in_dim3A_1275 = vector.broadcast %jit3A_1273 : f32 to vector<128x1xf32>
    %select_n3A_1276 = arith.select %eq3A_1238, %broadcast_in_dim3A_1274, %broadcast_in_dim3A_1275 : vector<128x1xi1>, vector<128x1xf32>
    %reduce_sum3A_1277 = vector.shape_cast %select_n3A_1276 : vector<128x1xf32> to vector<1x128x1xf32>
    %reduce_sum3A_1278 = arith.constant dense<0.000000e+00> : vector<1xf32>
    %reduce_sum3A_1279 = vector.multi_reduction <add>, %reduce_sum3A_1277, %reduce_sum3A_1278 [1, 2] : vector<1x128x1xf32> to vector<1xf32>
    %reduce_sum3A_1280 = vector.shape_cast %reduce_sum3A_1279 : vector<1xf32> to vector<1x1x1xf32>
    %reduce_sum3A_1281 = vector.extract %reduce_sum3A_1280[0, 0, 0] : f32 from vector<1x1x1xf32>
    %add3A_1282 = vector.broadcast %reduce_sum3A_1281 : f32 to vector<1x16xf32>
    %add3A_1283 = arith.addf %get3A_1271, %add3A_1282 : vector<1x16xf32>
    %swap3A_1284 = arith.constant 14 : index
    %swap3A_1285 = arith.constant 0 : index
    %swap3A_1286 = vector.load %arg18[%swap3A_1284, %swap3A_1285] : memref<16x16xf32, #tpu.memory_space<vmem>>, vector<1x16xf32>
    tpu.vector_store %arg18[%swap3A_1284, %swap3A_1285], %add3A_1283 {strides = array<i32>} : memref<16x16xf32, #tpu.memory_space<vmem>>, vector<1x16xf32>,
    %eq3A_1287 = arith.constant 1.500000e+01 : f32
    %eq3A_1288 = vector.broadcast %eq3A_1287 : f32 to vector<128x1xf32>
    %eq3A_1289 = arith.cmpf oeq, %select_n3A_496, %eq3A_1288 : vector<128x1xf32>
    %jit3A_1290 = arith.constant 0xFF800000 : f32
    %broadcast_in_dim3A_1291 = vector.shape_cast %eq3A_1289 : vector<128x1xi1> to vector<128x1xi1>
    %broadcast_in_dim3A_1292 = vector.broadcast %broadcast_in_dim3A_1291 : vector<128x1xi1> to vector<128x16xi1>
    %broadcast_in_dim3A_1293 = vector.broadcast %jit3A_1290 : f32 to vector<128x16xf32>
    %select_n3A_1294 = arith.select %broadcast_in_dim3A_1292, %mul3A_493, %broadcast_in_dim3A_1293 : vector<128x16xi1>, vector<128x16xf32>
    %jit3A_1295 = arith.constant 0.000000e+00 : f32
    %broadcast_in_dim3A_1296 = vector.shape_cast %eq3A_1289 : vector<128x1xi1> to vector<128x1xi1>
    %broadcast_in_dim3A_1297 = vector.broadcast %broadcast_in_dim3A_1296 : vector<128x1xi1> to vector<128x16xi1>
    %broadcast_in_dim3A_1298 = vector.broadcast %jit3A_1295 : f32 to vector<128x16xf32>
    %select_n3A_1299 = arith.select %broadcast_in_dim3A_1297, %mul3A_493, %broadcast_in_dim3A_1298 : vector<128x16xi1>, vector<128x16xf32>
    %get3A_1300 = arith.constant 15 : index
    %get3A_1301 = arith.constant 0 : index
    %get3A_1302 = vector.load %arg16[%get3A_1300, %get3A_1301] : memref<16x16xf32, #tpu.memory_space<vmem>>, vector<1x16xf32>
    %reduce_max3A_1303 = arith.constant dense<0xFF800000> : vector<16xf32>
    %reduce_max3A_1304 = vector.multi_reduction <maximumf>, %select_n3A_1294, %reduce_max3A_1303 [0] : vector<128x16xf32> to vector<16xf32>
    %broadcast_in_dim3A_1305 = vector.shape_cast %reduce_max3A_1304 : vector<16xf32> to vector<1x16xf32>
    %max3A_1306 = arith.maximumf %get3A_1302, %broadcast_in_dim3A_1305 : vector<1x16xf32>
    %swap3A_1307 = arith.constant 15 : index
    %swap3A_1308 = arith.constant 0 : index
    %swap3A_1309 = vector.load %arg16[%swap3A_1307, %swap3A_1308] : memref<16x16xf32, #tpu.memory_space<vmem>>, vector<1x16xf32>
    tpu.vector_store %arg16[%swap3A_1307, %swap3A_1308], %max3A_1306 {strides = array<i32>} : memref<16x16xf32, #tpu.memory_space<vmem>>, vector<1x16xf32>,
    %get3A_1310 = arith.constant 15 : index
    %get3A_1311 = arith.constant 0 : index
    %get3A_1312 = vector.load %arg17[%get3A_1310, %get3A_1311] : memref<16x16xf32, #tpu.memory_space<vmem>>, vector<1x16xf32>
    %reduce_sum3A_1313 = arith.constant dense<0.000000e+00> : vector<16xf32>
    %reduce_sum3A_1314 = vector.multi_reduction <add>, %select_n3A_1299, %reduce_sum3A_1313 [0] : vector<128x16xf32> to vector<16xf32>
    %broadcast_in_dim3A_1315 = vector.shape_cast %reduce_sum3A_1314 : vector<16xf32> to vector<1x16xf32>
    %add3A_1316 = arith.addf %get3A_1312, %broadcast_in_dim3A_1315 : vector<1x16xf32>
    %swap3A_1317 = arith.constant 15 : index
    %swap3A_1318 = arith.constant 0 : index
    %swap3A_1319 = vector.load %arg17[%swap3A_1317, %swap3A_1318] : memref<16x16xf32, #tpu.memory_space<vmem>>, vector<1x16xf32>
    tpu.vector_store %arg17[%swap3A_1317, %swap3A_1318], %add3A_1316 {strides = array<i32>} : memref<16x16xf32, #tpu.memory_space<vmem>>, vector<1x16xf32>,
    %get3A_1320 = arith.constant 15 : index
    %get3A_1321 = arith.constant 0 : index
    %get3A_1322 = vector.load %arg18[%get3A_1320, %get3A_1321] : memref<16x16xf32, #tpu.memory_space<vmem>>, vector<1x16xf32>
    %jit3A_1323 = arith.constant 1.000000e+00 : f32
    %jit3A_1324 = arith.constant 0.000000e+00 : f32
    %broadcast_in_dim3A_1325 = vector.broadcast %jit3A_1323 : f32 to vector<128x1xf32>
    %broadcast_in_dim3A_1326 = vector.broadcast %jit3A_1324 : f32 to vector<128x1xf32>
    %select_n3A_1327 = arith.select %eq3A_1289, %broadcast_in_dim3A_1325, %broadcast_in_dim3A_1326 : vector<128x1xi1>, vector<128x1xf32>
    %reduce_sum3A_1328 = vector.shape_cast %select_n3A_1327 : vector<128x1xf32> to vector<1x128x1xf32>
    %reduce_sum3A_1329 = arith.constant dense<0.000000e+00> : vector<1xf32>
    %reduce_sum3A_1330 = vector.multi_reduction <add>, %reduce_sum3A_1328, %reduce_sum3A_1329 [1, 2] : vector<1x128x1xf32> to vector<1xf32>
    %reduce_sum3A_1331 = vector.shape_cast %reduce_sum3A_1330 : vector<1xf32> to vector<1x1x1xf32>
    %reduce_sum3A_1332 = vector.extract %reduce_sum3A_1331[0, 0, 0] : f32 from vector<1x1x1xf32>
    %add3A_1333 = vector.broadcast %reduce_sum3A_1332 : f32 to vector<1x16xf32>
    %add3A_1334 = arith.addf %get3A_1322, %add3A_1333 : vector<1x16xf32>
    %swap3A_1335 = arith.constant 15 : index
    %swap3A_1336 = arith.constant 0 : index
    %swap3A_1337 = vector.load %arg18[%swap3A_1335, %swap3A_1336] : memref<16x16xf32, #tpu.memory_space<vmem>>, vector<1x16xf32>
    tpu.vector_store %arg18[%swap3A_1335, %swap3A_1336], %add3A_1334 {strides = array<i32>} : memref<16x16xf32, #tpu.memory_space<vmem>>, vector<1x16xf32>,
    %eq3A_1338 = arith.constant 79 : i32
    %eq3A_1339 = arith.cmpi eq, %arg0, %eq3A_1338 : i32
    %convert_element_type3A_1340 = arith.extui %eq3A_1339 : i1 to i32
    %cond3A_1341 = arith.constant 0 : i32
    %cond3A_1342 = arith.cmpi ne, %convert_element_type3A_1340, %cond3A_1341 : i32
    scf.if %cond3A_1342 {
      %get3A_1343 = arith.constant 0 : index
      %get3A_1344 = arith.constant 0 : index
      %get3A_1345 = vector.load %arg17[%get3A_1343, %get3A_1344] : memref<16x16xf32, #tpu.memory_space<vmem>>, vector<16x16xf32>
      %get3A_1346 = arith.constant 0 : index
      %get3A_1347 = arith.constant 0 : index
      %get3A_1348 = vector.load %arg18[%get3A_1346, %get3A_1347] : memref<16x16xf32, #tpu.memory_space<vmem>>, vector<16x16xf32>
      %max3A_1349 = arith.constant 1.000000e+00 : f32
      %max3A_1350 = vector.broadcast %max3A_1349 : f32 to vector<16x16xf32>
      %max3A_1351 = arith.maximumf %get3A_1348, %max3A_1350 : vector<16x16xf32>
      %div3A_1352 = arith.divf %get3A_1345, %max3A_1351 : vector<16x16xf32>
      %get3A_1353 = arith.constant 0 : index
      %get3A_1354 = arith.constant 0 : index
      %get3A_1355 = vector.load %arg16[%get3A_1353, %get3A_1354] : memref<16x16xf32, #tpu.memory_space<vmem>>, vector<16x16xf32>
      %concatenate3A = tpu.concatenate %get3A_1355, %div3A_1352 in 1 : vector<16x16xf32>, vector<16x16xf32> -> vector<16x32xf32>
      %swap3A_1356 = arith.constant 0 : index
      %swap3A_1357 = arith.constant 0 : index
      %swap3A_1358 = vector.load %arg15[%swap3A_1356, %swap3A_1357] : memref<16x32xf32, #tpu.memory_space<vmem>>, vector<16x32xf32>
      tpu.vector_store %arg15[%swap3A_1356, %swap3A_1357], %concatenate3A {strides = array<i32>} : memref<16x32xf32, #tpu.memory_space<vmem>>, vector<16x32xf32>,
    } else {
    }
    return
  }
  func.func @transform_0(%arg0: i32) -> (i32, i32) {
    %c0_i32 = arith.constant 0 : i32
    %c0_i32_0 = arith.constant 0 : i32
    %c0_i32_1 = arith.constant 0 : i32
    return %c0_i32, %c0_i32_0 : i32, i32
  }
  func.func @transform_1(%arg0: i32) -> (i32, i32) {
    %c0_i32 = arith.constant 0 : i32
    %c0_i32_0 = arith.constant 0 : i32
    %c0_i32_1 = arith.constant 0 : i32
    return %c0_i32, %c0_i32_0 : i32, i32
  }
  func.func @transform_2(%arg0: i32) -> (i32, i32) {
    %c0_i32 = arith.constant 0 : i32
    %c0_i32_0 = arith.constant 0 : i32
    %c0_i32_1 = arith.constant 0 : i32
    return %c0_i32, %c0_i32_0 : i32, i32
  }
  func.func @transform_3(%arg0: i32) -> (i32, i32) {
    %c0_i32 = arith.constant 0 : i32
    %c0_i32_0 = arith.constant 0 : i32
    return %arg0, %c0_i32 : i32, i32
  }
  func.func @transform_4(%arg0: i32) -> (i32, i32) {
    %c0_i32 = arith.constant 0 : i32
    %c0_i32_0 = arith.constant 0 : i32
    return %arg0, %c0_i32 : i32, i32
  }
  func.func @transform_5(%arg0: i32) -> (i32, i32) {
    %c0_i32 = arith.constant 0 : i32
    %c0_i32_0 = arith.constant 0 : i32
    return %arg0, %c0_i32 : i32, i32
  }
  func.func @transform_6(%arg0: i32) -> (i32, i32) {
    %c0_i32 = arith.constant 0 : i32
    %c0_i32_0 = arith.constant 0 : i32
    return %arg0, %c0_i32 : i32, i32
  }
  func.func @transform_7(%arg0: i32) -> (i32, i32) {
    %c0_i32 = arith.constant 0 : i32
    %c0_i32_0 = arith.constant 0 : i32
    %c0_i32_1 = arith.constant 0 : i32
    return %c0_i32, %c0_i32_0 : i32, i32
  }
  func.func @transform_8(%arg0: i32) -> (i32, i32) {
    %c0_i32 = arith.constant 0 : i32
    %c0_i32_0 = arith.constant 0 : i32
    %c0_i32_1 = arith.constant 0 : i32
    return %c0_i32, %c0_i32_0 : i32, i32
  }
  func.func @transform_9(%arg0: i32) -> (i32, i32) {
    %c0_i32 = arith.constant 0 : i32
    %c0_i32_0 = arith.constant 0 : i32
    return %arg0, %c0_i32 : i32, i32
  }
  func.func @transform_10(%arg0: i32) -> (i32, i32) {
    %c0_i32 = arith.constant 0 : i32
    %c0_i32_0 = arith.constant 0 : i32
    return %arg0, %c0_i32 : i32, i32
  }
  func.func @transform_11(%arg0: i32) -> (i32, i32) {
    %c0_i32 = arith.constant 0 : i32
    %c0_i32_0 = arith.constant 0 : i32
    return %arg0, %c0_i32 : i32, i32
  }
  func.func @transform_12(%arg0: i32) -> (i32, i32) {
    %c0_i32 = arith.constant 0 : i32
    %c0_i32_0 = arith.constant 0 : i32
    return %arg0, %c0_i32 : i32, i32
  }
  func.func @transform_13(%arg0: i32) -> (i32, i32) {
    %c0_i32 = arith.constant 0 : i32
    %c0_i32_0 = arith.constant 0 : i32
    return %arg0, %c0_i32 : i32, i32
  }
  func.func @transform_14(%arg0: i32) -> (i32, i32) {
    %c0_i32 = arith.constant 0 : i32
    %c0_i32_0 = arith.constant 0 : i32
    %c0_i32_1 = arith.constant 0 : i32
    return %c0_i32, %c0_i32_0 : i32, i32
  }
}

</mosaic_0001>

<sc_bundles>
// kernel: kernel.13.cloned.1.call-start
scs
__scs_entry_jumppad:
0x0: {  	(pc) =	sbr.rel $0x88, $3  }
0x1: {  	(tag) =	ssettag $0x0;
	lr =	simm.s32 $0x1  }
0x2: {  	[smem:$0x3F89] =	sst lr;
	_ =	strace $0xD0000000  }
0x3: {  	_ = 	snop  }
0x4: {  	_ = 	snop  }
0x5: {  	_ = 	snop  }
0x6: {  	_ = 	snop  }
0x7: {  	_ = 	snop  }
__scs_overlays_trampoline_lowered:
0x8: {  	[smem:$0x3F98] =	sst s0  }
0x9: {  	[smem:$0x3F99] =	sst s1  }
0xa: {  	[smem:$0x3F9A] =	sst s2  }
0xb: {  	[smem:$0x3F9B] =	sst s3  }
0xc: {  	[smem:$0x3F9C] =	sst s4  }
0xd: {  	[smem:$0x3F9D] =	sst s5  }
0xe: {  	[smem:$0x3F9E] =	sst s6  }
0xf: {  	[smem:$0x3F9F] =	sst s7  }
0x10: {  	[smem:$0x3FA0] =	sst s8  }
0x11: {  	[smem:$0x3FA1] =	sst s9;
	s0 =	simm.s32 @!p0 $0x0  }
0x12: {  	s1 =	sld [smem:$0x3F87];
	s0 =	simm.s32 @p0 $0x1  }
0x13: {  	[smem:$0x3FA2] =	sst s0;
	s0 =	simm.s32 @!p1 $0x0  }
0x14: {  	s2 =	sld [smem:$0x3F86];
	s0 =	simm.s32 @p1 $0x1  }
0x15: {  	[smem:$0x3FA3] =	sst s0;
	s0 =	simm.s32 @!p2 $0x0  }
0x16: {  	s3 =	sld [smem:$0x3FDB];
	s0 =	simm.s32 @p2 $0x1  }
0x17: {  	s4 =	simm.s32 $0x1BF5;
	[smem:$0x3FA5] =	sst s0  }
0x18: {  	s0 =	sld [smem:$0x3F88];
	_ =	swait.ge [sflag:s4], $0x0  }
0x19: {  	s7 =	sld [smem:$0x3F89]  }
0x1a: {  	s8 =	sadd.s32 $0xFFFFE003, lr  }
0x1b: {  	s9 =	sadd.s32 $0xFFFFFEF7, lr;
	s5 =	simm.s32 $0xFFFFFFFF;
	p2 =	slt.u32 s8, $0xFFFFF086  }
0x1c: {  	p1 =	slt.u32 s9, $0xF7A;
	s5 =	simm.s32 @!p2 $0x0  }
0x1d: {  	s5 =	simm.s32 @p1 $0x1;
	p0 =	seq.s32 s7, s2  }
0x1e: {  	s7 =	smul.u32 @!p0 $0xF7A, s2;
	p2 =	seq.s32 @!p0 s5, $0x0  }
0x1f: {  	s9 =	smul.u32 $0xF7A, s1;
	s8 =	simm.s32 @!p0 $0x1BF5;
	p2 =	por !p2, p0  }
0x20: {  	[sflag:s8] =	ssyncset.s32 @!p0 $0xFFFFF086;
	s6 =	sadd.s32 @!p0 s3, s7;
	s7 =	simm.s32 @!p0 $0x108  }
0x21: {  	s3 =	sadd.s32 s3, s9;
	s6 =	sadd.s32 @!p0 $0x88, s6;
	s7 =	simm.s32 @p2 $0x1082  }
0x22: {  	[simem:s7], [sflag:s8] =	dma.local @!p0 [hbm:s6], $0xF7A  }
0x23: {  	s9 =	sor.u32 $0xD0000000, s2;
	s6 =	simm.s32 $0x108;
	_ =	swait.ge @!p0 [sflag:s8], $0x0  }
0x24: {  	s3 =	sadd.s32 $0x88, s3;
	s6 =	simm.s32 @!p1 $0x1082;
	[sflag:s4] =	ssyncset.s32 $0xFFFFF086  }
0x25: {  	[simem:s6], [sflag:s4] =	dma.local [hbm:s3], $0xF7A  }
0x26: {  	[smem:$0x3F89] =	sst s1;
	(tag) =	ssettag s2;
	_ =	strace s9  }
0x27: {  	s1 =	sld [smem:$0x3F99]  }
0x28: {  	s2 =	sld [smem:$0x3F9A]  }
0x29: {  	s4 =	sld [smem:$0x3F9C]  }
0x2a: {  	p0 =	seq.s32 s5, $0x0;
	s5 =	sld [smem:$0x3F9D]  }
0x2b: {  	s6 =	sld [smem:$0x3F9E]  }
0x2c: {  	s7 =	sld [smem:$0x3F9F]  }
0x2d: {  	s3 =	simm.s32 $0x108;
	s8 =	sld [smem:$0x3FA0]  }
0x2e: {  	s3 =	simm.s32 @!p0 $0x1082;
	s9 =	sld [smem:$0x3FA1]  }
0x2f: {  	lr =	sadd.s32 s0, s3;
	s0 =	sld [smem:$0x3F98]  }
0x30: {  	s3 =	sld [smem:$0x3F9B]  }
0x31: {  	[smem:$0x3FA4] =	sst s10  }
0x32: {  	s10 =	sld [smem:$0x3FA2];
	_ =	sdelay $0x3  }
0x33: {  	p0 =	seq.s32 s10, $0x1;
	s10 =	sld [smem:$0x3FA4];
	_ =	sdelay $0x3  }
0x34: {  	[smem:$0x3FA4] =	sst s10  }
0x35: {  	s10 =	sld [smem:$0x3FA3];
	_ =	sdelay $0x3  }
0x36: {  	p1 =	seq.s32 s10, $0x1;
	s10 =	sld [smem:$0x3FA4];
	_ =	sdelay $0x3  }
0x37: {  	[smem:$0x3FA4] =	sst s10  }
0x38: {  	s10 =	sld [smem:$0x3FA5]  }
0x39: {  	_ = 	snop;
	(pc) =	sbr.ind lr, $3  }
0x3a: {  	_ = 	snop  }
0x3b: {  	_ = 	snop  }
0x3c: {  	p2 =	seq.s32 s10, $0x1;
	s10 =	sld [smem:$0x3FA4]  }
0x3d: {  	_ =	shalt  }
0x3e: {  	_ =	shalt  }
0x3f: {  	_ =	shalt  }
0x40: {  	_ =	shalt  }
0x41: {  	_ =	shalt  }
0x42: {  	_ =	shalt  }
0x43: {  	_ =	shalt  }
0x44: {  	_ =	shalt  }
0x45: {  	_ =	shalt  }
0x46: {  	_ =	shalt  }
0x47: {  	_ =	shalt  }
0x48: {  	_ =	shalt  }
0x49: {  	_ =	shalt  }
0x4a: {  	_ =	shalt  }
0x4b: {  	_ =	shalt  }
0x4c: {  	_ =	shalt  }
0x4d: {  	_ =	shalt  }
0x4e: {  	_ =	shalt  }
0x4f: {  	_ =	shalt  }
0x50: {  	_ =	shalt  }
0x51: {  	_ =	shalt  }
0x52: {  	_ =	shalt  }
0x53: {  	_ =	shalt  }
0x54: {  	_ =	shalt  }
0x55: {  	_ =	shalt  }
0x56: {  	_ =	shalt  }
0x57: {  	_ =	shalt  }
0x58: {  	_ =	shalt  }
0x59: {  	_ =	shalt  }
0x5a: {  	_ =	shalt  }
0x5b: {  	_ =	shalt  }
0x5c: {  	_ =	shalt  }
0x5d: {  	_ =	shalt  }
0x5e: {  	_ =	shalt  }
0x5f: {  	_ =	shalt  }
0x60: {  	_ =	shalt  }
0x61: {  	_ =	shalt  }
0x62: {  	_ =	shalt  }
0x63: {  	_ =	shalt  }
0x64: {  	_ =	shalt  }
0x65: {  	_ =	shalt  }
0x66: {  	_ =	shalt  }
0x67: {  	_ =	shalt  }
0x68: {  	_ =	shalt  }
0x69: {  	_ =	shalt  }
0x6a: {  	_ =	shalt  }
0x6b: {  	_ =	shalt  }
0x6c: {  	_ =	shalt  }
0x6d: {  	_ =	shalt  }
0x6e: {  	_ =	shalt  }
0x6f: {  	_ =	shalt  }
0x70: {  	_ =	shalt  }
0x71: {  	_ =	shalt  }
0x72: {  	_ =	shalt  }
0x73: {  	_ =	shalt  }
0x74: {  	_ =	shalt  }
0x75: {  	_ =	shalt  }
0x76: {  	_ =	shalt  }
0x77: {  	_ =	shalt  }
0x78: {  	_ =	shalt  }
0x79: {  	_ =	shalt  }
0x7a: {  	_ =	shalt  }
0x7b: {  	_ =	shalt  }
0x7c: {  	_ =	shalt  }
0x7d: {  	_ =	shalt  }
0x7e: {  	_ =	shalt  }
0x7f: {  	_ =	shalt  }
0x80: {  	_ =	shalt  }
0x81: {  	_ =	shalt  }
0x82: {  	_ =	shalt  }
0x83: {  	_ =	shalt  }
0x84: {  	_ =	shalt  }
0x85: {  	_ =	shalt  }
0x86: {  	_ =	shalt  }
0x87: {  	_ =	shalt  }
.Lfunc_end0:
.L_simem_size_0:
called_computation_lowered:
.L_overlay_start_0:
0x88: {  	s2 =	sld [smem:$0x3FD9]  }
0x89: {  	s3 =	sld [smem:$0x3FFE];
	_ =	sdelay $0x1  }
0x8a: {  	s1 =	srdreg.scid  }
0x8b: {  	s0 =	sand.u32 $0x1, s1  }
0x8c: {  	s16 =	sshll.u32 s0, $0xA;
	s2 =	sadd.s32 s3, s2  }
0x8d: {  	s2 =	sadd.s32 s2, s16  }
0x8e: {  	[smem:$0x3FB0] =	sst s2  }
0x8f: {  	_ = 	snop  }
0x90: {  	(tm) =	ssettm $0x1  }
0x91: {  	s17 =	sld [smem:$0x3FFB];
	_ =	sdelay $0x3  }
0x92: {  	_ =	strace s17  }
0x93: {  	s2 =	sld [smem:$0x3FFC];
	_ =	sdelay $0x3  }
0x94: {  	_ =	strace s2  }
0x95: {  	s2 =	sld [smem:$0x3FFD];
	_ =	sdelay $0x3  }
0x96: {  	_ =	strace s2  }
0x97: {  	_ =	strace $0x8FFFFFFF  }
0x98: {  	s18 =	sld [smem:$0x3FDB];
	_ =	sdelay $0x1  }
0x99: {  	s19 =	simm.s32 $_scs_section_size  }
0x9a: {  	s4 =	simm.s32 $_size__tile_overlayer_lowered;
	s5 =	simm.s32 $_tile_overlayer_lowered  }
0x9b: {  	s22 =	simm.s32 $0x1BFF;
	s21 =	sshll.u32 s5, $0x1;
	s2 =	sadd.s32 s19, s18  }
0x9c: {  	s6 =	simm.s32 $0x0;
	s20 =	sshll.u32 s4, $0x1;
	s4 =	sadd.s32 s21, s2  }
0x9d: {  	[timem:s6], [sflag:s22] =	dma.local [hbm:s4], s20  }
0x9e: {  	_ =	swait.ge [sflag:s22], s20  }
0x9f: {  	s3 =	ssub.s32 $0x0, s20;
	[sflag:s22] =	ssyncset.done $0x0  }
0xa0: {  	[sflag:s22] =	ssyncadd.s32 s3;
	_ =	sdelay $0x1  }
0xa1: {  	s23 =	simm.s32 $0x1B8B  }
0xa2: {  	_ =	swait.ge [sflag:s23], $0x1  }
0xa3: {  	[sflag:s23] =	ssyncset.done $0x0  }
0xa4: {  	s25 =	simm.s32 $0x1B8E;
	s24 =	sld [smem:$0x3FFE];
	[sflag:s23] =	ssyncadd.s32 $0xFFFFFFFF  }
0xa5: {  	s26 =	simm.s32 $execute0_lowered;
	[smem:$0x3FD2] =	sst s25  }
0xa6: {  	s4 =	sshll.u32 s26, $0x1;
	_ =	strace $0x80000046;
	[dreg:$0x1] =	wrdreg $0xFFFFFFFF  }
0xa7: {  	s28 =	simm.s32 $_size_execute0_lowered;
	s2 =	sadd.s32 s2, s4;
	[dreg:$0x0] =	wrdreg $0x0  }
0xa8: {  	s4 =	sshll.u32 s28, $0x1;
	[dreg:$0x2] =	wrdreg s2  }
0xa9: {  	[dreg:$0x3] =	wrdreg s4  }
0xaa: {  	[dreg:$0x4] =	wrdreg $0xC0  }
0xab: {  	_ =	task [dreg:s6], $0x5FFFF  }
0xac: {  	[dreg:$0x1] =	wrdreg $0xFFFFFFFF  }
0xad: {  	[dreg:$0x0] =	wrdreg $0x60  }
0xae: {  	[dreg:$0x2] =	wrdreg s24  }
0xaf: {  	[dreg:$0x3] =	wrdreg $0x9  }
0xb0: {  	_ =	task.clear_ibuf [dreg:s6], $0x4FFFF;
	_ =	strace $0x90000046  }
0xb1: {  	s29 =	simm.s32 $0x9;
	_ =	strace $0x80000048  }
0xb2: {  	_ =	swait.ge [sflag:s29], $0x1  }
0xb3: {  	[sflag:s29] =	ssyncadd.s32 $0xFFFFFFFF  }
0xb4: {  	_ =	strace $0x90000048  }
0xb5: {  	_ =	sfence  }
0xb6: {  	s30 =	sld [smem:$0x0];
	_ =	sdelay $0x2  }
0xb7: {  	s31 =	sshll.u32 s1, $0xD;
	s1 =	sshrl.u32 s1, $0x2  }
0xb8: {  	s3 =	sand.u32 $0x4000, s31;
	s1 =	sadd.s32 s1, s30  }
0xb9: {  	s0 =	sor.u32 s3, s0;
	s1 =	sshll.u32 s1, $0x11  }
0xba: {  	s0 =	sor.u32 s1, s0  }
0xbb: {  	s0 =	sadd.s32 $0x8F2B, s0  }
0xbc: {  	[sflag:s0] =	ssyncadd.remote.s32 $0x1  }
0xbd: {  	_ =	sfence.sel $0xFFFF  }
0xbe: {  	[dreg:$0x0] =	wrdreg $0xFFFFFFFF;
	(pc) =	sbr.abs _section_cstart, $3  }
0xbf: {  	[dreg:$0x1] =	wrdreg $0xFFFFFFFF  }
0xc0: {  	_ =	task.clear_ibuf [dreg:s6], $0x2FFFF;
	_ =	strace $0x9FFFFFFF  }
0xc1: {  	(tm) =	ssettm $0x7FFFFFFF  }
tec
execute0_lowered:
.L_overlay_start_1:
0x0: {  	(tag) =	ssettag $0x1  }
0x1: {  	s0 =	srdreg.scid;
	s6 =	rddreg [dreg:$0x0];
	s2 =	simm.s32 $0x0  }
0x2: {  	s1 =	stileid.u32;
	s12 =	simm.s32 $0xF000;
	s13 =	simm.s32 $0x2  }
0x3: {  	s14 =	simm.s32 $0xF080;
	s17 =	sand.u32 $0x1, s0;
	s0 =	rddreg [dreg:$0x1]  }
0x4: {  	s15 =	simm.s32 $0xF100;
	s16 =	simm.s32 $0xF200;
	[smem:$0x7FF] =	sst s2  }
0x5: {  	s5 =	sadd.s32 $0x48600, s6;
	s3 =	smul.u32 $0x1E00, s17;
	s4 =	sshll.u32 s17, $0x4  }
0x6: {  	_ =	strace $0x80000047;
	s9 =	ssub.s32 $0x2, s17;
	p0 =	sne.s32 s17, $0x0  }
0x7: {  	s17 =	simm.s32 $0x0;
	s4 =	sor.u32 s1, s4;
	s10 =	sshrl.u32 s9, $0x1  }
0x8: {  	s7 =	sadd.s32 s3, s6;
	s3 =	sadd.s32 $0x3E800, s6;
	s8 =	smul.u32 $0x1900, s4  }
0x9: {  	s4 =	sadd.s32 $0x34A00, s6;
	s10 =	ssub.s32 s9, s10;
	s7 =	sadd.s32 $0x30E00, s7  }
0xa: {  	s10 =	smax.u32 s10, $0x1;
	s11 =	sadd.s32 s8, s6;
	s6 =	sadd.s32 $0x84400, s6  }
0xb: {  	v0 =	vimm.f32 $0.0e+00;
	s8 =	smul.u32 $0x4E80, s1;
	s9 =	sadd.s32 $0x52400, s11;
	s11 =	simm.s32 $0x1  }
.LBB2_1:
0xc: {  	[tilespmem:s2], [sflag:$0x1] =	stream.linear.gather [hbm4b:s7+s2], $0xF000, $0x38;
	[tilespmem:$0x1BA00] =	vst v63  }
0xd: {  	_ =	swait.ge [sflag:s11], $0xF000  }
0xe: {  	[sflag:s11] =	ssyncset.done $0x0  }
0xf: {  	s18 =	simm.s32 $0x40;
	s19 =	simm.s32 $0x0;
	[sflag:s11] =	ssyncadd.s32 $0xFFFF1000  }
.LBB2_2:
0x10: {  	p1 =	sne.s32 s18, $0x31FC0;
	[tilespmem:s19+$0xF200] =	vst v0;
	s19 =	smov.u32 s18;
	s18 =	sadd.s32 $0x40, s18  }
.Ltmp0:
0x11: {  	(pc) =	sbr.rel @p1 .LBB2_2-.Ltmp0, $2  }
0x12: {  	_ =	sdelay $0x2  }
0x13: {  	s19 =	sshra.s32 s19, $0x2  }
0x14: {  	[tilespmem:s19+$0xF200] =	vst v0;
	s18 =	simm.s32 $0x0;
	s19 =	simm.s32 $0x0  }
.LBB2_4:
0x15: {  	s20 =	sshll.u32 s19, $0x7  }
0x16: {  	s20 =	sadd.s32 s8, s20  }
0x17: {  	s20 =	sshrl.u32 s20, $0x3  }
0x18: {  	s21 =	sadd.s32 s3, s20  }
0x19: {  	[tilespmem:s12], [sflag:$0x2] =	stream.linear.gather [hbm4b:s21+s18], $0x80, $0x38;
	[tilespmem:$0x1BA00] =	vst v63  }
0x1a: {  	_ =	swait.ge [sflag:s13], $0x80  }
0x1b: {  	[sflag:s13] =	ssyncset.done $0x0  }
0x1c: {  	s29 =	sadd.s32 s4, s20;
	[sflag:s13] =	ssyncadd.s32 $0xFFFFFF80  }
0x1d: {  	[tilespmem:s14], [sflag:$0x2] =	stream.linear.gather [hbm4b:s29+s18], $0x80, $0x38;
	[tilespmem:$0x1BA00] =	vst v63  }
0x1e: {  	_ =	swait.ge [sflag:s13], $0x80  }
0x1f: {  	[sflag:s13] =	ssyncset.done $0x0  }
0x20: {  	s30 =	sadd.s32 s5, s20;
	[sflag:s13] =	ssyncadd.s32 $0xFFFFFF80  }
0x21: {  	[tilespmem:s15], [sflag:$0x2] =	stream.linear.gather [hbm4b:s30+s18], $0x80, $0x38;
	[tilespmem:$0x1BA00] =	vst v63  }
0x22: {  	_ =	swait.ge [sflag:s13], $0x80  }
0x23: {  	[sflag:s13] =	ssyncset.done $0x0  }
0x24: {  	s31 =	simm.s32 $0x0;
	[sflag:s13] =	ssyncadd.s32 $0xFFFFFF80  }
0x25: {  	v1 =	vld [tilespmem:s31+$0xF000];
	_ =	sdelay $0x1  }
0x26: {  	v2 =	vld [tilespmem:s31+$0xF080];
	_ =	sdelay $0x2  }
0x27: {  	v1 =	vmul.u32 $0x6, v1;
	_ =	sdelay $0x1  }
0x28: {  	v4 =	vmul.u32 $0x6, v2;
	v3 =	vadd.s32 $0x5, v1;
	_ =	sdelay $0x1  }
0x29: {  	v4 =	vadd.s32 $0x5, v4;
	_ =	sdelay $0x1  }
0x2a: {  	v5 =	vld [tilespmem:s31+$0xF100]  }
0x2b: {  	v3 =	vld.idx.msk [tilespmem:v3+s2+$0x0], $0xffff;
	_ =	sdelay $0x1  }
0x2c: {  	v4 =	vld.idx.msk [tilespmem:v4+s2+$0x0], $0xffff;
	_ =	sdelay $0x2  }
0x2d: {  	v3 =	vmul.f32 v5, v3;
	_ =	sdelay $0x1  }
0x2e: {  	v3 =	vmul.f32 v3, v4;
	_ =	sdelay $0x1  }
0x2f: {  	[tilespmem:s31+$0xF180] =	vst v3  }
0x30: {  	v58 =	vld.idx.msk [tilespmem:v1+s2+$0x0], $0xffff  }
0x31: {  	v2 =	vmul.u32 $0x5, v2;
	_ =	sdelay $0x1  }
0x32: {  	v59 =	vor.u32 $0x1, v1;
	_ =	sdelay $0x1  }
0x33: {  	v4 =	vmul.f32 v3, v58;
	_ =	sdelay $0x1  }
0x34: {  	[tilespmem:v2+s16+$0x0] =	vst.idx.add.f32.msk $0xffff, v4  }
0x35: {  	v4 =	vld.idx.msk [tilespmem:v59+s2+$0x0], $0xffff;
	_ =	sdelay $0x1  }
0x36: {  	v60 =	vadd.s32 $0x1, v2  }
0x37: {  	v6 =	vadd.s32 $0x2, v1;
	_ =	sdelay $0x1  }
0x38: {  	v4 =	vmul.f32 v4, v3;
	_ =	sdelay $0x1  }
0x39: {  	[tilespmem:v60+s16+$0x0] =	vst.idx.add.f32.msk $0xffff, v4  }
0x3a: {  	v4 =	vld.idx.msk [tilespmem:v6+s2+$0x0], $0xffff;
	_ =	sdelay $0x1  }
0x3b: {  	v61 =	vadd.s32 $0x2, v2  }
0x3c: {  	v62 =	vadd.s32 $0x3, v1;
	_ =	sdelay $0x1  }
0x3d: {  	v4 =	vmul.f32 v4, v3;
	_ =	sdelay $0x1  }
0x3e: {  	[tilespmem:v61+s16+$0x0] =	vst.idx.add.f32.msk $0xffff, v4  }
0x3f: {  	v4 =	vld.idx.msk [tilespmem:v62+s2+$0x0], $0xffff;
	_ =	sdelay $0x1  }
0x40: {  	v63 =	vadd.s32 $0x3, v2  }
0x41: {  	v1 =	vadd.s32 $0x4, v1;
	_ =	sdelay $0x1  }
0x42: {  	v4 =	vmul.f32 v4, v3;
	_ =	sdelay $0x1  }
0x43: {  	[tilespmem:v63+s16+$0x0] =	vst.idx.add.f32.msk $0xffff, v4  }
0x44: {  	v4 =	vld.idx.msk [tilespmem:v1+s2+$0x0], $0xffff;
	_ =	sdelay $0x1  }
0x45: {  	v1 =	vadd.s32 $0x4, v2;
	_ =	sdelay $0x2  }
0x46: {  	s22 =	simm.s32 $0x80;
	s21 =	simm.s32 $0x40;
	v2 =	vmul.f32 v4, v3  }
.LBB2_5:
0x47: {  	p1 =	sne.s32 s22, $0x1C0  }
0x48: {  	s23 =	sshra.s32 s21, $0x2;
	s21 =	smov.u32 s22;
	s22 =	sadd.s32 $0x40, s22;
	[tilespmem:v1+s16+$0x0] =	vst.idx.add.f32.msk $0xffff, v2  }
0x49: {  	v1 =	vld [tilespmem:s23+$0xF000];
	_ =	sdelay $0x1  }
0x4a: {  	v2 =	vld [tilespmem:s23+$0xF080];
	_ =	sdelay $0x2  }
0x4b: {  	v1 =	vmul.u32 $0x6, v1;
	_ =	sdelay $0x1  }
0x4c: {  	v3 =	vmul.u32 $0x6, v2;
	v4 =	vadd.s32 $0x5, v1;
	_ =	sdelay $0x1  }
0x4d: {  	v3 =	vadd.s32 $0x5, v3;
	_ =	sdelay $0x2  }
0x4e: {  	v4 =	vld.idx.msk [tilespmem:v4+s2+$0x0], $0xffff  }
0x4f: {  	v5 =	vld [tilespmem:s23+$0xF100]  }
0x50: {  	v3 =	vld.idx.msk [tilespmem:v3+s2+$0x0], $0xffff;
	_ =	sdelay $0x3  }
0x51: {  	v4 =	vmul.f32 v5, v4;
	_ =	sdelay $0x1  }
0x52: {  	v3 =	vmul.f32 v4, v3;
	_ =	sdelay $0x1  }
0x53: {  	[tilespmem:s23+$0xF180] =	vst v3  }
0x54: {  	v4 =	vld.idx.msk [tilespmem:v1+s2+$0x0], $0xffff;
	_ =	sdelay $0x1  }
0x55: {  	v2 =	vmul.u32 $0x5, v2;
	_ =	sdelay $0x1  }
0x56: {  	v5 =	vor.u32 $0x1, v1;
	_ =	sdelay $0x1  }
0x57: {  	v4 =	vmul.f32 v3, v4;
	_ =	sdelay $0x1  }
0x58: {  	[tilespmem:v2+s16+$0x0] =	vst.idx.add.f32.msk $0xffff, v4  }
0x59: {  	v4 =	vld.idx.msk [tilespmem:v5+s2+$0x0], $0xffff;
	_ =	sdelay $0x2  }
0x5a: {  	v5 =	vadd.s32 $0x1, v2  }
0x5b: {  	v6 =	vadd.s32 $0x2, v1;
	_ =	sdelay $0x1  }
0x5c: {  	v4 =	vmul.f32 v4, v3;
	_ =	sdelay $0x1  }
0x5d: {  	[tilespmem:v5+s16+$0x0] =	vst.idx.add.f32.msk $0xffff, v4  }
0x5e: {  	v4 =	vld.idx.msk [tilespmem:v6+s2+$0x0], $0xffff;
	_ =	sdelay $0x2  }
0x5f: {  	v5 =	vadd.s32 $0x2, v2  }
0x60: {  	v6 =	vadd.s32 $0x3, v1;
	_ =	sdelay $0x1  }
0x61: {  	v4 =	vmul.f32 v4, v3;
	_ =	sdelay $0x1  }
0x62: {  	[tilespmem:v5+s16+$0x0] =	vst.idx.add.f32.msk $0xffff, v4  }
0x63: {  	v4 =	vld.idx.msk [tilespmem:v6+s2+$0x0], $0xffff;
	_ =	sdelay $0x2  }
0x64: {  	v5 =	vadd.s32 $0x3, v2  }
0x65: {  	v1 =	vadd.s32 $0x4, v1;
	_ =	sdelay $0x1  }
0x66: {  	v4 =	vmul.f32 v4, v3;
	_ =	sdelay $0x1  }
0x67: {  	[tilespmem:v5+s16+$0x0] =	vst.idx.add.f32.msk $0xffff, v4  }
0x68: {  	v4 =	vld.idx.msk [tilespmem:v1+s2+$0x0], $0xffff;
	_ =	sdelay $0x1  }
.Ltmp1:
0x69: {  	(pc) =	sbr.rel @p1 .LBB2_5-.Ltmp1, $2  }
0x6a: {  	v1 =	vadd.s32 $0x4, v2;
	_ =	sdelay $0x2  }
0x6b: {  	v2 =	vmul.f32 v4, v3  }
0x6c: {  	_ =	sdelay $0x3  }
0x6d: {  	s21 =	sshra.s32 s21, $0x2;
	[tilespmem:v1+s16+$0x0] =	vst.idx.add.f32.msk $0xffff, v2  }
0x6e: {  	v1 =	vld [tilespmem:s21+$0xF000];
	_ =	sdelay $0x1  }
0x6f: {  	v2 =	vld [tilespmem:s21+$0xF080];
	_ =	sdelay $0x2  }
0x70: {  	v1 =	vmul.u32 $0x6, v1;
	_ =	sdelay $0x1  }
0x71: {  	v4 =	vmul.u32 $0x6, v2;
	v3 =	vadd.s32 $0x5, v1;
	_ =	sdelay $0x1  }
0x72: {  	v4 =	vadd.s32 $0x5, v4;
	_ =	sdelay $0x1  }
0x73: {  	v5 =	vld [tilespmem:s21+$0xF100]  }
0x74: {  	v3 =	vld.idx.msk [tilespmem:v3+s2+$0x0], $0xffff;
	_ =	sdelay $0x1  }
0x75: {  	v4 =	vld.idx.msk [tilespmem:v4+s2+$0x0], $0xffff;
	_ =	sdelay $0x2  }
0x76: {  	v3 =	vmul.f32 v5, v3;
	_ =	sdelay $0x1  }
0x77: {  	v3 =	vmul.f32 v3, v4;
	_ =	sdelay $0x1  }
0x78: {  	[tilespmem:s21+$0xF180] =	vst v3  }
0x79: {  	v58 =	vld.idx.msk [tilespmem:v1+s2+$0x0], $0xffff  }
0x7a: {  	v2 =	vmul.u32 $0x5, v2;
	_ =	sdelay $0x1  }
0x7b: {  	v59 =	vor.u32 $0x1, v1;
	_ =	sdelay $0x1  }
0x7c: {  	v4 =	vmul.f32 v3, v58;
	_ =	sdelay $0x1  }
0x7d: {  	[tilespmem:v2+s16+$0x0] =	vst.idx.add.f32.msk $0xffff, v4  }
0x7e: {  	v4 =	vld.idx.msk [tilespmem:v59+s2+$0x0], $0xffff;
	_ =	sdelay $0x1  }
0x7f: {  	v60 =	vadd.s32 $0x1, v2  }
0x80: {  	v6 =	vadd.s32 $0x2, v1;
	_ =	sdelay $0x1  }
0x81: {  	v4 =	vmul.f32 v4, v3;
	_ =	sdelay $0x1  }
0x82: {  	[tilespmem:v60+s16+$0x0] =	vst.idx.add.f32.msk $0xffff, v4  }
0x83: {  	v4 =	vld.idx.msk [tilespmem:v6+s2+$0x0], $0xffff;
	_ =	sdelay $0x1  }
0x84: {  	v61 =	vadd.s32 $0x2, v2  }
0x85: {  	v62 =	vadd.s32 $0x3, v1;
	_ =	sdelay $0x1  }
0x86: {  	v4 =	vmul.f32 v4, v3;
	_ =	sdelay $0x1  }
0x87: {  	[tilespmem:v61+s16+$0x0] =	vst.idx.add.f32.msk $0xffff, v4  }
0x88: {  	v4 =	vld.idx.msk [tilespmem:v62+s2+$0x0], $0xffff;
	_ =	sdelay $0x1  }
0x89: {  	v63 =	vadd.s32 $0x3, v2  }
0x8a: {  	v1 =	vadd.s32 $0x4, v1;
	_ =	sdelay $0x1  }
0x8b: {  	v4 =	vmul.f32 v4, v3;
	_ =	sdelay $0x1  }
0x8c: {  	[tilespmem:v63+s16+$0x0] =	vst.idx.add.f32.msk $0xffff, v4  }
0x8d: {  	v1 =	vld.idx.msk [tilespmem:v1+s2+$0x0], $0xffff;
	_ =	sdelay $0x1  }
0x8e: {  	v2 =	vadd.s32 $0x4, v2;
	_ =	sdelay $0x2  }
0x8f: {  	v1 =	vmul.f32 v1, v3  }
0x90: {  	s20 =	sadd.s32 @!p0 s6, s20;
	s19 =	sadd.s32 $0x1, s19  }
0x91: {  	s22 =	simm.s32 @!p0 $0xF180;
	p1 =	sne.s32 s19, $0x9D;
	s21 =	simm.s32 @!p0 $0x0;
	[tilespmem:v2+s16+$0x0] =	vst.idx.add.f32.msk $0xffff, v1  }
0x92: {  	[hbm4b:s20+s21] =	stream.linear.scatter @!p0 [tilespmem:s22], [sflag:$0x1], $0x80, $0x38;
	[tilespmem:$0x1BA00] =	vst v63  }
.Ltmp2:
0x93: {  	_ = 	snop;
	(pc) =	sbr.rel @p1 .LBB2_4-.Ltmp2, $4  }
0x94: {  	s20 =	simm.s32 @!p0 $0x1  }
0x95: {  	_ =	swait.ge @!p0 [sflag:s20], $0x80  }
0x96: {  	[sflag:s20] =	ssyncset.done @!p0 $0x0  }
0x97: {  	[sflag:s20] =	ssyncadd.s32 @!p0 $0xFFFFFF80  }
0x98: {  	s17 =	sadd.s32 $0x1, s17  }
0x99: {  	p1 =	sne.s32 s17, s10  }
.Ltmp3:
0x9a: {  	_ = 	snop;
	(pc) =	sbr.rel @p1 .LBB2_1-.Ltmp3, $4  }
0x9b: {  	[hbm4b:s9+s2] =	stream.linear.scatter [tilespmem:s16], [sflag:$0x1], $0xC800, $0x38;
	[tilespmem:$0x1BA00] =	vst v63  }
0x9c: {  	_ =	swait.ge [sflag:s11], $0xC800  }
0x9d: {  	[sflag:s11] =	ssyncset.done $0x0  }
0x9e: {  	[sflag:s11] =	ssyncadd.s32 $0xFFFF3800  }
0x9f: {  	_ =	sfence.sel $0x180000  }
0xa0: {  	[bflag:$0x0] =	sbarrier.arrive $0xFFFF  }
0xa1: {  	p0 =	sne.s32 s1, $0x0;
	_ =	strace $0x90000047  }
0xa2: {  	s0 =	sadd.s32 @!p0 $0x100000, s0;
	[bflag:$0x2] =	sbarrier.arrive $0xFFFF  }
0xa3: {  	[sflag:s0] =	ssyncadd.tile.s32 @!p0 $0x1;
	_ =	shalt  }
.Lfunc_end2:
_tile_overlayer_lowered:
.L_overlay_start_2:
0xa4: {  	(tag) =	ssettag $0x2  }
0xa5: {  	s0 =	rddreg [dreg:$0x0];
	s2 =	stileid.u32  }
0xa6: {  	s1 =	rddreg [dreg:$0x1];
	p0 =	sne.s32 s2, $0x0  }
0xa7: {  	s3 =	rddreg [dreg:$0x2];
	[bflag:$0x3] =	sbarrier.arrive $0xFFFF;
	s2 =	simm.s32 @!p0 $0x1C01  }
0xa8: {  	[timem:s3], [sflag:s2] =	dma.local @!p0 [hbm:s0], s1  }
0xa9: {  	s0 =	simm.s32 @!p0 $0x1  }
0xaa: {  	_ =	swait.ge @!p0 [sflag:s0], s1  }
0xab: {  	s1 =	ssub.s32 @!p0 $0x0, s1;
	[sflag:s0] =	ssyncset.done @!p0 $0x0  }
0xac: {  	[sflag:s0] =	ssyncadd.s32 @!p0 s1  }
0xad: {  	[bflag:$0x3] =	sbarrier.arrive $0xFFFF  }
0xae: {  	_ =	shalt  }

// kernel: kernel.16.cloned.1.call-start
scs
__scs_entry_jumppad:
0x0: {  	(pc) =	sbr.rel $0x88, $3  }
0x1: {  	(tag) =	ssettag $0x0;
	lr =	simm.s32 $0x1  }
0x2: {  	[smem:$0x3F89] =	sst lr;
	_ =	strace $0xD0000000  }
0x3: {  	_ = 	snop  }
0x4: {  	_ = 	snop  }
0x5: {  	_ = 	snop  }
0x6: {  	_ = 	snop  }
0x7: {  	_ = 	snop  }
__scs_overlays_trampoline_lowered:
0x8: {  	[smem:$0x3F98] =	sst s0  }
0x9: {  	[smem:$0x3F99] =	sst s1  }
0xa: {  	[smem:$0x3F9A] =	sst s2  }
0xb: {  	[smem:$0x3F9B] =	sst s3  }
0xc: {  	[smem:$0x3F9C] =	sst s4  }
0xd: {  	[smem:$0x3F9D] =	sst s5  }
0xe: {  	[smem:$0x3F9E] =	sst s6  }
0xf: {  	[smem:$0x3F9F] =	sst s7  }
0x10: {  	[smem:$0x3FA0] =	sst s8  }
0x11: {  	[smem:$0x3FA1] =	sst s9;
	s0 =	simm.s32 @!p0 $0x0  }
0x12: {  	s1 =	sld [smem:$0x3F87];
	s0 =	simm.s32 @p0 $0x1  }
0x13: {  	[smem:$0x3FA2] =	sst s0;
	s0 =	simm.s32 @!p1 $0x0  }
0x14: {  	s2 =	sld [smem:$0x3F86];
	s0 =	simm.s32 @p1 $0x1  }
0x15: {  	[smem:$0x3FA3] =	sst s0;
	s0 =	simm.s32 @!p2 $0x0  }
0x16: {  	s3 =	sld [smem:$0x3FDB];
	s0 =	simm.s32 @p2 $0x1  }
0x17: {  	s4 =	simm.s32 $0x1BF5;
	[smem:$0x3FA5] =	sst s0  }
0x18: {  	s0 =	sld [smem:$0x3F88];
	_ =	swait.ge [sflag:s4], $0x0  }
0x19: {  	s7 =	sld [smem:$0x3F89]  }
0x1a: {  	s8 =	sadd.s32 $0xFFFFE003, lr  }
0x1b: {  	s9 =	sadd.s32 $0xFFFFFEF7, lr;
	s5 =	simm.s32 $0xFFFFFFFF;
	p2 =	slt.u32 s8, $0xFFFFF086  }
0x1c: {  	p1 =	slt.u32 s9, $0xF7A;
	s5 =	simm.s32 @!p2 $0x0  }
0x1d: {  	s5 =	simm.s32 @p1 $0x1;
	p0 =	seq.s32 s7, s2  }
0x1e: {  	s7 =	smul.u32 @!p0 $0xF7A, s2;
	p2 =	seq.s32 @!p0 s5, $0x0  }
0x1f: {  	s9 =	smul.u32 $0xF7A, s1;
	s8 =	simm.s32 @!p0 $0x1BF5;
	p2 =	por !p2, p0  }
0x20: {  	[sflag:s8] =	ssyncset.s32 @!p0 $0xFFFFF086;
	s6 =	sadd.s32 @!p0 s3, s7;
	s7 =	simm.s32 @!p0 $0x108  }
0x21: {  	s3 =	sadd.s32 s3, s9;
	s6 =	sadd.s32 @!p0 $0x88, s6;
	s7 =	simm.s32 @p2 $0x1082  }
0x22: {  	[simem:s7], [sflag:s8] =	dma.local @!p0 [hbm:s6], $0xF7A  }
0x23: {  	s9 =	sor.u32 $0xD0000000, s2;
	s6 =	simm.s32 $0x108;
	_ =	swait.ge @!p0 [sflag:s8], $0x0  }
0x24: {  	s3 =	sadd.s32 $0x88, s3;
	s6 =	simm.s32 @!p1 $0x1082;
	[sflag:s4] =	ssyncset.s32 $0xFFFFF086  }
0x25: {  	[simem:s6], [sflag:s4] =	dma.local [hbm:s3], $0xF7A  }
0x26: {  	[smem:$0x3F89] =	sst s1;
	(tag) =	ssettag s2;
	_ =	strace s9  }
0x27: {  	s1 =	sld [smem:$0x3F99]  }
0x28: {  	s2 =	sld [smem:$0x3F9A]  }
0x29: {  	s4 =	sld [smem:$0x3F9C]  }
0x2a: {  	p0 =	seq.s32 s5, $0x0;
	s5 =	sld [smem:$0x3F9D]  }
0x2b: {  	s6 =	sld [smem:$0x3F9E]  }
0x2c: {  	s7 =	sld [smem:$0x3F9F]  }
0x2d: {  	s3 =	simm.s32 $0x108;
	s8 =	sld [smem:$0x3FA0]  }
0x2e: {  	s3 =	simm.s32 @!p0 $0x1082;
	s9 =	sld [smem:$0x3FA1]  }
0x2f: {  	lr =	sadd.s32 s0, s3;
	s0 =	sld [smem:$0x3F98]  }
0x30: {  	s3 =	sld [smem:$0x3F9B]  }
0x31: {  	[smem:$0x3FA4] =	sst s10  }
0x32: {  	s10 =	sld [smem:$0x3FA2];
	_ =	sdelay $0x3  }
0x33: {  	p0 =	seq.s32 s10, $0x1;
	s10 =	sld [smem:$0x3FA4];
	_ =	sdelay $0x3  }
0x34: {  	[smem:$0x3FA4] =	sst s10  }
0x35: {  	s10 =	sld [smem:$0x3FA3];
	_ =	sdelay $0x3  }
0x36: {  	p1 =	seq.s32 s10, $0x1;
	s10 =	sld [smem:$0x3FA4];
	_ =	sdelay $0x3  }
0x37: {  	[smem:$0x3FA4] =	sst s10  }
0x38: {  	s10 =	sld [smem:$0x3FA5]  }
0x39: {  	_ = 	snop;
	(pc) =	sbr.ind lr, $3  }
0x3a: {  	_ = 	snop  }
0x3b: {  	_ = 	snop  }
0x3c: {  	p2 =	seq.s32 s10, $0x1;
	s10 =	sld [smem:$0x3FA4]  }
0x3d: {  	_ =	shalt  }
0x3e: {  	_ =	shalt  }
0x3f: {  	_ =	shalt  }
0x40: {  	_ =	shalt  }
0x41: {  	_ =	shalt  }
0x42: {  	_ =	shalt  }
0x43: {  	_ =	shalt  }
0x44: {  	_ =	shalt  }
0x45: {  	_ =	shalt  }
0x46: {  	_ =	shalt  }
0x47: {  	_ =	shalt  }
0x48: {  	_ =	shalt  }
0x49: {  	_ =	shalt  }
0x4a: {  	_ =	shalt  }
0x4b: {  	_ =	shalt  }
0x4c: {  	_ =	shalt  }
0x4d: {  	_ =	shalt  }
0x4e: {  	_ =	shalt  }
0x4f: {  	_ =	shalt  }
0x50: {  	_ =	shalt  }
0x51: {  	_ =	shalt  }
0x52: {  	_ =	shalt  }
0x53: {  	_ =	shalt  }
0x54: {  	_ =	shalt  }
0x55: {  	_ =	shalt  }
0x56: {  	_ =	shalt  }
0x57: {  	_ =	shalt  }
0x58: {  	_ =	shalt  }
0x59: {  	_ =	shalt  }
0x5a: {  	_ =	shalt  }
0x5b: {  	_ =	shalt  }
0x5c: {  	_ =	shalt  }
0x5d: {  	_ =	shalt  }
0x5e: {  	_ =	shalt  }
0x5f: {  	_ =	shalt  }
0x60: {  	_ =	shalt  }
0x61: {  	_ =	shalt  }
0x62: {  	_ =	shalt  }
0x63: {  	_ =	shalt  }
0x64: {  	_ =	shalt  }
0x65: {  	_ =	shalt  }
0x66: {  	_ =	shalt  }
0x67: {  	_ =	shalt  }
0x68: {  	_ =	shalt  }
0x69: {  	_ =	shalt  }
0x6a: {  	_ =	shalt  }
0x6b: {  	_ =	shalt  }
0x6c: {  	_ =	shalt  }
0x6d: {  	_ =	shalt  }
0x6e: {  	_ =	shalt  }
0x6f: {  	_ =	shalt  }
0x70: {  	_ =	shalt  }
0x71: {  	_ =	shalt  }
0x72: {  	_ =	shalt  }
0x73: {  	_ =	shalt  }
0x74: {  	_ =	shalt  }
0x75: {  	_ =	shalt  }
0x76: {  	_ =	shalt  }
0x77: {  	_ =	shalt  }
0x78: {  	_ =	shalt  }
0x79: {  	_ =	shalt  }
0x7a: {  	_ =	shalt  }
0x7b: {  	_ =	shalt  }
0x7c: {  	_ =	shalt  }
0x7d: {  	_ =	shalt  }
0x7e: {  	_ =	shalt  }
0x7f: {  	_ =	shalt  }
0x80: {  	_ =	shalt  }
0x81: {  	_ =	shalt  }
0x82: {  	_ =	shalt  }
0x83: {  	_ =	shalt  }
0x84: {  	_ =	shalt  }
0x85: {  	_ =	shalt  }
0x86: {  	_ =	shalt  }
0x87: {  	_ =	shalt  }
.Lfunc_end0:
.L_simem_size_0:
called_computation.1_lowered:
.L_overlay_start_0:
0x88: {  	s2 =	sld [smem:$0x3FD9]  }
0x89: {  	s3 =	sld [smem:$0x3FFE];
	_ =	sdelay $0x1  }
0x8a: {  	s1 =	srdreg.scid  }
0x8b: {  	s0 =	sand.u32 $0x1, s1  }
0x8c: {  	s16 =	sshll.u32 s0, $0xA;
	s2 =	sadd.s32 s3, s2  }
0x8d: {  	s2 =	sadd.s32 s2, s16  }
0x8e: {  	[smem:$0x3FB0] =	sst s2  }
0x8f: {  	_ = 	snop  }
0x90: {  	(tm) =	ssettm $0x1  }
0x91: {  	s17 =	sld [smem:$0x3FFB];
	_ =	sdelay $0x3  }
0x92: {  	_ =	strace s17  }
0x93: {  	s2 =	sld [smem:$0x3FFC];
	_ =	sdelay $0x3  }
0x94: {  	_ =	strace s2  }
0x95: {  	s2 =	sld [smem:$0x3FFD];
	_ =	sdelay $0x3  }
0x96: {  	_ =	strace s2  }
0x97: {  	_ =	strace $0x8FFFFFFF  }
0x98: {  	s18 =	sld [smem:$0x3FDB];
	_ =	sdelay $0x1  }
0x99: {  	s19 =	simm.s32 $_scs_section_size  }
0x9a: {  	s4 =	simm.s32 $_size__tile_overlayer_lowered;
	s5 =	simm.s32 $_tile_overlayer_lowered  }
0x9b: {  	s22 =	simm.s32 $0x1BFF;
	s21 =	sshll.u32 s5, $0x1;
	s2 =	sadd.s32 s19, s18  }
0x9c: {  	s6 =	simm.s32 $0x0;
	s20 =	sshll.u32 s4, $0x1;
	s4 =	sadd.s32 s21, s2  }
0x9d: {  	[timem:s6], [sflag:s22] =	dma.local [hbm:s4], s20  }
0x9e: {  	_ =	swait.ge [sflag:s22], s20  }
0x9f: {  	s3 =	ssub.s32 $0x0, s20;
	[sflag:s22] =	ssyncset.done $0x0  }
0xa0: {  	[sflag:s22] =	ssyncadd.s32 s3;
	_ =	sdelay $0x1  }
0xa1: {  	s23 =	simm.s32 $0x1B8B  }
0xa2: {  	_ =	swait.ge [sflag:s23], $0x1  }
0xa3: {  	[sflag:s23] =	ssyncset.done $0x0  }
0xa4: {  	s25 =	simm.s32 $0x1B8E;
	s24 =	sld [smem:$0x3FFE];
	[sflag:s23] =	ssyncadd.s32 $0xFFFFFFFF  }
0xa5: {  	s26 =	simm.s32 $execute0_lowered;
	[smem:$0x3FD2] =	sst s25  }
0xa6: {  	s4 =	sshll.u32 s26, $0x1;
	_ =	strace $0x80000049;
	[dreg:$0x1] =	wrdreg $0xFFFFFFFF  }
0xa7: {  	s28 =	simm.s32 $_size_execute0_lowered;
	s2 =	sadd.s32 s2, s4;
	[dreg:$0x0] =	wrdreg $0x0  }
0xa8: {  	s4 =	sshll.u32 s28, $0x1;
	[dreg:$0x2] =	wrdreg s2  }
0xa9: {  	[dreg:$0x3] =	wrdreg s4  }
0xaa: {  	[dreg:$0x4] =	wrdreg $0xC0  }
0xab: {  	_ =	task [dreg:s6], $0x5FFFF  }
0xac: {  	[dreg:$0x1] =	wrdreg $0xFFFFFFFF  }
0xad: {  	[dreg:$0x0] =	wrdreg $0x60  }
0xae: {  	[dreg:$0x2] =	wrdreg s24  }
0xaf: {  	[dreg:$0x3] =	wrdreg $0x9  }
0xb0: {  	_ =	task.clear_ibuf [dreg:s6], $0x4FFFF;
	_ =	strace $0x90000049  }
0xb1: {  	s29 =	simm.s32 $0x9;
	_ =	strace $0x8000004B  }
0xb2: {  	_ =	swait.ge [sflag:s29], $0x1  }
0xb3: {  	[sflag:s29] =	ssyncadd.s32 $0xFFFFFFFF  }
0xb4: {  	_ =	strace $0x9000004B  }
0xb5: {  	_ =	sfence  }
0xb6: {  	s30 =	sld [smem:$0x0];
	_ =	sdelay $0x2  }
0xb7: {  	s31 =	sshll.u32 s1, $0xD;
	s1 =	sshrl.u32 s1, $0x2  }
0xb8: {  	s3 =	sand.u32 $0x4000, s31;
	s1 =	sadd.s32 s1, s30  }
0xb9: {  	s0 =	sor.u32 s3, s0;
	s1 =	sshll.u32 s1, $0x11  }
0xba: {  	s0 =	sor.u32 s1, s0  }
0xbb: {  	s0 =	sadd.s32 $0x8F2B, s0  }
0xbc: {  	[sflag:s0] =	ssyncadd.remote.s32 $0x1  }
0xbd: {  	_ =	sfence.sel $0xFFFF  }
0xbe: {  	[dreg:$0x0] =	wrdreg $0xFFFFFFFF;
	(pc) =	sbr.abs _section_cstart, $3  }
0xbf: {  	[dreg:$0x1] =	wrdreg $0xFFFFFFFF  }
0xc0: {  	_ =	task.clear_ibuf [dreg:s6], $0x2FFFF;
	_ =	strace $0x9FFFFFFF  }
0xc1: {  	(tm) =	ssettm $0x7FFFFFFF  }
tec
execute0_lowered:
.L_overlay_start_1:
0x0: {  	(tag) =	ssettag $0x1  }
0x1: {  	s0 =	srdreg.scid;
	s6 =	rddreg [dreg:$0x0];
	s2 =	simm.s32 $0x0  }
0x2: {  	s1 =	stileid.u32;
	s12 =	simm.s32 $0xF000;
	s13 =	simm.s32 $0x2  }
0x3: {  	s14 =	simm.s32 $0xF080;
	s17 =	sand.u32 $0x1, s0;
	s0 =	rddreg [dreg:$0x1]  }
0x4: {  	s15 =	simm.s32 $0xF100;
	s16 =	simm.s32 $0xF200;
	[smem:$0x7FF] =	sst s2  }
0x5: {  	s5 =	sadd.s32 $0x84400, s6;
	s3 =	smul.u32 $0x1E00, s17;
	s4 =	sshll.u32 s17, $0x4  }
0x6: {  	_ =	strace $0x8000004A;
	s9 =	ssub.s32 $0x2, s17;
	p0 =	sne.s32 s17, $0x0  }
0x7: {  	s17 =	simm.s32 $0x0;
	s4 =	sor.u32 s1, s4;
	s10 =	sshrl.u32 s9, $0x1  }
0x8: {  	s7 =	sadd.s32 s3, s6;
	s3 =	sadd.s32 $0x3E800, s6;
	s8 =	smul.u32 $0x1900, s4  }
0x9: {  	s4 =	sadd.s32 $0x34A00, s6;
	s10 =	ssub.s32 s9, s10;
	s7 =	sadd.s32 $0x30E00, s7  }
0xa: {  	s10 =	smax.u32 s10, $0x1;
	s11 =	sadd.s32 s8, s6;
	s6 =	sadd.s32 $0x70600, s6  }
0xb: {  	v0 =	vimm.f32 $0.0e+00;
	s8 =	smul.u32 $0x4E80, s1;
	s9 =	sadd.s32 $0x8E200, s11;
	s11 =	simm.s32 $0x1  }
.LBB2_1:
0xc: {  	[tilespmem:s2], [sflag:$0x1] =	stream.linear.gather [hbm4b:s7+s2], $0xF000, $0x38;
	[tilespmem:$0x1BA00] =	vst v63  }
0xd: {  	_ =	swait.ge [sflag:s11], $0xF000  }
0xe: {  	[sflag:s11] =	ssyncset.done $0x0  }
0xf: {  	s18 =	simm.s32 $0x40;
	s19 =	simm.s32 $0x0;
	[sflag:s11] =	ssyncadd.s32 $0xFFFF1000  }
.LBB2_2:
0x10: {  	p1 =	sne.s32 s18, $0x31FC0;
	[tilespmem:s19+$0xF200] =	vst v0;
	s19 =	smov.u32 s18;
	s18 =	sadd.s32 $0x40, s18  }
.Ltmp0:
0x11: {  	(pc) =	sbr.rel @p1 .LBB2_2-.Ltmp0, $2  }
0x12: {  	_ =	sdelay $0x2  }
0x13: {  	s19 =	sshra.s32 s19, $0x2  }
0x14: {  	[tilespmem:s19+$0xF200] =	vst v0;
	s18 =	simm.s32 $0x0;
	s19 =	simm.s32 $0x0  }
.LBB2_4:
0x15: {  	s20 =	sshll.u32 s19, $0x7  }
0x16: {  	s20 =	sadd.s32 s8, s20  }
0x17: {  	s20 =	sshrl.u32 s20, $0x3  }
0x18: {  	s21 =	sadd.s32 s3, s20  }
0x19: {  	[tilespmem:s12], [sflag:$0x2] =	stream.linear.gather [hbm4b:s21+s18], $0x80, $0x38;
	[tilespmem:$0x1BA00] =	vst v63  }
0x1a: {  	_ =	swait.ge [sflag:s13], $0x80  }
0x1b: {  	[sflag:s13] =	ssyncset.done $0x0  }
0x1c: {  	s29 =	sadd.s32 s4, s20;
	[sflag:s13] =	ssyncadd.s32 $0xFFFFFF80  }
0x1d: {  	[tilespmem:s14], [sflag:$0x2] =	stream.linear.gather [hbm4b:s29+s18], $0x80, $0x38;
	[tilespmem:$0x1BA00] =	vst v63  }
0x1e: {  	_ =	swait.ge [sflag:s13], $0x80  }
0x1f: {  	[sflag:s13] =	ssyncset.done $0x0  }
0x20: {  	s30 =	sadd.s32 s5, s20;
	[sflag:s13] =	ssyncadd.s32 $0xFFFFFF80  }
0x21: {  	[tilespmem:s15], [sflag:$0x2] =	stream.linear.gather [hbm4b:s30+s18], $0x80, $0x38;
	[tilespmem:$0x1BA00] =	vst v63  }
0x22: {  	_ =	swait.ge [sflag:s13], $0x80  }
0x23: {  	[sflag:s13] =	ssyncset.done $0x0  }
0x24: {  	s31 =	simm.s32 $0x0;
	[sflag:s13] =	ssyncadd.s32 $0xFFFFFF80  }
0x25: {  	v1 =	vld [tilespmem:s31+$0xF000];
	_ =	sdelay $0x1  }
0x26: {  	v2 =	vld [tilespmem:s31+$0xF080];
	_ =	sdelay $0x2  }
0x27: {  	v1 =	vmul.u32 $0x6, v1;
	_ =	sdelay $0x1  }
0x28: {  	v4 =	vmul.u32 $0x6, v2;
	v3 =	vadd.s32 $0x5, v1;
	_ =	sdelay $0x1  }
0x29: {  	v4 =	vadd.s32 $0x5, v4;
	_ =	sdelay $0x1  }
0x2a: {  	v5 =	vld [tilespmem:s31+$0xF100]  }
0x2b: {  	v3 =	vld.idx.msk [tilespmem:v3+s2+$0x0], $0xffff;
	_ =	sdelay $0x1  }
0x2c: {  	v4 =	vld.idx.msk [tilespmem:v4+s2+$0x0], $0xffff;
	_ =	sdelay $0x2  }
0x2d: {  	v3 =	vmul.f32 v5, v3;
	_ =	sdelay $0x1  }
0x2e: {  	v3 =	vmul.f32 v3, v4;
	_ =	sdelay $0x1  }
0x2f: {  	[tilespmem:s31+$0xF180] =	vst v3  }
0x30: {  	v58 =	vld.idx.msk [tilespmem:v1+s2+$0x0], $0xffff  }
0x31: {  	v2 =	vmul.u32 $0x5, v2;
	_ =	sdelay $0x1  }
0x32: {  	v59 =	vor.u32 $0x1, v1;
	_ =	sdelay $0x1  }
0x33: {  	v4 =	vmul.f32 v3, v58;
	_ =	sdelay $0x1  }
0x34: {  	[tilespmem:v2+s16+$0x0] =	vst.idx.add.f32.msk $0xffff, v4  }
0x35: {  	v4 =	vld.idx.msk [tilespmem:v59+s2+$0x0], $0xffff;
	_ =	sdelay $0x1  }
0x36: {  	v60 =	vadd.s32 $0x1, v2  }
0x37: {  	v6 =	vadd.s32 $0x2, v1;
	_ =	sdelay $0x1  }
0x38: {  	v4 =	vmul.f32 v4, v3;
	_ =	sdelay $0x1  }
0x39: {  	[tilespmem:v60+s16+$0x0] =	vst.idx.add.f32.msk $0xffff, v4  }
0x3a: {  	v4 =	vld.idx.msk [tilespmem:v6+s2+$0x0], $0xffff;
	_ =	sdelay $0x1  }
0x3b: {  	v61 =	vadd.s32 $0x2, v2  }
0x3c: {  	v62 =	vadd.s32 $0x3, v1;
	_ =	sdelay $0x1  }
0x3d: {  	v4 =	vmul.f32 v4, v3;
	_ =	sdelay $0x1  }
0x3e: {  	[tilespmem:v61+s16+$0x0] =	vst.idx.add.f32.msk $0xffff, v4  }
0x3f: {  	v4 =	vld.idx.msk [tilespmem:v62+s2+$0x0], $0xffff;
	_ =	sdelay $0x1  }
0x40: {  	v63 =	vadd.s32 $0x3, v2  }
0x41: {  	v1 =	vadd.s32 $0x4, v1;
	_ =	sdelay $0x1  }
0x42: {  	v4 =	vmul.f32 v4, v3;
	_ =	sdelay $0x1  }
0x43: {  	[tilespmem:v63+s16+$0x0] =	vst.idx.add.f32.msk $0xffff, v4  }
0x44: {  	v4 =	vld.idx.msk [tilespmem:v1+s2+$0x0], $0xffff;
	_ =	sdelay $0x1  }
0x45: {  	v1 =	vadd.s32 $0x4, v2;
	_ =	sdelay $0x2  }
0x46: {  	s22 =	simm.s32 $0x80;
	s21 =	simm.s32 $0x40;
	v2 =	vmul.f32 v4, v3  }
.LBB2_5:
0x47: {  	p1 =	sne.s32 s22, $0x1C0  }
0x48: {  	s23 =	sshra.s32 s21, $0x2;
	s21 =	smov.u32 s22;
	s22 =	sadd.s32 $0x40, s22;
	[tilespmem:v1+s16+$0x0] =	vst.idx.add.f32.msk $0xffff, v2  }
0x49: {  	v1 =	vld [tilespmem:s23+$0xF000];
	_ =	sdelay $0x1  }
0x4a: {  	v2 =	vld [tilespmem:s23+$0xF080];
	_ =	sdelay $0x2  }
0x4b: {  	v1 =	vmul.u32 $0x6, v1;
	_ =	sdelay $0x1  }
0x4c: {  	v3 =	vmul.u32 $0x6, v2;
	v4 =	vadd.s32 $0x5, v1;
	_ =	sdelay $0x1  }
0x4d: {  	v3 =	vadd.s32 $0x5, v3;
	_ =	sdelay $0x2  }
0x4e: {  	v4 =	vld.idx.msk [tilespmem:v4+s2+$0x0], $0xffff  }
0x4f: {  	v5 =	vld [tilespmem:s23+$0xF100]  }
0x50: {  	v3 =	vld.idx.msk [tilespmem:v3+s2+$0x0], $0xffff;
	_ =	sdelay $0x3  }
0x51: {  	v4 =	vmul.f32 v5, v4;
	_ =	sdelay $0x1  }
0x52: {  	v3 =	vmul.f32 v4, v3;
	_ =	sdelay $0x1  }
0x53: {  	[tilespmem:s23+$0xF180] =	vst v3  }
0x54: {  	v4 =	vld.idx.msk [tilespmem:v1+s2+$0x0], $0xffff;
	_ =	sdelay $0x1  }
0x55: {  	v2 =	vmul.u32 $0x5, v2;
	_ =	sdelay $0x1  }
0x56: {  	v5 =	vor.u32 $0x1, v1;
	_ =	sdelay $0x1  }
0x57: {  	v4 =	vmul.f32 v3, v4;
	_ =	sdelay $0x1  }
0x58: {  	[tilespmem:v2+s16+$0x0] =	vst.idx.add.f32.msk $0xffff, v4  }
0x59: {  	v4 =	vld.idx.msk [tilespmem:v5+s2+$0x0], $0xffff;
	_ =	sdelay $0x2  }
0x5a: {  	v5 =	vadd.s32 $0x1, v2  }
0x5b: {  	v6 =	vadd.s32 $0x2, v1;
	_ =	sdelay $0x1  }
0x5c: {  	v4 =	vmul.f32 v4, v3;
	_ =	sdelay $0x1  }
0x5d: {  	[tilespmem:v5+s16+$0x0] =	vst.idx.add.f32.msk $0xffff, v4  }
0x5e: {  	v4 =	vld.idx.msk [tilespmem:v6+s2+$0x0], $0xffff;
	_ =	sdelay $0x2  }
0x5f: {  	v5 =	vadd.s32 $0x2, v2  }
0x60: {  	v6 =	vadd.s32 $0x3, v1;
	_ =	sdelay $0x1  }
0x61: {  	v4 =	vmul.f32 v4, v3;
	_ =	sdelay $0x1  }
0x62: {  	[tilespmem:v5+s16+$0x0] =	vst.idx.add.f32.msk $0xffff, v4  }
0x63: {  	v4 =	vld.idx.msk [tilespmem:v6+s2+$0x0], $0xffff;
	_ =	sdelay $0x2  }
0x64: {  	v5 =	vadd.s32 $0x3, v2  }
0x65: {  	v1 =	vadd.s32 $0x4, v1;
	_ =	sdelay $0x1  }
0x66: {  	v4 =	vmul.f32 v4, v3;
	_ =	sdelay $0x1  }
0x67: {  	[tilespmem:v5+s16+$0x0] =	vst.idx.add.f32.msk $0xffff, v4  }
0x68: {  	v4 =	vld.idx.msk [tilespmem:v1+s2+$0x0], $0xffff;
	_ =	sdelay $0x1  }
.Ltmp1:
0x69: {  	(pc) =	sbr.rel @p1 .LBB2_5-.Ltmp1, $2  }
0x6a: {  	v1 =	vadd.s32 $0x4, v2;
	_ =	sdelay $0x2  }
0x6b: {  	v2 =	vmul.f32 v4, v3  }
0x6c: {  	_ =	sdelay $0x3  }
0x6d: {  	s21 =	sshra.s32 s21, $0x2;
	[tilespmem:v1+s16+$0x0] =	vst.idx.add.f32.msk $0xffff, v2  }
0x6e: {  	v1 =	vld [tilespmem:s21+$0xF000];
	_ =	sdelay $0x1  }
0x6f: {  	v2 =	vld [tilespmem:s21+$0xF080];
	_ =	sdelay $0x2  }
0x70: {  	v1 =	vmul.u32 $0x6, v1;
	_ =	sdelay $0x1  }
0x71: {  	v4 =	vmul.u32 $0x6, v2;
	v3 =	vadd.s32 $0x5, v1;
	_ =	sdelay $0x1  }
0x72: {  	v4 =	vadd.s32 $0x5, v4;
	_ =	sdelay $0x1  }
0x73: {  	v5 =	vld [tilespmem:s21+$0xF100]  }
0x74: {  	v3 =	vld.idx.msk [tilespmem:v3+s2+$0x0], $0xffff;
	_ =	sdelay $0x1  }
0x75: {  	v4 =	vld.idx.msk [tilespmem:v4+s2+$0x0], $0xffff;
	_ =	sdelay $0x2  }
0x76: {  	v3 =	vmul.f32 v5, v3;
	_ =	sdelay $0x1  }
0x77: {  	v3 =	vmul.f32 v3, v4;
	_ =	sdelay $0x1  }
0x78: {  	[tilespmem:s21+$0xF180] =	vst v3  }
0x79: {  	v58 =	vld.idx.msk [tilespmem:v1+s2+$0x0], $0xffff  }
0x7a: {  	v2 =	vmul.u32 $0x5, v2;
	_ =	sdelay $0x1  }
0x7b: {  	v59 =	vor.u32 $0x1, v1;
	_ =	sdelay $0x1  }
0x7c: {  	v4 =	vmul.f32 v3, v58;
	_ =	sdelay $0x1  }
0x7d: {  	[tilespmem:v2+s16+$0x0] =	vst.idx.add.f32.msk $0xffff, v4  }
0x7e: {  	v4 =	vld.idx.msk [tilespmem:v59+s2+$0x0], $0xffff;
	_ =	sdelay $0x1  }
0x7f: {  	v60 =	vadd.s32 $0x1, v2  }
0x80: {  	v6 =	vadd.s32 $0x2, v1;
	_ =	sdelay $0x1  }
0x81: {  	v4 =	vmul.f32 v4, v3;
	_ =	sdelay $0x1  }
0x82: {  	[tilespmem:v60+s16+$0x0] =	vst.idx.add.f32.msk $0xffff, v4  }
0x83: {  	v4 =	vld.idx.msk [tilespmem:v6+s2+$0x0], $0xffff;
	_ =	sdelay $0x1  }
0x84: {  	v61 =	vadd.s32 $0x2, v2  }
0x85: {  	v62 =	vadd.s32 $0x3, v1;
	_ =	sdelay $0x1  }
0x86: {  	v4 =	vmul.f32 v4, v3;
	_ =	sdelay $0x1  }
0x87: {  	[tilespmem:v61+s16+$0x0] =	vst.idx.add.f32.msk $0xffff, v4  }
0x88: {  	v4 =	vld.idx.msk [tilespmem:v62+s2+$0x0], $0xffff;
	_ =	sdelay $0x1  }
0x89: {  	v63 =	vadd.s32 $0x3, v2  }
0x8a: {  	v1 =	vadd.s32 $0x4, v1;
	_ =	sdelay $0x1  }
0x8b: {  	v4 =	vmul.f32 v4, v3;
	_ =	sdelay $0x1  }
0x8c: {  	[tilespmem:v63+s16+$0x0] =	vst.idx.add.f32.msk $0xffff, v4  }
0x8d: {  	v1 =	vld.idx.msk [tilespmem:v1+s2+$0x0], $0xffff;
	_ =	sdelay $0x1  }
0x8e: {  	v2 =	vadd.s32 $0x4, v2;
	_ =	sdelay $0x2  }
0x8f: {  	v1 =	vmul.f32 v1, v3  }
0x90: {  	s20 =	sadd.s32 @!p0 s6, s20;
	s19 =	sadd.s32 $0x1, s19  }
0x91: {  	s22 =	simm.s32 @!p0 $0xF180;
	p1 =	sne.s32 s19, $0x9D;
	s21 =	simm.s32 @!p0 $0x0;
	[tilespmem:v2+s16+$0x0] =	vst.idx.add.f32.msk $0xffff, v1  }
0x92: {  	[hbm4b:s20+s21] =	stream.linear.scatter @!p0 [tilespmem:s22], [sflag:$0x1], $0x80, $0x38;
	[tilespmem:$0x1BA00] =	vst v63  }
.Ltmp2:
0x93: {  	_ = 	snop;
	(pc) =	sbr.rel @p1 .LBB2_4-.Ltmp2, $4  }
0x94: {  	s20 =	simm.s32 @!p0 $0x1  }
0x95: {  	_ =	swait.ge @!p0 [sflag:s20], $0x80  }
0x96: {  	[sflag:s20] =	ssyncset.done @!p0 $0x0  }
0x97: {  	[sflag:s20] =	ssyncadd.s32 @!p0 $0xFFFFFF80  }
0x98: {  	s17 =	sadd.s32 $0x1, s17  }
0x99: {  	p1 =	sne.s32 s17, s10  }
.Ltmp3:
0x9a: {  	_ = 	snop;
	(pc) =	sbr.rel @p1 .LBB2_1-.Ltmp3, $4  }
0x9b: {  	[hbm4b:s9+s2] =	stream.linear.scatter [tilespmem:s16], [sflag:$0x1], $0xC800, $0x38;
	[tilespmem:$0x1BA00] =	vst v63  }
0x9c: {  	_ =	swait.ge [sflag:s11], $0xC800  }
0x9d: {  	[sflag:s11] =	ssyncset.done $0x0  }
0x9e: {  	[sflag:s11] =	ssyncadd.s32 $0xFFFF3800  }
0x9f: {  	_ =	sfence.sel $0x180000  }
0xa0: {  	[bflag:$0x0] =	sbarrier.arrive $0xFFFF  }
0xa1: {  	p0 =	sne.s32 s1, $0x0;
	_ =	strace $0x9000004A  }
0xa2: {  	s0 =	sadd.s32 @!p0 $0x100000, s0;
	[bflag:$0x2] =	sbarrier.arrive $0xFFFF  }
0xa3: {  	[sflag:s0] =	ssyncadd.tile.s32 @!p0 $0x1;
	_ =	shalt  }
.Lfunc_end2:
_tile_overlayer_lowered:
.L_overlay_start_2:
0xa4: {  	(tag) =	ssettag $0x2  }
0xa5: {  	s0 =	rddreg [dreg:$0x0];
	s2 =	stileid.u32  }
0xa6: {  	s1 =	rddreg [dreg:$0x1];
	p0 =	sne.s32 s2, $0x0  }
0xa7: {  	s3 =	rddreg [dreg:$0x2];
	[bflag:$0x3] =	sbarrier.arrive $0xFFFF;
	s2 =	simm.s32 @!p0 $0x1C01  }
0xa8: {  	[timem:s3], [sflag:s2] =	dma.local @!p0 [hbm:s0], s1  }
0xa9: {  	s0 =	simm.s32 @!p0 $0x1  }
0xaa: {  	_ =	swait.ge @!p0 [sflag:s0], s1  }
0xab: {  	s1 =	ssub.s32 @!p0 $0x0, s1;
	[sflag:s0] =	ssyncset.done @!p0 $0x0  }
0xac: {  	[sflag:s0] =	ssyncadd.s32 @!p0 s1  }
0xad: {  	[bflag:$0x3] =	sbarrier.arrive $0xFFFF  }
0xae: {  	_ =	shalt  }

// kernel: kernel.19.cloned.1.call-start
scs
__scs_entry_jumppad:
0x0: {  	(pc) =	sbr.rel $0x88, $3  }
0x1: {  	(tag) =	ssettag $0x0;
	lr =	simm.s32 $0x1  }
0x2: {  	[smem:$0x3F89] =	sst lr;
	_ =	strace $0xD0000000  }
0x3: {  	_ = 	snop  }
0x4: {  	_ = 	snop  }
0x5: {  	_ = 	snop  }
0x6: {  	_ = 	snop  }
0x7: {  	_ = 	snop  }
__scs_overlays_trampoline_lowered:
0x8: {  	[smem:$0x3F98] =	sst s0  }
0x9: {  	[smem:$0x3F99] =	sst s1  }
0xa: {  	[smem:$0x3F9A] =	sst s2  }
0xb: {  	[smem:$0x3F9B] =	sst s3  }
0xc: {  	[smem:$0x3F9C] =	sst s4  }
0xd: {  	[smem:$0x3F9D] =	sst s5  }
0xe: {  	[smem:$0x3F9E] =	sst s6  }
0xf: {  	[smem:$0x3F9F] =	sst s7  }
0x10: {  	[smem:$0x3FA0] =	sst s8  }
0x11: {  	[smem:$0x3FA1] =	sst s9;
	s0 =	simm.s32 @!p0 $0x0  }
0x12: {  	s1 =	sld [smem:$0x3F87];
	s0 =	simm.s32 @p0 $0x1  }
0x13: {  	[smem:$0x3FA2] =	sst s0;
	s0 =	simm.s32 @!p1 $0x0  }
0x14: {  	s2 =	sld [smem:$0x3F86];
	s0 =	simm.s32 @p1 $0x1  }
0x15: {  	[smem:$0x3FA3] =	sst s0;
	s0 =	simm.s32 @!p2 $0x0  }
0x16: {  	s3 =	sld [smem:$0x3FDB];
	s0 =	simm.s32 @p2 $0x1  }
0x17: {  	s4 =	simm.s32 $0x1BF5;
	[smem:$0x3FA5] =	sst s0  }
0x18: {  	s0 =	sld [smem:$0x3F88];
	_ =	swait.ge [sflag:s4], $0x0  }
0x19: {  	s7 =	sld [smem:$0x3F89]  }
0x1a: {  	s8 =	sadd.s32 $0xFFFFE003, lr  }
0x1b: {  	s9 =	sadd.s32 $0xFFFFFEF7, lr;
	s5 =	simm.s32 $0xFFFFFFFF;
	p2 =	slt.u32 s8, $0xFFFFF086  }
0x1c: {  	p1 =	slt.u32 s9, $0xF7A;
	s5 =	simm.s32 @!p2 $0x0  }
0x1d: {  	s5 =	simm.s32 @p1 $0x1;
	p0 =	seq.s32 s7, s2  }
0x1e: {  	s7 =	smul.u32 @!p0 $0xF7A, s2;
	p2 =	seq.s32 @!p0 s5, $0x0  }
0x1f: {  	s9 =	smul.u32 $0xF7A, s1;
	s8 =	simm.s32 @!p0 $0x1BF5;
	p2 =	por !p2, p0  }
0x20: {  	[sflag:s8] =	ssyncset.s32 @!p0 $0xFFFFF086;
	s6 =	sadd.s32 @!p0 s3, s7;
	s7 =	simm.s32 @!p0 $0x108  }
0x21: {  	s3 =	sadd.s32 s3, s9;
	s6 =	sadd.s32 @!p0 $0x88, s6;
	s7 =	simm.s32 @p2 $0x1082  }
0x22: {  	[simem:s7], [sflag:s8] =	dma.local @!p0 [hbm:s6], $0xF7A  }
0x23: {  	s9 =	sor.u32 $0xD0000000, s2;
	s6 =	simm.s32 $0x108;
	_ =	swait.ge @!p0 [sflag:s8], $0x0  }
0x24: {  	s3 =	sadd.s32 $0x88, s3;
	s6 =	simm.s32 @!p1 $0x1082;
	[sflag:s4] =	ssyncset.s32 $0xFFFFF086  }
0x25: {  	[simem:s6], [sflag:s4] =	dma.local [hbm:s3], $0xF7A  }
0x26: {  	[smem:$0x3F89] =	sst s1;
	(tag) =	ssettag s2;
	_ =	strace s9  }
0x27: {  	s1 =	sld [smem:$0x3F99]  }
0x28: {  	s2 =	sld [smem:$0x3F9A]  }
0x29: {  	s4 =	sld [smem:$0x3F9C]  }
0x2a: {  	p0 =	seq.s32 s5, $0x0;
	s5 =	sld [smem:$0x3F9D]  }
0x2b: {  	s6 =	sld [smem:$0x3F9E]  }
0x2c: {  	s7 =	sld [smem:$0x3F9F]  }
0x2d: {  	s3 =	simm.s32 $0x108;
	s8 =	sld [smem:$0x3FA0]  }
0x2e: {  	s3 =	simm.s32 @!p0 $0x1082;
	s9 =	sld [smem:$0x3FA1]  }
0x2f: {  	lr =	sadd.s32 s0, s3;
	s0 =	sld [smem:$0x3F98]  }
0x30: {  	s3 =	sld [smem:$0x3F9B]  }
0x31: {  	[smem:$0x3FA4] =	sst s10  }
0x32: {  	s10 =	sld [smem:$0x3FA2];
	_ =	sdelay $0x3  }
0x33: {  	p0 =	seq.s32 s10, $0x1;
	s10 =	sld [smem:$0x3FA4];
	_ =	sdelay $0x3  }
0x34: {  	[smem:$0x3FA4] =	sst s10  }
0x35: {  	s10 =	sld [smem:$0x3FA3];
	_ =	sdelay $0x3  }
0x36: {  	p1 =	seq.s32 s10, $0x1;
	s10 =	sld [smem:$0x3FA4];
	_ =	sdelay $0x3  }
0x37: {  	[smem:$0x3FA4] =	sst s10  }
0x38: {  	s10 =	sld [smem:$0x3FA5]  }
0x39: {  	_ = 	snop;
	(pc) =	sbr.ind lr, $3  }
0x3a: {  	_ = 	snop  }
0x3b: {  	_ = 	snop  }
0x3c: {  	p2 =	seq.s32 s10, $0x1;
	s10 =	sld [smem:$0x3FA4]  }
0x3d: {  	_ =	shalt  }
0x3e: {  	_ =	shalt  }
0x3f: {  	_ =	shalt  }
0x40: {  	_ =	shalt  }
0x41: {  	_ =	shalt  }
0x42: {  	_ =	shalt  }
0x43: {  	_ =	shalt  }
0x44: {  	_ =	shalt  }
0x45: {  	_ =	shalt  }
0x46: {  	_ =	shalt  }
0x47: {  	_ =	shalt  }
0x48: {  	_ =	shalt  }
0x49: {  	_ =	shalt  }
0x4a: {  	_ =	shalt  }
0x4b: {  	_ =	shalt  }
0x4c: {  	_ =	shalt  }
0x4d: {  	_ =	shalt  }
0x4e: {  	_ =	shalt  }
0x4f: {  	_ =	shalt  }
0x50: {  	_ =	shalt  }
0x51: {  	_ =	shalt  }
0x52: {  	_ =	shalt  }
0x53: {  	_ =	shalt  }
0x54: {  	_ =	shalt  }
0x55: {  	_ =	shalt  }
0x56: {  	_ =	shalt  }
0x57: {  	_ =	shalt  }
0x58: {  	_ =	shalt  }
0x59: {  	_ =	shalt  }
0x5a: {  	_ =	shalt  }
0x5b: {  	_ =	shalt  }
0x5c: {  	_ =	shalt  }
0x5d: {  	_ =	shalt  }
0x5e: {  	_ =	shalt  }
0x5f: {  	_ =	shalt  }
0x60: {  	_ =	shalt  }
0x61: {  	_ =	shalt  }
0x62: {  	_ =	shalt  }
0x63: {  	_ =	shalt  }
0x64: {  	_ =	shalt  }
0x65: {  	_ =	shalt  }
0x66: {  	_ =	shalt  }
0x67: {  	_ =	shalt  }
0x68: {  	_ =	shalt  }
0x69: {  	_ =	shalt  }
0x6a: {  	_ =	shalt  }
0x6b: {  	_ =	shalt  }
0x6c: {  	_ =	shalt  }
0x6d: {  	_ =	shalt  }
0x6e: {  	_ =	shalt  }
0x6f: {  	_ =	shalt  }
0x70: {  	_ =	shalt  }
0x71: {  	_ =	shalt  }
0x72: {  	_ =	shalt  }
0x73: {  	_ =	shalt  }
0x74: {  	_ =	shalt  }
0x75: {  	_ =	shalt  }
0x76: {  	_ =	shalt  }
0x77: {  	_ =	shalt  }
0x78: {  	_ =	shalt  }
0x79: {  	_ =	shalt  }
0x7a: {  	_ =	shalt  }
0x7b: {  	_ =	shalt  }
0x7c: {  	_ =	shalt  }
0x7d: {  	_ =	shalt  }
0x7e: {  	_ =	shalt  }
0x7f: {  	_ =	shalt  }
0x80: {  	_ =	shalt  }
0x81: {  	_ =	shalt  }
0x82: {  	_ =	shalt  }
0x83: {  	_ =	shalt  }
0x84: {  	_ =	shalt  }
0x85: {  	_ =	shalt  }
0x86: {  	_ =	shalt  }
0x87: {  	_ =	shalt  }
.Lfunc_end0:
.L_simem_size_0:
called_computation.2_lowered:
.L_overlay_start_0:
0x88: {  	s2 =	sld [smem:$0x3FD9]  }
0x89: {  	s3 =	sld [smem:$0x3FFE];
	_ =	sdelay $0x1  }
0x8a: {  	s1 =	srdreg.scid  }
0x8b: {  	s0 =	sand.u32 $0x1, s1  }
0x8c: {  	s16 =	sshll.u32 s0, $0xA;
	s2 =	sadd.s32 s3, s2  }
0x8d: {  	s2 =	sadd.s32 s2, s16  }
0x8e: {  	[smem:$0x3FB0] =	sst s2  }
0x8f: {  	_ = 	snop  }
0x90: {  	(tm) =	ssettm $0x1  }
0x91: {  	s17 =	sld [smem:$0x3FFB];
	_ =	sdelay $0x3  }
0x92: {  	_ =	strace s17  }
0x93: {  	s2 =	sld [smem:$0x3FFC];
	_ =	sdelay $0x3  }
0x94: {  	_ =	strace s2  }
0x95: {  	s2 =	sld [smem:$0x3FFD];
	_ =	sdelay $0x3  }
0x96: {  	_ =	strace s2  }
0x97: {  	_ =	strace $0x8FFFFFFF  }
0x98: {  	s18 =	sld [smem:$0x3FDB];
	_ =	sdelay $0x1  }
0x99: {  	s19 =	simm.s32 $_scs_section_size  }
0x9a: {  	s4 =	simm.s32 $_size__tile_overlayer_lowered;
	s5 =	simm.s32 $_tile_overlayer_lowered  }
0x9b: {  	s22 =	simm.s32 $0x1BFF;
	s21 =	sshll.u32 s5, $0x1;
	s2 =	sadd.s32 s19, s18  }
0x9c: {  	s6 =	simm.s32 $0x0;
	s20 =	sshll.u32 s4, $0x1;
	s4 =	sadd.s32 s21, s2  }
0x9d: {  	[timem:s6], [sflag:s22] =	dma.local [hbm:s4], s20  }
0x9e: {  	_ =	swait.ge [sflag:s22], s20  }
0x9f: {  	s3 =	ssub.s32 $0x0, s20;
	[sflag:s22] =	ssyncset.done $0x0  }
0xa0: {  	[sflag:s22] =	ssyncadd.s32 s3;
	_ =	sdelay $0x1  }
0xa1: {  	s23 =	simm.s32 $0x1B8B  }
0xa2: {  	_ =	swait.ge [sflag:s23], $0x1  }
0xa3: {  	[sflag:s23] =	ssyncset.done $0x0  }
0xa4: {  	s25 =	simm.s32 $0x1B8E;
	s24 =	sld [smem:$0x3FFE];
	[sflag:s23] =	ssyncadd.s32 $0xFFFFFFFF  }
0xa5: {  	s26 =	simm.s32 $execute0_lowered;
	[smem:$0x3FD2] =	sst s25  }
0xa6: {  	s4 =	sshll.u32 s26, $0x1;
	_ =	strace $0x8000004C;
	[dreg:$0x1] =	wrdreg $0xFFFFFFFF  }
0xa7: {  	s28 =	simm.s32 $_size_execute0_lowered;
	s2 =	sadd.s32 s2, s4;
	[dreg:$0x0] =	wrdreg $0x0  }
0xa8: {  	s4 =	sshll.u32 s28, $0x1;
	[dreg:$0x2] =	wrdreg s2  }
0xa9: {  	[dreg:$0x3] =	wrdreg s4  }
0xaa: {  	[dreg:$0x4] =	wrdreg $0xC0  }
0xab: {  	_ =	task [dreg:s6], $0x5FFFF  }
0xac: {  	[dreg:$0x1] =	wrdreg $0xFFFFFFFF  }
0xad: {  	[dreg:$0x0] =	wrdreg $0x60  }
0xae: {  	[dreg:$0x2] =	wrdreg s24  }
0xaf: {  	[dreg:$0x3] =	wrdreg $0x9  }
0xb0: {  	_ =	task.clear_ibuf [dreg:s6], $0x4FFFF;
	_ =	strace $0x9000004C  }
0xb1: {  	s29 =	simm.s32 $0x9;
	_ =	strace $0x8000004E  }
0xb2: {  	_ =	swait.ge [sflag:s29], $0x1  }
0xb3: {  	[sflag:s29] =	ssyncadd.s32 $0xFFFFFFFF  }
0xb4: {  	_ =	strace $0x9000004E  }
0xb5: {  	_ =	sfence  }
0xb6: {  	s30 =	sld [smem:$0x0];
	_ =	sdelay $0x2  }
0xb7: {  	s31 =	sshll.u32 s1, $0xD;
	s1 =	sshrl.u32 s1, $0x2  }
0xb8: {  	s3 =	sand.u32 $0x4000, s31;
	s1 =	sadd.s32 s1, s30  }
0xb9: {  	s0 =	sor.u32 s3, s0;
	s1 =	sshll.u32 s1, $0x11  }
0xba: {  	s0 =	sor.u32 s1, s0  }
0xbb: {  	s0 =	sadd.s32 $0x8F2B, s0  }
0xbc: {  	[sflag:s0] =	ssyncadd.remote.s32 $0x1  }
0xbd: {  	_ =	sfence.sel $0xFFFF  }
0xbe: {  	[dreg:$0x0] =	wrdreg $0xFFFFFFFF;
	(pc) =	sbr.abs _section_cstart, $3  }
0xbf: {  	[dreg:$0x1] =	wrdreg $0xFFFFFFFF  }
0xc0: {  	_ =	task.clear_ibuf [dreg:s6], $0x2FFFF;
	_ =	strace $0x9FFFFFFF  }
0xc1: {  	(tm) =	ssettm $0x7FFFFFFF  }
tec
execute0_lowered:
.L_overlay_start_1:
0x0: {  	(tag) =	ssettag $0x1  }
0x1: {  	s0 =	srdreg.scid;
	s6 =	rddreg [dreg:$0x0];
	s2 =	simm.s32 $0x0  }
0x2: {  	s1 =	stileid.u32;
	s12 =	simm.s32 $0xF000;
	s13 =	simm.s32 $0x2  }
0x3: {  	s14 =	simm.s32 $0xF080;
	s17 =	sand.u32 $0x1, s0;
	s0 =	rddreg [dreg:$0x1]  }
0x4: {  	s15 =	simm.s32 $0xF100;
	s16 =	simm.s32 $0xF200;
	[smem:$0x7FF] =	sst s2  }
0x5: {  	s5 =	sadd.s32 $0x70600, s6;
	s3 =	smul.u32 $0x1E00, s17;
	s4 =	sshll.u32 s17, $0x4  }
0x6: {  	_ =	strace $0x8000004D;
	s9 =	ssub.s32 $0x2, s17;
	p0 =	sne.s32 s17, $0x0  }
0x7: {  	s17 =	simm.s32 $0x0;
	s4 =	sor.u32 s1, s4;
	s10 =	sshrl.u32 s9, $0x1  }
0x8: {  	s7 =	sadd.s32 s3, s6;
	s3 =	sadd.s32 $0x3E800, s6;
	s8 =	smul.u32 $0x1900, s4  }
0x9: {  	s4 =	sadd.s32 $0x34A00, s6;
	s10 =	ssub.s32 s9, s10;
	s7 =	sadd.s32 $0x30E00, s7  }
0xa: {  	s10 =	smax.u32 s10, $0x1;
	s11 =	sadd.s32 s8, s6;
	s6 =	sadd.s32 $0x48800, s6  }
0xb: {  	v0 =	vimm.f32 $0.0e+00;
	s8 =	smul.u32 $0x4E80, s1;
	s9 =	sadd.s32 $0xF3800, s11;
	s11 =	simm.s32 $0x1  }
.LBB2_1:
0xc: {  	[tilespmem:s2], [sflag:$0x1] =	stream.linear.gather [hbm4b:s7+s2], $0xF000, $0x38;
	[tilespmem:$0x1BA00] =	vst v63  }
0xd: {  	_ =	swait.ge [sflag:s11], $0xF000  }
0xe: {  	[sflag:s11] =	ssyncset.done $0x0  }
0xf: {  	s18 =	simm.s32 $0x40;
	s19 =	simm.s32 $0x0;
	[sflag:s11] =	ssyncadd.s32 $0xFFFF1000  }
.LBB2_2:
0x10: {  	p1 =	sne.s32 s18, $0x31FC0;
	[tilespmem:s19+$0xF200] =	vst v0;
	s19 =	smov.u32 s18;
	s18 =	sadd.s32 $0x40, s18  }
.Ltmp0:
0x11: {  	(pc) =	sbr.rel @p1 .LBB2_2-.Ltmp0, $2  }
0x12: {  	_ =	sdelay $0x2  }
0x13: {  	s19 =	sshra.s32 s19, $0x2  }
0x14: {  	[tilespmem:s19+$0xF200] =	vst v0;
	s18 =	simm.s32 $0x0;
	s19 =	simm.s32 $0x0  }
.LBB2_4:
0x15: {  	s20 =	sshll.u32 s19, $0x7  }
0x16: {  	s20 =	sadd.s32 s8, s20  }
0x17: {  	s20 =	sshrl.u32 s20, $0x3  }
0x18: {  	s21 =	sadd.s32 s3, s20  }
0x19: {  	[tilespmem:s12], [sflag:$0x2] =	stream.linear.gather [hbm4b:s21+s18], $0x80, $0x38;
	[tilespmem:$0x1BA00] =	vst v63  }
0x1a: {  	_ =	swait.ge [sflag:s13], $0x80  }
0x1b: {  	[sflag:s13] =	ssyncset.done $0x0  }
0x1c: {  	s29 =	sadd.s32 s4, s20;
	[sflag:s13] =	ssyncadd.s32 $0xFFFFFF80  }
0x1d: {  	[tilespmem:s14], [sflag:$0x2] =	stream.linear.gather [hbm4b:s29+s18], $0x80, $0x38;
	[tilespmem:$0x1BA00] =	vst v63  }
0x1e: {  	_ =	swait.ge [sflag:s13], $0x80  }
0x1f: {  	[sflag:s13] =	ssyncset.done $0x0  }
0x20: {  	s30 =	sadd.s32 s5, s20;
	[sflag:s13] =	ssyncadd.s32 $0xFFFFFF80  }
0x21: {  	[tilespmem:s15], [sflag:$0x2] =	stream.linear.gather [hbm4b:s30+s18], $0x80, $0x38;
	[tilespmem:$0x1BA00] =	vst v63  }
0x22: {  	_ =	swait.ge [sflag:s13], $0x80  }
0x23: {  	[sflag:s13] =	ssyncset.done $0x0  }
0x24: {  	s31 =	simm.s32 $0x0;
	[sflag:s13] =	ssyncadd.s32 $0xFFFFFF80  }
0x25: {  	v1 =	vld [tilespmem:s31+$0xF000];
	_ =	sdelay $0x1  }
0x26: {  	v2 =	vld [tilespmem:s31+$0xF080];
	_ =	sdelay $0x2  }
0x27: {  	v1 =	vmul.u32 $0x6, v1;
	_ =	sdelay $0x1  }
0x28: {  	v4 =	vmul.u32 $0x6, v2;
	v3 =	vadd.s32 $0x5, v1;
	_ =	sdelay $0x1  }
0x29: {  	v4 =	vadd.s32 $0x5, v4;
	_ =	sdelay $0x1  }
0x2a: {  	v5 =	vld [tilespmem:s31+$0xF100]  }
0x2b: {  	v3 =	vld.idx.msk [tilespmem:v3+s2+$0x0], $0xffff;
	_ =	sdelay $0x1  }
0x2c: {  	v4 =	vld.idx.msk [tilespmem:v4+s2+$0x0], $0xffff;
	_ =	sdelay $0x2  }
0x2d: {  	v3 =	vmul.f32 v5, v3;
	_ =	sdelay $0x1  }
0x2e: {  	v3 =	vmul.f32 v3, v4;
	_ =	sdelay $0x1  }
0x2f: {  	[tilespmem:s31+$0xF180] =	vst v3  }
0x30: {  	v58 =	vld.idx.msk [tilespmem:v1+s2+$0x0], $0xffff  }
0x31: {  	v2 =	vmul.u32 $0x5, v2;
	_ =	sdelay $0x1  }
0x32: {  	v59 =	vor.u32 $0x1, v1;
	_ =	sdelay $0x1  }
0x33: {  	v4 =	vmul.f32 v3, v58;
	_ =	sdelay $0x1  }
0x34: {  	[tilespmem:v2+s16+$0x0] =	vst.idx.add.f32.msk $0xffff, v4  }
0x35: {  	v4 =	vld.idx.msk [tilespmem:v59+s2+$0x0], $0xffff;
	_ =	sdelay $0x1  }
0x36: {  	v60 =	vadd.s32 $0x1, v2  }
0x37: {  	v6 =	vadd.s32 $0x2, v1;
	_ =	sdelay $0x1  }
0x38: {  	v4 =	vmul.f32 v4, v3;
	_ =	sdelay $0x1  }
0x39: {  	[tilespmem:v60+s16+$0x0] =	vst.idx.add.f32.msk $0xffff, v4  }
0x3a: {  	v4 =	vld.idx.msk [tilespmem:v6+s2+$0x0], $0xffff;
	_ =	sdelay $0x1  }
0x3b: {  	v61 =	vadd.s32 $0x2, v2  }
0x3c: {  	v62 =	vadd.s32 $0x3, v1;
	_ =	sdelay $0x1  }
0x3d: {  	v4 =	vmul.f32 v4, v3;
	_ =	sdelay $0x1  }
0x3e: {  	[tilespmem:v61+s16+$0x0] =	vst.idx.add.f32.msk $0xffff, v4  }
0x3f: {  	v4 =	vld.idx.msk [tilespmem:v62+s2+$0x0], $0xffff;
	_ =	sdelay $0x1  }
0x40: {  	v63 =	vadd.s32 $0x3, v2  }
0x41: {  	v1 =	vadd.s32 $0x4, v1;
	_ =	sdelay $0x1  }
0x42: {  	v4 =	vmul.f32 v4, v3;
	_ =	sdelay $0x1  }
0x43: {  	[tilespmem:v63+s16+$0x0] =	vst.idx.add.f32.msk $0xffff, v4  }
0x44: {  	v4 =	vld.idx.msk [tilespmem:v1+s2+$0x0], $0xffff;
	_ =	sdelay $0x1  }
0x45: {  	v1 =	vadd.s32 $0x4, v2;
	_ =	sdelay $0x2  }
0x46: {  	s22 =	simm.s32 $0x80;
	s21 =	simm.s32 $0x40;
	v2 =	vmul.f32 v4, v3  }
.LBB2_5:
0x47: {  	p1 =	sne.s32 s22, $0x1C0  }
0x48: {  	s23 =	sshra.s32 s21, $0x2;
	s21 =	smov.u32 s22;
	s22 =	sadd.s32 $0x40, s22;
	[tilespmem:v1+s16+$0x0] =	vst.idx.add.f32.msk $0xffff, v2  }
0x49: {  	v1 =	vld [tilespmem:s23+$0xF000];
	_ =	sdelay $0x1  }
0x4a: {  	v2 =	vld [tilespmem:s23+$0xF080];
	_ =	sdelay $0x2  }
0x4b: {  	v1 =	vmul.u32 $0x6, v1;
	_ =	sdelay $0x1  }
0x4c: {  	v3 =	vmul.u32 $0x6, v2;
	v4 =	vadd.s32 $0x5, v1;
	_ =	sdelay $0x1  }
0x4d: {  	v3 =	vadd.s32 $0x5, v3;
	_ =	sdelay $0x2  }
0x4e: {  	v4 =	vld.idx.msk [tilespmem:v4+s2+$0x0], $0xffff  }
0x4f: {  	v5 =	vld [tilespmem:s23+$0xF100]  }
0x50: {  	v3 =	vld.idx.msk [tilespmem:v3+s2+$0x0], $0xffff;
	_ =	sdelay $0x3  }
0x51: {  	v4 =	vmul.f32 v5, v4;
	_ =	sdelay $0x1  }
0x52: {  	v3 =	vmul.f32 v4, v3;
	_ =	sdelay $0x1  }
0x53: {  	[tilespmem:s23+$0xF180] =	vst v3  }
0x54: {  	v4 =	vld.idx.msk [tilespmem:v1+s2+$0x0], $0xffff;
	_ =	sdelay $0x1  }
0x55: {  	v2 =	vmul.u32 $0x5, v2;
	_ =	sdelay $0x1  }
0x56: {  	v5 =	vor.u32 $0x1, v1;
	_ =	sdelay $0x1  }
0x57: {  	v4 =	vmul.f32 v3, v4;
	_ =	sdelay $0x1  }
0x58: {  	[tilespmem:v2+s16+$0x0] =	vst.idx.add.f32.msk $0xffff, v4  }
0x59: {  	v4 =	vld.idx.msk [tilespmem:v5+s2+$0x0], $0xffff;
	_ =	sdelay $0x2  }
0x5a: {  	v5 =	vadd.s32 $0x1, v2  }
0x5b: {  	v6 =	vadd.s32 $0x2, v1;
	_ =	sdelay $0x1  }
0x5c: {  	v4 =	vmul.f32 v4, v3;
	_ =	sdelay $0x1  }
0x5d: {  	[tilespmem:v5+s16+$0x0] =	vst.idx.add.f32.msk $0xffff, v4  }
0x5e: {  	v4 =	vld.idx.msk [tilespmem:v6+s2+$0x0], $0xffff;
	_ =	sdelay $0x2  }
0x5f: {  	v5 =	vadd.s32 $0x2, v2  }
0x60: {  	v6 =	vadd.s32 $0x3, v1;
	_ =	sdelay $0x1  }
0x61: {  	v4 =	vmul.f32 v4, v3;
	_ =	sdelay $0x1  }
0x62: {  	[tilespmem:v5+s16+$0x0] =	vst.idx.add.f32.msk $0xffff, v4  }
0x63: {  	v4 =	vld.idx.msk [tilespmem:v6+s2+$0x0], $0xffff;
	_ =	sdelay $0x2  }
0x64: {  	v5 =	vadd.s32 $0x3, v2  }
0x65: {  	v1 =	vadd.s32 $0x4, v1;
	_ =	sdelay $0x1  }
0x66: {  	v4 =	vmul.f32 v4, v3;
	_ =	sdelay $0x1  }
0x67: {  	[tilespmem:v5+s16+$0x0] =	vst.idx.add.f32.msk $0xffff, v4  }
0x68: {  	v4 =	vld.idx.msk [tilespmem:v1+s2+$0x0], $0xffff;
	_ =	sdelay $0x1  }
.Ltmp1:
0x69: {  	(pc) =	sbr.rel @p1 .LBB2_5-.Ltmp1, $2  }
0x6a: {  	v1 =	vadd.s32 $0x4, v2;
	_ =	sdelay $0x2  }
0x6b: {  	v2 =	vmul.f32 v4, v3  }
0x6c: {  	_ =	sdelay $0x3  }
0x6d: {  	s21 =	sshra.s32 s21, $0x2;
	[tilespmem:v1+s16+$0x0] =	vst.idx.add.f32.msk $0xffff, v2  }
0x6e: {  	v1 =	vld [tilespmem:s21+$0xF000];
	_ =	sdelay $0x1  }
0x6f: {  	v2 =	vld [tilespmem:s21+$0xF080];
	_ =	sdelay $0x2  }
0x70: {  	v1 =	vmul.u32 $0x6, v1;
	_ =	sdelay $0x1  }
0x71: {  	v4 =	vmul.u32 $0x6, v2;
	v3 =	vadd.s32 $0x5, v1;
	_ =	sdelay $0x1  }
0x72: {  	v4 =	vadd.s32 $0x5, v4;
	_ =	sdelay $0x1  }
0x73: {  	v5 =	vld [tilespmem:s21+$0xF100]  }
0x74: {  	v3 =	vld.idx.msk [tilespmem:v3+s2+$0x0], $0xffff;
	_ =	sdelay $0x1  }
0x75: {  	v4 =	vld.idx.msk [tilespmem:v4+s2+$0x0], $0xffff;
	_ =	sdelay $0x2  }
0x76: {  	v3 =	vmul.f32 v5, v3;
	_ =	sdelay $0x1  }
0x77: {  	v3 =	vmul.f32 v3, v4;
	_ =	sdelay $0x1  }
0x78: {  	[tilespmem:s21+$0xF180] =	vst v3  }
0x79: {  	v58 =	vld.idx.msk [tilespmem:v1+s2+$0x0], $0xffff  }
0x7a: {  	v2 =	vmul.u32 $0x5, v2;
	_ =	sdelay $0x1  }
0x7b: {  	v59 =	vor.u32 $0x1, v1;
	_ =	sdelay $0x1  }
0x7c: {  	v4 =	vmul.f32 v3, v58;
	_ =	sdelay $0x1  }
0x7d: {  	[tilespmem:v2+s16+$0x0] =	vst.idx.add.f32.msk $0xffff, v4  }
0x7e: {  	v4 =	vld.idx.msk [tilespmem:v59+s2+$0x0], $0xffff;
	_ =	sdelay $0x1  }
0x7f: {  	v60 =	vadd.s32 $0x1, v2  }
0x80: {  	v6 =	vadd.s32 $0x2, v1;
	_ =	sdelay $0x1  }
0x81: {  	v4 =	vmul.f32 v4, v3;
	_ =	sdelay $0x1  }
0x82: {  	[tilespmem:v60+s16+$0x0] =	vst.idx.add.f32.msk $0xffff, v4  }
0x83: {  	v4 =	vld.idx.msk [tilespmem:v6+s2+$0x0], $0xffff;
	_ =	sdelay $0x1  }
0x84: {  	v61 =	vadd.s32 $0x2, v2  }
0x85: {  	v62 =	vadd.s32 $0x3, v1;
	_ =	sdelay $0x1  }
0x86: {  	v4 =	vmul.f32 v4, v3;
	_ =	sdelay $0x1  }
0x87: {  	[tilespmem:v61+s16+$0x0] =	vst.idx.add.f32.msk $0xffff, v4  }
0x88: {  	v4 =	vld.idx.msk [tilespmem:v62+s2+$0x0], $0xffff;
	_ =	sdelay $0x1  }
0x89: {  	v63 =	vadd.s32 $0x3, v2  }
0x8a: {  	v1 =	vadd.s32 $0x4, v1;
	_ =	sdelay $0x1  }
0x8b: {  	v4 =	vmul.f32 v4, v3;
	_ =	sdelay $0x1  }
0x8c: {  	[tilespmem:v63+s16+$0x0] =	vst.idx.add.f32.msk $0xffff, v4  }
0x8d: {  	v1 =	vld.idx.msk [tilespmem:v1+s2+$0x0], $0xffff;
	_ =	sdelay $0x1  }
0x8e: {  	v2 =	vadd.s32 $0x4, v2;
	_ =	sdelay $0x2  }
0x8f: {  	v1 =	vmul.f32 v1, v3  }
0x90: {  	s20 =	sadd.s32 @!p0 s6, s20;
	s19 =	sadd.s32 $0x1, s19  }
0x91: {  	s22 =	simm.s32 @!p0 $0xF180;
	p1 =	sne.s32 s19, $0x9D;
	s21 =	simm.s32 @!p0 $0x0;
	[tilespmem:v2+s16+$0x0] =	vst.idx.add.f32.msk $0xffff, v1  }
0x92: {  	[hbm4b:s20+s21] =	stream.linear.scatter @!p0 [tilespmem:s22], [sflag:$0x1], $0x80, $0x38;
	[tilespmem:$0x1BA00] =	vst v63  }
.Ltmp2:
0x93: {  	_ = 	snop;
	(pc) =	sbr.rel @p1 .LBB2_4-.Ltmp2, $4  }
0x94: {  	s20 =	simm.s32 @!p0 $0x1  }
0x95: {  	_ =	swait.ge @!p0 [sflag:s20], $0x80  }
0x96: {  	[sflag:s20] =	ssyncset.done @!p0 $0x0  }
0x97: {  	[sflag:s20] =	ssyncadd.s32 @!p0 $0xFFFFFF80  }
0x98: {  	s17 =	sadd.s32 $0x1, s17  }
0x99: {  	p1 =	sne.s32 s17, s10  }
.Ltmp3:
0x9a: {  	_ = 	snop;
	(pc) =	sbr.rel @p1 .LBB2_1-.Ltmp3, $4  }
0x9b: {  	[hbm4b:s9+s2] =	stream.linear.scatter [tilespmem:s16], [sflag:$0x1], $0xC800, $0x38;
	[tilespmem:$0x1BA00] =	vst v63  }
0x9c: {  	_ =	swait.ge [sflag:s11], $0xC800  }
0x9d: {  	[sflag:s11] =	ssyncset.done $0x0  }
0x9e: {  	[sflag:s11] =	ssyncadd.s32 $0xFFFF3800  }
0x9f: {  	_ =	sfence.sel $0x180000  }
0xa0: {  	[bflag:$0x0] =	sbarrier.arrive $0xFFFF  }
0xa1: {  	p0 =	sne.s32 s1, $0x0;
	_ =	strace $0x9000004D  }
0xa2: {  	s0 =	sadd.s32 @!p0 $0x100000, s0;
	[bflag:$0x2] =	sbarrier.arrive $0xFFFF  }
0xa3: {  	[sflag:s0] =	ssyncadd.tile.s32 @!p0 $0x1;
	_ =	shalt  }
.Lfunc_end2:
_tile_overlayer_lowered:
.L_overlay_start_2:
0xa4: {  	(tag) =	ssettag $0x2  }
0xa5: {  	s0 =	rddreg [dreg:$0x0];
	s2 =	stileid.u32  }
0xa6: {  	s1 =	rddreg [dreg:$0x1];
	p0 =	sne.s32 s2, $0x0  }
0xa7: {  	s3 =	rddreg [dreg:$0x2];
	[bflag:$0x3] =	sbarrier.arrive $0xFFFF;
	s2 =	simm.s32 @!p0 $0x1C01  }
0xa8: {  	[timem:s3], [sflag:s2] =	dma.local @!p0 [hbm:s0], s1  }
0xa9: {  	s0 =	simm.s32 @!p0 $0x1  }
0xaa: {  	_ =	swait.ge @!p0 [sflag:s0], s1  }
0xab: {  	s1 =	ssub.s32 @!p0 $0x0, s1;
	[sflag:s0] =	ssyncset.done @!p0 $0x0  }
0xac: {  	[sflag:s0] =	ssyncadd.s32 @!p0 s1  }
0xad: {  	[bflag:$0x3] =	sbarrier.arrive $0xFFFF  }
0xae: {  	_ =	shalt  }

</sc_bundles>
